<compile_context>
chip_gen: v7x
topology: tpu7x:2x2x1
jax: 0.10.2.dev20260603
libtpu: 0.0.44.dev20260713+nightly
codegen_flags: <defaults>
</compile_context>

<pallas_src>
import functools

import jax
import jax.numpy as jnp
from jax import lax
from jax.experimental import pallas as pl
from jax.experimental.pallas import tpu as pltpu
from jax.experimental.pallas import tpu_sc as plsc

N = 10000
E = 320000
G = 16
D_IN = 128
H = 64
NUM_CLASSES = 10

EW = 128
E_PAD = 327680
ROWS = E_PAD // EW
SUP = 16
NB = 2000

NC, NS = 2, 16
N_OUT = 10240
N_ACC = N_OUT + 16
STRIPE = N_OUT // NS
WCH = 128
DEPTH = 4


@functools.lru_cache(maxsize=None)
def _mesh():
    return plsc.VectorSubcoreMesh(core_axis_name="c", subcore_axis_name="s")


def _zero_stripe(zeros_hbm, zbuf, acc, s):
    pltpu.sync_copy(zeros_hbm, zbuf)
    for t in range(STRIPE // WCH):
        pltpu.sync_copy(zbuf, acc.at[pl.ds(s * STRIPE + t * WCH, WCH)])


def _writeback_stripe(acc, zbuf, out_hbm, c, s):
    for t in range(STRIPE // WCH):
        pltpu.sync_copy(acc.at[pl.ds(s * STRIPE + t * WCH, WCH)], zbuf)
        pltpu.sync_copy(zbuf, out_hbm.at[c].at[pl.ds(s * STRIPE + t * WCH, WCH)])


def _sc_degree_body(dst_hbm, ones_hbm, zeros_hbm, out_hbm, idx_v, ones_v, zbuf, acc):
    c = lax.axis_index("c")
    s = lax.axis_index("s")
    pltpu.sync_copy(ones_hbm, ones_v)
    _zero_stripe(zeros_hbm, zbuf, acc, s)
    plsc.subcore_barrier()

    rps = ROWS // (NC * NS)
    row0 = c * (ROWS // NC) + s * rps

    def super_body(sup, _):
        pltpu.sync_copy(dst_hbm.at[pl.ds(row0 + sup * SUP, SUP)], idx_v)

        def edge_body(j, _):
            pltpu.sync_copy(ones_v, acc.at[idx_v.at[j]], add=True)
            return 0

        lax.fori_loop(0, SUP, edge_body, 0)
        return 0

    lax.fori_loop(0, rps // SUP, super_body, 0)
    plsc.subcore_barrier()
    _writeback_stripe(acc, zbuf, out_hbm, c, s)


@functools.lru_cache(maxsize=None)
def _sc_degree_kernel():
    return pl.kernel(
        _sc_degree_body,
        out_type=jax.ShapeDtypeStruct((NC, N_OUT, 16), jnp.float32),
        mesh=_mesh(),
        scratch_types=[
            pltpu.VMEM((SUP, EW), jnp.int32),
            pltpu.VMEM((EW, 16), jnp.float32),
            pltpu.VMEM((WCH, 16), jnp.float32),
            pltpu.VMEM_SHARED((N_ACC, 16), jnp.float32),
        ],
    )


def _sc_degree(dst2d, ones16, zeros16):
    return _sc_degree_kernel()(dst2d, ones16, zeros16)


def _make_sc_propagate(T, dh):

    rps = ROWS // (NC * NS) if T == 1 else ROWS // NS

    def body(tbl_hbm, src_hbm, dst_hbm, zeros_hbm, out_hbm,
             srci, dsti, rows_v, zbuf, acc, sem):
        c = lax.axis_index("c")
        s = lax.axis_index("s")
        _zero_stripe(zeros_hbm, zbuf, acc, s)
        plsc.subcore_barrier()

        if T == 1:
            tbl = tbl_hbm.at[0]
            row0 = c * (ROWS // NC) + s * rps
        else:
            tbl = tbl_hbm.at[c]
            row0 = s * rps

        def super_body(sup, _):
            base = row0 + sup * SUP
            pltpu.sync_copy(src_hbm.at[pl.ds(base, SUP)], srci)
            pltpu.sync_copy(dst_hbm.at[pl.ds(base, SUP)], dsti)

            def edge_body(o, _):
                pltpu.async_copy(tbl.at[srci.at[o]], rows_v, sem).wait()
                pltpu.sync_copy(rows_v, acc.at[dsti.at[o]], add=True)
                return 0

            lax.fori_loop(0, SUP, edge_body, 0)
            return 0

        lax.fori_loop(0, rps // SUP, super_body, 0)
        plsc.subcore_barrier()
        _writeback_stripe(acc, zbuf, out_hbm, c, s)

    @functools.lru_cache(maxsize=None)
    def build():
        return pl.kernel(
            body,
            out_type=jax.ShapeDtypeStruct((NC, N_OUT, dh), jnp.float32),
            mesh=_mesh(),
            scratch_types=[
                pltpu.VMEM((SUP, EW), jnp.int32),
                pltpu.VMEM((SUP, EW), jnp.int32),
                pltpu.VMEM((EW, dh), jnp.float32),
                pltpu.VMEM((WCH, dh), jnp.float32),
                pltpu.VMEM_SHARED((N_ACC, dh), jnp.float32),
                pltpu.SemaphoreType.DMA,
            ],
        )

    def call(table, src2d, dst2d, zeros):
        return build()(table, src2d, dst2d, zeros)

    return call


_sc_propagate_split_edges = _make_sc_propagate(1, 128)
_sc_propagate_split_feats = _make_sc_propagate(2, 128)


def _dv(degp):
    total = degp[0, :, 0:1] + degp[1, :, 0:1]
    return lax.rsqrt(total + 1.0)


def _t1_body(x_ref, w1_ref, degp_ref, out_ref):
    dv = _dv(degp_ref[...])
    u = jnp.dot(x_ref[...], w1_ref[...], preferred_element_type=jnp.float32) * dv
    out_ref[0] = jnp.concatenate([u, jnp.zeros((NB, 128 - H), jnp.float32)], axis=1)


def _tc_t1(x, W1, degp):
    return pl.pallas_call(
        _t1_body,
        grid=(N // NB,),
        in_specs=[
            pl.BlockSpec((NB, D_IN), lambda i: (i, 0)),
            pl.BlockSpec((D_IN, H), lambda i: (0, 0)),
            pl.BlockSpec((2, NB, 16), lambda i: (0, i, 0)),
        ],
        out_specs=pl.BlockSpec((1, NB, 128), lambda i: (0, i, 0)),
        out_shape=jax.ShapeDtypeStruct((1, N, 128), jnp.float32),
    )(x, W1, degp)


def _t2_body(s1_ref, t1_ref, degp_ref, b1_ref, out_ref):
    dv = _dv(degp_ref[...])
    u = dv * (s1_ref[0] + s1_ref[1] + t1_ref[0])
    h1 = jnp.maximum(u[:, :H] + b1_ref[...][0][None, :], 0.0) * dv
    out_ref[0] = jnp.concatenate([h1, jnp.zeros((NB, 128 - H), jnp.float32)], axis=1)


def _tc_t2(S1, t1, degp, b1):
    return pl.pallas_call(
        _t2_body,
        grid=(N // NB,),
        in_specs=[
            pl.BlockSpec((2, NB, 128), lambda i: (0, i, 0)),
            pl.BlockSpec((1, NB, 128), lambda i: (0, i, 0)),
            pl.BlockSpec((2, NB, 16), lambda i: (0, i, 0)),
            pl.BlockSpec((1, H), lambda i: (0, 0)),
        ],
        out_specs=pl.BlockSpec((1, NB, 128), lambda i: (0, i, 0)),
        out_shape=jax.ShapeDtypeStruct((1, N, 128), jnp.float32),
    )(S1, t1, degp, b1.reshape(1, H))


def _t3_body(s2_ref, t2_ref, degp_ref, w2_ref, b2_ref, out_ref):
    dv = _dv(degp_ref[...])
    u = dv * (s2_ref[0] + s2_ref[1] + t2_ref[0])
    h2 = jnp.dot(u[:, :H], w2_ref[...], preferred_element_type=jnp.float32)
    h2 = jnp.maximum(h2 + b2_ref[...][0][None, :], 0.0) * dv
    out_ref[0] = h2[:, :128]
    out_ref[1] = h2[:, 128:]


def _tc_t3(S2, t2, degp, W2, b2):
    return pl.pallas_call(
        _t3_body,
        grid=(N // NB,),
        in_specs=[
            pl.BlockSpec((2, NB, 128), lambda i: (0, i, 0)),
            pl.BlockSpec((1, NB, 128), lambda i: (0, i, 0)),
            pl.BlockSpec((2, NB, 16), lambda i: (0, i, 0)),
            pl.BlockSpec((H, 4 * H), lambda i: (0, 0)),
            pl.BlockSpec((1, 4 * H), lambda i: (0, 0)),
        ],
        out_specs=pl.BlockSpec((2, NB, 128), lambda i: (0, i, 0)),
        out_shape=jax.ShapeDtypeStruct((2, N, 128), jnp.float32),
    )(S2, t2, degp, W2, b2.reshape(1, 4 * H))


def _pool_body(s3_ref, t3_ref, degp_ref, w3_ref, b3_ref, batch_ref,
               psum_ref, pmax_ref):
    dv = _dv(degp_ref[...])
    acc = jnp.zeros((NB, 8 * H), jnp.float32)
    for c in range(2):
        u = dv * (s3_ref[c] + t3_ref[c])
        acc = acc + jnp.dot(u, w3_ref[c], preferred_element_type=jnp.float32)
    h3 = jnp.maximum(acc + b3_ref[...][0][None, :], 0.0)

    @pl.when(pl.program_id(0) == 0)
    def _():
        psum_ref[...] = jnp.zeros_like(psum_ref)
        pmax_ref[...] = jnp.full_like(pmax_ref, -jnp.inf)

    b = batch_ref[...]
    for g in range(G):
        mask = b == g
        psum_ref[g, :] += jnp.sum(jnp.where(mask, h3, 0.0), axis=0)
        pmax_ref[g, :] = jnp.maximum(
            pmax_ref[g, :], jnp.max(jnp.where(mask, h3, -jnp.inf), axis=0))


def _tc_pool(S3, t3, degp, W3r, b3, batch2d):
    return pl.pallas_call(
        _pool_body,
        grid=(N // NB,),
        in_specs=[
            pl.BlockSpec((2, NB, 128), lambda i: (0, i, 0)),
            pl.BlockSpec((2, NB, 128), lambda i: (0, i, 0)),
            pl.BlockSpec((2, NB, 16), lambda i: (0, i, 0)),
            pl.BlockSpec((2, 128, 8 * H), lambda i: (0, 0, 0)),
            pl.BlockSpec((1, 8 * H), lambda i: (0, 0)),
            pl.BlockSpec((NB, 1), lambda i: (i, 0)),
        ],
        out_specs=[
            pl.BlockSpec((G, 8 * H), lambda i: (0, 0)),
            pl.BlockSpec((G, 8 * H), lambda i: (0, 0)),
        ],
        out_shape=[
            jax.ShapeDtypeStruct((G, 8 * H), jnp.float32),
            jax.ShapeDtypeStruct((G, 8 * H), jnp.float32),
        ],
        compiler_params=pltpu.CompilerParams(
            dimension_semantics=("arbitrary",)),
    )(S3, t3, degp, W3r, b3.reshape(1, 8 * H), batch2d)


def _head_body(psum_ref, pmax_ref, batch_ref, wm1_ref, bm1_ref, wm2_ref,
               bm2_ref, out_ref):
    b = batch_ref[...]
    iota16 = lax.broadcasted_iota(jnp.int32, (G, 1), 0)
    inv = jnp.zeros((G, 1), jnp.float32)
    for g in range(G):
        cnt = jnp.sum(jnp.where(b == g, 1.0, 0.0))
        inv = inv + jnp.where(iota16 == g, 1.0 / jnp.maximum(cnt, 1.0), 0.0)
    mean = psum_ref[...] * inv
    hid = (jnp.dot(mean, wm1_ref[0], preferred_element_type=jnp.float32)
           + jnp.dot(pmax_ref[...], wm1_ref[1], preferred_element_type=jnp.float32)
           + bm1_ref[...][0][None, :])
    hid = jnp.maximum(hid, 0.0)
    out_ref[...] = (jnp.dot(hid, wm2_ref[...], preferred_element_type=jnp.float32)
                    + bm2_ref[...][0][None, :])


def _tc_head(psum, pmax, batch2d, Wm1r, bm1, Wm2, bm2):
    return pl.pallas_call(
        _head_body,
        out_shape=jax.ShapeDtypeStruct((G, NUM_CLASSES), jnp.float32),
    )(psum, pmax, batch2d, Wm1r, bm1.reshape(1, 8 * H), Wm2,
      bm2.reshape(1, NUM_CLASSES))


def kernel(x, edge_index, batch, W1, b1, W2, b2, W3, b3, Wm1, bm1, Wm2, bm2):
    pad = E_PAD - E
    pad_src = (jnp.arange(pad, dtype=jnp.int32) * 97) % N
    pad_dst = N_OUT + (jnp.arange(pad, dtype=jnp.int32) % 16)
    src2d = jnp.concatenate([edge_index[0], pad_src]).reshape(ROWS, EW)
    dst2d = jnp.concatenate([edge_index[1], pad_dst]).reshape(ROWS, EW)
    batch2d = batch.reshape(N, 1)
    ones16 = jnp.ones((EW, 16), jnp.float32)
    zeros16 = jnp.zeros((WCH, 16), jnp.float32)
    zeros128 = jnp.zeros((WCH, 128), jnp.float32)

    degsum = jnp.zeros((N,), jnp.float32).at[edge_index[1]].add(1.0)
    degp = jnp.zeros((2, N_OUT, 16), jnp.float32).at[0, :N, 0].set(degsum)

    t1 = _tc_t1(x, W1, degp)
    S1 = _sc_propagate_split_edges(t1, src2d, dst2d, zeros128)
    t2 = _tc_t2(S1, t1, degp, b1)
    S2 = _sc_propagate_split_edges(t2, src2d, dst2d, zeros128)
    t3 = _tc_t3(S2, t2, degp, W2, b2)
    S3 = _sc_propagate_split_feats(t3, src2d, dst2d, zeros128)
    psum, pmax = _tc_pool(S3, t3, degp, W3.reshape(2, 128, 8 * H), b3, batch2d)
    return _tc_head(psum, pmax, batch2d, Wm1.reshape(2, 8 * H, 8 * H), bm1,
                    Wm2, bm2)

# --- scband reference (transcript-rebuilt; emitter-appended) ---
"""Pipeline reference for scband-gcn-71949292143070 (READ-ONLY COPY).

The authoritative reference and input builder live on the scoring server;
editing this copy changes nothing except your own understanding.
"""

import jax, jax.numpy as jnp
import numpy as np

N = 10000
E = 320000
G = 16
D_IN = 128
H = 64
NUM_CLASSES = 10


def _param(key, shape, fan_in):
    return jax.random.normal(key, shape, dtype=jnp.float32) * (1.0 / np.sqrt(fan_in))


def setup_inputs(seed: int = 0) -> dict:
    key = jax.random.key(seed)
    ks = jax.random.split(key, 16)
    x = jax.random.normal(ks[0], (N, D_IN), dtype=jnp.float32)
    edge_index = jax.random.randint(ks[1], (2, E), 0, N, dtype=jnp.int32)
    batch = jnp.sort(jax.random.randint(ks[2], (N,), 0, G, dtype=jnp.int32))
    W1 = _param(ks[3], (D_IN, H), D_IN)
    b1 = jnp.zeros((H,), jnp.float32)
    W2 = _param(ks[4], (H, H * 4), H)
    b2 = jnp.zeros((H * 4,), jnp.float32)
    W3 = _param(ks[5], (H * 4, H * 8), H * 4)
    b3 = jnp.zeros((H * 8,), jnp.float32)
    Wm1 = _param(ks[6], (H * 16, H * 8), H * 16)
    bm1 = jnp.zeros((H * 8,), jnp.float32)
    Wm2 = _param(ks[7], (H * 8, NUM_CLASSES), H * 8)
    bm2 = jnp.zeros((NUM_CLASSES,), jnp.float32)
    return {"x": x, "edge_index": edge_index, "batch": batch,
            "W1": W1, "b1": b1, "W2": W2, "b2": b2, "W3": W3, "b3": b3,
            "Wm1": Wm1, "bm1": bm1, "Wm2": Wm2, "bm2": bm2}


def _gcn_conv(h, W, b, src, dst, dinv_src_dst):
    hw = h @ W
    msgs = hw[src] * dinv_src_dst
    out = jnp.zeros((N, W.shape[1]), jnp.float32).at[dst].add(msgs)
    return out + b


def reference(x, edge_index, batch, W1, b1, W2, b2, W3, b3, Wm1, bm1, Wm2, bm2):
    # GCNConv with added self-loops and symmetric normalization (PyG semantics)
    loop = jnp.arange(N, dtype=edge_index.dtype)
    src = jnp.concatenate([edge_index[0], loop])
    dst = jnp.concatenate([edge_index[1], loop])
    deg = jnp.zeros((N,), jnp.float32).at[dst].add(1.0)
    dinv = jax.lax.rsqrt(jnp.maximum(deg, 1.0))
    norm = (dinv[src] * dinv[dst])[:, None]

    h1 = jax.nn.relu(_gcn_conv(x, W1, b1, src, dst, norm))
    h2 = jax.nn.relu(_gcn_conv(h1, W2, b2, src, dst, norm))
    h3 = jax.nn.relu(_gcn_conv(h2, W3, b3, src, dst, norm))

    # global mean / max pool over graphs in batch
    cnt = jax.ops.segment_sum(jnp.ones((N,), jnp.float32), batch, num_segments=G)
    g_mean = jax.ops.segment_sum(h3, batch, num_segments=G) / jnp.maximum(cnt, 1.0)[:, None]
    g_max = jax.ops.segment_max(h3, batch, num_segments=G)
    g = jnp.concatenate([g_mean, g_max], axis=1)

    # MLP head (dropout = identity at inference)
    hid = jax.nn.relu(g @ Wm1 + bm1)
    out = hid @ Wm2 + bm2
    return out

if __name__ == "__main__":
    import jax
    _d = setup_inputs()
    print(jax.jit(kernel)(*tuple(_d.values())))

</pallas_src>

<mosaic_0001>
#map = affine_map<(d0, d1) -> (0, 0, 0)>
#map1 = affine_map<(d0, d1) -> (0, 0)>
module attributes {stable_mosaic.version = 14 : i64} {
  func.func @body(%arg0: i32, %arg1: i32, %arg2: memref<1x10000x128xf32, #tpu.memory_space<hbm>>, %arg3: memref<2560x128xi32, #tpu.memory_space<hbm>>, %arg4: memref<2560x128xi32, #tpu.memory_space<hbm>>, %arg5: memref<128x128xf32, #tpu.memory_space<hbm>>, %arg6: memref<2x10240x128xf32, #tpu.memory_space<hbm>>, %arg7: memref<16x128xi32, #tpu.memory_space<vmem>>, %arg8: memref<16x128xi32, #tpu.memory_space<vmem>>, %arg9: memref<128x128xf32, #tpu.memory_space<vmem>>, %arg10: memref<128x128xf32, #tpu.memory_space<vmem>>, %arg11: memref<10256x128xf32, #tpu.memory_space<vmem_shared>>, %arg12: memref<!tpu.dma_semaphore, #tpu.memory_space<semaphore_mem>>) attributes {dimension_semantics = [#tpu.dimension_semantics<core_parallel>, #tpu.dimension_semantics<subcore_parallel>], iteration_bounds = array<i64: 2, 16>, scalar_prefetch = 0 : i64, scratch_operands = 6 : i64, tpu.core_type = #tpu.core_type<sc_vector_subcore>, window_params = [{transform_indices = #map}, {transform_indices = #map1}, {transform_indices = #map1}, {transform_indices = #map1}, {transform_indices = #map}]} {
    "tpu.region"() ({
      %run_scoped3A = tpu.sem_alloc : memref<!tpu.dma_semaphore, #tpu.memory_space<semaphore_mem>>
      tpu.enqueue_dma source(%arg5 : memref<128x128xf32, #tpu.memory_space<hbm>>) target(%arg10 : memref<128x128xf32, #tpu.memory_space<vmem>>) target_semaphore(%run_scoped3A : memref<!tpu.dma_semaphore, #tpu.memory_space<semaphore_mem>>)
      tpu.wait_dma2 semaphore(%run_scoped3A : memref<!tpu.dma_semaphore, #tpu.memory_space<semaphore_mem>>) src(%arg5 : memref<128x128xf32, #tpu.memory_space<hbm>>) dst(%arg10 : memref<128x128xf32, #tpu.memory_space<vmem>>)
      tpu.yield
    }) : () -> ()
    %mul3A = arith.constant 640 : i32
    %mul3A_0 = arith.muli %arg1, %mul3A : i32
    %add3A = arith.constant 0 : i32
    %add3A_1 = arith.addi %mul3A_0, %add3A : i32
    "tpu.region"() ({
      %run_scoped3A = tpu.sem_alloc : memref<!tpu.dma_semaphore, #tpu.memory_space<semaphore_mem>>
      %dma_start3A = arith.constant 0 : i32
      %dma_start3A_71 = tpu.memref_slice %arg11[%add3A_1, %dma_start3A] : memref<10256x128xf32, #tpu.memory_space<vmem_shared>> -> memref<128x128xf32, #tpu.memory_space<vmem_shared>>
      %dma_start3A_72 = arith.constant 0 : i32
      %dma_start3A_73 = tpu.memref_slice %arg11[%add3A_1, %dma_start3A_72] : memref<10256x128xf32, #tpu.memory_space<vmem_shared>> -> memref<128x128xf32, #tpu.memory_space<vmem_shared>>
      tpu.enqueue_dma source(%arg10 : memref<128x128xf32, #tpu.memory_space<vmem>>) target(%dma_start3A_73 : memref<128x128xf32, #tpu.memory_space<vmem_shared>>) target_semaphore(%run_scoped3A : memref<!tpu.dma_semaphore, #tpu.memory_space<semaphore_mem>>)
      %dma_wait3A = arith.constant 0 : i32
      %dma_wait3A_74 = tpu.memref_slice %arg11[%add3A_1, %dma_wait3A] : memref<10256x128xf32, #tpu.memory_space<vmem_shared>> -> memref<128x128xf32, #tpu.memory_space<vmem_shared>>
      %dma_wait3A_75 = arith.constant 0 : i32
      %dma_wait3A_76 = tpu.memref_slice %arg11[%add3A_1, %dma_wait3A_75] : memref<10256x128xf32, #tpu.memory_space<vmem_shared>> -> memref<128x128xf32, #tpu.memory_space<vmem_shared>>
      tpu.wait_dma2 semaphore(%run_scoped3A : memref<!tpu.dma_semaphore, #tpu.memory_space<semaphore_mem>>) src(%arg10 : memref<128x128xf32, #tpu.memory_space<vmem>>) dst(%dma_wait3A_76 : memref<128x128xf32, #tpu.memory_space<vmem_shared>>)
      tpu.yield
    }) : () -> ()
    %mul3A_2 = arith.constant 640 : i32
    %mul3A_3 = arith.muli %arg1, %mul3A_2 : i32
    %add3A_4 = arith.constant 128 : i32
    %add3A_5 = arith.addi %mul3A_3, %add3A_4 : i32
    "tpu.region"() ({
      %run_scoped3A = tpu.sem_alloc : memref<!tpu.dma_semaphore, #tpu.memory_space<semaphore_mem>>
      %dma_start3A = arith.constant 0 : i32
      %dma_start3A_71 = tpu.memref_slice %arg11[%add3A_5, %dma_start3A] : memref<10256x128xf32, #tpu.memory_space<vmem_shared>> -> memref<128x128xf32, #tpu.memory_space<vmem_shared>>
      %dma_start3A_72 = arith.constant 0 : i32
      %dma_start3A_73 = tpu.memref_slice %arg11[%add3A_5, %dma_start3A_72] : memref<10256x128xf32, #tpu.memory_space<vmem_shared>> -> memref<128x128xf32, #tpu.memory_space<vmem_shared>>
      tpu.enqueue_dma source(%arg10 : memref<128x128xf32, #tpu.memory_space<vmem>>) target(%dma_start3A_73 : memref<128x128xf32, #tpu.memory_space<vmem_shared>>) target_semaphore(%run_scoped3A : memref<!tpu.dma_semaphore, #tpu.memory_space<semaphore_mem>>)
      %dma_wait3A = arith.constant 0 : i32
      %dma_wait3A_74 = tpu.memref_slice %arg11[%add3A_5, %dma_wait3A] : memref<10256x128xf32, #tpu.memory_space<vmem_shared>> -> memref<128x128xf32, #tpu.memory_space<vmem_shared>>
      %dma_wait3A_75 = arith.constant 0 : i32
      %dma_wait3A_76 = tpu.memref_slice %arg11[%add3A_5, %dma_wait3A_75] : memref<10256x128xf32, #tpu.memory_space<vmem_shared>> -> memref<128x128xf32, #tpu.memory_space<vmem_shared>>
      tpu.wait_dma2 semaphore(%run_scoped3A : memref<!tpu.dma_semaphore, #tpu.memory_space<semaphore_mem>>) src(%arg10 : memref<128x128xf32, #tpu.memory_space<vmem>>) dst(%dma_wait3A_76 : memref<128x128xf32, #tpu.memory_space<vmem_shared>>)
      tpu.yield
    }) : () -> ()
    %mul3A_6 = arith.constant 640 : i32
    %mul3A_7 = arith.muli %arg1, %mul3A_6 : i32
    %add3A_8 = arith.constant 256 : i32
    %add3A_9 = arith.addi %mul3A_7, %add3A_8 : i32
    "tpu.region"() ({
      %run_scoped3A = tpu.sem_alloc : memref<!tpu.dma_semaphore, #tpu.memory_space<semaphore_mem>>
      %dma_start3A = arith.constant 0 : i32
      %dma_start3A_71 = tpu.memref_slice %arg11[%add3A_9, %dma_start3A] : memref<10256x128xf32, #tpu.memory_space<vmem_shared>> -> memref<128x128xf32, #tpu.memory_space<vmem_shared>>
      %dma_start3A_72 = arith.constant 0 : i32
      %dma_start3A_73 = tpu.memref_slice %arg11[%add3A_9, %dma_start3A_72] : memref<10256x128xf32, #tpu.memory_space<vmem_shared>> -> memref<128x128xf32, #tpu.memory_space<vmem_shared>>
      tpu.enqueue_dma source(%arg10 : memref<128x128xf32, #tpu.memory_space<vmem>>) target(%dma_start3A_73 : memref<128x128xf32, #tpu.memory_space<vmem_shared>>) target_semaphore(%run_scoped3A : memref<!tpu.dma_semaphore, #tpu.memory_space<semaphore_mem>>)
      %dma_wait3A = arith.constant 0 : i32
      %dma_wait3A_74 = tpu.memref_slice %arg11[%add3A_9, %dma_wait3A] : memref<10256x128xf32, #tpu.memory_space<vmem_shared>> -> memref<128x128xf32, #tpu.memory_space<vmem_shared>>
      %dma_wait3A_75 = arith.constant 0 : i32
      %dma_wait3A_76 = tpu.memref_slice %arg11[%add3A_9, %dma_wait3A_75] : memref<10256x128xf32, #tpu.memory_space<vmem_shared>> -> memref<128x128xf32, #tpu.memory_space<vmem_shared>>
      tpu.wait_dma2 semaphore(%run_scoped3A : memref<!tpu.dma_semaphore, #tpu.memory_space<semaphore_mem>>) src(%arg10 : memref<128x128xf32, #tpu.memory_space<vmem>>) dst(%dma_wait3A_76 : memref<128x128xf32, #tpu.memory_space<vmem_shared>>)
      tpu.yield
    }) : () -> ()
    %mul3A_10 = arith.constant 640 : i32
    %mul3A_11 = arith.muli %arg1, %mul3A_10 : i32
    %add3A_12 = arith.constant 384 : i32
    %add3A_13 = arith.addi %mul3A_11, %add3A_12 : i32
    "tpu.region"() ({
      %run_scoped3A = tpu.sem_alloc : memref<!tpu.dma_semaphore, #tpu.memory_space<semaphore_mem>>
      %dma_start3A = arith.constant 0 : i32
      %dma_start3A_71 = tpu.memref_slice %arg11[%add3A_13, %dma_start3A] : memref<10256x128xf32, #tpu.memory_space<vmem_shared>> -> memref<128x128xf32, #tpu.memory_space<vmem_shared>>
      %dma_start3A_72 = arith.constant 0 : i32
      %dma_start3A_73 = tpu.memref_slice %arg11[%add3A_13, %dma_start3A_72] : memref<10256x128xf32, #tpu.memory_space<vmem_shared>> -> memref<128x128xf32, #tpu.memory_space<vmem_shared>>
      tpu.enqueue_dma source(%arg10 : memref<128x128xf32, #tpu.memory_space<vmem>>) target(%dma_start3A_73 : memref<128x128xf32, #tpu.memory_space<vmem_shared>>) target_semaphore(%run_scoped3A : memref<!tpu.dma_semaphore, #tpu.memory_space<semaphore_mem>>)
      %dma_wait3A = arith.constant 0 : i32
      %dma_wait3A_74 = tpu.memref_slice %arg11[%add3A_13, %dma_wait3A] : memref<10256x128xf32, #tpu.memory_space<vmem_shared>> -> memref<128x128xf32, #tpu.memory_space<vmem_shared>>
      %dma_wait3A_75 = arith.constant 0 : i32
      %dma_wait3A_76 = tpu.memref_slice %arg11[%add3A_13, %dma_wait3A_75] : memref<10256x128xf32, #tpu.memory_space<vmem_shared>> -> memref<128x128xf32, #tpu.memory_space<vmem_shared>>
      tpu.wait_dma2 semaphore(%run_scoped3A : memref<!tpu.dma_semaphore, #tpu.memory_space<semaphore_mem>>) src(%arg10 : memref<128x128xf32, #tpu.memory_space<vmem>>) dst(%dma_wait3A_76 : memref<128x128xf32, #tpu.memory_space<vmem_shared>>)
      tpu.yield
    }) : () -> ()
    %mul3A_14 = arith.constant 640 : i32
    %mul3A_15 = arith.muli %arg1, %mul3A_14 : i32
    %add3A_16 = arith.constant 512 : i32
    %add3A_17 = arith.addi %mul3A_15, %add3A_16 : i32
    "tpu.region"() ({
      %run_scoped3A = tpu.sem_alloc : memref<!tpu.dma_semaphore, #tpu.memory_space<semaphore_mem>>
      %dma_start3A = arith.constant 0 : i32
      %dma_start3A_71 = tpu.memref_slice %arg11[%add3A_17, %dma_start3A] : memref<10256x128xf32, #tpu.memory_space<vmem_shared>> -> memref<128x128xf32, #tpu.memory_space<vmem_shared>>
      %dma_start3A_72 = arith.constant 0 : i32
      %dma_start3A_73 = tpu.memref_slice %arg11[%add3A_17, %dma_start3A_72] : memref<10256x128xf32, #tpu.memory_space<vmem_shared>> -> memref<128x128xf32, #tpu.memory_space<vmem_shared>>
      tpu.enqueue_dma source(%arg10 : memref<128x128xf32, #tpu.memory_space<vmem>>) target(%dma_start3A_73 : memref<128x128xf32, #tpu.memory_space<vmem_shared>>) target_semaphore(%run_scoped3A : memref<!tpu.dma_semaphore, #tpu.memory_space<semaphore_mem>>)
      %dma_wait3A = arith.constant 0 : i32
      %dma_wait3A_74 = tpu.memref_slice %arg11[%add3A_17, %dma_wait3A] : memref<10256x128xf32, #tpu.memory_space<vmem_shared>> -> memref<128x128xf32, #tpu.memory_space<vmem_shared>>
      %dma_wait3A_75 = arith.constant 0 : i32
      %dma_wait3A_76 = tpu.memref_slice %arg11[%add3A_17, %dma_wait3A_75] : memref<10256x128xf32, #tpu.memory_space<vmem_shared>> -> memref<128x128xf32, #tpu.memory_space<vmem_shared>>
      tpu.wait_dma2 semaphore(%run_scoped3A : memref<!tpu.dma_semaphore, #tpu.memory_space<semaphore_mem>>) src(%arg10 : memref<128x128xf32, #tpu.memory_space<vmem>>) dst(%dma_wait3A_76 : memref<128x128xf32, #tpu.memory_space<vmem_shared>>)
      tpu.yield
    }) : () -> ()
    %barrier3A = arith.constant 0 : index
    tpu.barrier barrier_id(%barrier3A)
    %mul3A_18 = arith.constant 1280 : i32
    %mul3A_19 = arith.muli %arg0, %mul3A_18 : i32
    %mul3A_20 = arith.constant 80 : i32
    %mul3A_21 = arith.muli %arg1, %mul3A_20 : i32
    %add3A_22 = arith.addi %mul3A_19, %mul3A_21 : i32
    %scan3A = arith.constant 0 : i32
    %scan3A_23 = arith.constant 0 : i32
    %scan3A_24 = arith.constant 0 : i32
    %scan3A_25 = arith.constant 5 : i32
    %scan3A_26 = arith.addi %scan3A_24, %scan3A_25 : i32
    %scan3A_27 = arith.constant 1 : i32
    %scan3A_28 = scf.for %scan3A_71 = %scan3A_24 to %scan3A_26 step %scan3A_27 iter_args(%scan3A_72 = %scan3A_23) -> (i32)  : i32 {
      %mul3A_73 = arith.constant 16 : i32
      %mul3A_74 = arith.muli %scan3A_71, %mul3A_73 : i32
      %add3A_75 = arith.addi %add3A_22, %mul3A_74 : i32
      "tpu.region"() ({
        %run_scoped3A = tpu.sem_alloc : memref<!tpu.dma_semaphore, #tpu.memory_space<semaphore_mem>>
        %dma_start3A = arith.constant 0 : i32
        %dma_start3A_84 = tpu.memref_slice %arg3[%add3A_75, %dma_start3A] : memref<2560x128xi32, #tpu.memory_space<hbm>> -> memref<16x128xi32, #tpu.memory_space<hbm>>
        %dma_start3A_85 = arith.constant 0 : i32
        %dma_start3A_86 = tpu.memref_slice %arg3[%add3A_75, %dma_start3A_85] : memref<2560x128xi32, #tpu.memory_space<hbm>> -> memref<16x128xi32, #tpu.memory_space<hbm>>
        tpu.enqueue_dma source(%dma_start3A_86 : memref<16x128xi32, #tpu.memory_space<hbm>>) target(%arg7 : memref<16x128xi32, #tpu.memory_space<vmem>>) target_semaphore(%run_scoped3A : memref<!tpu.dma_semaphore, #tpu.memory_space<semaphore_mem>>)
        %dma_wait3A = arith.constant 0 : i32
        %dma_wait3A_87 = tpu.memref_slice %arg3[%add3A_75, %dma_wait3A] : memref<2560x128xi32, #tpu.memory_space<hbm>> -> memref<16x128xi32, #tpu.memory_space<hbm>>
        %dma_wait3A_88 = arith.constant 0 : i32
        %dma_wait3A_89 = tpu.memref_slice %arg3[%add3A_75, %dma_wait3A_88] : memref<2560x128xi32, #tpu.memory_space<hbm>> -> memref<16x128xi32, #tpu.memory_space<hbm>>
        tpu.wait_dma2 semaphore(%run_scoped3A : memref<!tpu.dma_semaphore, #tpu.memory_space<semaphore_mem>>) src(%dma_wait3A_89 : memref<16x128xi32, #tpu.memory_space<hbm>>) dst(%arg7 : memref<16x128xi32, #tpu.memory_space<vmem>>)
        tpu.yield
      }) : () -> ()
      "tpu.region"() ({
        %run_scoped3A = tpu.sem_alloc : memref<!tpu.dma_semaphore, #tpu.memory_space<semaphore_mem>>
        %dma_start3A = arith.constant 0 : i32
        %dma_start3A_84 = tpu.memref_slice %arg4[%add3A_75, %dma_start3A] : memref<2560x128xi32, #tpu.memory_space<hbm>> -> memref<16x128xi32, #tpu.memory_space<hbm>>
        %dma_start3A_85 = arith.constant 0 : i32
        %dma_start3A_86 = tpu.memref_slice %arg4[%add3A_75, %dma_start3A_85] : memref<2560x128xi32, #tpu.memory_space<hbm>> -> memref<16x128xi32, #tpu.memory_space<hbm>>
        tpu.enqueue_dma source(%dma_start3A_86 : memref<16x128xi32, #tpu.memory_space<hbm>>) target(%arg8 : memref<16x128xi32, #tpu.memory_space<vmem>>) target_semaphore(%run_scoped3A : memref<!tpu.dma_semaphore, #tpu.memory_space<semaphore_mem>>)
        %dma_wait3A = arith.constant 0 : i32
        %dma_wait3A_87 = tpu.memref_slice %arg4[%add3A_75, %dma_wait3A] : memref<2560x128xi32, #tpu.memory_space<hbm>> -> memref<16x128xi32, #tpu.memory_space<hbm>>
        %dma_wait3A_88 = arith.constant 0 : i32
        %dma_wait3A_89 = tpu.memref_slice %arg4[%add3A_75, %dma_wait3A_88] : memref<2560x128xi32, #tpu.memory_space<hbm>> -> memref<16x128xi32, #tpu.memory_space<hbm>>
        tpu.wait_dma2 semaphore(%run_scoped3A : memref<!tpu.dma_semaphore, #tpu.memory_space<semaphore_mem>>) src(%dma_wait3A_89 : memref<16x128xi32, #tpu.memory_space<hbm>>) dst(%arg8 : memref<16x128xi32, #tpu.memory_space<vmem>>)
        tpu.yield
      }) : () -> ()
      %scan3A_76 = arith.constant 0 : i32
      %scan3A_77 = arith.constant 0 : i32
      %scan3A_78 = arith.constant 16 : i32
      %scan3A_79 = arith.addi %scan3A_77, %scan3A_78 : i32
      %scan3A_80 = arith.constant 1 : i32
      %scan3A_81 = scf.for %scan3A_84 = %scan3A_77 to %scan3A_79 step %scan3A_80 iter_args(%scan3A_85 = %scan3A_76) -> (i32)  : i32 {
        %dma_start3A = arith.constant 0 : i32
        %dma_start3A_86 = tpu.memref_slice %arg7[%scan3A_84, %dma_start3A] : memref<16x128xi32, #tpu.memory_space<vmem>> -> memref<1x128xi32, #tpu.memory_space<vmem>>
        %dma_start3A_87 = tpu.memref_squeeze %dma_start3A_86 : memref<1x128xi32, #tpu.memory_space<vmem>> -> memref<128xi32, #tpu.memory_space<vmem>>
        %dma_start3A_88 = arith.constant 0 : i32
        %dma_start3A_89 = arith.constant 0 : i32
        %dma_start3A_90 = tpu.memref_slice %arg2[%scan3A, %dma_start3A_88, %dma_start3A_89] : memref<1x10000x128xf32, #tpu.memory_space<hbm>> -> memref<1x10000x128xf32, #tpu.memory_space<hbm>>
        %dma_start3A_91 = tpu.memref_squeeze %dma_start3A_90 : memref<1x10000x128xf32, #tpu.memory_space<hbm>> -> memref<10000x128xf32, #tpu.memory_space<hbm>>
        %dma_start3A_92 = arith.constant 0 : i32
        %dma_start3A_93 = arith.constant 0 : i32
        %dma_start3A_94 = tpu.memref_slice %dma_start3A_91[%dma_start3A_92, %dma_start3A_93] : memref<10000x128xf32, #tpu.memory_space<hbm>> -> memref<10000x128xf32, #tpu.memory_space<hbm>>
        tpu.enqueue_indirect_dma source(%dma_start3A_94 : memref<10000x128xf32, #tpu.memory_space<hbm>>) target(%arg9 : memref<128x128xf32, #tpu.memory_space<vmem>>) offsets(%dma_start3A_87 : memref<128xi32, #tpu.memory_space<vmem>>) semaphore(%arg12 : memref<!tpu.dma_semaphore, #tpu.memory_space<semaphore_mem>>)
        %dma_wait3A = arith.constant 0 : i32
        %dma_wait3A_95 = tpu.memref_slice %arg7[%scan3A_84, %dma_wait3A] : memref<16x128xi32, #tpu.memory_space<vmem>> -> memref<1x128xi32, #tpu.memory_space<vmem>>
        %dma_wait3A_96 = tpu.memref_squeeze %dma_wait3A_95 : memref<1x128xi32, #tpu.memory_space<vmem>> -> memref<128xi32, #tpu.memory_space<vmem>>
        %dma_wait3A_97 = arith.constant 0 : i32
        %dma_wait3A_98 = arith.constant 0 : i32
        %dma_wait3A_99 = tpu.memref_slice %arg2[%scan3A, %dma_wait3A_97, %dma_wait3A_98] : memref<1x10000x128xf32, #tpu.memory_space<hbm>> -> memref<1x10000x128xf32, #tpu.memory_space<hbm>>
        %dma_wait3A_100 = tpu.memref_squeeze %dma_wait3A_99 : memref<1x10000x128xf32, #tpu.memory_space<hbm>> -> memref<10000x128xf32, #tpu.memory_space<hbm>>
        %dma_wait3A_101 = arith.constant 0 : i32
        %dma_wait3A_102 = arith.constant 0 : i32
        %dma_wait3A_103 = tpu.memref_slice %dma_wait3A_100[%dma_wait3A_101, %dma_wait3A_102] : memref<10000x128xf32, #tpu.memory_space<hbm>> -> memref<10000x128xf32, #tpu.memory_space<hbm>>
        tpu.wait_indirect_dma semaphore(%arg12 : memref<!tpu.dma_semaphore, #tpu.memory_space<semaphore_mem>>) src(%dma_wait3A_103 : memref<10000x128xf32, #tpu.memory_space<hbm>>) dst(%arg9 : memref<128x128xf32, #tpu.memory_space<vmem>>)
        "tpu.region"() ({
          %run_scoped3A = tpu.sem_alloc : memref<!tpu.dma_semaphore, #tpu.memory_space<semaphore_mem>>
          %dma_start3A_105 = arith.constant 0 : i32
          %dma_start3A_106 = tpu.memref_slice %arg8[%scan3A_84, %dma_start3A_105] : memref<16x128xi32, #tpu.memory_space<vmem>> -> memref<1x128xi32, #tpu.memory_space<vmem>>
          %dma_start3A_107 = tpu.memref_squeeze %dma_start3A_106 : memref<1x128xi32, #tpu.memory_space<vmem>> -> memref<128xi32, #tpu.memory_space<vmem>>
          %dma_start3A_108 = arith.constant 0 : i32
          %dma_start3A_109 = arith.constant 0 : i32
          %dma_start3A_110 = tpu.memref_slice %arg11[%dma_start3A_108, %dma_start3A_109] : memref<10256x128xf32, #tpu.memory_space<vmem_shared>> -> memref<10256x128xf32, #tpu.memory_space<vmem_shared>>
          tpu.enqueue_indirect_dma source(%arg9 : memref<128x128xf32, #tpu.memory_space<vmem>>) target(%dma_start3A_110 : memref<10256x128xf32, #tpu.memory_space<vmem_shared>>) offsets(%dma_start3A_107 : memref<128xi32, #tpu.memory_space<vmem>>) semaphore(%run_scoped3A : memref<!tpu.dma_semaphore, #tpu.memory_space<semaphore_mem>>) {add = true}
          %dma_wait3A_111 = arith.constant 0 : i32
          %dma_wait3A_112 = tpu.memref_slice %arg8[%scan3A_84, %dma_wait3A_111] : memref<16x128xi32, #tpu.memory_space<vmem>> -> memref<1x128xi32, #tpu.memory_space<vmem>>
          %dma_wait3A_113 = tpu.memref_squeeze %dma_wait3A_112 : memref<1x128xi32, #tpu.memory_space<vmem>> -> memref<128xi32, #tpu.memory_space<vmem>>
          %dma_wait3A_114 = arith.constant 0 : i32
          %dma_wait3A_115 = arith.constant 0 : i32
          %dma_wait3A_116 = tpu.memref_slice %arg11[%dma_wait3A_114, %dma_wait3A_115] : memref<10256x128xf32, #tpu.memory_space<vmem_shared>> -> memref<10256x128xf32, #tpu.memory_space<vmem_shared>>
          tpu.wait_indirect_dma semaphore(%run_scoped3A : memref<!tpu.dma_semaphore, #tpu.memory_space<semaphore_mem>>) src(%arg9 : memref<128x128xf32, #tpu.memory_space<vmem>>) dst(%dma_wait3A_116 : memref<10256x128xf32, #tpu.memory_space<vmem_shared>>)
          tpu.yield
        }) : () -> ()
        %scan3A_104 = arith.constant 0 : i32
        scf.yield %scan3A_104 : i32
      }
      %scan3A_82 = arith.constant 16 : i32
      %scan3A_83 = arith.constant 0 : i32
      scf.yield %scan3A_83 : i32
    }
    %scan3A_29 = arith.constant 5 : i32
    %barrier3A_30 = arith.constant 0 : index
    tpu.barrier barrier_id(%barrier3A_30)
    %mul3A_31 = arith.constant 640 : i32
    %mul3A_32 = arith.muli %arg1, %mul3A_31 : i32
    %add3A_33 = arith.constant 0 : i32
    %add3A_34 = arith.addi %mul3A_32, %add3A_33 : i32
    "tpu.region"() ({
      %run_scoped3A = tpu.sem_alloc : memref<!tpu.dma_semaphore, #tpu.memory_space<semaphore_mem>>
      %dma_start3A = arith.constant 0 : i32
      %dma_start3A_71 = tpu.memref_slice %arg11[%add3A_34, %dma_start3A] : memref<10256x128xf32, #tpu.memory_space<vmem_shared>> -> memref<128x128xf32, #tpu.memory_space<vmem_shared>>
      %dma_start3A_72 = arith.constant 0 : i32
      %dma_start3A_73 = tpu.memref_slice %arg11[%add3A_34, %dma_start3A_72] : memref<10256x128xf32, #tpu.memory_space<vmem_shared>> -> memref<128x128xf32, #tpu.memory_space<vmem_shared>>
      tpu.enqueue_dma source(%dma_start3A_73 : memref<128x128xf32, #tpu.memory_space<vmem_shared>>) target(%arg10 : memref<128x128xf32, #tpu.memory_space<vmem>>) target_semaphore(%run_scoped3A : memref<!tpu.dma_semaphore, #tpu.memory_space<semaphore_mem>>)
      %dma_wait3A = arith.constant 0 : i32
      %dma_wait3A_74 = tpu.memref_slice %arg11[%add3A_34, %dma_wait3A] : memref<10256x128xf32, #tpu.memory_space<vmem_shared>> -> memref<128x128xf32, #tpu.memory_space<vmem_shared>>
      %dma_wait3A_75 = arith.constant 0 : i32
      %dma_wait3A_76 = tpu.memref_slice %arg11[%add3A_34, %dma_wait3A_75] : memref<10256x128xf32, #tpu.memory_space<vmem_shared>> -> memref<128x128xf32, #tpu.memory_space<vmem_shared>>
      tpu.wait_dma2 semaphore(%run_scoped3A : memref<!tpu.dma_semaphore, #tpu.memory_space<semaphore_mem>>) src(%dma_wait3A_76 : memref<128x128xf32, #tpu.memory_space<vmem_shared>>) dst(%arg10 : memref<128x128xf32, #tpu.memory_space<vmem>>)
      tpu.yield
    }) : () -> ()
    %mul3A_35 = arith.constant 640 : i32
    %mul3A_36 = arith.muli %arg1, %mul3A_35 : i32
    %add3A_37 = arith.constant 0 : i32
    %add3A_38 = arith.addi %mul3A_36, %add3A_37 : i32
    "tpu.region"() ({
      %run_scoped3A = tpu.sem_alloc : memref<!tpu.dma_semaphore, #tpu.memory_space<semaphore_mem>>
      %dma_start3A = arith.constant 0 : i32
      %dma_start3A_71 = arith.constant 0 : i32
      %dma_start3A_72 = tpu.memref_slice %arg6[%arg0, %dma_start3A, %dma_start3A_71] : memref<2x10240x128xf32, #tpu.memory_space<hbm>> -> memref<1x10240x128xf32, #tpu.memory_space<hbm>>
      %dma_start3A_73 = tpu.memref_squeeze %dma_start3A_72 : memref<1x10240x128xf32, #tpu.memory_space<hbm>> -> memref<10240x128xf32, #tpu.memory_space<hbm>>
      %dma_start3A_74 = arith.constant 0 : i32
      %dma_start3A_75 = tpu.memref_slice %dma_start3A_73[%add3A_38, %dma_start3A_74] : memref<10240x128xf32, #tpu.memory_space<hbm>> -> memref<128x128xf32, #tpu.memory_space<hbm>>
      %dma_start3A_76 = arith.constant 0 : i32
      %dma_start3A_77 = arith.constant 0 : i32
      %dma_start3A_78 = tpu.memref_slice %arg6[%arg0, %dma_start3A_76, %dma_start3A_77] : memref<2x10240x128xf32, #tpu.memory_space<hbm>> -> memref<1x10240x128xf32, #tpu.memory_space<hbm>>
      %dma_start3A_79 = tpu.memref_squeeze %dma_start3A_78 : memref<1x10240x128xf32, #tpu.memory_space<hbm>> -> memref<10240x128xf32, #tpu.memory_space<hbm>>
      %dma_start3A_80 = arith.constant 0 : i32
      %dma_start3A_81 = tpu.memref_slice %dma_start3A_79[%add3A_38, %dma_start3A_80] : memref<10240x128xf32, #tpu.memory_space<hbm>> -> memref<128x128xf32, #tpu.memory_space<hbm>>
      tpu.enqueue_dma source(%arg10 : memref<128x128xf32, #tpu.memory_space<vmem>>) target(%dma_start3A_81 : memref<128x128xf32, #tpu.memory_space<hbm>>) target_semaphore(%run_scoped3A : memref<!tpu.dma_semaphore, #tpu.memory_space<semaphore_mem>>)
      %dma_wait3A = arith.constant 0 : i32
      %dma_wait3A_82 = arith.constant 0 : i32
      %dma_wait3A_83 = tpu.memref_slice %arg6[%arg0, %dma_wait3A, %dma_wait3A_82] : memref<2x10240x128xf32, #tpu.memory_space<hbm>> -> memref<1x10240x128xf32, #tpu.memory_space<hbm>>
      %dma_wait3A_84 = tpu.memref_squeeze %dma_wait3A_83 : memref<1x10240x128xf32, #tpu.memory_space<hbm>> -> memref<10240x128xf32, #tpu.memory_space<hbm>>
      %dma_wait3A_85 = arith.constant 0 : i32
      %dma_wait3A_86 = tpu.memref_slice %dma_wait3A_84[%add3A_38, %dma_wait3A_85] : memref<10240x128xf32, #tpu.memory_space<hbm>> -> memref<128x128xf32, #tpu.memory_space<hbm>>
      %dma_wait3A_87 = arith.constant 0 : i32
      %dma_wait3A_88 = arith.constant 0 : i32
      %dma_wait3A_89 = tpu.memref_slice %arg6[%arg0, %dma_wait3A_87, %dma_wait3A_88] : memref<2x10240x128xf32, #tpu.memory_space<hbm>> -> memref<1x10240x128xf32, #tpu.memory_space<hbm>>
      %dma_wait3A_90 = tpu.memref_squeeze %dma_wait3A_89 : memref<1x10240x128xf32, #tpu.memory_space<hbm>> -> memref<10240x128xf32, #tpu.memory_space<hbm>>
      %dma_wait3A_91 = arith.constant 0 : i32
      %dma_wait3A_92 = tpu.memref_slice %dma_wait3A_90[%add3A_38, %dma_wait3A_91] : memref<10240x128xf32, #tpu.memory_space<hbm>> -> memref<128x128xf32, #tpu.memory_space<hbm>>
      tpu.wait_dma2 semaphore(%run_scoped3A : memref<!tpu.dma_semaphore, #tpu.memory_space<semaphore_mem>>) src(%arg10 : memref<128x128xf32, #tpu.memory_space<vmem>>) dst(%dma_wait3A_92 : memref<128x128xf32, #tpu.memory_space<hbm>>)
      tpu.yield
    }) : () -> ()
    %mul3A_39 = arith.constant 640 : i32
    %mul3A_40 = arith.muli %arg1, %mul3A_39 : i32
    %add3A_41 = arith.constant 128 : i32
    %add3A_42 = arith.addi %mul3A_40, %add3A_41 : i32
    "tpu.region"() ({
      %run_scoped3A = tpu.sem_alloc : memref<!tpu.dma_semaphore, #tpu.memory_space<semaphore_mem>>
      %dma_start3A = arith.constant 0 : i32
      %dma_start3A_71 = tpu.memref_slice %arg11[%add3A_42, %dma_start3A] : memref<10256x128xf32, #tpu.memory_space<vmem_shared>> -> memref<128x128xf32, #tpu.memory_space<vmem_shared>>
      %dma_start3A_72 = arith.constant 0 : i32
      %dma_start3A_73 = tpu.memref_slice %arg11[%add3A_42, %dma_start3A_72] : memref<10256x128xf32, #tpu.memory_space<vmem_shared>> -> memref<128x128xf32, #tpu.memory_space<vmem_shared>>
      tpu.enqueue_dma source(%dma_start3A_73 : memref<128x128xf32, #tpu.memory_space<vmem_shared>>) target(%arg10 : memref<128x128xf32, #tpu.memory_space<vmem>>) target_semaphore(%run_scoped3A : memref<!tpu.dma_semaphore, #tpu.memory_space<semaphore_mem>>)
      %dma_wait3A = arith.constant 0 : i32
      %dma_wait3A_74 = tpu.memref_slice %arg11[%add3A_42, %dma_wait3A] : memref<10256x128xf32, #tpu.memory_space<vmem_shared>> -> memref<128x128xf32, #tpu.memory_space<vmem_shared>>
      %dma_wait3A_75 = arith.constant 0 : i32
      %dma_wait3A_76 = tpu.memref_slice %arg11[%add3A_42, %dma_wait3A_75] : memref<10256x128xf32, #tpu.memory_space<vmem_shared>> -> memref<128x128xf32, #tpu.memory_space<vmem_shared>>
      tpu.wait_dma2 semaphore(%run_scoped3A : memref<!tpu.dma_semaphore, #tpu.memory_space<semaphore_mem>>) src(%dma_wait3A_76 : memref<128x128xf32, #tpu.memory_space<vmem_shared>>) dst(%arg10 : memref<128x128xf32, #tpu.memory_space<vmem>>)
      tpu.yield
    }) : () -> ()
    %mul3A_43 = arith.constant 640 : i32
    %mul3A_44 = arith.muli %arg1, %mul3A_43 : i32
    %add3A_45 = arith.constant 128 : i32
    %add3A_46 = arith.addi %mul3A_44, %add3A_45 : i32
    "tpu.region"() ({
      %run_scoped3A = tpu.sem_alloc : memref<!tpu.dma_semaphore, #tpu.memory_space<semaphore_mem>>
      %dma_start3A = arith.constant 0 : i32
      %dma_start3A_71 = arith.constant 0 : i32
      %dma_start3A_72 = tpu.memref_slice %arg6[%arg0, %dma_start3A, %dma_start3A_71] : memref<2x10240x128xf32, #tpu.memory_space<hbm>> -> memref<1x10240x128xf32, #tpu.memory_space<hbm>>
      %dma_start3A_73 = tpu.memref_squeeze %dma_start3A_72 : memref<1x10240x128xf32, #tpu.memory_space<hbm>> -> memref<10240x128xf32, #tpu.memory_space<hbm>>
      %dma_start3A_74 = arith.constant 0 : i32
      %dma_start3A_75 = tpu.memref_slice %dma_start3A_73[%add3A_46, %dma_start3A_74] : memref<10240x128xf32, #tpu.memory_space<hbm>> -> memref<128x128xf32, #tpu.memory_space<hbm>>
      %dma_start3A_76 = arith.constant 0 : i32
      %dma_start3A_77 = arith.constant 0 : i32
      %dma_start3A_78 = tpu.memref_slice %arg6[%arg0, %dma_start3A_76, %dma_start3A_77] : memref<2x10240x128xf32, #tpu.memory_space<hbm>> -> memref<1x10240x128xf32, #tpu.memory_space<hbm>>
      %dma_start3A_79 = tpu.memref_squeeze %dma_start3A_78 : memref<1x10240x128xf32, #tpu.memory_space<hbm>> -> memref<10240x128xf32, #tpu.memory_space<hbm>>
      %dma_start3A_80 = arith.constant 0 : i32
      %dma_start3A_81 = tpu.memref_slice %dma_start3A_79[%add3A_46, %dma_start3A_80] : memref<10240x128xf32, #tpu.memory_space<hbm>> -> memref<128x128xf32, #tpu.memory_space<hbm>>
      tpu.enqueue_dma source(%arg10 : memref<128x128xf32, #tpu.memory_space<vmem>>) target(%dma_start3A_81 : memref<128x128xf32, #tpu.memory_space<hbm>>) target_semaphore(%run_scoped3A : memref<!tpu.dma_semaphore, #tpu.memory_space<semaphore_mem>>)
      %dma_wait3A = arith.constant 0 : i32
      %dma_wait3A_82 = arith.constant 0 : i32
      %dma_wait3A_83 = tpu.memref_slice %arg6[%arg0, %dma_wait3A, %dma_wait3A_82] : memref<2x10240x128xf32, #tpu.memory_space<hbm>> -> memref<1x10240x128xf32, #tpu.memory_space<hbm>>
      %dma_wait3A_84 = tpu.memref_squeeze %dma_wait3A_83 : memref<1x10240x128xf32, #tpu.memory_space<hbm>> -> memref<10240x128xf32, #tpu.memory_space<hbm>>
      %dma_wait3A_85 = arith.constant 0 : i32
      %dma_wait3A_86 = tpu.memref_slice %dma_wait3A_84[%add3A_46, %dma_wait3A_85] : memref<10240x128xf32, #tpu.memory_space<hbm>> -> memref<128x128xf32, #tpu.memory_space<hbm>>
      %dma_wait3A_87 = arith.constant 0 : i32
      %dma_wait3A_88 = arith.constant 0 : i32
      %dma_wait3A_89 = tpu.memref_slice %arg6[%arg0, %dma_wait3A_87, %dma_wait3A_88] : memref<2x10240x128xf32, #tpu.memory_space<hbm>> -> memref<1x10240x128xf32, #tpu.memory_space<hbm>>
      %dma_wait3A_90 = tpu.memref_squeeze %dma_wait3A_89 : memref<1x10240x128xf32, #tpu.memory_space<hbm>> -> memref<10240x128xf32, #tpu.memory_space<hbm>>
      %dma_wait3A_91 = arith.constant 0 : i32
      %dma_wait3A_92 = tpu.memref_slice %dma_wait3A_90[%add3A_46, %dma_wait3A_91] : memref<10240x128xf32, #tpu.memory_space<hbm>> -> memref<128x128xf32, #tpu.memory_space<hbm>>
      tpu.wait_dma2 semaphore(%run_scoped3A : memref<!tpu.dma_semaphore, #tpu.memory_space<semaphore_mem>>) src(%arg10 : memref<128x128xf32, #tpu.memory_space<vmem>>) dst(%dma_wait3A_92 : memref<128x128xf32, #tpu.memory_space<hbm>>)
      tpu.yield
    }) : () -> ()
    %mul3A_47 = arith.constant 640 : i32
    %mul3A_48 = arith.muli %arg1, %mul3A_47 : i32
    %add3A_49 = arith.constant 256 : i32
    %add3A_50 = arith.addi %mul3A_48, %add3A_49 : i32
    "tpu.region"() ({
      %run_scoped3A = tpu.sem_alloc : memref<!tpu.dma_semaphore, #tpu.memory_space<semaphore_mem>>
      %dma_start3A = arith.constant 0 : i32
      %dma_start3A_71 = tpu.memref_slice %arg11[%add3A_50, %dma_start3A] : memref<10256x128xf32, #tpu.memory_space<vmem_shared>> -> memref<128x128xf32, #tpu.memory_space<vmem_shared>>
      %dma_start3A_72 = arith.constant 0 : i32
      %dma_start3A_73 = tpu.memref_slice %arg11[%add3A_50, %dma_start3A_72] : memref<10256x128xf32, #tpu.memory_space<vmem_shared>> -> memref<128x128xf32, #tpu.memory_space<vmem_shared>>
      tpu.enqueue_dma source(%dma_start3A_73 : memref<128x128xf32, #tpu.memory_space<vmem_shared>>) target(%arg10 : memref<128x128xf32, #tpu.memory_space<vmem>>) target_semaphore(%run_scoped3A : memref<!tpu.dma_semaphore, #tpu.memory_space<semaphore_mem>>)
      %dma_wait3A = arith.constant 0 : i32
      %dma_wait3A_74 = tpu.memref_slice %arg11[%add3A_50, %dma_wait3A] : memref<10256x128xf32, #tpu.memory_space<vmem_shared>> -> memref<128x128xf32, #tpu.memory_space<vmem_shared>>
      %dma_wait3A_75 = arith.constant 0 : i32
      %dma_wait3A_76 = tpu.memref_slice %arg11[%add3A_50, %dma_wait3A_75] : memref<10256x128xf32, #tpu.memory_space<vmem_shared>> -> memref<128x128xf32, #tpu.memory_space<vmem_shared>>
      tpu.wait_dma2 semaphore(%run_scoped3A : memref<!tpu.dma_semaphore, #tpu.memory_space<semaphore_mem>>) src(%dma_wait3A_76 : memref<128x128xf32, #tpu.memory_space<vmem_shared>>) dst(%arg10 : memref<128x128xf32, #tpu.memory_space<vmem>>)
      tpu.yield
    }) : () -> ()
    %mul3A_51 = arith.constant 640 : i32
    %mul3A_52 = arith.muli %arg1, %mul3A_51 : i32
    %add3A_53 = arith.constant 256 : i32
    %add3A_54 = arith.addi %mul3A_52, %add3A_53 : i32
    "tpu.region"() ({
      %run_scoped3A = tpu.sem_alloc : memref<!tpu.dma_semaphore, #tpu.memory_space<semaphore_mem>>
      %dma_start3A = arith.constant 0 : i32
      %dma_start3A_71 = arith.constant 0 : i32
      %dma_start3A_72 = tpu.memref_slice %arg6[%arg0, %dma_start3A, %dma_start3A_71] : memref<2x10240x128xf32, #tpu.memory_space<hbm>> -> memref<1x10240x128xf32, #tpu.memory_space<hbm>>
      %dma_start3A_73 = tpu.memref_squeeze %dma_start3A_72 : memref<1x10240x128xf32, #tpu.memory_space<hbm>> -> memref<10240x128xf32, #tpu.memory_space<hbm>>
      %dma_start3A_74 = arith.constant 0 : i32
      %dma_start3A_75 = tpu.memref_slice %dma_start3A_73[%add3A_54, %dma_start3A_74] : memref<10240x128xf32, #tpu.memory_space<hbm>> -> memref<128x128xf32, #tpu.memory_space<hbm>>
      %dma_start3A_76 = arith.constant 0 : i32
      %dma_start3A_77 = arith.constant 0 : i32
      %dma_start3A_78 = tpu.memref_slice %arg6[%arg0, %dma_start3A_76, %dma_start3A_77] : memref<2x10240x128xf32, #tpu.memory_space<hbm>> -> memref<1x10240x128xf32, #tpu.memory_space<hbm>>
      %dma_start3A_79 = tpu.memref_squeeze %dma_start3A_78 : memref<1x10240x128xf32, #tpu.memory_space<hbm>> -> memref<10240x128xf32, #tpu.memory_space<hbm>>
      %dma_start3A_80 = arith.constant 0 : i32
      %dma_start3A_81 = tpu.memref_slice %dma_start3A_79[%add3A_54, %dma_start3A_80] : memref<10240x128xf32, #tpu.memory_space<hbm>> -> memref<128x128xf32, #tpu.memory_space<hbm>>
      tpu.enqueue_dma source(%arg10 : memref<128x128xf32, #tpu.memory_space<vmem>>) target(%dma_start3A_81 : memref<128x128xf32, #tpu.memory_space<hbm>>) target_semaphore(%run_scoped3A : memref<!tpu.dma_semaphore, #tpu.memory_space<semaphore_mem>>)
      %dma_wait3A = arith.constant 0 : i32
      %dma_wait3A_82 = arith.constant 0 : i32
      %dma_wait3A_83 = tpu.memref_slice %arg6[%arg0, %dma_wait3A, %dma_wait3A_82] : memref<2x10240x128xf32, #tpu.memory_space<hbm>> -> memref<1x10240x128xf32, #tpu.memory_space<hbm>>
      %dma_wait3A_84 = tpu.memref_squeeze %dma_wait3A_83 : memref<1x10240x128xf32, #tpu.memory_space<hbm>> -> memref<10240x128xf32, #tpu.memory_space<hbm>>
      %dma_wait3A_85 = arith.constant 0 : i32
      %dma_wait3A_86 = tpu.memref_slice %dma_wait3A_84[%add3A_54, %dma_wait3A_85] : memref<10240x128xf32, #tpu.memory_space<hbm>> -> memref<128x128xf32, #tpu.memory_space<hbm>>
      %dma_wait3A_87 = arith.constant 0 : i32
      %dma_wait3A_88 = arith.constant 0 : i32
      %dma_wait3A_89 = tpu.memref_slice %arg6[%arg0, %dma_wait3A_87, %dma_wait3A_88] : memref<2x10240x128xf32, #tpu.memory_space<hbm>> -> memref<1x10240x128xf32, #tpu.memory_space<hbm>>
      %dma_wait3A_90 = tpu.memref_squeeze %dma_wait3A_89 : memref<1x10240x128xf32, #tpu.memory_space<hbm>> -> memref<10240x128xf32, #tpu.memory_space<hbm>>
      %dma_wait3A_91 = arith.constant 0 : i32
      %dma_wait3A_92 = tpu.memref_slice %dma_wait3A_90[%add3A_54, %dma_wait3A_91] : memref<10240x128xf32, #tpu.memory_space<hbm>> -> memref<128x128xf32, #tpu.memory_space<hbm>>
      tpu.wait_dma2 semaphore(%run_scoped3A : memref<!tpu.dma_semaphore, #tpu.memory_space<semaphore_mem>>) src(%arg10 : memref<128x128xf32, #tpu.memory_space<vmem>>) dst(%dma_wait3A_92 : memref<128x128xf32, #tpu.memory_space<hbm>>)
      tpu.yield
    }) : () -> ()
    %mul3A_55 = arith.constant 640 : i32
    %mul3A_56 = arith.muli %arg1, %mul3A_55 : i32
    %add3A_57 = arith.constant 384 : i32
    %add3A_58 = arith.addi %mul3A_56, %add3A_57 : i32
    "tpu.region"() ({
      %run_scoped3A = tpu.sem_alloc : memref<!tpu.dma_semaphore, #tpu.memory_space<semaphore_mem>>
      %dma_start3A = arith.constant 0 : i32
      %dma_start3A_71 = tpu.memref_slice %arg11[%add3A_58, %dma_start3A] : memref<10256x128xf32, #tpu.memory_space<vmem_shared>> -> memref<128x128xf32, #tpu.memory_space<vmem_shared>>
      %dma_start3A_72 = arith.constant 0 : i32
      %dma_start3A_73 = tpu.memref_slice %arg11[%add3A_58, %dma_start3A_72] : memref<10256x128xf32, #tpu.memory_space<vmem_shared>> -> memref<128x128xf32, #tpu.memory_space<vmem_shared>>
      tpu.enqueue_dma source(%dma_start3A_73 : memref<128x128xf32, #tpu.memory_space<vmem_shared>>) target(%arg10 : memref<128x128xf32, #tpu.memory_space<vmem>>) target_semaphore(%run_scoped3A : memref<!tpu.dma_semaphore, #tpu.memory_space<semaphore_mem>>)
      %dma_wait3A = arith.constant 0 : i32
      %dma_wait3A_74 = tpu.memref_slice %arg11[%add3A_58, %dma_wait3A] : memref<10256x128xf32, #tpu.memory_space<vmem_shared>> -> memref<128x128xf32, #tpu.memory_space<vmem_shared>>
      %dma_wait3A_75 = arith.constant 0 : i32
      %dma_wait3A_76 = tpu.memref_slice %arg11[%add3A_58, %dma_wait3A_75] : memref<10256x128xf32, #tpu.memory_space<vmem_shared>> -> memref<128x128xf32, #tpu.memory_space<vmem_shared>>
      tpu.wait_dma2 semaphore(%run_scoped3A : memref<!tpu.dma_semaphore, #tpu.memory_space<semaphore_mem>>) src(%dma_wait3A_76 : memref<128x128xf32, #tpu.memory_space<vmem_shared>>) dst(%arg10 : memref<128x128xf32, #tpu.memory_space<vmem>>)
      tpu.yield
    }) : () -> ()
    %mul3A_59 = arith.constant 640 : i32
    %mul3A_60 = arith.muli %arg1, %mul3A_59 : i32
    %add3A_61 = arith.constant 384 : i32
    %add3A_62 = arith.addi %mul3A_60, %add3A_61 : i32
    "tpu.region"() ({
      %run_scoped3A = tpu.sem_alloc : memref<!tpu.dma_semaphore, #tpu.memory_space<semaphore_mem>>
      %dma_start3A = arith.constant 0 : i32
      %dma_start3A_71 = arith.constant 0 : i32
      %dma_start3A_72 = tpu.memref_slice %arg6[%arg0, %dma_start3A, %dma_start3A_71] : memref<2x10240x128xf32, #tpu.memory_space<hbm>> -> memref<1x10240x128xf32, #tpu.memory_space<hbm>>
      %dma_start3A_73 = tpu.memref_squeeze %dma_start3A_72 : memref<1x10240x128xf32, #tpu.memory_space<hbm>> -> memref<10240x128xf32, #tpu.memory_space<hbm>>
      %dma_start3A_74 = arith.constant 0 : i32
      %dma_start3A_75 = tpu.memref_slice %dma_start3A_73[%add3A_62, %dma_start3A_74] : memref<10240x128xf32, #tpu.memory_space<hbm>> -> memref<128x128xf32, #tpu.memory_space<hbm>>
      %dma_start3A_76 = arith.constant 0 : i32
      %dma_start3A_77 = arith.constant 0 : i32
      %dma_start3A_78 = tpu.memref_slice %arg6[%arg0, %dma_start3A_76, %dma_start3A_77] : memref<2x10240x128xf32, #tpu.memory_space<hbm>> -> memref<1x10240x128xf32, #tpu.memory_space<hbm>>
      %dma_start3A_79 = tpu.memref_squeeze %dma_start3A_78 : memref<1x10240x128xf32, #tpu.memory_space<hbm>> -> memref<10240x128xf32, #tpu.memory_space<hbm>>
      %dma_start3A_80 = arith.constant 0 : i32
      %dma_start3A_81 = tpu.memref_slice %dma_start3A_79[%add3A_62, %dma_start3A_80] : memref<10240x128xf32, #tpu.memory_space<hbm>> -> memref<128x128xf32, #tpu.memory_space<hbm>>
      tpu.enqueue_dma source(%arg10 : memref<128x128xf32, #tpu.memory_space<vmem>>) target(%dma_start3A_81 : memref<128x128xf32, #tpu.memory_space<hbm>>) target_semaphore(%run_scoped3A : memref<!tpu.dma_semaphore, #tpu.memory_space<semaphore_mem>>)
      %dma_wait3A = arith.constant 0 : i32
      %dma_wait3A_82 = arith.constant 0 : i32
      %dma_wait3A_83 = tpu.memref_slice %arg6[%arg0, %dma_wait3A, %dma_wait3A_82] : memref<2x10240x128xf32, #tpu.memory_space<hbm>> -> memref<1x10240x128xf32, #tpu.memory_space<hbm>>
      %dma_wait3A_84 = tpu.memref_squeeze %dma_wait3A_83 : memref<1x10240x128xf32, #tpu.memory_space<hbm>> -> memref<10240x128xf32, #tpu.memory_space<hbm>>
      %dma_wait3A_85 = arith.constant 0 : i32
      %dma_wait3A_86 = tpu.memref_slice %dma_wait3A_84[%add3A_62, %dma_wait3A_85] : memref<10240x128xf32, #tpu.memory_space<hbm>> -> memref<128x128xf32, #tpu.memory_space<hbm>>
      %dma_wait3A_87 = arith.constant 0 : i32
      %dma_wait3A_88 = arith.constant 0 : i32
      %dma_wait3A_89 = tpu.memref_slice %arg6[%arg0, %dma_wait3A_87, %dma_wait3A_88] : memref<2x10240x128xf32, #tpu.memory_space<hbm>> -> memref<1x10240x128xf32, #tpu.memory_space<hbm>>
      %dma_wait3A_90 = tpu.memref_squeeze %dma_wait3A_89 : memref<1x10240x128xf32, #tpu.memory_space<hbm>> -> memref<10240x128xf32, #tpu.memory_space<hbm>>
      %dma_wait3A_91 = arith.constant 0 : i32
      %dma_wait3A_92 = tpu.memref_slice %dma_wait3A_90[%add3A_62, %dma_wait3A_91] : memref<10240x128xf32, #tpu.memory_space<hbm>> -> memref<128x128xf32, #tpu.memory_space<hbm>>
      tpu.wait_dma2 semaphore(%run_scoped3A : memref<!tpu.dma_semaphore, #tpu.memory_space<semaphore_mem>>) src(%arg10 : memref<128x128xf32, #tpu.memory_space<vmem>>) dst(%dma_wait3A_92 : memref<128x128xf32, #tpu.memory_space<hbm>>)
      tpu.yield
    }) : () -> ()
    %mul3A_63 = arith.constant 640 : i32
    %mul3A_64 = arith.muli %arg1, %mul3A_63 : i32
    %add3A_65 = arith.constant 512 : i32
    %add3A_66 = arith.addi %mul3A_64, %add3A_65 : i32
    "tpu.region"() ({
      %run_scoped3A = tpu.sem_alloc : memref<!tpu.dma_semaphore, #tpu.memory_space<semaphore_mem>>
      %dma_start3A = arith.constant 0 : i32
      %dma_start3A_71 = tpu.memref_slice %arg11[%add3A_66, %dma_start3A] : memref<10256x128xf32, #tpu.memory_space<vmem_shared>> -> memref<128x128xf32, #tpu.memory_space<vmem_shared>>
      %dma_start3A_72 = arith.constant 0 : i32
      %dma_start3A_73 = tpu.memref_slice %arg11[%add3A_66, %dma_start3A_72] : memref<10256x128xf32, #tpu.memory_space<vmem_shared>> -> memref<128x128xf32, #tpu.memory_space<vmem_shared>>
      tpu.enqueue_dma source(%dma_start3A_73 : memref<128x128xf32, #tpu.memory_space<vmem_shared>>) target(%arg10 : memref<128x128xf32, #tpu.memory_space<vmem>>) target_semaphore(%run_scoped3A : memref<!tpu.dma_semaphore, #tpu.memory_space<semaphore_mem>>)
      %dma_wait3A = arith.constant 0 : i32
      %dma_wait3A_74 = tpu.memref_slice %arg11[%add3A_66, %dma_wait3A] : memref<10256x128xf32, #tpu.memory_space<vmem_shared>> -> memref<128x128xf32, #tpu.memory_space<vmem_shared>>
      %dma_wait3A_75 = arith.constant 0 : i32
      %dma_wait3A_76 = tpu.memref_slice %arg11[%add3A_66, %dma_wait3A_75] : memref<10256x128xf32, #tpu.memory_space<vmem_shared>> -> memref<128x128xf32, #tpu.memory_space<vmem_shared>>
      tpu.wait_dma2 semaphore(%run_scoped3A : memref<!tpu.dma_semaphore, #tpu.memory_space<semaphore_mem>>) src(%dma_wait3A_76 : memref<128x128xf32, #tpu.memory_space<vmem_shared>>) dst(%arg10 : memref<128x128xf32, #tpu.memory_space<vmem>>)
      tpu.yield
    }) : () -> ()
    %mul3A_67 = arith.constant 640 : i32
    %mul3A_68 = arith.muli %arg1, %mul3A_67 : i32
    %add3A_69 = arith.constant 512 : i32
    %add3A_70 = arith.addi %mul3A_68, %add3A_69 : i32
    "tpu.region"() ({
      %run_scoped3A = tpu.sem_alloc : memref<!tpu.dma_semaphore, #tpu.memory_space<semaphore_mem>>
      %dma_start3A = arith.constant 0 : i32
      %dma_start3A_71 = arith.constant 0 : i32
      %dma_start3A_72 = tpu.memref_slice %arg6[%arg0, %dma_start3A, %dma_start3A_71] : memref<2x10240x128xf32, #tpu.memory_space<hbm>> -> memref<1x10240x128xf32, #tpu.memory_space<hbm>>
      %dma_start3A_73 = tpu.memref_squeeze %dma_start3A_72 : memref<1x10240x128xf32, #tpu.memory_space<hbm>> -> memref<10240x128xf32, #tpu.memory_space<hbm>>
      %dma_start3A_74 = arith.constant 0 : i32
      %dma_start3A_75 = tpu.memref_slice %dma_start3A_73[%add3A_70, %dma_start3A_74] : memref<10240x128xf32, #tpu.memory_space<hbm>> -> memref<128x128xf32, #tpu.memory_space<hbm>>
      %dma_start3A_76 = arith.constant 0 : i32
      %dma_start3A_77 = arith.constant 0 : i32
      %dma_start3A_78 = tpu.memref_slice %arg6[%arg0, %dma_start3A_76, %dma_start3A_77] : memref<2x10240x128xf32, #tpu.memory_space<hbm>> -> memref<1x10240x128xf32, #tpu.memory_space<hbm>>
      %dma_start3A_79 = tpu.memref_squeeze %dma_start3A_78 : memref<1x10240x128xf32, #tpu.memory_space<hbm>> -> memref<10240x128xf32, #tpu.memory_space<hbm>>
      %dma_start3A_80 = arith.constant 0 : i32
      %dma_start3A_81 = tpu.memref_slice %dma_start3A_79[%add3A_70, %dma_start3A_80] : memref<10240x128xf32, #tpu.memory_space<hbm>> -> memref<128x128xf32, #tpu.memory_space<hbm>>
      tpu.enqueue_dma source(%arg10 : memref<128x128xf32, #tpu.memory_space<vmem>>) target(%dma_start3A_81 : memref<128x128xf32, #tpu.memory_space<hbm>>) target_semaphore(%run_scoped3A : memref<!tpu.dma_semaphore, #tpu.memory_space<semaphore_mem>>)
      %dma_wait3A = arith.constant 0 : i32
      %dma_wait3A_82 = arith.constant 0 : i32
      %dma_wait3A_83 = tpu.memref_slice %arg6[%arg0, %dma_wait3A, %dma_wait3A_82] : memref<2x10240x128xf32, #tpu.memory_space<hbm>> -> memref<1x10240x128xf32, #tpu.memory_space<hbm>>
      %dma_wait3A_84 = tpu.memref_squeeze %dma_wait3A_83 : memref<1x10240x128xf32, #tpu.memory_space<hbm>> -> memref<10240x128xf32, #tpu.memory_space<hbm>>
      %dma_wait3A_85 = arith.constant 0 : i32
      %dma_wait3A_86 = tpu.memref_slice %dma_wait3A_84[%add3A_70, %dma_wait3A_85] : memref<10240x128xf32, #tpu.memory_space<hbm>> -> memref<128x128xf32, #tpu.memory_space<hbm>>
      %dma_wait3A_87 = arith.constant 0 : i32
      %dma_wait3A_88 = arith.constant 0 : i32
      %dma_wait3A_89 = tpu.memref_slice %arg6[%arg0, %dma_wait3A_87, %dma_wait3A_88] : memref<2x10240x128xf32, #tpu.memory_space<hbm>> -> memref<1x10240x128xf32, #tpu.memory_space<hbm>>
      %dma_wait3A_90 = tpu.memref_squeeze %dma_wait3A_89 : memref<1x10240x128xf32, #tpu.memory_space<hbm>> -> memref<10240x128xf32, #tpu.memory_space<hbm>>
      %dma_wait3A_91 = arith.constant 0 : i32
      %dma_wait3A_92 = tpu.memref_slice %dma_wait3A_90[%add3A_70, %dma_wait3A_91] : memref<10240x128xf32, #tpu.memory_space<hbm>> -> memref<128x128xf32, #tpu.memory_space<hbm>>
      tpu.wait_dma2 semaphore(%run_scoped3A : memref<!tpu.dma_semaphore, #tpu.memory_space<semaphore_mem>>) src(%arg10 : memref<128x128xf32, #tpu.memory_space<vmem>>) dst(%dma_wait3A_92 : memref<128x128xf32, #tpu.memory_space<hbm>>)
      tpu.yield
    }) : () -> ()
    return
  }
}

#map = affine_map<(d0, d1) -> (0, 0, 0)>
#map1 = affine_map<(d0, d1) -> (0, 0)>
module attributes {stable_mosaic.version = 14 : i64} {
  func.func @body(%arg0: i32, %arg1: i32, %arg2: memref<1x10000x128xf32, #tpu.memory_space<hbm>>, %arg3: memref<2560x128xi32, #tpu.memory_space<hbm>>, %arg4: memref<2560x128xi32, #tpu.memory_space<hbm>>, %arg5: memref<128x128xf32, #tpu.memory_space<hbm>>, %arg6: memref<2x10240x128xf32, #tpu.memory_space<hbm>>, %arg7: memref<16x128xi32, #tpu.memory_space<vmem>>, %arg8: memref<16x128xi32, #tpu.memory_space<vmem>>, %arg9: memref<128x128xf32, #tpu.memory_space<vmem>>, %arg10: memref<128x128xf32, #tpu.memory_space<vmem>>, %arg11: memref<10256x128xf32, #tpu.memory_space<vmem_shared>>, %arg12: memref<!tpu.dma_semaphore, #tpu.memory_space<semaphore_mem>>) attributes {dimension_semantics = [#tpu.dimension_semantics<core_parallel>, #tpu.dimension_semantics<subcore_parallel>], iteration_bounds = array<i64: 2, 16>, scalar_prefetch = 0 : i64, scratch_operands = 6 : i64, tpu.core_type = #tpu.core_type<sc_vector_subcore>, window_params = [{transform_indices = #map}, {transform_indices = #map1}, {transform_indices = #map1}, {transform_indices = #map1}, {transform_indices = #map}]} {
    "tpu.region"() ({
      %run_scoped3A = tpu.sem_alloc : memref<!tpu.dma_semaphore, #tpu.memory_space<semaphore_mem>>
      tpu.enqueue_dma source(%arg5 : memref<128x128xf32, #tpu.memory_space<hbm>>) target(%arg10 : memref<128x128xf32, #tpu.memory_space<vmem>>) target_semaphore(%run_scoped3A : memref<!tpu.dma_semaphore, #tpu.memory_space<semaphore_mem>>)
      tpu.wait_dma2 semaphore(%run_scoped3A : memref<!tpu.dma_semaphore, #tpu.memory_space<semaphore_mem>>) src(%arg5 : memref<128x128xf32, #tpu.memory_space<hbm>>) dst(%arg10 : memref<128x128xf32, #tpu.memory_space<vmem>>)
      tpu.yield
    }) : () -> ()
    %mul3A = arith.constant 640 : i32
    %mul3A_0 = arith.muli %arg1, %mul3A : i32
    %add3A = arith.constant 0 : i32
    %add3A_1 = arith.addi %mul3A_0, %add3A : i32
    "tpu.region"() ({
      %run_scoped3A = tpu.sem_alloc : memref<!tpu.dma_semaphore, #tpu.memory_space<semaphore_mem>>
      %dma_start3A = arith.constant 0 : i32
      %dma_start3A_71 = tpu.memref_slice %arg11[%add3A_1, %dma_start3A] : memref<10256x128xf32, #tpu.memory_space<vmem_shared>> -> memref<128x128xf32, #tpu.memory_space<vmem_shared>>
      %dma_start3A_72 = arith.constant 0 : i32
      %dma_start3A_73 = tpu.memref_slice %arg11[%add3A_1, %dma_start3A_72] : memref<10256x128xf32, #tpu.memory_space<vmem_shared>> -> memref<128x128xf32, #tpu.memory_space<vmem_shared>>
      tpu.enqueue_dma source(%arg10 : memref<128x128xf32, #tpu.memory_space<vmem>>) target(%dma_start3A_73 : memref<128x128xf32, #tpu.memory_space<vmem_shared>>) target_semaphore(%run_scoped3A : memref<!tpu.dma_semaphore, #tpu.memory_space<semaphore_mem>>)
      %dma_wait3A = arith.constant 0 : i32
      %dma_wait3A_74 = tpu.memref_slice %arg11[%add3A_1, %dma_wait3A] : memref<10256x128xf32, #tpu.memory_space<vmem_shared>> -> memref<128x128xf32, #tpu.memory_space<vmem_shared>>
      %dma_wait3A_75 = arith.constant 0 : i32
      %dma_wait3A_76 = tpu.memref_slice %arg11[%add3A_1, %dma_wait3A_75] : memref<10256x128xf32, #tpu.memory_space<vmem_shared>> -> memref<128x128xf32, #tpu.memory_space<vmem_shared>>
      tpu.wait_dma2 semaphore(%run_scoped3A : memref<!tpu.dma_semaphore, #tpu.memory_space<semaphore_mem>>) src(%arg10 : memref<128x128xf32, #tpu.memory_space<vmem>>) dst(%dma_wait3A_76 : memref<128x128xf32, #tpu.memory_space<vmem_shared>>)
      tpu.yield
    }) : () -> ()
    %mul3A_2 = arith.constant 640 : i32
    %mul3A_3 = arith.muli %arg1, %mul3A_2 : i32
    %add3A_4 = arith.constant 128 : i32
    %add3A_5 = arith.addi %mul3A_3, %add3A_4 : i32
    "tpu.region"() ({
      %run_scoped3A = tpu.sem_alloc : memref<!tpu.dma_semaphore, #tpu.memory_space<semaphore_mem>>
      %dma_start3A = arith.constant 0 : i32
      %dma_start3A_71 = tpu.memref_slice %arg11[%add3A_5, %dma_start3A] : memref<10256x128xf32, #tpu.memory_space<vmem_shared>> -> memref<128x128xf32, #tpu.memory_space<vmem_shared>>
      %dma_start3A_72 = arith.constant 0 : i32
      %dma_start3A_73 = tpu.memref_slice %arg11[%add3A_5, %dma_start3A_72] : memref<10256x128xf32, #tpu.memory_space<vmem_shared>> -> memref<128x128xf32, #tpu.memory_space<vmem_shared>>
      tpu.enqueue_dma source(%arg10 : memref<128x128xf32, #tpu.memory_space<vmem>>) target(%dma_start3A_73 : memref<128x128xf32, #tpu.memory_space<vmem_shared>>) target_semaphore(%run_scoped3A : memref<!tpu.dma_semaphore, #tpu.memory_space<semaphore_mem>>)
      %dma_wait3A = arith.constant 0 : i32
      %dma_wait3A_74 = tpu.memref_slice %arg11[%add3A_5, %dma_wait3A] : memref<10256x128xf32, #tpu.memory_space<vmem_shared>> -> memref<128x128xf32, #tpu.memory_space<vmem_shared>>
      %dma_wait3A_75 = arith.constant 0 : i32
      %dma_wait3A_76 = tpu.memref_slice %arg11[%add3A_5, %dma_wait3A_75] : memref<10256x128xf32, #tpu.memory_space<vmem_shared>> -> memref<128x128xf32, #tpu.memory_space<vmem_shared>>
      tpu.wait_dma2 semaphore(%run_scoped3A : memref<!tpu.dma_semaphore, #tpu.memory_space<semaphore_mem>>) src(%arg10 : memref<128x128xf32, #tpu.memory_space<vmem>>) dst(%dma_wait3A_76 : memref<128x128xf32, #tpu.memory_space<vmem_shared>>)
      tpu.yield
    }) : () -> ()
    %mul3A_6 = arith.constant 640 : i32
    %mul3A_7 = arith.muli %arg1, %mul3A_6 : i32
    %add3A_8 = arith.constant 256 : i32
    %add3A_9 = arith.addi %mul3A_7, %add3A_8 : i32
    "tpu.region"() ({
      %run_scoped3A = tpu.sem_alloc : memref<!tpu.dma_semaphore, #tpu.memory_space<semaphore_mem>>
      %dma_start3A = arith.constant 0 : i32
      %dma_start3A_71 = tpu.memref_slice %arg11[%add3A_9, %dma_start3A] : memref<10256x128xf32, #tpu.memory_space<vmem_shared>> -> memref<128x128xf32, #tpu.memory_space<vmem_shared>>
      %dma_start3A_72 = arith.constant 0 : i32
      %dma_start3A_73 = tpu.memref_slice %arg11[%add3A_9, %dma_start3A_72] : memref<10256x128xf32, #tpu.memory_space<vmem_shared>> -> memref<128x128xf32, #tpu.memory_space<vmem_shared>>
      tpu.enqueue_dma source(%arg10 : memref<128x128xf32, #tpu.memory_space<vmem>>) target(%dma_start3A_73 : memref<128x128xf32, #tpu.memory_space<vmem_shared>>) target_semaphore(%run_scoped3A : memref<!tpu.dma_semaphore, #tpu.memory_space<semaphore_mem>>)
      %dma_wait3A = arith.constant 0 : i32
      %dma_wait3A_74 = tpu.memref_slice %arg11[%add3A_9, %dma_wait3A] : memref<10256x128xf32, #tpu.memory_space<vmem_shared>> -> memref<128x128xf32, #tpu.memory_space<vmem_shared>>
      %dma_wait3A_75 = arith.constant 0 : i32
      %dma_wait3A_76 = tpu.memref_slice %arg11[%add3A_9, %dma_wait3A_75] : memref<10256x128xf32, #tpu.memory_space<vmem_shared>> -> memref<128x128xf32, #tpu.memory_space<vmem_shared>>
      tpu.wait_dma2 semaphore(%run_scoped3A : memref<!tpu.dma_semaphore, #tpu.memory_space<semaphore_mem>>) src(%arg10 : memref<128x128xf32, #tpu.memory_space<vmem>>) dst(%dma_wait3A_76 : memref<128x128xf32, #tpu.memory_space<vmem_shared>>)
      tpu.yield
    }) : () -> ()
    %mul3A_10 = arith.constant 640 : i32
    %mul3A_11 = arith.muli %arg1, %mul3A_10 : i32
    %add3A_12 = arith.constant 384 : i32
    %add3A_13 = arith.addi %mul3A_11, %add3A_12 : i32
    "tpu.region"() ({
      %run_scoped3A = tpu.sem_alloc : memref<!tpu.dma_semaphore, #tpu.memory_space<semaphore_mem>>
      %dma_start3A = arith.constant 0 : i32
      %dma_start3A_71 = tpu.memref_slice %arg11[%add3A_13, %dma_start3A] : memref<10256x128xf32, #tpu.memory_space<vmem_shared>> -> memref<128x128xf32, #tpu.memory_space<vmem_shared>>
      %dma_start3A_72 = arith.constant 0 : i32
      %dma_start3A_73 = tpu.memref_slice %arg11[%add3A_13, %dma_start3A_72] : memref<10256x128xf32, #tpu.memory_space<vmem_shared>> -> memref<128x128xf32, #tpu.memory_space<vmem_shared>>
      tpu.enqueue_dma source(%arg10 : memref<128x128xf32, #tpu.memory_space<vmem>>) target(%dma_start3A_73 : memref<128x128xf32, #tpu.memory_space<vmem_shared>>) target_semaphore(%run_scoped3A : memref<!tpu.dma_semaphore, #tpu.memory_space<semaphore_mem>>)
      %dma_wait3A = arith.constant 0 : i32
      %dma_wait3A_74 = tpu.memref_slice %arg11[%add3A_13, %dma_wait3A] : memref<10256x128xf32, #tpu.memory_space<vmem_shared>> -> memref<128x128xf32, #tpu.memory_space<vmem_shared>>
      %dma_wait3A_75 = arith.constant 0 : i32
      %dma_wait3A_76 = tpu.memref_slice %arg11[%add3A_13, %dma_wait3A_75] : memref<10256x128xf32, #tpu.memory_space<vmem_shared>> -> memref<128x128xf32, #tpu.memory_space<vmem_shared>>
      tpu.wait_dma2 semaphore(%run_scoped3A : memref<!tpu.dma_semaphore, #tpu.memory_space<semaphore_mem>>) src(%arg10 : memref<128x128xf32, #tpu.memory_space<vmem>>) dst(%dma_wait3A_76 : memref<128x128xf32, #tpu.memory_space<vmem_shared>>)
      tpu.yield
    }) : () -> ()
    %mul3A_14 = arith.constant 640 : i32
    %mul3A_15 = arith.muli %arg1, %mul3A_14 : i32
    %add3A_16 = arith.constant 512 : i32
    %add3A_17 = arith.addi %mul3A_15, %add3A_16 : i32
    "tpu.region"() ({
      %run_scoped3A = tpu.sem_alloc : memref<!tpu.dma_semaphore, #tpu.memory_space<semaphore_mem>>
      %dma_start3A = arith.constant 0 : i32
      %dma_start3A_71 = tpu.memref_slice %arg11[%add3A_17, %dma_start3A] : memref<10256x128xf32, #tpu.memory_space<vmem_shared>> -> memref<128x128xf32, #tpu.memory_space<vmem_shared>>
      %dma_start3A_72 = arith.constant 0 : i32
      %dma_start3A_73 = tpu.memref_slice %arg11[%add3A_17, %dma_start3A_72] : memref<10256x128xf32, #tpu.memory_space<vmem_shared>> -> memref<128x128xf32, #tpu.memory_space<vmem_shared>>
      tpu.enqueue_dma source(%arg10 : memref<128x128xf32, #tpu.memory_space<vmem>>) target(%dma_start3A_73 : memref<128x128xf32, #tpu.memory_space<vmem_shared>>) target_semaphore(%run_scoped3A : memref<!tpu.dma_semaphore, #tpu.memory_space<semaphore_mem>>)
      %dma_wait3A = arith.constant 0 : i32
      %dma_wait3A_74 = tpu.memref_slice %arg11[%add3A_17, %dma_wait3A] : memref<10256x128xf32, #tpu.memory_space<vmem_shared>> -> memref<128x128xf32, #tpu.memory_space<vmem_shared>>
      %dma_wait3A_75 = arith.constant 0 : i32
      %dma_wait3A_76 = tpu.memref_slice %arg11[%add3A_17, %dma_wait3A_75] : memref<10256x128xf32, #tpu.memory_space<vmem_shared>> -> memref<128x128xf32, #tpu.memory_space<vmem_shared>>
      tpu.wait_dma2 semaphore(%run_scoped3A : memref<!tpu.dma_semaphore, #tpu.memory_space<semaphore_mem>>) src(%arg10 : memref<128x128xf32, #tpu.memory_space<vmem>>) dst(%dma_wait3A_76 : memref<128x128xf32, #tpu.memory_space<vmem_shared>>)
      tpu.yield
    }) : () -> ()
    %barrier3A = arith.constant 0 : index
    tpu.barrier barrier_id(%barrier3A)
    %mul3A_18 = arith.constant 1280 : i32
    %mul3A_19 = arith.muli %arg0, %mul3A_18 : i32
    %mul3A_20 = arith.constant 80 : i32
    %mul3A_21 = arith.muli %arg1, %mul3A_20 : i32
    %add3A_22 = arith.addi %mul3A_19, %mul3A_21 : i32
    %scan3A = arith.constant 0 : i32
    %scan3A_23 = arith.constant 0 : i32
    %scan3A_24 = arith.constant 0 : i32
    %scan3A_25 = arith.constant 5 : i32
    %scan3A_26 = arith.addi %scan3A_24, %scan3A_25 : i32
    %scan3A_27 = arith.constant 1 : i32
    %scan3A_28 = scf.for %scan3A_71 = %scan3A_24 to %scan3A_26 step %scan3A_27 iter_args(%scan3A_72 = %scan3A_23) -> (i32)  : i32 {
      %mul3A_73 = arith.constant 16 : i32
      %mul3A_74 = arith.muli %scan3A_71, %mul3A_73 : i32
      %add3A_75 = arith.addi %add3A_22, %mul3A_74 : i32
      "tpu.region"() ({
        %run_scoped3A = tpu.sem_alloc : memref<!tpu.dma_semaphore, #tpu.memory_space<semaphore_mem>>
        %dma_start3A = arith.constant 0 : i32
        %dma_start3A_84 = tpu.memref_slice %arg3[%add3A_75, %dma_start3A] : memref<2560x128xi32, #tpu.memory_space<hbm>> -> memref<16x128xi32, #tpu.memory_space<hbm>>
        %dma_start3A_85 = arith.constant 0 : i32
        %dma_start3A_86 = tpu.memref_slice %arg3[%add3A_75, %dma_start3A_85] : memref<2560x128xi32, #tpu.memory_space<hbm>> -> memref<16x128xi32, #tpu.memory_space<hbm>>
        tpu.enqueue_dma source(%dma_start3A_86 : memref<16x128xi32, #tpu.memory_space<hbm>>) target(%arg7 : memref<16x128xi32, #tpu.memory_space<vmem>>) target_semaphore(%run_scoped3A : memref<!tpu.dma_semaphore, #tpu.memory_space<semaphore_mem>>)
        %dma_wait3A = arith.constant 0 : i32
        %dma_wait3A_87 = tpu.memref_slice %arg3[%add3A_75, %dma_wait3A] : memref<2560x128xi32, #tpu.memory_space<hbm>> -> memref<16x128xi32, #tpu.memory_space<hbm>>
        %dma_wait3A_88 = arith.constant 0 : i32
        %dma_wait3A_89 = tpu.memref_slice %arg3[%add3A_75, %dma_wait3A_88] : memref<2560x128xi32, #tpu.memory_space<hbm>> -> memref<16x128xi32, #tpu.memory_space<hbm>>
        tpu.wait_dma2 semaphore(%run_scoped3A : memref<!tpu.dma_semaphore, #tpu.memory_space<semaphore_mem>>) src(%dma_wait3A_89 : memref<16x128xi32, #tpu.memory_space<hbm>>) dst(%arg7 : memref<16x128xi32, #tpu.memory_space<vmem>>)
        tpu.yield
      }) : () -> ()
      "tpu.region"() ({
        %run_scoped3A = tpu.sem_alloc : memref<!tpu.dma_semaphore, #tpu.memory_space<semaphore_mem>>
        %dma_start3A = arith.constant 0 : i32
        %dma_start3A_84 = tpu.memref_slice %arg4[%add3A_75, %dma_start3A] : memref<2560x128xi32, #tpu.memory_space<hbm>> -> memref<16x128xi32, #tpu.memory_space<hbm>>
        %dma_start3A_85 = arith.constant 0 : i32
        %dma_start3A_86 = tpu.memref_slice %arg4[%add3A_75, %dma_start3A_85] : memref<2560x128xi32, #tpu.memory_space<hbm>> -> memref<16x128xi32, #tpu.memory_space<hbm>>
        tpu.enqueue_dma source(%dma_start3A_86 : memref<16x128xi32, #tpu.memory_space<hbm>>) target(%arg8 : memref<16x128xi32, #tpu.memory_space<vmem>>) target_semaphore(%run_scoped3A : memref<!tpu.dma_semaphore, #tpu.memory_space<semaphore_mem>>)
        %dma_wait3A = arith.constant 0 : i32
        %dma_wait3A_87 = tpu.memref_slice %arg4[%add3A_75, %dma_wait3A] : memref<2560x128xi32, #tpu.memory_space<hbm>> -> memref<16x128xi32, #tpu.memory_space<hbm>>
        %dma_wait3A_88 = arith.constant 0 : i32
        %dma_wait3A_89 = tpu.memref_slice %arg4[%add3A_75, %dma_wait3A_88] : memref<2560x128xi32, #tpu.memory_space<hbm>> -> memref<16x128xi32, #tpu.memory_space<hbm>>
        tpu.wait_dma2 semaphore(%run_scoped3A : memref<!tpu.dma_semaphore, #tpu.memory_space<semaphore_mem>>) src(%dma_wait3A_89 : memref<16x128xi32, #tpu.memory_space<hbm>>) dst(%arg8 : memref<16x128xi32, #tpu.memory_space<vmem>>)
        tpu.yield
      }) : () -> ()
      %scan3A_76 = arith.constant 0 : i32
      %scan3A_77 = arith.constant 0 : i32
      %scan3A_78 = arith.constant 16 : i32
      %scan3A_79 = arith.addi %scan3A_77, %scan3A_78 : i32
      %scan3A_80 = arith.constant 1 : i32
      %scan3A_81 = scf.for %scan3A_84 = %scan3A_77 to %scan3A_79 step %scan3A_80 iter_args(%scan3A_85 = %scan3A_76) -> (i32)  : i32 {
        %dma_start3A = arith.constant 0 : i32
        %dma_start3A_86 = tpu.memref_slice %arg7[%scan3A_84, %dma_start3A] : memref<16x128xi32, #tpu.memory_space<vmem>> -> memref<1x128xi32, #tpu.memory_space<vmem>>
        %dma_start3A_87 = tpu.memref_squeeze %dma_start3A_86 : memref<1x128xi32, #tpu.memory_space<vmem>> -> memref<128xi32, #tpu.memory_space<vmem>>
        %dma_start3A_88 = arith.constant 0 : i32
        %dma_start3A_89 = arith.constant 0 : i32
        %dma_start3A_90 = tpu.memref_slice %arg2[%scan3A, %dma_start3A_88, %dma_start3A_89] : memref<1x10000x128xf32, #tpu.memory_space<hbm>> -> memref<1x10000x128xf32, #tpu.memory_space<hbm>>
        %dma_start3A_91 = tpu.memref_squeeze %dma_start3A_90 : memref<1x10000x128xf32, #tpu.memory_space<hbm>> -> memref<10000x128xf32, #tpu.memory_space<hbm>>
        %dma_start3A_92 = arith.constant 0 : i32
        %dma_start3A_93 = arith.constant 0 : i32
        %dma_start3A_94 = tpu.memref_slice %dma_start3A_91[%dma_start3A_92, %dma_start3A_93] : memref<10000x128xf32, #tpu.memory_space<hbm>> -> memref<10000x128xf32, #tpu.memory_space<hbm>>
        tpu.enqueue_indirect_dma source(%dma_start3A_94 : memref<10000x128xf32, #tpu.memory_space<hbm>>) target(%arg9 : memref<128x128xf32, #tpu.memory_space<vmem>>) offsets(%dma_start3A_87 : memref<128xi32, #tpu.memory_space<vmem>>) semaphore(%arg12 : memref<!tpu.dma_semaphore, #tpu.memory_space<semaphore_mem>>)
        %dma_wait3A = arith.constant 0 : i32
        %dma_wait3A_95 = tpu.memref_slice %arg7[%scan3A_84, %dma_wait3A] : memref<16x128xi32, #tpu.memory_space<vmem>> -> memref<1x128xi32, #tpu.memory_space<vmem>>
        %dma_wait3A_96 = tpu.memref_squeeze %dma_wait3A_95 : memref<1x128xi32, #tpu.memory_space<vmem>> -> memref<128xi32, #tpu.memory_space<vmem>>
        %dma_wait3A_97 = arith.constant 0 : i32
        %dma_wait3A_98 = arith.constant 0 : i32
        %dma_wait3A_99 = tpu.memref_slice %arg2[%scan3A, %dma_wait3A_97, %dma_wait3A_98] : memref<1x10000x128xf32, #tpu.memory_space<hbm>> -> memref<1x10000x128xf32, #tpu.memory_space<hbm>>
        %dma_wait3A_100 = tpu.memref_squeeze %dma_wait3A_99 : memref<1x10000x128xf32, #tpu.memory_space<hbm>> -> memref<10000x128xf32, #tpu.memory_space<hbm>>
        %dma_wait3A_101 = arith.constant 0 : i32
        %dma_wait3A_102 = arith.constant 0 : i32
        %dma_wait3A_103 = tpu.memref_slice %dma_wait3A_100[%dma_wait3A_101, %dma_wait3A_102] : memref<10000x128xf32, #tpu.memory_space<hbm>> -> memref<10000x128xf32, #tpu.memory_space<hbm>>
        tpu.wait_indirect_dma semaphore(%arg12 : memref<!tpu.dma_semaphore, #tpu.memory_space<semaphore_mem>>) src(%dma_wait3A_103 : memref<10000x128xf32, #tpu.memory_space<hbm>>) dst(%arg9 : memref<128x128xf32, #tpu.memory_space<vmem>>)
        "tpu.region"() ({
          %run_scoped3A = tpu.sem_alloc : memref<!tpu.dma_semaphore, #tpu.memory_space<semaphore_mem>>
          %dma_start3A_105 = arith.constant 0 : i32
          %dma_start3A_106 = tpu.memref_slice %arg8[%scan3A_84, %dma_start3A_105] : memref<16x128xi32, #tpu.memory_space<vmem>> -> memref<1x128xi32, #tpu.memory_space<vmem>>
          %dma_start3A_107 = tpu.memref_squeeze %dma_start3A_106 : memref<1x128xi32, #tpu.memory_space<vmem>> -> memref<128xi32, #tpu.memory_space<vmem>>
          %dma_start3A_108 = arith.constant 0 : i32
          %dma_start3A_109 = arith.constant 0 : i32
          %dma_start3A_110 = tpu.memref_slice %arg11[%dma_start3A_108, %dma_start3A_109] : memref<10256x128xf32, #tpu.memory_space<vmem_shared>> -> memref<10256x128xf32, #tpu.memory_space<vmem_shared>>
          tpu.enqueue_indirect_dma source(%arg9 : memref<128x128xf32, #tpu.memory_space<vmem>>) target(%dma_start3A_110 : memref<10256x128xf32, #tpu.memory_space<vmem_shared>>) offsets(%dma_start3A_107 : memref<128xi32, #tpu.memory_space<vmem>>) semaphore(%run_scoped3A : memref<!tpu.dma_semaphore, #tpu.memory_space<semaphore_mem>>) {add = true}
          %dma_wait3A_111 = arith.constant 0 : i32
          %dma_wait3A_112 = tpu.memref_slice %arg8[%scan3A_84, %dma_wait3A_111] : memref<16x128xi32, #tpu.memory_space<vmem>> -> memref<1x128xi32, #tpu.memory_space<vmem>>
          %dma_wait3A_113 = tpu.memref_squeeze %dma_wait3A_112 : memref<1x128xi32, #tpu.memory_space<vmem>> -> memref<128xi32, #tpu.memory_space<vmem>>
          %dma_wait3A_114 = arith.constant 0 : i32
          %dma_wait3A_115 = arith.constant 0 : i32
          %dma_wait3A_116 = tpu.memref_slice %arg11[%dma_wait3A_114, %dma_wait3A_115] : memref<10256x128xf32, #tpu.memory_space<vmem_shared>> -> memref<10256x128xf32, #tpu.memory_space<vmem_shared>>
          tpu.wait_indirect_dma semaphore(%run_scoped3A : memref<!tpu.dma_semaphore, #tpu.memory_space<semaphore_mem>>) src(%arg9 : memref<128x128xf32, #tpu.memory_space<vmem>>) dst(%dma_wait3A_116 : memref<10256x128xf32, #tpu.memory_space<vmem_shared>>)
          tpu.yield
        }) : () -> ()
        %scan3A_104 = arith.constant 0 : i32
        scf.yield %scan3A_104 : i32
      }
      %scan3A_82 = arith.constant 16 : i32
      %scan3A_83 = arith.constant 0 : i32
      scf.yield %scan3A_83 : i32
    }
    %scan3A_29 = arith.constant 5 : i32
    %barrier3A_30 = arith.constant 0 : index
    tpu.barrier barrier_id(%barrier3A_30)
    %mul3A_31 = arith.constant 640 : i32
    %mul3A_32 = arith.muli %arg1, %mul3A_31 : i32
    %add3A_33 = arith.constant 0 : i32
    %add3A_34 = arith.addi %mul3A_32, %add3A_33 : i32
    "tpu.region"() ({
      %run_scoped3A = tpu.sem_alloc : memref<!tpu.dma_semaphore, #tpu.memory_space<semaphore_mem>>
      %dma_start3A = arith.constant 0 : i32
      %dma_start3A_71 = tpu.memref_slice %arg11[%add3A_34, %dma_start3A] : memref<10256x128xf32, #tpu.memory_space<vmem_shared>> -> memref<128x128xf32, #tpu.memory_space<vmem_shared>>
      %dma_start3A_72 = arith.constant 0 : i32
      %dma_start3A_73 = tpu.memref_slice %arg11[%add3A_34, %dma_start3A_72] : memref<10256x128xf32, #tpu.memory_space<vmem_shared>> -> memref<128x128xf32, #tpu.memory_space<vmem_shared>>
      tpu.enqueue_dma source(%dma_start3A_73 : memref<128x128xf32, #tpu.memory_space<vmem_shared>>) target(%arg10 : memref<128x128xf32, #tpu.memory_space<vmem>>) target_semaphore(%run_scoped3A : memref<!tpu.dma_semaphore, #tpu.memory_space<semaphore_mem>>)
      %dma_wait3A = arith.constant 0 : i32
      %dma_wait3A_74 = tpu.memref_slice %arg11[%add3A_34, %dma_wait3A] : memref<10256x128xf32, #tpu.memory_space<vmem_shared>> -> memref<128x128xf32, #tpu.memory_space<vmem_shared>>
      %dma_wait3A_75 = arith.constant 0 : i32
      %dma_wait3A_76 = tpu.memref_slice %arg11[%add3A_34, %dma_wait3A_75] : memref<10256x128xf32, #tpu.memory_space<vmem_shared>> -> memref<128x128xf32, #tpu.memory_space<vmem_shared>>
      tpu.wait_dma2 semaphore(%run_scoped3A : memref<!tpu.dma_semaphore, #tpu.memory_space<semaphore_mem>>) src(%dma_wait3A_76 : memref<128x128xf32, #tpu.memory_space<vmem_shared>>) dst(%arg10 : memref<128x128xf32, #tpu.memory_space<vmem>>)
      tpu.yield
    }) : () -> ()
    %mul3A_35 = arith.constant 640 : i32
    %mul3A_36 = arith.muli %arg1, %mul3A_35 : i32
    %add3A_37 = arith.constant 0 : i32
    %add3A_38 = arith.addi %mul3A_36, %add3A_37 : i32
    "tpu.region"() ({
      %run_scoped3A = tpu.sem_alloc : memref<!tpu.dma_semaphore, #tpu.memory_space<semaphore_mem>>
      %dma_start3A = arith.constant 0 : i32
      %dma_start3A_71 = arith.constant 0 : i32
      %dma_start3A_72 = tpu.memref_slice %arg6[%arg0, %dma_start3A, %dma_start3A_71] : memref<2x10240x128xf32, #tpu.memory_space<hbm>> -> memref<1x10240x128xf32, #tpu.memory_space<hbm>>
      %dma_start3A_73 = tpu.memref_squeeze %dma_start3A_72 : memref<1x10240x128xf32, #tpu.memory_space<hbm>> -> memref<10240x128xf32, #tpu.memory_space<hbm>>
      %dma_start3A_74 = arith.constant 0 : i32
      %dma_start3A_75 = tpu.memref_slice %dma_start3A_73[%add3A_38, %dma_start3A_74] : memref<10240x128xf32, #tpu.memory_space<hbm>> -> memref<128x128xf32, #tpu.memory_space<hbm>>
      %dma_start3A_76 = arith.constant 0 : i32
      %dma_start3A_77 = arith.constant 0 : i32
      %dma_start3A_78 = tpu.memref_slice %arg6[%arg0, %dma_start3A_76, %dma_start3A_77] : memref<2x10240x128xf32, #tpu.memory_space<hbm>> -> memref<1x10240x128xf32, #tpu.memory_space<hbm>>
      %dma_start3A_79 = tpu.memref_squeeze %dma_start3A_78 : memref<1x10240x128xf32, #tpu.memory_space<hbm>> -> memref<10240x128xf32, #tpu.memory_space<hbm>>
      %dma_start3A_80 = arith.constant 0 : i32
      %dma_start3A_81 = tpu.memref_slice %dma_start3A_79[%add3A_38, %dma_start3A_80] : memref<10240x128xf32, #tpu.memory_space<hbm>> -> memref<128x128xf32, #tpu.memory_space<hbm>>
      tpu.enqueue_dma source(%arg10 : memref<128x128xf32, #tpu.memory_space<vmem>>) target(%dma_start3A_81 : memref<128x128xf32, #tpu.memory_space<hbm>>) target_semaphore(%run_scoped3A : memref<!tpu.dma_semaphore, #tpu.memory_space<semaphore_mem>>)
      %dma_wait3A = arith.constant 0 : i32
      %dma_wait3A_82 = arith.constant 0 : i32
      %dma_wait3A_83 = tpu.memref_slice %arg6[%arg0, %dma_wait3A, %dma_wait3A_82] : memref<2x10240x128xf32, #tpu.memory_space<hbm>> -> memref<1x10240x128xf32, #tpu.memory_space<hbm>>
      %dma_wait3A_84 = tpu.memref_squeeze %dma_wait3A_83 : memref<1x10240x128xf32, #tpu.memory_space<hbm>> -> memref<10240x128xf32, #tpu.memory_space<hbm>>
      %dma_wait3A_85 = arith.constant 0 : i32
      %dma_wait3A_86 = tpu.memref_slice %dma_wait3A_84[%add3A_38, %dma_wait3A_85] : memref<10240x128xf32, #tpu.memory_space<hbm>> -> memref<128x128xf32, #tpu.memory_space<hbm>>
      %dma_wait3A_87 = arith.constant 0 : i32
      %dma_wait3A_88 = arith.constant 0 : i32
      %dma_wait3A_89 = tpu.memref_slice %arg6[%arg0, %dma_wait3A_87, %dma_wait3A_88] : memref<2x10240x128xf32, #tpu.memory_space<hbm>> -> memref<1x10240x128xf32, #tpu.memory_space<hbm>>
      %dma_wait3A_90 = tpu.memref_squeeze %dma_wait3A_89 : memref<1x10240x128xf32, #tpu.memory_space<hbm>> -> memref<10240x128xf32, #tpu.memory_space<hbm>>
      %dma_wait3A_91 = arith.constant 0 : i32
      %dma_wait3A_92 = tpu.memref_slice %dma_wait3A_90[%add3A_38, %dma_wait3A_91] : memref<10240x128xf32, #tpu.memory_space<hbm>> -> memref<128x128xf32, #tpu.memory_space<hbm>>
      tpu.wait_dma2 semaphore(%run_scoped3A : memref<!tpu.dma_semaphore, #tpu.memory_space<semaphore_mem>>) src(%arg10 : memref<128x128xf32, #tpu.memory_space<vmem>>) dst(%dma_wait3A_92 : memref<128x128xf32, #tpu.memory_space<hbm>>)
      tpu.yield
    }) : () -> ()
    %mul3A_39 = arith.constant 640 : i32
    %mul3A_40 = arith.muli %arg1, %mul3A_39 : i32
    %add3A_41 = arith.constant 128 : i32
    %add3A_42 = arith.addi %mul3A_40, %add3A_41 : i32
    "tpu.region"() ({
      %run_scoped3A = tpu.sem_alloc : memref<!tpu.dma_semaphore, #tpu.memory_space<semaphore_mem>>
      %dma_start3A = arith.constant 0 : i32
      %dma_start3A_71 = tpu.memref_slice %arg11[%add3A_42, %dma_start3A] : memref<10256x128xf32, #tpu.memory_space<vmem_shared>> -> memref<128x128xf32, #tpu.memory_space<vmem_shared>>
      %dma_start3A_72 = arith.constant 0 : i32
      %dma_start3A_73 = tpu.memref_slice %arg11[%add3A_42, %dma_start3A_72] : memref<10256x128xf32, #tpu.memory_space<vmem_shared>> -> memref<128x128xf32, #tpu.memory_space<vmem_shared>>
      tpu.enqueue_dma source(%dma_start3A_73 : memref<128x128xf32, #tpu.memory_space<vmem_shared>>) target(%arg10 : memref<128x128xf32, #tpu.memory_space<vmem>>) target_semaphore(%run_scoped3A : memref<!tpu.dma_semaphore, #tpu.memory_space<semaphore_mem>>)
      %dma_wait3A = arith.constant 0 : i32
      %dma_wait3A_74 = tpu.memref_slice %arg11[%add3A_42, %dma_wait3A] : memref<10256x128xf32, #tpu.memory_space<vmem_shared>> -> memref<128x128xf32, #tpu.memory_space<vmem_shared>>
      %dma_wait3A_75 = arith.constant 0 : i32
      %dma_wait3A_76 = tpu.memref_slice %arg11[%add3A_42, %dma_wait3A_75] : memref<10256x128xf32, #tpu.memory_space<vmem_shared>> -> memref<128x128xf32, #tpu.memory_space<vmem_shared>>
      tpu.wait_dma2 semaphore(%run_scoped3A : memref<!tpu.dma_semaphore, #tpu.memory_space<semaphore_mem>>) src(%dma_wait3A_76 : memref<128x128xf32, #tpu.memory_space<vmem_shared>>) dst(%arg10 : memref<128x128xf32, #tpu.memory_space<vmem>>)
      tpu.yield
    }) : () -> ()
    %mul3A_43 = arith.constant 640 : i32
    %mul3A_44 = arith.muli %arg1, %mul3A_43 : i32
    %add3A_45 = arith.constant 128 : i32
    %add3A_46 = arith.addi %mul3A_44, %add3A_45 : i32
    "tpu.region"() ({
      %run_scoped3A = tpu.sem_alloc : memref<!tpu.dma_semaphore, #tpu.memory_space<semaphore_mem>>
      %dma_start3A = arith.constant 0 : i32
      %dma_start3A_71 = arith.constant 0 : i32
      %dma_start3A_72 = tpu.memref_slice %arg6[%arg0, %dma_start3A, %dma_start3A_71] : memref<2x10240x128xf32, #tpu.memory_space<hbm>> -> memref<1x10240x128xf32, #tpu.memory_space<hbm>>
      %dma_start3A_73 = tpu.memref_squeeze %dma_start3A_72 : memref<1x10240x128xf32, #tpu.memory_space<hbm>> -> memref<10240x128xf32, #tpu.memory_space<hbm>>
      %dma_start3A_74 = arith.constant 0 : i32
      %dma_start3A_75 = tpu.memref_slice %dma_start3A_73[%add3A_46, %dma_start3A_74] : memref<10240x128xf32, #tpu.memory_space<hbm>> -> memref<128x128xf32, #tpu.memory_space<hbm>>
      %dma_start3A_76 = arith.constant 0 : i32
      %dma_start3A_77 = arith.constant 0 : i32
      %dma_start3A_78 = tpu.memref_slice %arg6[%arg0, %dma_start3A_76, %dma_start3A_77] : memref<2x10240x128xf32, #tpu.memory_space<hbm>> -> memref<1x10240x128xf32, #tpu.memory_space<hbm>>
      %dma_start3A_79 = tpu.memref_squeeze %dma_start3A_78 : memref<1x10240x128xf32, #tpu.memory_space<hbm>> -> memref<10240x128xf32, #tpu.memory_space<hbm>>
      %dma_start3A_80 = arith.constant 0 : i32
      %dma_start3A_81 = tpu.memref_slice %dma_start3A_79[%add3A_46, %dma_start3A_80] : memref<10240x128xf32, #tpu.memory_space<hbm>> -> memref<128x128xf32, #tpu.memory_space<hbm>>
      tpu.enqueue_dma source(%arg10 : memref<128x128xf32, #tpu.memory_space<vmem>>) target(%dma_start3A_81 : memref<128x128xf32, #tpu.memory_space<hbm>>) target_semaphore(%run_scoped3A : memref<!tpu.dma_semaphore, #tpu.memory_space<semaphore_mem>>)
      %dma_wait3A = arith.constant 0 : i32
      %dma_wait3A_82 = arith.constant 0 : i32
      %dma_wait3A_83 = tpu.memref_slice %arg6[%arg0, %dma_wait3A, %dma_wait3A_82] : memref<2x10240x128xf32, #tpu.memory_space<hbm>> -> memref<1x10240x128xf32, #tpu.memory_space<hbm>>
      %dma_wait3A_84 = tpu.memref_squeeze %dma_wait3A_83 : memref<1x10240x128xf32, #tpu.memory_space<hbm>> -> memref<10240x128xf32, #tpu.memory_space<hbm>>
      %dma_wait3A_85 = arith.constant 0 : i32
      %dma_wait3A_86 = tpu.memref_slice %dma_wait3A_84[%add3A_46, %dma_wait3A_85] : memref<10240x128xf32, #tpu.memory_space<hbm>> -> memref<128x128xf32, #tpu.memory_space<hbm>>
      %dma_wait3A_87 = arith.constant 0 : i32
      %dma_wait3A_88 = arith.constant 0 : i32
      %dma_wait3A_89 = tpu.memref_slice %arg6[%arg0, %dma_wait3A_87, %dma_wait3A_88] : memref<2x10240x128xf32, #tpu.memory_space<hbm>> -> memref<1x10240x128xf32, #tpu.memory_space<hbm>>
      %dma_wait3A_90 = tpu.memref_squeeze %dma_wait3A_89 : memref<1x10240x128xf32, #tpu.memory_space<hbm>> -> memref<10240x128xf32, #tpu.memory_space<hbm>>
      %dma_wait3A_91 = arith.constant 0 : i32
      %dma_wait3A_92 = tpu.memref_slice %dma_wait3A_90[%add3A_46, %dma_wait3A_91] : memref<10240x128xf32, #tpu.memory_space<hbm>> -> memref<128x128xf32, #tpu.memory_space<hbm>>
      tpu.wait_dma2 semaphore(%run_scoped3A : memref<!tpu.dma_semaphore, #tpu.memory_space<semaphore_mem>>) src(%arg10 : memref<128x128xf32, #tpu.memory_space<vmem>>) dst(%dma_wait3A_92 : memref<128x128xf32, #tpu.memory_space<hbm>>)
      tpu.yield
    }) : () -> ()
    %mul3A_47 = arith.constant 640 : i32
    %mul3A_48 = arith.muli %arg1, %mul3A_47 : i32
    %add3A_49 = arith.constant 256 : i32
    %add3A_50 = arith.addi %mul3A_48, %add3A_49 : i32
    "tpu.region"() ({
      %run_scoped3A = tpu.sem_alloc : memref<!tpu.dma_semaphore, #tpu.memory_space<semaphore_mem>>
      %dma_start3A = arith.constant 0 : i32
      %dma_start3A_71 = tpu.memref_slice %arg11[%add3A_50, %dma_start3A] : memref<10256x128xf32, #tpu.memory_space<vmem_shared>> -> memref<128x128xf32, #tpu.memory_space<vmem_shared>>
      %dma_start3A_72 = arith.constant 0 : i32
      %dma_start3A_73 = tpu.memref_slice %arg11[%add3A_50, %dma_start3A_72] : memref<10256x128xf32, #tpu.memory_space<vmem_shared>> -> memref<128x128xf32, #tpu.memory_space<vmem_shared>>
      tpu.enqueue_dma source(%dma_start3A_73 : memref<128x128xf32, #tpu.memory_space<vmem_shared>>) target(%arg10 : memref<128x128xf32, #tpu.memory_space<vmem>>) target_semaphore(%run_scoped3A : memref<!tpu.dma_semaphore, #tpu.memory_space<semaphore_mem>>)
      %dma_wait3A = arith.constant 0 : i32
      %dma_wait3A_74 = tpu.memref_slice %arg11[%add3A_50, %dma_wait3A] : memref<10256x128xf32, #tpu.memory_space<vmem_shared>> -> memref<128x128xf32, #tpu.memory_space<vmem_shared>>
      %dma_wait3A_75 = arith.constant 0 : i32
      %dma_wait3A_76 = tpu.memref_slice %arg11[%add3A_50, %dma_wait3A_75] : memref<10256x128xf32, #tpu.memory_space<vmem_shared>> -> memref<128x128xf32, #tpu.memory_space<vmem_shared>>
      tpu.wait_dma2 semaphore(%run_scoped3A : memref<!tpu.dma_semaphore, #tpu.memory_space<semaphore_mem>>) src(%dma_wait3A_76 : memref<128x128xf32, #tpu.memory_space<vmem_shared>>) dst(%arg10 : memref<128x128xf32, #tpu.memory_space<vmem>>)
      tpu.yield
    }) : () -> ()
    %mul3A_51 = arith.constant 640 : i32
    %mul3A_52 = arith.muli %arg1, %mul3A_51 : i32
    %add3A_53 = arith.constant 256 : i32
    %add3A_54 = arith.addi %mul3A_52, %add3A_53 : i32
    "tpu.region"() ({
      %run_scoped3A = tpu.sem_alloc : memref<!tpu.dma_semaphore, #tpu.memory_space<semaphore_mem>>
      %dma_start3A = arith.constant 0 : i32
      %dma_start3A_71 = arith.constant 0 : i32
      %dma_start3A_72 = tpu.memref_slice %arg6[%arg0, %dma_start3A, %dma_start3A_71] : memref<2x10240x128xf32, #tpu.memory_space<hbm>> -> memref<1x10240x128xf32, #tpu.memory_space<hbm>>
      %dma_start3A_73 = tpu.memref_squeeze %dma_start3A_72 : memref<1x10240x128xf32, #tpu.memory_space<hbm>> -> memref<10240x128xf32, #tpu.memory_space<hbm>>
      %dma_start3A_74 = arith.constant 0 : i32
      %dma_start3A_75 = tpu.memref_slice %dma_start3A_73[%add3A_54, %dma_start3A_74] : memref<10240x128xf32, #tpu.memory_space<hbm>> -> memref<128x128xf32, #tpu.memory_space<hbm>>
      %dma_start3A_76 = arith.constant 0 : i32
      %dma_start3A_77 = arith.constant 0 : i32
      %dma_start3A_78 = tpu.memref_slice %arg6[%arg0, %dma_start3A_76, %dma_start3A_77] : memref<2x10240x128xf32, #tpu.memory_space<hbm>> -> memref<1x10240x128xf32, #tpu.memory_space<hbm>>
      %dma_start3A_79 = tpu.memref_squeeze %dma_start3A_78 : memref<1x10240x128xf32, #tpu.memory_space<hbm>> -> memref<10240x128xf32, #tpu.memory_space<hbm>>
      %dma_start3A_80 = arith.constant 0 : i32
      %dma_start3A_81 = tpu.memref_slice %dma_start3A_79[%add3A_54, %dma_start3A_80] : memref<10240x128xf32, #tpu.memory_space<hbm>> -> memref<128x128xf32, #tpu.memory_space<hbm>>
      tpu.enqueue_dma source(%arg10 : memref<128x128xf32, #tpu.memory_space<vmem>>) target(%dma_start3A_81 : memref<128x128xf32, #tpu.memory_space<hbm>>) target_semaphore(%run_scoped3A : memref<!tpu.dma_semaphore, #tpu.memory_space<semaphore_mem>>)
      %dma_wait3A = arith.constant 0 : i32
      %dma_wait3A_82 = arith.constant 0 : i32
      %dma_wait3A_83 = tpu.memref_slice %arg6[%arg0, %dma_wait3A, %dma_wait3A_82] : memref<2x10240x128xf32, #tpu.memory_space<hbm>> -> memref<1x10240x128xf32, #tpu.memory_space<hbm>>
      %dma_wait3A_84 = tpu.memref_squeeze %dma_wait3A_83 : memref<1x10240x128xf32, #tpu.memory_space<hbm>> -> memref<10240x128xf32, #tpu.memory_space<hbm>>
      %dma_wait3A_85 = arith.constant 0 : i32
      %dma_wait3A_86 = tpu.memref_slice %dma_wait3A_84[%add3A_54, %dma_wait3A_85] : memref<10240x128xf32, #tpu.memory_space<hbm>> -> memref<128x128xf32, #tpu.memory_space<hbm>>
      %dma_wait3A_87 = arith.constant 0 : i32
      %dma_wait3A_88 = arith.constant 0 : i32
      %dma_wait3A_89 = tpu.memref_slice %arg6[%arg0, %dma_wait3A_87, %dma_wait3A_88] : memref<2x10240x128xf32, #tpu.memory_space<hbm>> -> memref<1x10240x128xf32, #tpu.memory_space<hbm>>
      %dma_wait3A_90 = tpu.memref_squeeze %dma_wait3A_89 : memref<1x10240x128xf32, #tpu.memory_space<hbm>> -> memref<10240x128xf32, #tpu.memory_space<hbm>>
      %dma_wait3A_91 = arith.constant 0 : i32
      %dma_wait3A_92 = tpu.memref_slice %dma_wait3A_90[%add3A_54, %dma_wait3A_91] : memref<10240x128xf32, #tpu.memory_space<hbm>> -> memref<128x128xf32, #tpu.memory_space<hbm>>
      tpu.wait_dma2 semaphore(%run_scoped3A : memref<!tpu.dma_semaphore, #tpu.memory_space<semaphore_mem>>) src(%arg10 : memref<128x128xf32, #tpu.memory_space<vmem>>) dst(%dma_wait3A_92 : memref<128x128xf32, #tpu.memory_space<hbm>>)
      tpu.yield
    }) : () -> ()
    %mul3A_55 = arith.constant 640 : i32
    %mul3A_56 = arith.muli %arg1, %mul3A_55 : i32
    %add3A_57 = arith.constant 384 : i32
    %add3A_58 = arith.addi %mul3A_56, %add3A_57 : i32
    "tpu.region"() ({
      %run_scoped3A = tpu.sem_alloc : memref<!tpu.dma_semaphore, #tpu.memory_space<semaphore_mem>>
      %dma_start3A = arith.constant 0 : i32
      %dma_start3A_71 = tpu.memref_slice %arg11[%add3A_58, %dma_start3A] : memref<10256x128xf32, #tpu.memory_space<vmem_shared>> -> memref<128x128xf32, #tpu.memory_space<vmem_shared>>
      %dma_start3A_72 = arith.constant 0 : i32
      %dma_start3A_73 = tpu.memref_slice %arg11[%add3A_58, %dma_start3A_72] : memref<10256x128xf32, #tpu.memory_space<vmem_shared>> -> memref<128x128xf32, #tpu.memory_space<vmem_shared>>
      tpu.enqueue_dma source(%dma_start3A_73 : memref<128x128xf32, #tpu.memory_space<vmem_shared>>) target(%arg10 : memref<128x128xf32, #tpu.memory_space<vmem>>) target_semaphore(%run_scoped3A : memref<!tpu.dma_semaphore, #tpu.memory_space<semaphore_mem>>)
      %dma_wait3A = arith.constant 0 : i32
      %dma_wait3A_74 = tpu.memref_slice %arg11[%add3A_58, %dma_wait3A] : memref<10256x128xf32, #tpu.memory_space<vmem_shared>> -> memref<128x128xf32, #tpu.memory_space<vmem_shared>>
      %dma_wait3A_75 = arith.constant 0 : i32
      %dma_wait3A_76 = tpu.memref_slice %arg11[%add3A_58, %dma_wait3A_75] : memref<10256x128xf32, #tpu.memory_space<vmem_shared>> -> memref<128x128xf32, #tpu.memory_space<vmem_shared>>
      tpu.wait_dma2 semaphore(%run_scoped3A : memref<!tpu.dma_semaphore, #tpu.memory_space<semaphore_mem>>) src(%dma_wait3A_76 : memref<128x128xf32, #tpu.memory_space<vmem_shared>>) dst(%arg10 : memref<128x128xf32, #tpu.memory_space<vmem>>)
      tpu.yield
    }) : () -> ()
    %mul3A_59 = arith.constant 640 : i32
    %mul3A_60 = arith.muli %arg1, %mul3A_59 : i32
    %add3A_61 = arith.constant 384 : i32
    %add3A_62 = arith.addi %mul3A_60, %add3A_61 : i32
    "tpu.region"() ({
      %run_scoped3A = tpu.sem_alloc : memref<!tpu.dma_semaphore, #tpu.memory_space<semaphore_mem>>
      %dma_start3A = arith.constant 0 : i32
      %dma_start3A_71 = arith.constant 0 : i32
      %dma_start3A_72 = tpu.memref_slice %arg6[%arg0, %dma_start3A, %dma_start3A_71] : memref<2x10240x128xf32, #tpu.memory_space<hbm>> -> memref<1x10240x128xf32, #tpu.memory_space<hbm>>
      %dma_start3A_73 = tpu.memref_squeeze %dma_start3A_72 : memref<1x10240x128xf32, #tpu.memory_space<hbm>> -> memref<10240x128xf32, #tpu.memory_space<hbm>>
      %dma_start3A_74 = arith.constant 0 : i32
      %dma_start3A_75 = tpu.memref_slice %dma_start3A_73[%add3A_62, %dma_start3A_74] : memref<10240x128xf32, #tpu.memory_space<hbm>> -> memref<128x128xf32, #tpu.memory_space<hbm>>
      %dma_start3A_76 = arith.constant 0 : i32
      %dma_start3A_77 = arith.constant 0 : i32
      %dma_start3A_78 = tpu.memref_slice %arg6[%arg0, %dma_start3A_76, %dma_start3A_77] : memref<2x10240x128xf32, #tpu.memory_space<hbm>> -> memref<1x10240x128xf32, #tpu.memory_space<hbm>>
      %dma_start3A_79 = tpu.memref_squeeze %dma_start3A_78 : memref<1x10240x128xf32, #tpu.memory_space<hbm>> -> memref<10240x128xf32, #tpu.memory_space<hbm>>
      %dma_start3A_80 = arith.constant 0 : i32
      %dma_start3A_81 = tpu.memref_slice %dma_start3A_79[%add3A_62, %dma_start3A_80] : memref<10240x128xf32, #tpu.memory_space<hbm>> -> memref<128x128xf32, #tpu.memory_space<hbm>>
      tpu.enqueue_dma source(%arg10 : memref<128x128xf32, #tpu.memory_space<vmem>>) target(%dma_start3A_81 : memref<128x128xf32, #tpu.memory_space<hbm>>) target_semaphore(%run_scoped3A : memref<!tpu.dma_semaphore, #tpu.memory_space<semaphore_mem>>)
      %dma_wait3A = arith.constant 0 : i32
      %dma_wait3A_82 = arith.constant 0 : i32
      %dma_wait3A_83 = tpu.memref_slice %arg6[%arg0, %dma_wait3A, %dma_wait3A_82] : memref<2x10240x128xf32, #tpu.memory_space<hbm>> -> memref<1x10240x128xf32, #tpu.memory_space<hbm>>
      %dma_wait3A_84 = tpu.memref_squeeze %dma_wait3A_83 : memref<1x10240x128xf32, #tpu.memory_space<hbm>> -> memref<10240x128xf32, #tpu.memory_space<hbm>>
      %dma_wait3A_85 = arith.constant 0 : i32
      %dma_wait3A_86 = tpu.memref_slice %dma_wait3A_84[%add3A_62, %dma_wait3A_85] : memref<10240x128xf32, #tpu.memory_space<hbm>> -> memref<128x128xf32, #tpu.memory_space<hbm>>
      %dma_wait3A_87 = arith.constant 0 : i32
      %dma_wait3A_88 = arith.constant 0 : i32
      %dma_wait3A_89 = tpu.memref_slice %arg6[%arg0, %dma_wait3A_87, %dma_wait3A_88] : memref<2x10240x128xf32, #tpu.memory_space<hbm>> -> memref<1x10240x128xf32, #tpu.memory_space<hbm>>
      %dma_wait3A_90 = tpu.memref_squeeze %dma_wait3A_89 : memref<1x10240x128xf32, #tpu.memory_space<hbm>> -> memref<10240x128xf32, #tpu.memory_space<hbm>>
      %dma_wait3A_91 = arith.constant 0 : i32
      %dma_wait3A_92 = tpu.memref_slice %dma_wait3A_90[%add3A_62, %dma_wait3A_91] : memref<10240x128xf32, #tpu.memory_space<hbm>> -> memref<128x128xf32, #tpu.memory_space<hbm>>
      tpu.wait_dma2 semaphore(%run_scoped3A : memref<!tpu.dma_semaphore, #tpu.memory_space<semaphore_mem>>) src(%arg10 : memref<128x128xf32, #tpu.memory_space<vmem>>) dst(%dma_wait3A_92 : memref<128x128xf32, #tpu.memory_space<hbm>>)
      tpu.yield
    }) : () -> ()
    %mul3A_63 = arith.constant 640 : i32
    %mul3A_64 = arith.muli %arg1, %mul3A_63 : i32
    %add3A_65 = arith.constant 512 : i32
    %add3A_66 = arith.addi %mul3A_64, %add3A_65 : i32
    "tpu.region"() ({
      %run_scoped3A = tpu.sem_alloc : memref<!tpu.dma_semaphore, #tpu.memory_space<semaphore_mem>>
      %dma_start3A = arith.constant 0 : i32
      %dma_start3A_71 = tpu.memref_slice %arg11[%add3A_66, %dma_start3A] : memref<10256x128xf32, #tpu.memory_space<vmem_shared>> -> memref<128x128xf32, #tpu.memory_space<vmem_shared>>
      %dma_start3A_72 = arith.constant 0 : i32
      %dma_start3A_73 = tpu.memref_slice %arg11[%add3A_66, %dma_start3A_72] : memref<10256x128xf32, #tpu.memory_space<vmem_shared>> -> memref<128x128xf32, #tpu.memory_space<vmem_shared>>
      tpu.enqueue_dma source(%dma_start3A_73 : memref<128x128xf32, #tpu.memory_space<vmem_shared>>) target(%arg10 : memref<128x128xf32, #tpu.memory_space<vmem>>) target_semaphore(%run_scoped3A : memref<!tpu.dma_semaphore, #tpu.memory_space<semaphore_mem>>)
      %dma_wait3A = arith.constant 0 : i32
      %dma_wait3A_74 = tpu.memref_slice %arg11[%add3A_66, %dma_wait3A] : memref<10256x128xf32, #tpu.memory_space<vmem_shared>> -> memref<128x128xf32, #tpu.memory_space<vmem_shared>>
      %dma_wait3A_75 = arith.constant 0 : i32
      %dma_wait3A_76 = tpu.memref_slice %arg11[%add3A_66, %dma_wait3A_75] : memref<10256x128xf32, #tpu.memory_space<vmem_shared>> -> memref<128x128xf32, #tpu.memory_space<vmem_shared>>
      tpu.wait_dma2 semaphore(%run_scoped3A : memref<!tpu.dma_semaphore, #tpu.memory_space<semaphore_mem>>) src(%dma_wait3A_76 : memref<128x128xf32, #tpu.memory_space<vmem_shared>>) dst(%arg10 : memref<128x128xf32, #tpu.memory_space<vmem>>)
      tpu.yield
    }) : () -> ()
    %mul3A_67 = arith.constant 640 : i32
    %mul3A_68 = arith.muli %arg1, %mul3A_67 : i32
    %add3A_69 = arith.constant 512 : i32
    %add3A_70 = arith.addi %mul3A_68, %add3A_69 : i32
    "tpu.region"() ({
      %run_scoped3A = tpu.sem_alloc : memref<!tpu.dma_semaphore, #tpu.memory_space<semaphore_mem>>
      %dma_start3A = arith.constant 0 : i32
      %dma_start3A_71 = arith.constant 0 : i32
      %dma_start3A_72 = tpu.memref_slice %arg6[%arg0, %dma_start3A, %dma_start3A_71] : memref<2x10240x128xf32, #tpu.memory_space<hbm>> -> memref<1x10240x128xf32, #tpu.memory_space<hbm>>
      %dma_start3A_73 = tpu.memref_squeeze %dma_start3A_72 : memref<1x10240x128xf32, #tpu.memory_space<hbm>> -> memref<10240x128xf32, #tpu.memory_space<hbm>>
      %dma_start3A_74 = arith.constant 0 : i32
      %dma_start3A_75 = tpu.memref_slice %dma_start3A_73[%add3A_70, %dma_start3A_74] : memref<10240x128xf32, #tpu.memory_space<hbm>> -> memref<128x128xf32, #tpu.memory_space<hbm>>
      %dma_start3A_76 = arith.constant 0 : i32
      %dma_start3A_77 = arith.constant 0 : i32
      %dma_start3A_78 = tpu.memref_slice %arg6[%arg0, %dma_start3A_76, %dma_start3A_77] : memref<2x10240x128xf32, #tpu.memory_space<hbm>> -> memref<1x10240x128xf32, #tpu.memory_space<hbm>>
      %dma_start3A_79 = tpu.memref_squeeze %dma_start3A_78 : memref<1x10240x128xf32, #tpu.memory_space<hbm>> -> memref<10240x128xf32, #tpu.memory_space<hbm>>
      %dma_start3A_80 = arith.constant 0 : i32
      %dma_start3A_81 = tpu.memref_slice %dma_start3A_79[%add3A_70, %dma_start3A_80] : memref<10240x128xf32, #tpu.memory_space<hbm>> -> memref<128x128xf32, #tpu.memory_space<hbm>>
      tpu.enqueue_dma source(%arg10 : memref<128x128xf32, #tpu.memory_space<vmem>>) target(%dma_start3A_81 : memref<128x128xf32, #tpu.memory_space<hbm>>) target_semaphore(%run_scoped3A : memref<!tpu.dma_semaphore, #tpu.memory_space<semaphore_mem>>)
      %dma_wait3A = arith.constant 0 : i32
      %dma_wait3A_82 = arith.constant 0 : i32
      %dma_wait3A_83 = tpu.memref_slice %arg6[%arg0, %dma_wait3A, %dma_wait3A_82] : memref<2x10240x128xf32, #tpu.memory_space<hbm>> -> memref<1x10240x128xf32, #tpu.memory_space<hbm>>
      %dma_wait3A_84 = tpu.memref_squeeze %dma_wait3A_83 : memref<1x10240x128xf32, #tpu.memory_space<hbm>> -> memref<10240x128xf32, #tpu.memory_space<hbm>>
      %dma_wait3A_85 = arith.constant 0 : i32
      %dma_wait3A_86 = tpu.memref_slice %dma_wait3A_84[%add3A_70, %dma_wait3A_85] : memref<10240x128xf32, #tpu.memory_space<hbm>> -> memref<128x128xf32, #tpu.memory_space<hbm>>
      %dma_wait3A_87 = arith.constant 0 : i32
      %dma_wait3A_88 = arith.constant 0 : i32
      %dma_wait3A_89 = tpu.memref_slice %arg6[%arg0, %dma_wait3A_87, %dma_wait3A_88] : memref<2x10240x128xf32, #tpu.memory_space<hbm>> -> memref<1x10240x128xf32, #tpu.memory_space<hbm>>
      %dma_wait3A_90 = tpu.memref_squeeze %dma_wait3A_89 : memref<1x10240x128xf32, #tpu.memory_space<hbm>> -> memref<10240x128xf32, #tpu.memory_space<hbm>>
      %dma_wait3A_91 = arith.constant 0 : i32
      %dma_wait3A_92 = tpu.memref_slice %dma_wait3A_90[%add3A_70, %dma_wait3A_91] : memref<10240x128xf32, #tpu.memory_space<hbm>> -> memref<128x128xf32, #tpu.memory_space<hbm>>
      tpu.wait_dma2 semaphore(%run_scoped3A : memref<!tpu.dma_semaphore, #tpu.memory_space<semaphore_mem>>) src(%arg10 : memref<128x128xf32, #tpu.memory_space<vmem>>) dst(%dma_wait3A_92 : memref<128x128xf32, #tpu.memory_space<hbm>>)
      tpu.yield
    }) : () -> ()
    return
  }
}

#map = affine_map<(d0, d1) -> (0, 0, 0)>
#map1 = affine_map<(d0, d1) -> (0, 0)>
module attributes {stable_mosaic.version = 14 : i64} {
  func.func @body(%arg0: i32, %arg1: i32, %arg2: memref<2x10000x128xf32, #tpu.memory_space<hbm>>, %arg3: memref<2560x128xi32, #tpu.memory_space<hbm>>, %arg4: memref<2560x128xi32, #tpu.memory_space<hbm>>, %arg5: memref<128x128xf32, #tpu.memory_space<hbm>>, %arg6: memref<2x10240x128xf32, #tpu.memory_space<hbm>>, %arg7: memref<16x128xi32, #tpu.memory_space<vmem>>, %arg8: memref<16x128xi32, #tpu.memory_space<vmem>>, %arg9: memref<128x128xf32, #tpu.memory_space<vmem>>, %arg10: memref<128x128xf32, #tpu.memory_space<vmem>>, %arg11: memref<10256x128xf32, #tpu.memory_space<vmem_shared>>, %arg12: memref<!tpu.dma_semaphore, #tpu.memory_space<semaphore_mem>>) attributes {dimension_semantics = [#tpu.dimension_semantics<core_parallel>, #tpu.dimension_semantics<subcore_parallel>], iteration_bounds = array<i64: 2, 16>, scalar_prefetch = 0 : i64, scratch_operands = 6 : i64, tpu.core_type = #tpu.core_type<sc_vector_subcore>, window_params = [{transform_indices = #map}, {transform_indices = #map1}, {transform_indices = #map1}, {transform_indices = #map1}, {transform_indices = #map}]} {
    "tpu.region"() ({
      %run_scoped3A = tpu.sem_alloc : memref<!tpu.dma_semaphore, #tpu.memory_space<semaphore_mem>>
      tpu.enqueue_dma source(%arg5 : memref<128x128xf32, #tpu.memory_space<hbm>>) target(%arg10 : memref<128x128xf32, #tpu.memory_space<vmem>>) target_semaphore(%run_scoped3A : memref<!tpu.dma_semaphore, #tpu.memory_space<semaphore_mem>>)
      tpu.wait_dma2 semaphore(%run_scoped3A : memref<!tpu.dma_semaphore, #tpu.memory_space<semaphore_mem>>) src(%arg5 : memref<128x128xf32, #tpu.memory_space<hbm>>) dst(%arg10 : memref<128x128xf32, #tpu.memory_space<vmem>>)
      tpu.yield
    }) : () -> ()
    %mul3A = arith.constant 640 : i32
    %mul3A_0 = arith.muli %arg1, %mul3A : i32
    %add3A = arith.constant 0 : i32
    %add3A_1 = arith.addi %mul3A_0, %add3A : i32
    "tpu.region"() ({
      %run_scoped3A = tpu.sem_alloc : memref<!tpu.dma_semaphore, #tpu.memory_space<semaphore_mem>>
      %dma_start3A = arith.constant 0 : i32
      %dma_start3A_67 = tpu.memref_slice %arg11[%add3A_1, %dma_start3A] : memref<10256x128xf32, #tpu.memory_space<vmem_shared>> -> memref<128x128xf32, #tpu.memory_space<vmem_shared>>
      %dma_start3A_68 = arith.constant 0 : i32
      %dma_start3A_69 = tpu.memref_slice %arg11[%add3A_1, %dma_start3A_68] : memref<10256x128xf32, #tpu.memory_space<vmem_shared>> -> memref<128x128xf32, #tpu.memory_space<vmem_shared>>
      tpu.enqueue_dma source(%arg10 : memref<128x128xf32, #tpu.memory_space<vmem>>) target(%dma_start3A_69 : memref<128x128xf32, #tpu.memory_space<vmem_shared>>) target_semaphore(%run_scoped3A : memref<!tpu.dma_semaphore, #tpu.memory_space<semaphore_mem>>)
      %dma_wait3A = arith.constant 0 : i32
      %dma_wait3A_70 = tpu.memref_slice %arg11[%add3A_1, %dma_wait3A] : memref<10256x128xf32, #tpu.memory_space<vmem_shared>> -> memref<128x128xf32, #tpu.memory_space<vmem_shared>>
      %dma_wait3A_71 = arith.constant 0 : i32
      %dma_wait3A_72 = tpu.memref_slice %arg11[%add3A_1, %dma_wait3A_71] : memref<10256x128xf32, #tpu.memory_space<vmem_shared>> -> memref<128x128xf32, #tpu.memory_space<vmem_shared>>
      tpu.wait_dma2 semaphore(%run_scoped3A : memref<!tpu.dma_semaphore, #tpu.memory_space<semaphore_mem>>) src(%arg10 : memref<128x128xf32, #tpu.memory_space<vmem>>) dst(%dma_wait3A_72 : memref<128x128xf32, #tpu.memory_space<vmem_shared>>)
      tpu.yield
    }) : () -> ()
    %mul3A_2 = arith.constant 640 : i32
    %mul3A_3 = arith.muli %arg1, %mul3A_2 : i32
    %add3A_4 = arith.constant 128 : i32
    %add3A_5 = arith.addi %mul3A_3, %add3A_4 : i32
    "tpu.region"() ({
      %run_scoped3A = tpu.sem_alloc : memref<!tpu.dma_semaphore, #tpu.memory_space<semaphore_mem>>
      %dma_start3A = arith.constant 0 : i32
      %dma_start3A_67 = tpu.memref_slice %arg11[%add3A_5, %dma_start3A] : memref<10256x128xf32, #tpu.memory_space<vmem_shared>> -> memref<128x128xf32, #tpu.memory_space<vmem_shared>>
      %dma_start3A_68 = arith.constant 0 : i32
      %dma_start3A_69 = tpu.memref_slice %arg11[%add3A_5, %dma_start3A_68] : memref<10256x128xf32, #tpu.memory_space<vmem_shared>> -> memref<128x128xf32, #tpu.memory_space<vmem_shared>>
      tpu.enqueue_dma source(%arg10 : memref<128x128xf32, #tpu.memory_space<vmem>>) target(%dma_start3A_69 : memref<128x128xf32, #tpu.memory_space<vmem_shared>>) target_semaphore(%run_scoped3A : memref<!tpu.dma_semaphore, #tpu.memory_space<semaphore_mem>>)
      %dma_wait3A = arith.constant 0 : i32
      %dma_wait3A_70 = tpu.memref_slice %arg11[%add3A_5, %dma_wait3A] : memref<10256x128xf32, #tpu.memory_space<vmem_shared>> -> memref<128x128xf32, #tpu.memory_space<vmem_shared>>
      %dma_wait3A_71 = arith.constant 0 : i32
      %dma_wait3A_72 = tpu.memref_slice %arg11[%add3A_5, %dma_wait3A_71] : memref<10256x128xf32, #tpu.memory_space<vmem_shared>> -> memref<128x128xf32, #tpu.memory_space<vmem_shared>>
      tpu.wait_dma2 semaphore(%run_scoped3A : memref<!tpu.dma_semaphore, #tpu.memory_space<semaphore_mem>>) src(%arg10 : memref<128x128xf32, #tpu.memory_space<vmem>>) dst(%dma_wait3A_72 : memref<128x128xf32, #tpu.memory_space<vmem_shared>>)
      tpu.yield
    }) : () -> ()
    %mul3A_6 = arith.constant 640 : i32
    %mul3A_7 = arith.muli %arg1, %mul3A_6 : i32
    %add3A_8 = arith.constant 256 : i32
    %add3A_9 = arith.addi %mul3A_7, %add3A_8 : i32
    "tpu.region"() ({
      %run_scoped3A = tpu.sem_alloc : memref<!tpu.dma_semaphore, #tpu.memory_space<semaphore_mem>>
      %dma_start3A = arith.constant 0 : i32
      %dma_start3A_67 = tpu.memref_slice %arg11[%add3A_9, %dma_start3A] : memref<10256x128xf32, #tpu.memory_space<vmem_shared>> -> memref<128x128xf32, #tpu.memory_space<vmem_shared>>
      %dma_start3A_68 = arith.constant 0 : i32
      %dma_start3A_69 = tpu.memref_slice %arg11[%add3A_9, %dma_start3A_68] : memref<10256x128xf32, #tpu.memory_space<vmem_shared>> -> memref<128x128xf32, #tpu.memory_space<vmem_shared>>
      tpu.enqueue_dma source(%arg10 : memref<128x128xf32, #tpu.memory_space<vmem>>) target(%dma_start3A_69 : memref<128x128xf32, #tpu.memory_space<vmem_shared>>) target_semaphore(%run_scoped3A : memref<!tpu.dma_semaphore, #tpu.memory_space<semaphore_mem>>)
      %dma_wait3A = arith.constant 0 : i32
      %dma_wait3A_70 = tpu.memref_slice %arg11[%add3A_9, %dma_wait3A] : memref<10256x128xf32, #tpu.memory_space<vmem_shared>> -> memref<128x128xf32, #tpu.memory_space<vmem_shared>>
      %dma_wait3A_71 = arith.constant 0 : i32
      %dma_wait3A_72 = tpu.memref_slice %arg11[%add3A_9, %dma_wait3A_71] : memref<10256x128xf32, #tpu.memory_space<vmem_shared>> -> memref<128x128xf32, #tpu.memory_space<vmem_shared>>
      tpu.wait_dma2 semaphore(%run_scoped3A : memref<!tpu.dma_semaphore, #tpu.memory_space<semaphore_mem>>) src(%arg10 : memref<128x128xf32, #tpu.memory_space<vmem>>) dst(%dma_wait3A_72 : memref<128x128xf32, #tpu.memory_space<vmem_shared>>)
      tpu.yield
    }) : () -> ()
    %mul3A_10 = arith.constant 640 : i32
    %mul3A_11 = arith.muli %arg1, %mul3A_10 : i32
    %add3A_12 = arith.constant 384 : i32
    %add3A_13 = arith.addi %mul3A_11, %add3A_12 : i32
    "tpu.region"() ({
      %run_scoped3A = tpu.sem_alloc : memref<!tpu.dma_semaphore, #tpu.memory_space<semaphore_mem>>
      %dma_start3A = arith.constant 0 : i32
      %dma_start3A_67 = tpu.memref_slice %arg11[%add3A_13, %dma_start3A] : memref<10256x128xf32, #tpu.memory_space<vmem_shared>> -> memref<128x128xf32, #tpu.memory_space<vmem_shared>>
      %dma_start3A_68 = arith.constant 0 : i32
      %dma_start3A_69 = tpu.memref_slice %arg11[%add3A_13, %dma_start3A_68] : memref<10256x128xf32, #tpu.memory_space<vmem_shared>> -> memref<128x128xf32, #tpu.memory_space<vmem_shared>>
      tpu.enqueue_dma source(%arg10 : memref<128x128xf32, #tpu.memory_space<vmem>>) target(%dma_start3A_69 : memref<128x128xf32, #tpu.memory_space<vmem_shared>>) target_semaphore(%run_scoped3A : memref<!tpu.dma_semaphore, #tpu.memory_space<semaphore_mem>>)
      %dma_wait3A = arith.constant 0 : i32
      %dma_wait3A_70 = tpu.memref_slice %arg11[%add3A_13, %dma_wait3A] : memref<10256x128xf32, #tpu.memory_space<vmem_shared>> -> memref<128x128xf32, #tpu.memory_space<vmem_shared>>
      %dma_wait3A_71 = arith.constant 0 : i32
      %dma_wait3A_72 = tpu.memref_slice %arg11[%add3A_13, %dma_wait3A_71] : memref<10256x128xf32, #tpu.memory_space<vmem_shared>> -> memref<128x128xf32, #tpu.memory_space<vmem_shared>>
      tpu.wait_dma2 semaphore(%run_scoped3A : memref<!tpu.dma_semaphore, #tpu.memory_space<semaphore_mem>>) src(%arg10 : memref<128x128xf32, #tpu.memory_space<vmem>>) dst(%dma_wait3A_72 : memref<128x128xf32, #tpu.memory_space<vmem_shared>>)
      tpu.yield
    }) : () -> ()
    %mul3A_14 = arith.constant 640 : i32
    %mul3A_15 = arith.muli %arg1, %mul3A_14 : i32
    %add3A_16 = arith.constant 512 : i32
    %add3A_17 = arith.addi %mul3A_15, %add3A_16 : i32
    "tpu.region"() ({
      %run_scoped3A = tpu.sem_alloc : memref<!tpu.dma_semaphore, #tpu.memory_space<semaphore_mem>>
      %dma_start3A = arith.constant 0 : i32
      %dma_start3A_67 = tpu.memref_slice %arg11[%add3A_17, %dma_start3A] : memref<10256x128xf32, #tpu.memory_space<vmem_shared>> -> memref<128x128xf32, #tpu.memory_space<vmem_shared>>
      %dma_start3A_68 = arith.constant 0 : i32
      %dma_start3A_69 = tpu.memref_slice %arg11[%add3A_17, %dma_start3A_68] : memref<10256x128xf32, #tpu.memory_space<vmem_shared>> -> memref<128x128xf32, #tpu.memory_space<vmem_shared>>
      tpu.enqueue_dma source(%arg10 : memref<128x128xf32, #tpu.memory_space<vmem>>) target(%dma_start3A_69 : memref<128x128xf32, #tpu.memory_space<vmem_shared>>) target_semaphore(%run_scoped3A : memref<!tpu.dma_semaphore, #tpu.memory_space<semaphore_mem>>)
      %dma_wait3A = arith.constant 0 : i32
      %dma_wait3A_70 = tpu.memref_slice %arg11[%add3A_17, %dma_wait3A] : memref<10256x128xf32, #tpu.memory_space<vmem_shared>> -> memref<128x128xf32, #tpu.memory_space<vmem_shared>>
      %dma_wait3A_71 = arith.constant 0 : i32
      %dma_wait3A_72 = tpu.memref_slice %arg11[%add3A_17, %dma_wait3A_71] : memref<10256x128xf32, #tpu.memory_space<vmem_shared>> -> memref<128x128xf32, #tpu.memory_space<vmem_shared>>
      tpu.wait_dma2 semaphore(%run_scoped3A : memref<!tpu.dma_semaphore, #tpu.memory_space<semaphore_mem>>) src(%arg10 : memref<128x128xf32, #tpu.memory_space<vmem>>) dst(%dma_wait3A_72 : memref<128x128xf32, #tpu.memory_space<vmem_shared>>)
      tpu.yield
    }) : () -> ()
    %barrier3A = arith.constant 0 : index
    tpu.barrier barrier_id(%barrier3A)
    %mul3A_18 = arith.constant 160 : i32
    %mul3A_19 = arith.muli %arg1, %mul3A_18 : i32
    %scan3A = arith.constant 0 : i32
    %scan3A_20 = arith.constant 0 : i32
    %scan3A_21 = arith.constant 10 : i32
    %scan3A_22 = arith.addi %scan3A_20, %scan3A_21 : i32
    %scan3A_23 = arith.constant 1 : i32
    %scan3A_24 = scf.for %scan3A_67 = %scan3A_20 to %scan3A_22 step %scan3A_23 iter_args(%scan3A_68 = %scan3A) -> (i32)  : i32 {
      %mul3A_69 = arith.constant 16 : i32
      %mul3A_70 = arith.muli %scan3A_67, %mul3A_69 : i32
      %add3A_71 = arith.addi %mul3A_19, %mul3A_70 : i32
      "tpu.region"() ({
        %run_scoped3A = tpu.sem_alloc : memref<!tpu.dma_semaphore, #tpu.memory_space<semaphore_mem>>
        %dma_start3A = arith.constant 0 : i32
        %dma_start3A_80 = tpu.memref_slice %arg3[%add3A_71, %dma_start3A] : memref<2560x128xi32, #tpu.memory_space<hbm>> -> memref<16x128xi32, #tpu.memory_space<hbm>>
        %dma_start3A_81 = arith.constant 0 : i32
        %dma_start3A_82 = tpu.memref_slice %arg3[%add3A_71, %dma_start3A_81] : memref<2560x128xi32, #tpu.memory_space<hbm>> -> memref<16x128xi32, #tpu.memory_space<hbm>>
        tpu.enqueue_dma source(%dma_start3A_82 : memref<16x128xi32, #tpu.memory_space<hbm>>) target(%arg7 : memref<16x128xi32, #tpu.memory_space<vmem>>) target_semaphore(%run_scoped3A : memref<!tpu.dma_semaphore, #tpu.memory_space<semaphore_mem>>)
        %dma_wait3A = arith.constant 0 : i32
        %dma_wait3A_83 = tpu.memref_slice %arg3[%add3A_71, %dma_wait3A] : memref<2560x128xi32, #tpu.memory_space<hbm>> -> memref<16x128xi32, #tpu.memory_space<hbm>>
        %dma_wait3A_84 = arith.constant 0 : i32
        %dma_wait3A_85 = tpu.memref_slice %arg3[%add3A_71, %dma_wait3A_84] : memref<2560x128xi32, #tpu.memory_space<hbm>> -> memref<16x128xi32, #tpu.memory_space<hbm>>
        tpu.wait_dma2 semaphore(%run_scoped3A : memref<!tpu.dma_semaphore, #tpu.memory_space<semaphore_mem>>) src(%dma_wait3A_85 : memref<16x128xi32, #tpu.memory_space<hbm>>) dst(%arg7 : memref<16x128xi32, #tpu.memory_space<vmem>>)
        tpu.yield
      }) : () -> ()
      "tpu.region"() ({
        %run_scoped3A = tpu.sem_alloc : memref<!tpu.dma_semaphore, #tpu.memory_space<semaphore_mem>>
        %dma_start3A = arith.constant 0 : i32
        %dma_start3A_80 = tpu.memref_slice %arg4[%add3A_71, %dma_start3A] : memref<2560x128xi32, #tpu.memory_space<hbm>> -> memref<16x128xi32, #tpu.memory_space<hbm>>
        %dma_start3A_81 = arith.constant 0 : i32
        %dma_start3A_82 = tpu.memref_slice %arg4[%add3A_71, %dma_start3A_81] : memref<2560x128xi32, #tpu.memory_space<hbm>> -> memref<16x128xi32, #tpu.memory_space<hbm>>
        tpu.enqueue_dma source(%dma_start3A_82 : memref<16x128xi32, #tpu.memory_space<hbm>>) target(%arg8 : memref<16x128xi32, #tpu.memory_space<vmem>>) target_semaphore(%run_scoped3A : memref<!tpu.dma_semaphore, #tpu.memory_space<semaphore_mem>>)
        %dma_wait3A = arith.constant 0 : i32
        %dma_wait3A_83 = tpu.memref_slice %arg4[%add3A_71, %dma_wait3A] : memref<2560x128xi32, #tpu.memory_space<hbm>> -> memref<16x128xi32, #tpu.memory_space<hbm>>
        %dma_wait3A_84 = arith.constant 0 : i32
        %dma_wait3A_85 = tpu.memref_slice %arg4[%add3A_71, %dma_wait3A_84] : memref<2560x128xi32, #tpu.memory_space<hbm>> -> memref<16x128xi32, #tpu.memory_space<hbm>>
        tpu.wait_dma2 semaphore(%run_scoped3A : memref<!tpu.dma_semaphore, #tpu.memory_space<semaphore_mem>>) src(%dma_wait3A_85 : memref<16x128xi32, #tpu.memory_space<hbm>>) dst(%arg8 : memref<16x128xi32, #tpu.memory_space<vmem>>)
        tpu.yield
      }) : () -> ()
      %scan3A_72 = arith.constant 0 : i32
      %scan3A_73 = arith.constant 0 : i32
      %scan3A_74 = arith.constant 16 : i32
      %scan3A_75 = arith.addi %scan3A_73, %scan3A_74 : i32
      %scan3A_76 = arith.constant 1 : i32
      %scan3A_77 = scf.for %scan3A_80 = %scan3A_73 to %scan3A_75 step %scan3A_76 iter_args(%scan3A_81 = %scan3A_72) -> (i32)  : i32 {
        %dma_start3A = arith.constant 0 : i32
        %dma_start3A_82 = tpu.memref_slice %arg7[%scan3A_80, %dma_start3A] : memref<16x128xi32, #tpu.memory_space<vmem>> -> memref<1x128xi32, #tpu.memory_space<vmem>>
        %dma_start3A_83 = tpu.memref_squeeze %dma_start3A_82 : memref<1x128xi32, #tpu.memory_space<vmem>> -> memref<128xi32, #tpu.memory_space<vmem>>
        %dma_start3A_84 = arith.constant 0 : i32
        %dma_start3A_85 = arith.constant 0 : i32
        %dma_start3A_86 = tpu.memref_slice %arg2[%arg0, %dma_start3A_84, %dma_start3A_85] : memref<2x10000x128xf32, #tpu.memory_space<hbm>> -> memref<1x10000x128xf32, #tpu.memory_space<hbm>>
        %dma_start3A_87 = tpu.memref_squeeze %dma_start3A_86 : memref<1x10000x128xf32, #tpu.memory_space<hbm>> -> memref<10000x128xf32, #tpu.memory_space<hbm>>
        %dma_start3A_88 = arith.constant 0 : i32
        %dma_start3A_89 = arith.constant 0 : i32
        %dma_start3A_90 = tpu.memref_slice %dma_start3A_87[%dma_start3A_88, %dma_start3A_89] : memref<10000x128xf32, #tpu.memory_space<hbm>> -> memref<10000x128xf32, #tpu.memory_space<hbm>>
        tpu.enqueue_indirect_dma source(%dma_start3A_90 : memref<10000x128xf32, #tpu.memory_space<hbm>>) target(%arg9 : memref<128x128xf32, #tpu.memory_space<vmem>>) offsets(%dma_start3A_83 : memref<128xi32, #tpu.memory_space<vmem>>) semaphore(%arg12 : memref<!tpu.dma_semaphore, #tpu.memory_space<semaphore_mem>>)
        %dma_wait3A = arith.constant 0 : i32
        %dma_wait3A_91 = tpu.memref_slice %arg7[%scan3A_80, %dma_wait3A] : memref<16x128xi32, #tpu.memory_space<vmem>> -> memref<1x128xi32, #tpu.memory_space<vmem>>
        %dma_wait3A_92 = tpu.memref_squeeze %dma_wait3A_91 : memref<1x128xi32, #tpu.memory_space<vmem>> -> memref<128xi32, #tpu.memory_space<vmem>>
        %dma_wait3A_93 = arith.constant 0 : i32
        %dma_wait3A_94 = arith.constant 0 : i32
        %dma_wait3A_95 = tpu.memref_slice %arg2[%arg0, %dma_wait3A_93, %dma_wait3A_94] : memref<2x10000x128xf32, #tpu.memory_space<hbm>> -> memref<1x10000x128xf32, #tpu.memory_space<hbm>>
        %dma_wait3A_96 = tpu.memref_squeeze %dma_wait3A_95 : memref<1x10000x128xf32, #tpu.memory_space<hbm>> -> memref<10000x128xf32, #tpu.memory_space<hbm>>
        %dma_wait3A_97 = arith.constant 0 : i32
        %dma_wait3A_98 = arith.constant 0 : i32
        %dma_wait3A_99 = tpu.memref_slice %dma_wait3A_96[%dma_wait3A_97, %dma_wait3A_98] : memref<10000x128xf32, #tpu.memory_space<hbm>> -> memref<10000x128xf32, #tpu.memory_space<hbm>>
        tpu.wait_indirect_dma semaphore(%arg12 : memref<!tpu.dma_semaphore, #tpu.memory_space<semaphore_mem>>) src(%dma_wait3A_99 : memref<10000x128xf32, #tpu.memory_space<hbm>>) dst(%arg9 : memref<128x128xf32, #tpu.memory_space<vmem>>)
        "tpu.region"() ({
          %run_scoped3A = tpu.sem_alloc : memref<!tpu.dma_semaphore, #tpu.memory_space<semaphore_mem>>
          %dma_start3A_101 = arith.constant 0 : i32
          %dma_start3A_102 = tpu.memref_slice %arg8[%scan3A_80, %dma_start3A_101] : memref<16x128xi32, #tpu.memory_space<vmem>> -> memref<1x128xi32, #tpu.memory_space<vmem>>
          %dma_start3A_103 = tpu.memref_squeeze %dma_start3A_102 : memref<1x128xi32, #tpu.memory_space<vmem>> -> memref<128xi32, #tpu.memory_space<vmem>>
          %dma_start3A_104 = arith.constant 0 : i32
          %dma_start3A_105 = arith.constant 0 : i32
          %dma_start3A_106 = tpu.memref_slice %arg11[%dma_start3A_104, %dma_start3A_105] : memref<10256x128xf32, #tpu.memory_space<vmem_shared>> -> memref<10256x128xf32, #tpu.memory_space<vmem_shared>>
          tpu.enqueue_indirect_dma source(%arg9 : memref<128x128xf32, #tpu.memory_space<vmem>>) target(%dma_start3A_106 : memref<10256x128xf32, #tpu.memory_space<vmem_shared>>) offsets(%dma_start3A_103 : memref<128xi32, #tpu.memory_space<vmem>>) semaphore(%run_scoped3A : memref<!tpu.dma_semaphore, #tpu.memory_space<semaphore_mem>>) {add = true}
          %dma_wait3A_107 = arith.constant 0 : i32
          %dma_wait3A_108 = tpu.memref_slice %arg8[%scan3A_80, %dma_wait3A_107] : memref<16x128xi32, #tpu.memory_space<vmem>> -> memref<1x128xi32, #tpu.memory_space<vmem>>
          %dma_wait3A_109 = tpu.memref_squeeze %dma_wait3A_108 : memref<1x128xi32, #tpu.memory_space<vmem>> -> memref<128xi32, #tpu.memory_space<vmem>>
          %dma_wait3A_110 = arith.constant 0 : i32
          %dma_wait3A_111 = arith.constant 0 : i32
          %dma_wait3A_112 = tpu.memref_slice %arg11[%dma_wait3A_110, %dma_wait3A_111] : memref<10256x128xf32, #tpu.memory_space<vmem_shared>> -> memref<10256x128xf32, #tpu.memory_space<vmem_shared>>
          tpu.wait_indirect_dma semaphore(%run_scoped3A : memref<!tpu.dma_semaphore, #tpu.memory_space<semaphore_mem>>) src(%arg9 : memref<128x128xf32, #tpu.memory_space<vmem>>) dst(%dma_wait3A_112 : memref<10256x128xf32, #tpu.memory_space<vmem_shared>>)
          tpu.yield
        }) : () -> ()
        %scan3A_100 = arith.constant 0 : i32
        scf.yield %scan3A_100 : i32
      }
      %scan3A_78 = arith.constant 16 : i32
      %scan3A_79 = arith.constant 0 : i32
      scf.yield %scan3A_79 : i32
    }
    %scan3A_25 = arith.constant 10 : i32
    %barrier3A_26 = arith.constant 0 : index
    tpu.barrier barrier_id(%barrier3A_26)
    %mul3A_27 = arith.constant 640 : i32
    %mul3A_28 = arith.muli %arg1, %mul3A_27 : i32
    %add3A_29 = arith.constant 0 : i32
    %add3A_30 = arith.addi %mul3A_28, %add3A_29 : i32
    "tpu.region"() ({
      %run_scoped3A = tpu.sem_alloc : memref<!tpu.dma_semaphore, #tpu.memory_space<semaphore_mem>>
      %dma_start3A = arith.constant 0 : i32
      %dma_start3A_67 = tpu.memref_slice %arg11[%add3A_30, %dma_start3A] : memref<10256x128xf32, #tpu.memory_space<vmem_shared>> -> memref<128x128xf32, #tpu.memory_space<vmem_shared>>
      %dma_start3A_68 = arith.constant 0 : i32
      %dma_start3A_69 = tpu.memref_slice %arg11[%add3A_30, %dma_start3A_68] : memref<10256x128xf32, #tpu.memory_space<vmem_shared>> -> memref<128x128xf32, #tpu.memory_space<vmem_shared>>
      tpu.enqueue_dma source(%dma_start3A_69 : memref<128x128xf32, #tpu.memory_space<vmem_shared>>) target(%arg10 : memref<128x128xf32, #tpu.memory_space<vmem>>) target_semaphore(%run_scoped3A : memref<!tpu.dma_semaphore, #tpu.memory_space<semaphore_mem>>)
      %dma_wait3A = arith.constant 0 : i32
      %dma_wait3A_70 = tpu.memref_slice %arg11[%add3A_30, %dma_wait3A] : memref<10256x128xf32, #tpu.memory_space<vmem_shared>> -> memref<128x128xf32, #tpu.memory_space<vmem_shared>>
      %dma_wait3A_71 = arith.constant 0 : i32
      %dma_wait3A_72 = tpu.memref_slice %arg11[%add3A_30, %dma_wait3A_71] : memref<10256x128xf32, #tpu.memory_space<vmem_shared>> -> memref<128x128xf32, #tpu.memory_space<vmem_shared>>
      tpu.wait_dma2 semaphore(%run_scoped3A : memref<!tpu.dma_semaphore, #tpu.memory_space<semaphore_mem>>) src(%dma_wait3A_72 : memref<128x128xf32, #tpu.memory_space<vmem_shared>>) dst(%arg10 : memref<128x128xf32, #tpu.memory_space<vmem>>)
      tpu.yield
    }) : () -> ()
    %mul3A_31 = arith.constant 640 : i32
    %mul3A_32 = arith.muli %arg1, %mul3A_31 : i32
    %add3A_33 = arith.constant 0 : i32
    %add3A_34 = arith.addi %mul3A_32, %add3A_33 : i32
    "tpu.region"() ({
      %run_scoped3A = tpu.sem_alloc : memref<!tpu.dma_semaphore, #tpu.memory_space<semaphore_mem>>
      %dma_start3A = arith.constant 0 : i32
      %dma_start3A_67 = arith.constant 0 : i32
      %dma_start3A_68 = tpu.memref_slice %arg6[%arg0, %dma_start3A, %dma_start3A_67] : memref<2x10240x128xf32, #tpu.memory_space<hbm>> -> memref<1x10240x128xf32, #tpu.memory_space<hbm>>
      %dma_start3A_69 = tpu.memref_squeeze %dma_start3A_68 : memref<1x10240x128xf32, #tpu.memory_space<hbm>> -> memref<10240x128xf32, #tpu.memory_space<hbm>>
      %dma_start3A_70 = arith.constant 0 : i32
      %dma_start3A_71 = tpu.memref_slice %dma_start3A_69[%add3A_34, %dma_start3A_70] : memref<10240x128xf32, #tpu.memory_space<hbm>> -> memref<128x128xf32, #tpu.memory_space<hbm>>
      %dma_start3A_72 = arith.constant 0 : i32
      %dma_start3A_73 = arith.constant 0 : i32
      %dma_start3A_74 = tpu.memref_slice %arg6[%arg0, %dma_start3A_72, %dma_start3A_73] : memref<2x10240x128xf32, #tpu.memory_space<hbm>> -> memref<1x10240x128xf32, #tpu.memory_space<hbm>>
      %dma_start3A_75 = tpu.memref_squeeze %dma_start3A_74 : memref<1x10240x128xf32, #tpu.memory_space<hbm>> -> memref<10240x128xf32, #tpu.memory_space<hbm>>
      %dma_start3A_76 = arith.constant 0 : i32
      %dma_start3A_77 = tpu.memref_slice %dma_start3A_75[%add3A_34, %dma_start3A_76] : memref<10240x128xf32, #tpu.memory_space<hbm>> -> memref<128x128xf32, #tpu.memory_space<hbm>>
      tpu.enqueue_dma source(%arg10 : memref<128x128xf32, #tpu.memory_space<vmem>>) target(%dma_start3A_77 : memref<128x128xf32, #tpu.memory_space<hbm>>) target_semaphore(%run_scoped3A : memref<!tpu.dma_semaphore, #tpu.memory_space<semaphore_mem>>)
      %dma_wait3A = arith.constant 0 : i32
      %dma_wait3A_78 = arith.constant 0 : i32
      %dma_wait3A_79 = tpu.memref_slice %arg6[%arg0, %dma_wait3A, %dma_wait3A_78] : memref<2x10240x128xf32, #tpu.memory_space<hbm>> -> memref<1x10240x128xf32, #tpu.memory_space<hbm>>
      %dma_wait3A_80 = tpu.memref_squeeze %dma_wait3A_79 : memref<1x10240x128xf32, #tpu.memory_space<hbm>> -> memref<10240x128xf32, #tpu.memory_space<hbm>>
      %dma_wait3A_81 = arith.constant 0 : i32
      %dma_wait3A_82 = tpu.memref_slice %dma_wait3A_80[%add3A_34, %dma_wait3A_81] : memref<10240x128xf32, #tpu.memory_space<hbm>> -> memref<128x128xf32, #tpu.memory_space<hbm>>
      %dma_wait3A_83 = arith.constant 0 : i32
      %dma_wait3A_84 = arith.constant 0 : i32
      %dma_wait3A_85 = tpu.memref_slice %arg6[%arg0, %dma_wait3A_83, %dma_wait3A_84] : memref<2x10240x128xf32, #tpu.memory_space<hbm>> -> memref<1x10240x128xf32, #tpu.memory_space<hbm>>
      %dma_wait3A_86 = tpu.memref_squeeze %dma_wait3A_85 : memref<1x10240x128xf32, #tpu.memory_space<hbm>> -> memref<10240x128xf32, #tpu.memory_space<hbm>>
      %dma_wait3A_87 = arith.constant 0 : i32
      %dma_wait3A_88 = tpu.memref_slice %dma_wait3A_86[%add3A_34, %dma_wait3A_87] : memref<10240x128xf32, #tpu.memory_space<hbm>> -> memref<128x128xf32, #tpu.memory_space<hbm>>
      tpu.wait_dma2 semaphore(%run_scoped3A : memref<!tpu.dma_semaphore, #tpu.memory_space<semaphore_mem>>) src(%arg10 : memref<128x128xf32, #tpu.memory_space<vmem>>) dst(%dma_wait3A_88 : memref<128x128xf32, #tpu.memory_space<hbm>>)
      tpu.yield
    }) : () -> ()
    %mul3A_35 = arith.constant 640 : i32
    %mul3A_36 = arith.muli %arg1, %mul3A_35 : i32
    %add3A_37 = arith.constant 128 : i32
    %add3A_38 = arith.addi %mul3A_36, %add3A_37 : i32
    "tpu.region"() ({
      %run_scoped3A = tpu.sem_alloc : memref<!tpu.dma_semaphore, #tpu.memory_space<semaphore_mem>>
      %dma_start3A = arith.constant 0 : i32
      %dma_start3A_67 = tpu.memref_slice %arg11[%add3A_38, %dma_start3A] : memref<10256x128xf32, #tpu.memory_space<vmem_shared>> -> memref<128x128xf32, #tpu.memory_space<vmem_shared>>
      %dma_start3A_68 = arith.constant 0 : i32
      %dma_start3A_69 = tpu.memref_slice %arg11[%add3A_38, %dma_start3A_68] : memref<10256x128xf32, #tpu.memory_space<vmem_shared>> -> memref<128x128xf32, #tpu.memory_space<vmem_shared>>
      tpu.enqueue_dma source(%dma_start3A_69 : memref<128x128xf32, #tpu.memory_space<vmem_shared>>) target(%arg10 : memref<128x128xf32, #tpu.memory_space<vmem>>) target_semaphore(%run_scoped3A : memref<!tpu.dma_semaphore, #tpu.memory_space<semaphore_mem>>)
      %dma_wait3A = arith.constant 0 : i32
      %dma_wait3A_70 = tpu.memref_slice %arg11[%add3A_38, %dma_wait3A] : memref<10256x128xf32, #tpu.memory_space<vmem_shared>> -> memref<128x128xf32, #tpu.memory_space<vmem_shared>>
      %dma_wait3A_71 = arith.constant 0 : i32
      %dma_wait3A_72 = tpu.memref_slice %arg11[%add3A_38, %dma_wait3A_71] : memref<10256x128xf32, #tpu.memory_space<vmem_shared>> -> memref<128x128xf32, #tpu.memory_space<vmem_shared>>
      tpu.wait_dma2 semaphore(%run_scoped3A : memref<!tpu.dma_semaphore, #tpu.memory_space<semaphore_mem>>) src(%dma_wait3A_72 : memref<128x128xf32, #tpu.memory_space<vmem_shared>>) dst(%arg10 : memref<128x128xf32, #tpu.memory_space<vmem>>)
      tpu.yield
    }) : () -> ()
    %mul3A_39 = arith.constant 640 : i32
    %mul3A_40 = arith.muli %arg1, %mul3A_39 : i32
    %add3A_41 = arith.constant 128 : i32
    %add3A_42 = arith.addi %mul3A_40, %add3A_41 : i32
    "tpu.region"() ({
      %run_scoped3A = tpu.sem_alloc : memref<!tpu.dma_semaphore, #tpu.memory_space<semaphore_mem>>
      %dma_start3A = arith.constant 0 : i32
      %dma_start3A_67 = arith.constant 0 : i32
      %dma_start3A_68 = tpu.memref_slice %arg6[%arg0, %dma_start3A, %dma_start3A_67] : memref<2x10240x128xf32, #tpu.memory_space<hbm>> -> memref<1x10240x128xf32, #tpu.memory_space<hbm>>
      %dma_start3A_69 = tpu.memref_squeeze %dma_start3A_68 : memref<1x10240x128xf32, #tpu.memory_space<hbm>> -> memref<10240x128xf32, #tpu.memory_space<hbm>>
      %dma_start3A_70 = arith.constant 0 : i32
      %dma_start3A_71 = tpu.memref_slice %dma_start3A_69[%add3A_42, %dma_start3A_70] : memref<10240x128xf32, #tpu.memory_space<hbm>> -> memref<128x128xf32, #tpu.memory_space<hbm>>
      %dma_start3A_72 = arith.constant 0 : i32
      %dma_start3A_73 = arith.constant 0 : i32
      %dma_start3A_74 = tpu.memref_slice %arg6[%arg0, %dma_start3A_72, %dma_start3A_73] : memref<2x10240x128xf32, #tpu.memory_space<hbm>> -> memref<1x10240x128xf32, #tpu.memory_space<hbm>>
      %dma_start3A_75 = tpu.memref_squeeze %dma_start3A_74 : memref<1x10240x128xf32, #tpu.memory_space<hbm>> -> memref<10240x128xf32, #tpu.memory_space<hbm>>
      %dma_start3A_76 = arith.constant 0 : i32
      %dma_start3A_77 = tpu.memref_slice %dma_start3A_75[%add3A_42, %dma_start3A_76] : memref<10240x128xf32, #tpu.memory_space<hbm>> -> memref<128x128xf32, #tpu.memory_space<hbm>>
      tpu.enqueue_dma source(%arg10 : memref<128x128xf32, #tpu.memory_space<vmem>>) target(%dma_start3A_77 : memref<128x128xf32, #tpu.memory_space<hbm>>) target_semaphore(%run_scoped3A : memref<!tpu.dma_semaphore, #tpu.memory_space<semaphore_mem>>)
      %dma_wait3A = arith.constant 0 : i32
      %dma_wait3A_78 = arith.constant 0 : i32
      %dma_wait3A_79 = tpu.memref_slice %arg6[%arg0, %dma_wait3A, %dma_wait3A_78] : memref<2x10240x128xf32, #tpu.memory_space<hbm>> -> memref<1x10240x128xf32, #tpu.memory_space<hbm>>
      %dma_wait3A_80 = tpu.memref_squeeze %dma_wait3A_79 : memref<1x10240x128xf32, #tpu.memory_space<hbm>> -> memref<10240x128xf32, #tpu.memory_space<hbm>>
      %dma_wait3A_81 = arith.constant 0 : i32
      %dma_wait3A_82 = tpu.memref_slice %dma_wait3A_80[%add3A_42, %dma_wait3A_81] : memref<10240x128xf32, #tpu.memory_space<hbm>> -> memref<128x128xf32, #tpu.memory_space<hbm>>
      %dma_wait3A_83 = arith.constant 0 : i32
      %dma_wait3A_84 = arith.constant 0 : i32
      %dma_wait3A_85 = tpu.memref_slice %arg6[%arg0, %dma_wait3A_83, %dma_wait3A_84] : memref<2x10240x128xf32, #tpu.memory_space<hbm>> -> memref<1x10240x128xf32, #tpu.memory_space<hbm>>
      %dma_wait3A_86 = tpu.memref_squeeze %dma_wait3A_85 : memref<1x10240x128xf32, #tpu.memory_space<hbm>> -> memref<10240x128xf32, #tpu.memory_space<hbm>>
      %dma_wait3A_87 = arith.constant 0 : i32
      %dma_wait3A_88 = tpu.memref_slice %dma_wait3A_86[%add3A_42, %dma_wait3A_87] : memref<10240x128xf32, #tpu.memory_space<hbm>> -> memref<128x128xf32, #tpu.memory_space<hbm>>
      tpu.wait_dma2 semaphore(%run_scoped3A : memref<!tpu.dma_semaphore, #tpu.memory_space<semaphore_mem>>) src(%arg10 : memref<128x128xf32, #tpu.memory_space<vmem>>) dst(%dma_wait3A_88 : memref<128x128xf32, #tpu.memory_space<hbm>>)
      tpu.yield
    }) : () -> ()
    %mul3A_43 = arith.constant 640 : i32
    %mul3A_44 = arith.muli %arg1, %mul3A_43 : i32
    %add3A_45 = arith.constant 256 : i32
    %add3A_46 = arith.addi %mul3A_44, %add3A_45 : i32
    "tpu.region"() ({
      %run_scoped3A = tpu.sem_alloc : memref<!tpu.dma_semaphore, #tpu.memory_space<semaphore_mem>>
      %dma_start3A = arith.constant 0 : i32
      %dma_start3A_67 = tpu.memref_slice %arg11[%add3A_46, %dma_start3A] : memref<10256x128xf32, #tpu.memory_space<vmem_shared>> -> memref<128x128xf32, #tpu.memory_space<vmem_shared>>
      %dma_start3A_68 = arith.constant 0 : i32
      %dma_start3A_69 = tpu.memref_slice %arg11[%add3A_46, %dma_start3A_68] : memref<10256x128xf32, #tpu.memory_space<vmem_shared>> -> memref<128x128xf32, #tpu.memory_space<vmem_shared>>
      tpu.enqueue_dma source(%dma_start3A_69 : memref<128x128xf32, #tpu.memory_space<vmem_shared>>) target(%arg10 : memref<128x128xf32, #tpu.memory_space<vmem>>) target_semaphore(%run_scoped3A : memref<!tpu.dma_semaphore, #tpu.memory_space<semaphore_mem>>)
      %dma_wait3A = arith.constant 0 : i32
      %dma_wait3A_70 = tpu.memref_slice %arg11[%add3A_46, %dma_wait3A] : memref<10256x128xf32, #tpu.memory_space<vmem_shared>> -> memref<128x128xf32, #tpu.memory_space<vmem_shared>>
      %dma_wait3A_71 = arith.constant 0 : i32
      %dma_wait3A_72 = tpu.memref_slice %arg11[%add3A_46, %dma_wait3A_71] : memref<10256x128xf32, #tpu.memory_space<vmem_shared>> -> memref<128x128xf32, #tpu.memory_space<vmem_shared>>
      tpu.wait_dma2 semaphore(%run_scoped3A : memref<!tpu.dma_semaphore, #tpu.memory_space<semaphore_mem>>) src(%dma_wait3A_72 : memref<128x128xf32, #tpu.memory_space<vmem_shared>>) dst(%arg10 : memref<128x128xf32, #tpu.memory_space<vmem>>)
      tpu.yield
    }) : () -> ()
    %mul3A_47 = arith.constant 640 : i32
    %mul3A_48 = arith.muli %arg1, %mul3A_47 : i32
    %add3A_49 = arith.constant 256 : i32
    %add3A_50 = arith.addi %mul3A_48, %add3A_49 : i32
    "tpu.region"() ({
      %run_scoped3A = tpu.sem_alloc : memref<!tpu.dma_semaphore, #tpu.memory_space<semaphore_mem>>
      %dma_start3A = arith.constant 0 : i32
      %dma_start3A_67 = arith.constant 0 : i32
      %dma_start3A_68 = tpu.memref_slice %arg6[%arg0, %dma_start3A, %dma_start3A_67] : memref<2x10240x128xf32, #tpu.memory_space<hbm>> -> memref<1x10240x128xf32, #tpu.memory_space<hbm>>
      %dma_start3A_69 = tpu.memref_squeeze %dma_start3A_68 : memref<1x10240x128xf32, #tpu.memory_space<hbm>> -> memref<10240x128xf32, #tpu.memory_space<hbm>>
      %dma_start3A_70 = arith.constant 0 : i32
      %dma_start3A_71 = tpu.memref_slice %dma_start3A_69[%add3A_50, %dma_start3A_70] : memref<10240x128xf32, #tpu.memory_space<hbm>> -> memref<128x128xf32, #tpu.memory_space<hbm>>
      %dma_start3A_72 = arith.constant 0 : i32
      %dma_start3A_73 = arith.constant 0 : i32
      %dma_start3A_74 = tpu.memref_slice %arg6[%arg0, %dma_start3A_72, %dma_start3A_73] : memref<2x10240x128xf32, #tpu.memory_space<hbm>> -> memref<1x10240x128xf32, #tpu.memory_space<hbm>>
      %dma_start3A_75 = tpu.memref_squeeze %dma_start3A_74 : memref<1x10240x128xf32, #tpu.memory_space<hbm>> -> memref<10240x128xf32, #tpu.memory_space<hbm>>
      %dma_start3A_76 = arith.constant 0 : i32
      %dma_start3A_77 = tpu.memref_slice %dma_start3A_75[%add3A_50, %dma_start3A_76] : memref<10240x128xf32, #tpu.memory_space<hbm>> -> memref<128x128xf32, #tpu.memory_space<hbm>>
      tpu.enqueue_dma source(%arg10 : memref<128x128xf32, #tpu.memory_space<vmem>>) target(%dma_start3A_77 : memref<128x128xf32, #tpu.memory_space<hbm>>) target_semaphore(%run_scoped3A : memref<!tpu.dma_semaphore, #tpu.memory_space<semaphore_mem>>)
      %dma_wait3A = arith.constant 0 : i32
      %dma_wait3A_78 = arith.constant 0 : i32
      %dma_wait3A_79 = tpu.memref_slice %arg6[%arg0, %dma_wait3A, %dma_wait3A_78] : memref<2x10240x128xf32, #tpu.memory_space<hbm>> -> memref<1x10240x128xf32, #tpu.memory_space<hbm>>
      %dma_wait3A_80 = tpu.memref_squeeze %dma_wait3A_79 : memref<1x10240x128xf32, #tpu.memory_space<hbm>> -> memref<10240x128xf32, #tpu.memory_space<hbm>>
      %dma_wait3A_81 = arith.constant 0 : i32
      %dma_wait3A_82 = tpu.memref_slice %dma_wait3A_80[%add3A_50, %dma_wait3A_81] : memref<10240x128xf32, #tpu.memory_space<hbm>> -> memref<128x128xf32, #tpu.memory_space<hbm>>
      %dma_wait3A_83 = arith.constant 0 : i32
      %dma_wait3A_84 = arith.constant 0 : i32
      %dma_wait3A_85 = tpu.memref_slice %arg6[%arg0, %dma_wait3A_83, %dma_wait3A_84] : memref<2x10240x128xf32, #tpu.memory_space<hbm>> -> memref<1x10240x128xf32, #tpu.memory_space<hbm>>
      %dma_wait3A_86 = tpu.memref_squeeze %dma_wait3A_85 : memref<1x10240x128xf32, #tpu.memory_space<hbm>> -> memref<10240x128xf32, #tpu.memory_space<hbm>>
      %dma_wait3A_87 = arith.constant 0 : i32
      %dma_wait3A_88 = tpu.memref_slice %dma_wait3A_86[%add3A_50, %dma_wait3A_87] : memref<10240x128xf32, #tpu.memory_space<hbm>> -> memref<128x128xf32, #tpu.memory_space<hbm>>
      tpu.wait_dma2 semaphore(%run_scoped3A : memref<!tpu.dma_semaphore, #tpu.memory_space<semaphore_mem>>) src(%arg10 : memref<128x128xf32, #tpu.memory_space<vmem>>) dst(%dma_wait3A_88 : memref<128x128xf32, #tpu.memory_space<hbm>>)
      tpu.yield
    }) : () -> ()
    %mul3A_51 = arith.constant 640 : i32
    %mul3A_52 = arith.muli %arg1, %mul3A_51 : i32
    %add3A_53 = arith.constant 384 : i32
    %add3A_54 = arith.addi %mul3A_52, %add3A_53 : i32
    "tpu.region"() ({
      %run_scoped3A = tpu.sem_alloc : memref<!tpu.dma_semaphore, #tpu.memory_space<semaphore_mem>>
      %dma_start3A = arith.constant 0 : i32
      %dma_start3A_67 = tpu.memref_slice %arg11[%add3A_54, %dma_start3A] : memref<10256x128xf32, #tpu.memory_space<vmem_shared>> -> memref<128x128xf32, #tpu.memory_space<vmem_shared>>
      %dma_start3A_68 = arith.constant 0 : i32
      %dma_start3A_69 = tpu.memref_slice %arg11[%add3A_54, %dma_start3A_68] : memref<10256x128xf32, #tpu.memory_space<vmem_shared>> -> memref<128x128xf32, #tpu.memory_space<vmem_shared>>
      tpu.enqueue_dma source(%dma_start3A_69 : memref<128x128xf32, #tpu.memory_space<vmem_shared>>) target(%arg10 : memref<128x128xf32, #tpu.memory_space<vmem>>) target_semaphore(%run_scoped3A : memref<!tpu.dma_semaphore, #tpu.memory_space<semaphore_mem>>)
      %dma_wait3A = arith.constant 0 : i32
      %dma_wait3A_70 = tpu.memref_slice %arg11[%add3A_54, %dma_wait3A] : memref<10256x128xf32, #tpu.memory_space<vmem_shared>> -> memref<128x128xf32, #tpu.memory_space<vmem_shared>>
      %dma_wait3A_71 = arith.constant 0 : i32
      %dma_wait3A_72 = tpu.memref_slice %arg11[%add3A_54, %dma_wait3A_71] : memref<10256x128xf32, #tpu.memory_space<vmem_shared>> -> memref<128x128xf32, #tpu.memory_space<vmem_shared>>
      tpu.wait_dma2 semaphore(%run_scoped3A : memref<!tpu.dma_semaphore, #tpu.memory_space<semaphore_mem>>) src(%dma_wait3A_72 : memref<128x128xf32, #tpu.memory_space<vmem_shared>>) dst(%arg10 : memref<128x128xf32, #tpu.memory_space<vmem>>)
      tpu.yield
    }) : () -> ()
    %mul3A_55 = arith.constant 640 : i32
    %mul3A_56 = arith.muli %arg1, %mul3A_55 : i32
    %add3A_57 = arith.constant 384 : i32
    %add3A_58 = arith.addi %mul3A_56, %add3A_57 : i32
    "tpu.region"() ({
      %run_scoped3A = tpu.sem_alloc : memref<!tpu.dma_semaphore, #tpu.memory_space<semaphore_mem>>
      %dma_start3A = arith.constant 0 : i32
      %dma_start3A_67 = arith.constant 0 : i32
      %dma_start3A_68 = tpu.memref_slice %arg6[%arg0, %dma_start3A, %dma_start3A_67] : memref<2x10240x128xf32, #tpu.memory_space<hbm>> -> memref<1x10240x128xf32, #tpu.memory_space<hbm>>
      %dma_start3A_69 = tpu.memref_squeeze %dma_start3A_68 : memref<1x10240x128xf32, #tpu.memory_space<hbm>> -> memref<10240x128xf32, #tpu.memory_space<hbm>>
      %dma_start3A_70 = arith.constant 0 : i32
      %dma_start3A_71 = tpu.memref_slice %dma_start3A_69[%add3A_58, %dma_start3A_70] : memref<10240x128xf32, #tpu.memory_space<hbm>> -> memref<128x128xf32, #tpu.memory_space<hbm>>
      %dma_start3A_72 = arith.constant 0 : i32
      %dma_start3A_73 = arith.constant 0 : i32
      %dma_start3A_74 = tpu.memref_slice %arg6[%arg0, %dma_start3A_72, %dma_start3A_73] : memref<2x10240x128xf32, #tpu.memory_space<hbm>> -> memref<1x10240x128xf32, #tpu.memory_space<hbm>>
      %dma_start3A_75 = tpu.memref_squeeze %dma_start3A_74 : memref<1x10240x128xf32, #tpu.memory_space<hbm>> -> memref<10240x128xf32, #tpu.memory_space<hbm>>
      %dma_start3A_76 = arith.constant 0 : i32
      %dma_start3A_77 = tpu.memref_slice %dma_start3A_75[%add3A_58, %dma_start3A_76] : memref<10240x128xf32, #tpu.memory_space<hbm>> -> memref<128x128xf32, #tpu.memory_space<hbm>>
      tpu.enqueue_dma source(%arg10 : memref<128x128xf32, #tpu.memory_space<vmem>>) target(%dma_start3A_77 : memref<128x128xf32, #tpu.memory_space<hbm>>) target_semaphore(%run_scoped3A : memref<!tpu.dma_semaphore, #tpu.memory_space<semaphore_mem>>)
      %dma_wait3A = arith.constant 0 : i32
      %dma_wait3A_78 = arith.constant 0 : i32
      %dma_wait3A_79 = tpu.memref_slice %arg6[%arg0, %dma_wait3A, %dma_wait3A_78] : memref<2x10240x128xf32, #tpu.memory_space<hbm>> -> memref<1x10240x128xf32, #tpu.memory_space<hbm>>
      %dma_wait3A_80 = tpu.memref_squeeze %dma_wait3A_79 : memref<1x10240x128xf32, #tpu.memory_space<hbm>> -> memref<10240x128xf32, #tpu.memory_space<hbm>>
      %dma_wait3A_81 = arith.constant 0 : i32
      %dma_wait3A_82 = tpu.memref_slice %dma_wait3A_80[%add3A_58, %dma_wait3A_81] : memref<10240x128xf32, #tpu.memory_space<hbm>> -> memref<128x128xf32, #tpu.memory_space<hbm>>
      %dma_wait3A_83 = arith.constant 0 : i32
      %dma_wait3A_84 = arith.constant 0 : i32
      %dma_wait3A_85 = tpu.memref_slice %arg6[%arg0, %dma_wait3A_83, %dma_wait3A_84] : memref<2x10240x128xf32, #tpu.memory_space<hbm>> -> memref<1x10240x128xf32, #tpu.memory_space<hbm>>
      %dma_wait3A_86 = tpu.memref_squeeze %dma_wait3A_85 : memref<1x10240x128xf32, #tpu.memory_space<hbm>> -> memref<10240x128xf32, #tpu.memory_space<hbm>>
      %dma_wait3A_87 = arith.constant 0 : i32
      %dma_wait3A_88 = tpu.memref_slice %dma_wait3A_86[%add3A_58, %dma_wait3A_87] : memref<10240x128xf32, #tpu.memory_space<hbm>> -> memref<128x128xf32, #tpu.memory_space<hbm>>
      tpu.wait_dma2 semaphore(%run_scoped3A : memref<!tpu.dma_semaphore, #tpu.memory_space<semaphore_mem>>) src(%arg10 : memref<128x128xf32, #tpu.memory_space<vmem>>) dst(%dma_wait3A_88 : memref<128x128xf32, #tpu.memory_space<hbm>>)
      tpu.yield
    }) : () -> ()
    %mul3A_59 = arith.constant 640 : i32
    %mul3A_60 = arith.muli %arg1, %mul3A_59 : i32
    %add3A_61 = arith.constant 512 : i32
    %add3A_62 = arith.addi %mul3A_60, %add3A_61 : i32
    "tpu.region"() ({
      %run_scoped3A = tpu.sem_alloc : memref<!tpu.dma_semaphore, #tpu.memory_space<semaphore_mem>>
      %dma_start3A = arith.constant 0 : i32
      %dma_start3A_67 = tpu.memref_slice %arg11[%add3A_62, %dma_start3A] : memref<10256x128xf32, #tpu.memory_space<vmem_shared>> -> memref<128x128xf32, #tpu.memory_space<vmem_shared>>
      %dma_start3A_68 = arith.constant 0 : i32
      %dma_start3A_69 = tpu.memref_slice %arg11[%add3A_62, %dma_start3A_68] : memref<10256x128xf32, #tpu.memory_space<vmem_shared>> -> memref<128x128xf32, #tpu.memory_space<vmem_shared>>
      tpu.enqueue_dma source(%dma_start3A_69 : memref<128x128xf32, #tpu.memory_space<vmem_shared>>) target(%arg10 : memref<128x128xf32, #tpu.memory_space<vmem>>) target_semaphore(%run_scoped3A : memref<!tpu.dma_semaphore, #tpu.memory_space<semaphore_mem>>)
      %dma_wait3A = arith.constant 0 : i32
      %dma_wait3A_70 = tpu.memref_slice %arg11[%add3A_62, %dma_wait3A] : memref<10256x128xf32, #tpu.memory_space<vmem_shared>> -> memref<128x128xf32, #tpu.memory_space<vmem_shared>>
      %dma_wait3A_71 = arith.constant 0 : i32
      %dma_wait3A_72 = tpu.memref_slice %arg11[%add3A_62, %dma_wait3A_71] : memref<10256x128xf32, #tpu.memory_space<vmem_shared>> -> memref<128x128xf32, #tpu.memory_space<vmem_shared>>
      tpu.wait_dma2 semaphore(%run_scoped3A : memref<!tpu.dma_semaphore, #tpu.memory_space<semaphore_mem>>) src(%dma_wait3A_72 : memref<128x128xf32, #tpu.memory_space<vmem_shared>>) dst(%arg10 : memref<128x128xf32, #tpu.memory_space<vmem>>)
      tpu.yield
    }) : () -> ()
    %mul3A_63 = arith.constant 640 : i32
    %mul3A_64 = arith.muli %arg1, %mul3A_63 : i32
    %add3A_65 = arith.constant 512 : i32
    %add3A_66 = arith.addi %mul3A_64, %add3A_65 : i32
    "tpu.region"() ({
      %run_scoped3A = tpu.sem_alloc : memref<!tpu.dma_semaphore, #tpu.memory_space<semaphore_mem>>
      %dma_start3A = arith.constant 0 : i32
      %dma_start3A_67 = arith.constant 0 : i32
      %dma_start3A_68 = tpu.memref_slice %arg6[%arg0, %dma_start3A, %dma_start3A_67] : memref<2x10240x128xf32, #tpu.memory_space<hbm>> -> memref<1x10240x128xf32, #tpu.memory_space<hbm>>
      %dma_start3A_69 = tpu.memref_squeeze %dma_start3A_68 : memref<1x10240x128xf32, #tpu.memory_space<hbm>> -> memref<10240x128xf32, #tpu.memory_space<hbm>>
      %dma_start3A_70 = arith.constant 0 : i32
      %dma_start3A_71 = tpu.memref_slice %dma_start3A_69[%add3A_66, %dma_start3A_70] : memref<10240x128xf32, #tpu.memory_space<hbm>> -> memref<128x128xf32, #tpu.memory_space<hbm>>
      %dma_start3A_72 = arith.constant 0 : i32
      %dma_start3A_73 = arith.constant 0 : i32
      %dma_start3A_74 = tpu.memref_slice %arg6[%arg0, %dma_start3A_72, %dma_start3A_73] : memref<2x10240x128xf32, #tpu.memory_space<hbm>> -> memref<1x10240x128xf32, #tpu.memory_space<hbm>>
      %dma_start3A_75 = tpu.memref_squeeze %dma_start3A_74 : memref<1x10240x128xf32, #tpu.memory_space<hbm>> -> memref<10240x128xf32, #tpu.memory_space<hbm>>
      %dma_start3A_76 = arith.constant 0 : i32
      %dma_start3A_77 = tpu.memref_slice %dma_start3A_75[%add3A_66, %dma_start3A_76] : memref<10240x128xf32, #tpu.memory_space<hbm>> -> memref<128x128xf32, #tpu.memory_space<hbm>>
      tpu.enqueue_dma source(%arg10 : memref<128x128xf32, #tpu.memory_space<vmem>>) target(%dma_start3A_77 : memref<128x128xf32, #tpu.memory_space<hbm>>) target_semaphore(%run_scoped3A : memref<!tpu.dma_semaphore, #tpu.memory_space<semaphore_mem>>)
      %dma_wait3A = arith.constant 0 : i32
      %dma_wait3A_78 = arith.constant 0 : i32
      %dma_wait3A_79 = tpu.memref_slice %arg6[%arg0, %dma_wait3A, %dma_wait3A_78] : memref<2x10240x128xf32, #tpu.memory_space<hbm>> -> memref<1x10240x128xf32, #tpu.memory_space<hbm>>
      %dma_wait3A_80 = tpu.memref_squeeze %dma_wait3A_79 : memref<1x10240x128xf32, #tpu.memory_space<hbm>> -> memref<10240x128xf32, #tpu.memory_space<hbm>>
      %dma_wait3A_81 = arith.constant 0 : i32
      %dma_wait3A_82 = tpu.memref_slice %dma_wait3A_80[%add3A_66, %dma_wait3A_81] : memref<10240x128xf32, #tpu.memory_space<hbm>> -> memref<128x128xf32, #tpu.memory_space<hbm>>
      %dma_wait3A_83 = arith.constant 0 : i32
      %dma_wait3A_84 = arith.constant 0 : i32
      %dma_wait3A_85 = tpu.memref_slice %arg6[%arg0, %dma_wait3A_83, %dma_wait3A_84] : memref<2x10240x128xf32, #tpu.memory_space<hbm>> -> memref<1x10240x128xf32, #tpu.memory_space<hbm>>
      %dma_wait3A_86 = tpu.memref_squeeze %dma_wait3A_85 : memref<1x10240x128xf32, #tpu.memory_space<hbm>> -> memref<10240x128xf32, #tpu.memory_space<hbm>>
      %dma_wait3A_87 = arith.constant 0 : i32
      %dma_wait3A_88 = tpu.memref_slice %dma_wait3A_86[%add3A_66, %dma_wait3A_87] : memref<10240x128xf32, #tpu.memory_space<hbm>> -> memref<128x128xf32, #tpu.memory_space<hbm>>
      tpu.wait_dma2 semaphore(%run_scoped3A : memref<!tpu.dma_semaphore, #tpu.memory_space<semaphore_mem>>) src(%arg10 : memref<128x128xf32, #tpu.memory_space<vmem>>) dst(%dma_wait3A_88 : memref<128x128xf32, #tpu.memory_space<hbm>>)
      tpu.yield
    }) : () -> ()
    return
  }
}

module attributes {stable_mosaic.version = 14 : i64} {
  func.func @_t1_body(%arg0: i32, %arg1: memref<2000x128xf32, #tpu.memory_space<vmem>>, %arg2: memref<128x64xf32, #tpu.memory_space<vmem>>, %arg3: memref<2x2000x16xf32, #tpu.memory_space<vmem>>, %arg4: memref<1x2000x128xf32, #tpu.memory_space<vmem>>) attributes {dimension_semantics = [#tpu.dimension_semantics<arbitrary>], iteration_bounds = array<i64: 5>, scalar_prefetch = 0 : i64, scratch_operands = 0 : i64, tpu.core_type = #tpu.core_type<tc>, window_params = [{transform_indices = @transform_0, window_bounds = array<i64: 2000, 128>}, {pipeline_mode = #tpu.pipeline_mode<synchronous>, transform_indices = @transform_1, window_bounds = array<i64: 128, 64>}, {transform_indices = @transform_2, window_bounds = array<i64: 2, 2000, 16>}, {transform_indices = @transform_3, window_bounds = array<i64: 1, 2000, 128>}]} {
    %get3A = arith.constant 0 : index
    %get3A_0 = arith.constant 0 : index
    %get3A_1 = arith.constant 0 : index
    %get3A_2 = vector.load %arg3[%get3A, %get3A_0, %get3A_1] : memref<2x2000x16xf32, #tpu.memory_space<vmem>>, vector<2x2000x16xf32>
    %slice3A = vector.extract_strided_slice %get3A_2 {offsets = [0, 0, 0], sizes = [1, 2000, 1], strides = [1, 1, 1]} : vector<2x2000x16xf32> to vector<1x2000x1xf32>
    %squeeze3A = vector.shape_cast %slice3A : vector<1x2000x1xf32> to vector<2000x1xf32>
    %slice3A_3 = vector.extract_strided_slice %get3A_2 {offsets = [1, 0, 0], sizes = [1, 2000, 1], strides = [1, 1, 1]} : vector<2x2000x16xf32> to vector<1x2000x1xf32>
    %squeeze3A_4 = vector.shape_cast %slice3A_3 : vector<1x2000x1xf32> to vector<2000x1xf32>
    %add3A = arith.addf %squeeze3A, %squeeze3A_4 : vector<2000x1xf32>
    %add3A_5 = arith.constant 1.000000e+00 : f32
    %add3A_6 = vector.broadcast %add3A_5 : f32 to vector<2000x1xf32>
    %add3A_7 = arith.addf %add3A, %add3A_6 : vector<2000x1xf32>
    %rsqrt3A = math.rsqrt %add3A_7 : vector<2000x1xf32>
    %get3A_8 = arith.constant 0 : index
    %get3A_9 = arith.constant 0 : index
    %get3A_10 = vector.load %arg1[%get3A_8, %get3A_9] : memref<2000x128xf32, #tpu.memory_space<vmem>>, vector<2000x128xf32>
    %get3A_11 = arith.constant 0 : index
    %get3A_12 = arith.constant 0 : index
    %get3A_13 = vector.load %arg2[%get3A_11, %get3A_12] : memref<128x64xf32, #tpu.memory_space<vmem>>, vector<128x64xf32>
    %dot_general3A = arith.constant dense<0.000000e+00> : vector<2000x64xf32>
    %dot_general3A_14 = tpu.matmul %get3A_10, %get3A_13, %dot_general3A {dimension_numbers = #tpu.dot_dimension_numbers<[1], [0], [0], [1], [0, 0, 1, 1], [], []>, transpose_lhs_hint = false} : vector<2000x128xf32>, vector<128x64xf32>, vector<2000x64xf32> -> vector<2000x64xf32>
    %mul3A = vector.broadcast %rsqrt3A : vector<2000x1xf32> to vector<2000x64xf32>
    %mul3A_15 = arith.mulf %dot_general3A_14, %mul3A : vector<2000x64xf32>
    %broadcast_in_dim3A = arith.constant 0.000000e+00 : f32
    %broadcast_in_dim3A_16 = vector.broadcast %broadcast_in_dim3A : f32 to vector<2000x64xf32>
    %concatenate3A = tpu.concatenate %mul3A_15, %broadcast_in_dim3A_16 in 1 : vector<2000x64xf32>, vector<2000x64xf32> -> vector<2000x128xf32>
    %swap3A = arith.constant 0 : index
    %swap3A_17 = arith.constant 0 : index
    %swap3A_18 = arith.constant 0 : index
    %swap3A_19 = vector.load %arg4[%swap3A, %swap3A_17, %swap3A_18] : memref<1x2000x128xf32, #tpu.memory_space<vmem>>, vector<1x2000x128xf32>
    %swap3A_20 = vector.shape_cast %swap3A_19 : vector<1x2000x128xf32> to vector<2000x128xf32>
    %swap3A_21 = vector.shape_cast %concatenate3A : vector<2000x128xf32> to vector<1x2000x128xf32>
    tpu.vector_store %arg4[%swap3A, %swap3A_17, %swap3A_18], %swap3A_21 {strides = array<i32>} : memref<1x2000x128xf32, #tpu.memory_space<vmem>>, vector<1x2000x128xf32>,
    return
  }
  func.func @transform_0(%arg0: i32) -> (i32, i32) {
    %c0_i32 = arith.constant 0 : i32
    %c0_i32_0 = arith.constant 0 : i32
    return %arg0, %c0_i32 : i32, i32
  }
  func.func @transform_1(%arg0: i32) -> (i32, i32) {
    %c0_i32 = arith.constant 0 : i32
    %c0_i32_0 = arith.constant 0 : i32
    %c0_i32_1 = arith.constant 0 : i32
    return %c0_i32, %c0_i32_0 : i32, i32
  }
  func.func @transform_2(%arg0: i32) -> (i32, i32, i32) {
    %c0_i32 = arith.constant 0 : i32
    %c0_i32_0 = arith.constant 0 : i32
    %c0_i32_1 = arith.constant 0 : i32
    return %c0_i32, %arg0, %c0_i32_0 : i32, i32, i32
  }
  func.func @transform_3(%arg0: i32) -> (i32, i32, i32) {
    %c0_i32 = arith.constant 0 : i32
    %c0_i32_0 = arith.constant 0 : i32
    %c0_i32_1 = arith.constant 0 : i32
    return %c0_i32, %arg0, %c0_i32_0 : i32, i32, i32
  }
}

module attributes {stable_mosaic.version = 14 : i64} {
  func.func @_t2_body(%arg0: i32, %arg1: memref<2x2000x128xf32, #tpu.memory_space<vmem>>, %arg2: memref<1x2000x128xf32, #tpu.memory_space<vmem>>, %arg3: memref<2x2000x16xf32, #tpu.memory_space<vmem>>, %arg4: memref<1x64xf32, #tpu.memory_space<vmem>>, %arg5: memref<1x2000x128xf32, #tpu.memory_space<vmem>>) attributes {dimension_semantics = [#tpu.dimension_semantics<arbitrary>], iteration_bounds = array<i64: 5>, scalar_prefetch = 0 : i64, scratch_operands = 0 : i64, tpu.core_type = #tpu.core_type<tc>, window_params = [{transform_indices = @transform_0, window_bounds = array<i64: 2, 2000, 128>}, {transform_indices = @transform_1, window_bounds = array<i64: 1, 2000, 128>}, {transform_indices = @transform_2, window_bounds = array<i64: 2, 2000, 16>}, {pipeline_mode = #tpu.pipeline_mode<synchronous>, transform_indices = @transform_3, window_bounds = array<i64: 1, 64>}, {transform_indices = @transform_4, window_bounds = array<i64: 1, 2000, 128>}]} {
    %get3A = arith.constant 0 : index
    %get3A_0 = arith.constant 0 : index
    %get3A_1 = arith.constant 0 : index
    %get3A_2 = vector.load %arg3[%get3A, %get3A_0, %get3A_1] : memref<2x2000x16xf32, #tpu.memory_space<vmem>>, vector<2x2000x16xf32>
    %slice3A = vector.extract_strided_slice %get3A_2 {offsets = [0, 0, 0], sizes = [1, 2000, 1], strides = [1, 1, 1]} : vector<2x2000x16xf32> to vector<1x2000x1xf32>
    %squeeze3A = vector.shape_cast %slice3A : vector<1x2000x1xf32> to vector<2000x1xf32>
    %slice3A_3 = vector.extract_strided_slice %get3A_2 {offsets = [1, 0, 0], sizes = [1, 2000, 1], strides = [1, 1, 1]} : vector<2x2000x16xf32> to vector<1x2000x1xf32>
    %squeeze3A_4 = vector.shape_cast %slice3A_3 : vector<1x2000x1xf32> to vector<2000x1xf32>
    %add3A = arith.addf %squeeze3A, %squeeze3A_4 : vector<2000x1xf32>
    %add3A_5 = arith.constant 1.000000e+00 : f32
    %add3A_6 = vector.broadcast %add3A_5 : f32 to vector<2000x1xf32>
    %add3A_7 = arith.addf %add3A, %add3A_6 : vector<2000x1xf32>
    %rsqrt3A = math.rsqrt %add3A_7 : vector<2000x1xf32>
    %get3A_8 = arith.constant 0 : index
    %get3A_9 = arith.constant 0 : index
    %get3A_10 = arith.constant 0 : index
    %get3A_11 = vector.load %arg1[%get3A_8, %get3A_9, %get3A_10] : memref<2x2000x128xf32, #tpu.memory_space<vmem>>, vector<1x2000x128xf32>
    %get3A_12 = vector.shape_cast %get3A_11 : vector<1x2000x128xf32> to vector<2000x128xf32>
    %get3A_13 = arith.constant 1 : index
    %get3A_14 = arith.constant 0 : index
    %get3A_15 = arith.constant 0 : index
    %get3A_16 = vector.load %arg1[%get3A_13, %get3A_14, %get3A_15] : memref<2x2000x128xf32, #tpu.memory_space<vmem>>, vector<1x2000x128xf32>
    %get3A_17 = vector.shape_cast %get3A_16 : vector<1x2000x128xf32> to vector<2000x128xf32>
    %add3A_18 = arith.addf %get3A_12, %get3A_17 : vector<2000x128xf32>
    %get3A_19 = arith.constant 0 : index
    %get3A_20 = arith.constant 0 : index
    %get3A_21 = arith.constant 0 : index
    %get3A_22 = vector.load %arg2[%get3A_19, %get3A_20, %get3A_21] : memref<1x2000x128xf32, #tpu.memory_space<vmem>>, vector<1x2000x128xf32>
    %get3A_23 = vector.shape_cast %get3A_22 : vector<1x2000x128xf32> to vector<2000x128xf32>
    %add3A_24 = arith.addf %add3A_18, %get3A_23 : vector<2000x128xf32>
    %mul3A = vector.broadcast %rsqrt3A : vector<2000x1xf32> to vector<2000x128xf32>
    %mul3A_25 = arith.mulf %mul3A, %add3A_24 : vector<2000x128xf32>
    %slice3A_26 = vector.extract_strided_slice %mul3A_25 {offsets = [0, 0], sizes = [2000, 64], strides = [1, 1]} : vector<2000x128xf32> to vector<2000x64xf32>
    %get3A_27 = arith.constant 0 : index
    %get3A_28 = arith.constant 0 : index
    %get3A_29 = vector.load %arg4[%get3A_27, %get3A_28] : memref<1x64xf32, #tpu.memory_space<vmem>>, vector<1x64xf32>
    %squeeze3A_30 = vector.shape_cast %get3A_29 : vector<1x64xf32> to vector<64xf32>
    %broadcast_in_dim3A = vector.shape_cast %squeeze3A_30 : vector<64xf32> to vector<1x64xf32>
    %add3A_31 = vector.broadcast %broadcast_in_dim3A : vector<1x64xf32> to vector<2000x64xf32>
    %add3A_32 = arith.addf %slice3A_26, %add3A_31 : vector<2000x64xf32>
    %max3A = arith.constant 0.000000e+00 : f32
    %max3A_33 = vector.broadcast %max3A : f32 to vector<2000x64xf32>
    %max3A_34 = arith.maximumf %add3A_32, %max3A_33 : vector<2000x64xf32>
    %mul3A_35 = vector.broadcast %rsqrt3A : vector<2000x1xf32> to vector<2000x64xf32>
    %mul3A_36 = arith.mulf %max3A_34, %mul3A_35 : vector<2000x64xf32>
    %broadcast_in_dim3A_37 = arith.constant 0.000000e+00 : f32
    %broadcast_in_dim3A_38 = vector.broadcast %broadcast_in_dim3A_37 : f32 to vector<2000x64xf32>
    %concatenate3A = tpu.concatenate %mul3A_36, %broadcast_in_dim3A_38 in 1 : vector<2000x64xf32>, vector<2000x64xf32> -> vector<2000x128xf32>
    %swap3A = arith.constant 0 : index
    %swap3A_39 = arith.constant 0 : index
    %swap3A_40 = arith.constant 0 : index
    %swap3A_41 = vector.load %arg5[%swap3A, %swap3A_39, %swap3A_40] : memref<1x2000x128xf32, #tpu.memory_space<vmem>>, vector<1x2000x128xf32>
    %swap3A_42 = vector.shape_cast %swap3A_41 : vector<1x2000x128xf32> to vector<2000x128xf32>
    %swap3A_43 = vector.shape_cast %concatenate3A : vector<2000x128xf32> to vector<1x2000x128xf32>
    tpu.vector_store %arg5[%swap3A, %swap3A_39, %swap3A_40], %swap3A_43 {strides = array<i32>} : memref<1x2000x128xf32, #tpu.memory_space<vmem>>, vector<1x2000x128xf32>,
    return
  }
  func.func @transform_0(%arg0: i32) -> (i32, i32, i32) {
    %c0_i32 = arith.constant 0 : i32
    %c0_i32_0 = arith.constant 0 : i32
    %c0_i32_1 = arith.constant 0 : i32
    return %c0_i32, %arg0, %c0_i32_0 : i32, i32, i32
  }
  func.func @transform_1(%arg0: i32) -> (i32, i32, i32) {
    %c0_i32 = arith.constant 0 : i32
    %c0_i32_0 = arith.constant 0 : i32
    %c0_i32_1 = arith.constant 0 : i32
    return %c0_i32, %arg0, %c0_i32_0 : i32, i32, i32
  }
  func.func @transform_2(%arg0: i32) -> (i32, i32, i32) {
    %c0_i32 = arith.constant 0 : i32
    %c0_i32_0 = arith.constant 0 : i32
    %c0_i32_1 = arith.constant 0 : i32
    return %c0_i32, %arg0, %c0_i32_0 : i32, i32, i32
  }
  func.func @transform_3(%arg0: i32) -> (i32, i32) {
    %c0_i32 = arith.constant 0 : i32
    %c0_i32_0 = arith.constant 0 : i32
    %c0_i32_1 = arith.constant 0 : i32
    return %c0_i32, %c0_i32_0 : i32, i32
  }
  func.func @transform_4(%arg0: i32) -> (i32, i32, i32) {
    %c0_i32 = arith.constant 0 : i32
    %c0_i32_0 = arith.constant 0 : i32
    %c0_i32_1 = arith.constant 0 : i32
    return %c0_i32, %arg0, %c0_i32_0 : i32, i32, i32
  }
}

module attributes {stable_mosaic.version = 14 : i64} {
  func.func @_t3_body(%arg0: i32, %arg1: memref<2x2000x128xf32, #tpu.memory_space<vmem>>, %arg2: memref<1x2000x128xf32, #tpu.memory_space<vmem>>, %arg3: memref<2x2000x16xf32, #tpu.memory_space<vmem>>, %arg4: memref<64x256xf32, #tpu.memory_space<vmem>>, %arg5: memref<1x256xf32, #tpu.memory_space<vmem>>, %arg6: memref<2x2000x128xf32, #tpu.memory_space<vmem>>) attributes {dimension_semantics = [#tpu.dimension_semantics<arbitrary>], iteration_bounds = array<i64: 5>, scalar_prefetch = 0 : i64, scratch_operands = 0 : i64, tpu.core_type = #tpu.core_type<tc>, window_params = [{transform_indices = @transform_0, window_bounds = array<i64: 2, 2000, 128>}, {transform_indices = @transform_1, window_bounds = array<i64: 1, 2000, 128>}, {transform_indices = @transform_2, window_bounds = array<i64: 2, 2000, 16>}, {pipeline_mode = #tpu.pipeline_mode<synchronous>, transform_indices = @transform_3, window_bounds = array<i64: 64, 256>}, {pipeline_mode = #tpu.pipeline_mode<synchronous>, transform_indices = @transform_4, window_bounds = array<i64: 1, 256>}, {transform_indices = @transform_5, window_bounds = array<i64: 2, 2000, 128>}]} {
    %get3A = arith.constant 0 : index
    %get3A_0 = arith.constant 0 : index
    %get3A_1 = arith.constant 0 : index
    %get3A_2 = vector.load %arg3[%get3A, %get3A_0, %get3A_1] : memref<2x2000x16xf32, #tpu.memory_space<vmem>>, vector<2x2000x16xf32>
    %slice3A = vector.extract_strided_slice %get3A_2 {offsets = [0, 0, 0], sizes = [1, 2000, 1], strides = [1, 1, 1]} : vector<2x2000x16xf32> to vector<1x2000x1xf32>
    %squeeze3A = vector.shape_cast %slice3A : vector<1x2000x1xf32> to vector<2000x1xf32>
    %slice3A_3 = vector.extract_strided_slice %get3A_2 {offsets = [1, 0, 0], sizes = [1, 2000, 1], strides = [1, 1, 1]} : vector<2x2000x16xf32> to vector<1x2000x1xf32>
    %squeeze3A_4 = vector.shape_cast %slice3A_3 : vector<1x2000x1xf32> to vector<2000x1xf32>
    %add3A = arith.addf %squeeze3A, %squeeze3A_4 : vector<2000x1xf32>
    %add3A_5 = arith.constant 1.000000e+00 : f32
    %add3A_6 = vector.broadcast %add3A_5 : f32 to vector<2000x1xf32>
    %add3A_7 = arith.addf %add3A, %add3A_6 : vector<2000x1xf32>
    %rsqrt3A = math.rsqrt %add3A_7 : vector<2000x1xf32>
    %get3A_8 = arith.constant 0 : index
    %get3A_9 = arith.constant 0 : index
    %get3A_10 = arith.constant 0 : index
    %get3A_11 = vector.load %arg1[%get3A_8, %get3A_9, %get3A_10] : memref<2x2000x128xf32, #tpu.memory_space<vmem>>, vector<1x2000x128xf32>
    %get3A_12 = vector.shape_cast %get3A_11 : vector<1x2000x128xf32> to vector<2000x128xf32>
    %get3A_13 = arith.constant 1 : index
    %get3A_14 = arith.constant 0 : index
    %get3A_15 = arith.constant 0 : index
    %get3A_16 = vector.load %arg1[%get3A_13, %get3A_14, %get3A_15] : memref<2x2000x128xf32, #tpu.memory_space<vmem>>, vector<1x2000x128xf32>
    %get3A_17 = vector.shape_cast %get3A_16 : vector<1x2000x128xf32> to vector<2000x128xf32>
    %add3A_18 = arith.addf %get3A_12, %get3A_17 : vector<2000x128xf32>
    %get3A_19 = arith.constant 0 : index
    %get3A_20 = arith.constant 0 : index
    %get3A_21 = arith.constant 0 : index
    %get3A_22 = vector.load %arg2[%get3A_19, %get3A_20, %get3A_21] : memref<1x2000x128xf32, #tpu.memory_space<vmem>>, vector<1x2000x128xf32>
    %get3A_23 = vector.shape_cast %get3A_22 : vector<1x2000x128xf32> to vector<2000x128xf32>
    %add3A_24 = arith.addf %add3A_18, %get3A_23 : vector<2000x128xf32>
    %mul3A = vector.broadcast %rsqrt3A : vector<2000x1xf32> to vector<2000x128xf32>
    %mul3A_25 = arith.mulf %mul3A, %add3A_24 : vector<2000x128xf32>
    %slice3A_26 = vector.extract_strided_slice %mul3A_25 {offsets = [0, 0], sizes = [2000, 64], strides = [1, 1]} : vector<2000x128xf32> to vector<2000x64xf32>
    %get3A_27 = arith.constant 0 : index
    %get3A_28 = arith.constant 0 : index
    %get3A_29 = vector.load %arg4[%get3A_27, %get3A_28] : memref<64x256xf32, #tpu.memory_space<vmem>>, vector<64x256xf32>
    %dot_general3A = arith.constant dense<0.000000e+00> : vector<2000x256xf32>
    %dot_general3A_30 = tpu.matmul %slice3A_26, %get3A_29, %dot_general3A {dimension_numbers = #tpu.dot_dimension_numbers<[1], [0], [0], [1], [0, 0, 1, 1], [], []>, transpose_lhs_hint = false} : vector<2000x64xf32>, vector<64x256xf32>, vector<2000x256xf32> -> vector<2000x256xf32>
    %get3A_31 = arith.constant 0 : index
    %get3A_32 = arith.constant 0 : index
    %get3A_33 = vector.load %arg5[%get3A_31, %get3A_32] : memref<1x256xf32, #tpu.memory_space<vmem>>, vector<1x256xf32>
    %squeeze3A_34 = vector.shape_cast %get3A_33 : vector<1x256xf32> to vector<256xf32>
    %broadcast_in_dim3A = vector.shape_cast %squeeze3A_34 : vector<256xf32> to vector<1x256xf32>
    %add3A_35 = vector.broadcast %broadcast_in_dim3A : vector<1x256xf32> to vector<2000x256xf32>
    %add3A_36 = arith.addf %dot_general3A_30, %add3A_35 : vector<2000x256xf32>
    %max3A = arith.constant 0.000000e+00 : f32
    %max3A_37 = vector.broadcast %max3A : f32 to vector<2000x256xf32>
    %max3A_38 = arith.maximumf %add3A_36, %max3A_37 : vector<2000x256xf32>
    %mul3A_39 = vector.broadcast %rsqrt3A : vector<2000x1xf32> to vector<2000x256xf32>
    %mul3A_40 = arith.mulf %max3A_38, %mul3A_39 : vector<2000x256xf32>
    %slice3A_41 = vector.extract_strided_slice %mul3A_40 {offsets = [0, 0], sizes = [2000, 128], strides = [1, 1]} : vector<2000x256xf32> to vector<2000x128xf32>
    %swap3A = arith.constant 0 : index
    %swap3A_42 = arith.constant 0 : index
    %swap3A_43 = arith.constant 0 : index
    %swap3A_44 = vector.load %arg6[%swap3A, %swap3A_42, %swap3A_43] : memref<2x2000x128xf32, #tpu.memory_space<vmem>>, vector<1x2000x128xf32>
    %swap3A_45 = vector.shape_cast %swap3A_44 : vector<1x2000x128xf32> to vector<2000x128xf32>
    %swap3A_46 = vector.shape_cast %slice3A_41 : vector<2000x128xf32> to vector<1x2000x128xf32>
    tpu.vector_store %arg6[%swap3A, %swap3A_42, %swap3A_43], %swap3A_46 {strides = array<i32>} : memref<2x2000x128xf32, #tpu.memory_space<vmem>>, vector<1x2000x128xf32>,
    %slice3A_47 = vector.extract_strided_slice %mul3A_40 {offsets = [0, 128], sizes = [2000, 128], strides = [1, 1]} : vector<2000x256xf32> to vector<2000x128xf32>
    %swap3A_48 = arith.constant 1 : index
    %swap3A_49 = arith.constant 0 : index
    %swap3A_50 = arith.constant 0 : index
    %swap3A_51 = vector.load %arg6[%swap3A_48, %swap3A_49, %swap3A_50] : memref<2x2000x128xf32, #tpu.memory_space<vmem>>, vector<1x2000x128xf32>
    %swap3A_52 = vector.shape_cast %swap3A_51 : vector<1x2000x128xf32> to vector<2000x128xf32>
    %swap3A_53 = vector.shape_cast %slice3A_47 : vector<2000x128xf32> to vector<1x2000x128xf32>
    tpu.vector_store %arg6[%swap3A_48, %swap3A_49, %swap3A_50], %swap3A_53 {strides = array<i32>} : memref<2x2000x128xf32, #tpu.memory_space<vmem>>, vector<1x2000x128xf32>,
    return
  }
  func.func @transform_0(%arg0: i32) -> (i32, i32, i32) {
    %c0_i32 = arith.constant 0 : i32
    %c0_i32_0 = arith.constant 0 : i32
    %c0_i32_1 = arith.constant 0 : i32
    return %c0_i32, %arg0, %c0_i32_0 : i32, i32, i32
  }
  func.func @transform_1(%arg0: i32) -> (i32, i32, i32) {
    %c0_i32 = arith.constant 0 : i32
    %c0_i32_0 = arith.constant 0 : i32
    %c0_i32_1 = arith.constant 0 : i32
    return %c0_i32, %arg0, %c0_i32_0 : i32, i32, i32
  }
  func.func @transform_2(%arg0: i32) -> (i32, i32, i32) {
    %c0_i32 = arith.constant 0 : i32
    %c0_i32_0 = arith.constant 0 : i32
    %c0_i32_1 = arith.constant 0 : i32
    return %c0_i32, %arg0, %c0_i32_0 : i32, i32, i32
  }
  func.func @transform_3(%arg0: i32) -> (i32, i32) {
    %c0_i32 = arith.constant 0 : i32
    %c0_i32_0 = arith.constant 0 : i32
    %c0_i32_1 = arith.constant 0 : i32
    return %c0_i32, %c0_i32_0 : i32, i32
  }
  func.func @transform_4(%arg0: i32) -> (i32, i32) {
    %c0_i32 = arith.constant 0 : i32
    %c0_i32_0 = arith.constant 0 : i32
    %c0_i32_1 = arith.constant 0 : i32
    return %c0_i32, %c0_i32_0 : i32, i32
  }
  func.func @transform_5(%arg0: i32) -> (i32, i32, i32) {
    %c0_i32 = arith.constant 0 : i32
    %c0_i32_0 = arith.constant 0 : i32
    %c0_i32_1 = arith.constant 0 : i32
    return %c0_i32, %arg0, %c0_i32_0 : i32, i32, i32
  }
}

module attributes {stable_mosaic.version = 14 : i64} {
  func.func @_pool_body(%arg0: i32, %arg1: memref<2x2000x128xf32, #tpu.memory_space<vmem>>, %arg2: memref<2x2000x128xf32, #tpu.memory_space<vmem>>, %arg3: memref<2x2000x16xf32, #tpu.memory_space<vmem>>, %arg4: memref<2x128x512xf32, #tpu.memory_space<vmem>>, %arg5: memref<1x512xf32, #tpu.memory_space<vmem>>, %arg6: memref<2000x1xi32, #tpu.memory_space<vmem>>, %arg7: memref<16x512xf32, #tpu.memory_space<vmem>>, %arg8: memref<16x512xf32, #tpu.memory_space<vmem>>) attributes {dimension_semantics = [#tpu.dimension_semantics<arbitrary>], iteration_bounds = array<i64: 5>, scalar_prefetch = 0 : i64, scratch_operands = 0 : i64, tpu.core_type = #tpu.core_type<tc>, window_params = [{transform_indices = @transform_0, window_bounds = array<i64: 2, 2000, 128>}, {transform_indices = @transform_1, window_bounds = array<i64: 2, 2000, 128>}, {transform_indices = @transform_2, window_bounds = array<i64: 2, 2000, 16>}, {pipeline_mode = #tpu.pipeline_mode<synchronous>, transform_indices = @transform_3, window_bounds = array<i64: 2, 128, 512>}, {pipeline_mode = #tpu.pipeline_mode<synchronous>, transform_indices = @transform_4, window_bounds = array<i64: 1, 512>}, {transform_indices = @transform_5, window_bounds = array<i64: 2000, 1>}, {pipeline_mode = #tpu.pipeline_mode<synchronous>, transform_indices = @transform_6, window_bounds = array<i64: 16, 512>}, {pipeline_mode = #tpu.pipeline_mode<synchronous>, transform_indices = @transform_7, window_bounds = array<i64: 16, 512>}]} {
    %get3A = arith.constant 0 : index
    %get3A_0 = arith.constant 0 : index
    %get3A_1 = arith.constant 0 : index
    %get3A_2 = vector.load %arg3[%get3A, %get3A_0, %get3A_1] : memref<2x2000x16xf32, #tpu.memory_space<vmem>>, vector<2x2000x16xf32>
    %slice3A = vector.extract_strided_slice %get3A_2 {offsets = [0, 0, 0], sizes = [1, 2000, 1], strides = [1, 1, 1]} : vector<2x2000x16xf32> to vector<1x2000x1xf32>
    %squeeze3A = vector.shape_cast %slice3A : vector<1x2000x1xf32> to vector<2000x1xf32>
    %slice3A_3 = vector.extract_strided_slice %get3A_2 {offsets = [1, 0, 0], sizes = [1, 2000, 1], strides = [1, 1, 1]} : vector<2x2000x16xf32> to vector<1x2000x1xf32>
    %squeeze3A_4 = vector.shape_cast %slice3A_3 : vector<1x2000x1xf32> to vector<2000x1xf32>
    %add3A = arith.addf %squeeze3A, %squeeze3A_4 : vector<2000x1xf32>
    %add3A_5 = arith.constant 1.000000e+00 : f32
    %add3A_6 = vector.broadcast %add3A_5 : f32 to vector<2000x1xf32>
    %add3A_7 = arith.addf %add3A, %add3A_6 : vector<2000x1xf32>
    %rsqrt3A = math.rsqrt %add3A_7 : vector<2000x1xf32>
    %broadcast_in_dim3A = arith.constant 0.000000e+00 : f32
    %broadcast_in_dim3A_8 = vector.broadcast %broadcast_in_dim3A : f32 to vector<2000x512xf32>
    %get3A_9 = arith.constant 0 : index
    %get3A_10 = arith.constant 0 : index
    %get3A_11 = arith.constant 0 : index
    %get3A_12 = vector.load %arg1[%get3A_9, %get3A_10, %get3A_11] : memref<2x2000x128xf32, #tpu.memory_space<vmem>>, vector<1x2000x128xf32>
    %get3A_13 = vector.shape_cast %get3A_12 : vector<1x2000x128xf32> to vector<2000x128xf32>
    %get3A_14 = arith.constant 0 : index
    %get3A_15 = arith.constant 0 : index
    %get3A_16 = arith.constant 0 : index
    %get3A_17 = vector.load %arg2[%get3A_14, %get3A_15, %get3A_16] : memref<2x2000x128xf32, #tpu.memory_space<vmem>>, vector<1x2000x128xf32>
    %get3A_18 = vector.shape_cast %get3A_17 : vector<1x2000x128xf32> to vector<2000x128xf32>
    %add3A_19 = arith.addf %get3A_13, %get3A_18 : vector<2000x128xf32>
    %mul3A = vector.broadcast %rsqrt3A : vector<2000x1xf32> to vector<2000x128xf32>
    %mul3A_20 = arith.mulf %mul3A, %add3A_19 : vector<2000x128xf32>
    %get3A_21 = arith.constant 0 : index
    %get3A_22 = arith.constant 0 : index
    %get3A_23 = arith.constant 0 : index
    %get3A_24 = vector.load %arg4[%get3A_21, %get3A_22, %get3A_23] : memref<2x128x512xf32, #tpu.memory_space<vmem>>, vector<1x128x512xf32>
    %get3A_25 = vector.shape_cast %get3A_24 : vector<1x128x512xf32> to vector<128x512xf32>
    %dot_general3A = arith.constant dense<0.000000e+00> : vector<2000x512xf32>
    %dot_general3A_26 = tpu.matmul %mul3A_20, %get3A_25, %dot_general3A {dimension_numbers = #tpu.dot_dimension_numbers<[1], [0], [0], [1], [0, 0, 1, 1], [], []>, transpose_lhs_hint = false} : vector<2000x128xf32>, vector<128x512xf32>, vector<2000x512xf32> -> vector<2000x512xf32>
    %add3A_27 = arith.addf %broadcast_in_dim3A_8, %dot_general3A_26 : vector<2000x512xf32>
    %get3A_28 = arith.constant 1 : index
    %get3A_29 = arith.constant 0 : index
    %get3A_30 = arith.constant 0 : index
    %get3A_31 = vector.load %arg1[%get3A_28, %get3A_29, %get3A_30] : memref<2x2000x128xf32, #tpu.memory_space<vmem>>, vector<1x2000x128xf32>
    %get3A_32 = vector.shape_cast %get3A_31 : vector<1x2000x128xf32> to vector<2000x128xf32>
    %get3A_33 = arith.constant 1 : index
    %get3A_34 = arith.constant 0 : index
    %get3A_35 = arith.constant 0 : index
    %get3A_36 = vector.load %arg2[%get3A_33, %get3A_34, %get3A_35] : memref<2x2000x128xf32, #tpu.memory_space<vmem>>, vector<1x2000x128xf32>
    %get3A_37 = vector.shape_cast %get3A_36 : vector<1x2000x128xf32> to vector<2000x128xf32>
    %add3A_38 = arith.addf %get3A_32, %get3A_37 : vector<2000x128xf32>
    %mul3A_39 = vector.broadcast %rsqrt3A : vector<2000x1xf32> to vector<2000x128xf32>
    %mul3A_40 = arith.mulf %mul3A_39, %add3A_38 : vector<2000x128xf32>
    %get3A_41 = arith.constant 1 : index
    %get3A_42 = arith.constant 0 : index
    %get3A_43 = arith.constant 0 : index
    %get3A_44 = vector.load %arg4[%get3A_41, %get3A_42, %get3A_43] : memref<2x128x512xf32, #tpu.memory_space<vmem>>, vector<1x128x512xf32>
    %get3A_45 = vector.shape_cast %get3A_44 : vector<1x128x512xf32> to vector<128x512xf32>
    %dot_general3A_46 = arith.constant dense<0.000000e+00> : vector<2000x512xf32>
    %dot_general3A_47 = tpu.matmul %mul3A_40, %get3A_45, %dot_general3A_46 {dimension_numbers = #tpu.dot_dimension_numbers<[1], [0], [0], [1], [0, 0, 1, 1], [], []>, transpose_lhs_hint = false} : vector<2000x128xf32>, vector<128x512xf32>, vector<2000x512xf32> -> vector<2000x512xf32>
    %add3A_48 = arith.addf %add3A_27, %dot_general3A_47 : vector<2000x512xf32>
    %get3A_49 = arith.constant 0 : index
    %get3A_50 = arith.constant 0 : index
    %get3A_51 = vector.load %arg5[%get3A_49, %get3A_50] : memref<1x512xf32, #tpu.memory_space<vmem>>, vector<1x512xf32>
    %squeeze3A_52 = vector.shape_cast %get3A_51 : vector<1x512xf32> to vector<512xf32>
    %broadcast_in_dim3A_53 = vector.shape_cast %squeeze3A_52 : vector<512xf32> to vector<1x512xf32>
    %add3A_54 = vector.broadcast %broadcast_in_dim3A_53 : vector<1x512xf32> to vector<2000x512xf32>
    %add3A_55 = arith.addf %add3A_48, %add3A_54 : vector<2000x512xf32>
    %max3A = arith.constant 0.000000e+00 : f32
    %max3A_56 = vector.broadcast %max3A : f32 to vector<2000x512xf32>
    %max3A_57 = arith.maximumf %add3A_55, %max3A_56 : vector<2000x512xf32>
    %eq3A = arith.constant 0 : i32
    %eq3A_58 = arith.cmpi eq, %arg0, %eq3A : i32
    %convert_element_type3A = arith.extui %eq3A_58 : i1 to i32
    %cond3A = arith.constant 0 : i32
    %cond3A_59 = arith.cmpi ne, %convert_element_type3A, %cond3A : i32
    scf.if %cond3A_59 {
      %broadcast_in_dim3A_650 = arith.constant 0.000000e+00 : f32
      %broadcast_in_dim3A_651 = vector.broadcast %broadcast_in_dim3A_650 : f32 to vector<16x512xf32>
      %swap3A_652 = arith.constant 0 : index
      %swap3A_653 = arith.constant 0 : index
      %swap3A_654 = vector.load %arg7[%swap3A_652, %swap3A_653] : memref<16x512xf32, #tpu.memory_space<vmem>>, vector<16x512xf32>
      tpu.vector_store %arg7[%swap3A_652, %swap3A_653], %broadcast_in_dim3A_651 {strides = array<i32>} : memref<16x512xf32, #tpu.memory_space<vmem>>, vector<16x512xf32>,
      %broadcast_in_dim3A_655 = arith.constant 0xFF800000 : f32
      %broadcast_in_dim3A_656 = vector.broadcast %broadcast_in_dim3A_655 : f32 to vector<16x512xf32>
      %swap3A_657 = arith.constant 0 : index
      %swap3A_658 = arith.constant 0 : index
      %swap3A_659 = vector.load %arg8[%swap3A_657, %swap3A_658] : memref<16x512xf32, #tpu.memory_space<vmem>>, vector<16x512xf32>
      tpu.vector_store %arg8[%swap3A_657, %swap3A_658], %broadcast_in_dim3A_656 {strides = array<i32>} : memref<16x512xf32, #tpu.memory_space<vmem>>, vector<16x512xf32>,
    } else {
    }
    %get3A_60 = arith.constant 0 : index
    %get3A_61 = arith.constant 0 : index
    %get3A_62 = vector.load %arg6[%get3A_60, %get3A_61] : memref<2000x1xi32, #tpu.memory_space<vmem>>, vector<2000x1xi32>
    %eq3A_63 = arith.constant 0 : i32
    %eq3A_64 = vector.broadcast %eq3A_63 : i32 to vector<2000x1xi32>
    %eq3A_65 = arith.cmpi eq, %get3A_62, %eq3A_64 : vector<2000x1xi32>
    %get3A_66 = arith.constant 0 : index
    %get3A_67 = arith.constant 0 : index
    %get3A_68 = vector.load %arg7[%get3A_66, %get3A_67] : memref<16x512xf32, #tpu.memory_space<vmem>>, vector<1x512xf32>
    %get3A_69 = vector.shape_cast %get3A_68 : vector<1x512xf32> to vector<512xf32>
    %jit3A = arith.constant 0.000000e+00 : f32
    %broadcast_in_dim3A_70 = vector.shape_cast %eq3A_65 : vector<2000x1xi1> to vector<2000x1xi1>
    %broadcast_in_dim3A_71 = vector.broadcast %broadcast_in_dim3A_70 : vector<2000x1xi1> to vector<2000x512xi1>
    %broadcast_in_dim3A_72 = vector.broadcast %jit3A : f32 to vector<2000x512xf32>
    %select_n3A = arith.select %broadcast_in_dim3A_71, %max3A_57, %broadcast_in_dim3A_72 : vector<2000x512xi1>, vector<2000x512xf32>
    %reduce_sum3A = arith.constant dense<0.000000e+00> : vector<512xf32>
    %reduce_sum3A_73 = vector.multi_reduction <add>, %select_n3A, %reduce_sum3A [0] : vector<2000x512xf32> to vector<512xf32>
    %add3A_74 = arith.addf %get3A_69, %reduce_sum3A_73 : vector<512xf32>
    %swap3A = arith.constant 0 : index
    %swap3A_75 = arith.constant 0 : index
    %swap3A_76 = vector.load %arg7[%swap3A, %swap3A_75] : memref<16x512xf32, #tpu.memory_space<vmem>>, vector<1x512xf32>
    %swap3A_77 = vector.shape_cast %swap3A_76 : vector<1x512xf32> to vector<512xf32>
    %swap3A_78 = vector.shape_cast %add3A_74 : vector<512xf32> to vector<1x512xf32>
    tpu.vector_store %arg7[%swap3A, %swap3A_75], %swap3A_78 {strides = array<i32>} : memref<16x512xf32, #tpu.memory_space<vmem>>, vector<1x512xf32>,
    %get3A_79 = arith.constant 0 : index
    %get3A_80 = arith.constant 0 : index
    %get3A_81 = vector.load %arg8[%get3A_79, %get3A_80] : memref<16x512xf32, #tpu.memory_space<vmem>>, vector<1x512xf32>
    %get3A_82 = vector.shape_cast %get3A_81 : vector<1x512xf32> to vector<512xf32>
    %jit3A_83 = arith.constant 0xFF800000 : f32
    %broadcast_in_dim3A_84 = vector.shape_cast %eq3A_65 : vector<2000x1xi1> to vector<2000x1xi1>
    %broadcast_in_dim3A_85 = vector.broadcast %broadcast_in_dim3A_84 : vector<2000x1xi1> to vector<2000x512xi1>
    %broadcast_in_dim3A_86 = vector.broadcast %jit3A_83 : f32 to vector<2000x512xf32>
    %select_n3A_87 = arith.select %broadcast_in_dim3A_85, %max3A_57, %broadcast_in_dim3A_86 : vector<2000x512xi1>, vector<2000x512xf32>
    %reduce_max3A = arith.constant dense<0xFF800000> : vector<512xf32>
    %reduce_max3A_88 = vector.multi_reduction <maximumf>, %select_n3A_87, %reduce_max3A [0] : vector<2000x512xf32> to vector<512xf32>
    %max3A_89 = arith.maximumf %get3A_82, %reduce_max3A_88 : vector<512xf32>
    %swap3A_90 = arith.constant 0 : index
    %swap3A_91 = arith.constant 0 : index
    %swap3A_92 = vector.load %arg8[%swap3A_90, %swap3A_91] : memref<16x512xf32, #tpu.memory_space<vmem>>, vector<1x512xf32>
    %swap3A_93 = vector.shape_cast %swap3A_92 : vector<1x512xf32> to vector<512xf32>
    %swap3A_94 = vector.shape_cast %max3A_89 : vector<512xf32> to vector<1x512xf32>
    tpu.vector_store %arg8[%swap3A_90, %swap3A_91], %swap3A_94 {strides = array<i32>} : memref<16x512xf32, #tpu.memory_space<vmem>>, vector<1x512xf32>,
    %eq3A_95 = arith.constant 1 : i32
    %eq3A_96 = vector.broadcast %eq3A_95 : i32 to vector<2000x1xi32>
    %eq3A_97 = arith.cmpi eq, %get3A_62, %eq3A_96 : vector<2000x1xi32>
    %get3A_98 = arith.constant 1 : index
    %get3A_99 = arith.constant 0 : index
    %get3A_100 = vector.load %arg7[%get3A_98, %get3A_99] : memref<16x512xf32, #tpu.memory_space<vmem>>, vector<1x512xf32>
    %get3A_101 = vector.shape_cast %get3A_100 : vector<1x512xf32> to vector<512xf32>
    %jit3A_102 = arith.constant 0.000000e+00 : f32
    %broadcast_in_dim3A_103 = vector.shape_cast %eq3A_97 : vector<2000x1xi1> to vector<2000x1xi1>
    %broadcast_in_dim3A_104 = vector.broadcast %broadcast_in_dim3A_103 : vector<2000x1xi1> to vector<2000x512xi1>
    %broadcast_in_dim3A_105 = vector.broadcast %jit3A_102 : f32 to vector<2000x512xf32>
    %select_n3A_106 = arith.select %broadcast_in_dim3A_104, %max3A_57, %broadcast_in_dim3A_105 : vector<2000x512xi1>, vector<2000x512xf32>
    %reduce_sum3A_107 = arith.constant dense<0.000000e+00> : vector<512xf32>
    %reduce_sum3A_108 = vector.multi_reduction <add>, %select_n3A_106, %reduce_sum3A_107 [0] : vector<2000x512xf32> to vector<512xf32>
    %add3A_109 = arith.addf %get3A_101, %reduce_sum3A_108 : vector<512xf32>
    %swap3A_110 = arith.constant 1 : index
    %swap3A_111 = arith.constant 0 : index
    %swap3A_112 = vector.load %arg7[%swap3A_110, %swap3A_111] : memref<16x512xf32, #tpu.memory_space<vmem>>, vector<1x512xf32>
    %swap3A_113 = vector.shape_cast %swap3A_112 : vector<1x512xf32> to vector<512xf32>
    %swap3A_114 = vector.shape_cast %add3A_109 : vector<512xf32> to vector<1x512xf32>
    tpu.vector_store %arg7[%swap3A_110, %swap3A_111], %swap3A_114 {strides = array<i32>} : memref<16x512xf32, #tpu.memory_space<vmem>>, vector<1x512xf32>,
    %get3A_115 = arith.constant 1 : index
    %get3A_116 = arith.constant 0 : index
    %get3A_117 = vector.load %arg8[%get3A_115, %get3A_116] : memref<16x512xf32, #tpu.memory_space<vmem>>, vector<1x512xf32>
    %get3A_118 = vector.shape_cast %get3A_117 : vector<1x512xf32> to vector<512xf32>
    %jit3A_119 = arith.constant 0xFF800000 : f32
    %broadcast_in_dim3A_120 = vector.shape_cast %eq3A_97 : vector<2000x1xi1> to vector<2000x1xi1>
    %broadcast_in_dim3A_121 = vector.broadcast %broadcast_in_dim3A_120 : vector<2000x1xi1> to vector<2000x512xi1>
    %broadcast_in_dim3A_122 = vector.broadcast %jit3A_119 : f32 to vector<2000x512xf32>
    %select_n3A_123 = arith.select %broadcast_in_dim3A_121, %max3A_57, %broadcast_in_dim3A_122 : vector<2000x512xi1>, vector<2000x512xf32>
    %reduce_max3A_124 = arith.constant dense<0xFF800000> : vector<512xf32>
    %reduce_max3A_125 = vector.multi_reduction <maximumf>, %select_n3A_123, %reduce_max3A_124 [0] : vector<2000x512xf32> to vector<512xf32>
    %max3A_126 = arith.maximumf %get3A_118, %reduce_max3A_125 : vector<512xf32>
    %swap3A_127 = arith.constant 1 : index
    %swap3A_128 = arith.constant 0 : index
    %swap3A_129 = vector.load %arg8[%swap3A_127, %swap3A_128] : memref<16x512xf32, #tpu.memory_space<vmem>>, vector<1x512xf32>
    %swap3A_130 = vector.shape_cast %swap3A_129 : vector<1x512xf32> to vector<512xf32>
    %swap3A_131 = vector.shape_cast %max3A_126 : vector<512xf32> to vector<1x512xf32>
    tpu.vector_store %arg8[%swap3A_127, %swap3A_128], %swap3A_131 {strides = array<i32>} : memref<16x512xf32, #tpu.memory_space<vmem>>, vector<1x512xf32>,
    %eq3A_132 = arith.constant 2 : i32
    %eq3A_133 = vector.broadcast %eq3A_132 : i32 to vector<2000x1xi32>
    %eq3A_134 = arith.cmpi eq, %get3A_62, %eq3A_133 : vector<2000x1xi32>
    %get3A_135 = arith.constant 2 : index
    %get3A_136 = arith.constant 0 : index
    %get3A_137 = vector.load %arg7[%get3A_135, %get3A_136] : memref<16x512xf32, #tpu.memory_space<vmem>>, vector<1x512xf32>
    %get3A_138 = vector.shape_cast %get3A_137 : vector<1x512xf32> to vector<512xf32>
    %jit3A_139 = arith.constant 0.000000e+00 : f32
    %broadcast_in_dim3A_140 = vector.shape_cast %eq3A_134 : vector<2000x1xi1> to vector<2000x1xi1>
    %broadcast_in_dim3A_141 = vector.broadcast %broadcast_in_dim3A_140 : vector<2000x1xi1> to vector<2000x512xi1>
    %broadcast_in_dim3A_142 = vector.broadcast %jit3A_139 : f32 to vector<2000x512xf32>
    %select_n3A_143 = arith.select %broadcast_in_dim3A_141, %max3A_57, %broadcast_in_dim3A_142 : vector<2000x512xi1>, vector<2000x512xf32>
    %reduce_sum3A_144 = arith.constant dense<0.000000e+00> : vector<512xf32>
    %reduce_sum3A_145 = vector.multi_reduction <add>, %select_n3A_143, %reduce_sum3A_144 [0] : vector<2000x512xf32> to vector<512xf32>
    %add3A_146 = arith.addf %get3A_138, %reduce_sum3A_145 : vector<512xf32>
    %swap3A_147 = arith.constant 2 : index
    %swap3A_148 = arith.constant 0 : index
    %swap3A_149 = vector.load %arg7[%swap3A_147, %swap3A_148] : memref<16x512xf32, #tpu.memory_space<vmem>>, vector<1x512xf32>
    %swap3A_150 = vector.shape_cast %swap3A_149 : vector<1x512xf32> to vector<512xf32>
    %swap3A_151 = vector.shape_cast %add3A_146 : vector<512xf32> to vector<1x512xf32>
    tpu.vector_store %arg7[%swap3A_147, %swap3A_148], %swap3A_151 {strides = array<i32>} : memref<16x512xf32, #tpu.memory_space<vmem>>, vector<1x512xf32>,
    %get3A_152 = arith.constant 2 : index
    %get3A_153 = arith.constant 0 : index
    %get3A_154 = vector.load %arg8[%get3A_152, %get3A_153] : memref<16x512xf32, #tpu.memory_space<vmem>>, vector<1x512xf32>
    %get3A_155 = vector.shape_cast %get3A_154 : vector<1x512xf32> to vector<512xf32>
    %jit3A_156 = arith.constant 0xFF800000 : f32
    %broadcast_in_dim3A_157 = vector.shape_cast %eq3A_134 : vector<2000x1xi1> to vector<2000x1xi1>
    %broadcast_in_dim3A_158 = vector.broadcast %broadcast_in_dim3A_157 : vector<2000x1xi1> to vector<2000x512xi1>
    %broadcast_in_dim3A_159 = vector.broadcast %jit3A_156 : f32 to vector<2000x512xf32>
    %select_n3A_160 = arith.select %broadcast_in_dim3A_158, %max3A_57, %broadcast_in_dim3A_159 : vector<2000x512xi1>, vector<2000x512xf32>
    %reduce_max3A_161 = arith.constant dense<0xFF800000> : vector<512xf32>
    %reduce_max3A_162 = vector.multi_reduction <maximumf>, %select_n3A_160, %reduce_max3A_161 [0] : vector<2000x512xf32> to vector<512xf32>
    %max3A_163 = arith.maximumf %get3A_155, %reduce_max3A_162 : vector<512xf32>
    %swap3A_164 = arith.constant 2 : index
    %swap3A_165 = arith.constant 0 : index
    %swap3A_166 = vector.load %arg8[%swap3A_164, %swap3A_165] : memref<16x512xf32, #tpu.memory_space<vmem>>, vector<1x512xf32>
    %swap3A_167 = vector.shape_cast %swap3A_166 : vector<1x512xf32> to vector<512xf32>
    %swap3A_168 = vector.shape_cast %max3A_163 : vector<512xf32> to vector<1x512xf32>
    tpu.vector_store %arg8[%swap3A_164, %swap3A_165], %swap3A_168 {strides = array<i32>} : memref<16x512xf32, #tpu.memory_space<vmem>>, vector<1x512xf32>,
    %eq3A_169 = arith.constant 3 : i32
    %eq3A_170 = vector.broadcast %eq3A_169 : i32 to vector<2000x1xi32>
    %eq3A_171 = arith.cmpi eq, %get3A_62, %eq3A_170 : vector<2000x1xi32>
    %get3A_172 = arith.constant 3 : index
    %get3A_173 = arith.constant 0 : index
    %get3A_174 = vector.load %arg7[%get3A_172, %get3A_173] : memref<16x512xf32, #tpu.memory_space<vmem>>, vector<1x512xf32>
    %get3A_175 = vector.shape_cast %get3A_174 : vector<1x512xf32> to vector<512xf32>
    %jit3A_176 = arith.constant 0.000000e+00 : f32
    %broadcast_in_dim3A_177 = vector.shape_cast %eq3A_171 : vector<2000x1xi1> to vector<2000x1xi1>
    %broadcast_in_dim3A_178 = vector.broadcast %broadcast_in_dim3A_177 : vector<2000x1xi1> to vector<2000x512xi1>
    %broadcast_in_dim3A_179 = vector.broadcast %jit3A_176 : f32 to vector<2000x512xf32>
    %select_n3A_180 = arith.select %broadcast_in_dim3A_178, %max3A_57, %broadcast_in_dim3A_179 : vector<2000x512xi1>, vector<2000x512xf32>
    %reduce_sum3A_181 = arith.constant dense<0.000000e+00> : vector<512xf32>
    %reduce_sum3A_182 = vector.multi_reduction <add>, %select_n3A_180, %reduce_sum3A_181 [0] : vector<2000x512xf32> to vector<512xf32>
    %add3A_183 = arith.addf %get3A_175, %reduce_sum3A_182 : vector<512xf32>
    %swap3A_184 = arith.constant 3 : index
    %swap3A_185 = arith.constant 0 : index
    %swap3A_186 = vector.load %arg7[%swap3A_184, %swap3A_185] : memref<16x512xf32, #tpu.memory_space<vmem>>, vector<1x512xf32>
    %swap3A_187 = vector.shape_cast %swap3A_186 : vector<1x512xf32> to vector<512xf32>
    %swap3A_188 = vector.shape_cast %add3A_183 : vector<512xf32> to vector<1x512xf32>
    tpu.vector_store %arg7[%swap3A_184, %swap3A_185], %swap3A_188 {strides = array<i32>} : memref<16x512xf32, #tpu.memory_space<vmem>>, vector<1x512xf32>,
    %get3A_189 = arith.constant 3 : index
    %get3A_190 = arith.constant 0 : index
    %get3A_191 = vector.load %arg8[%get3A_189, %get3A_190] : memref<16x512xf32, #tpu.memory_space<vmem>>, vector<1x512xf32>
    %get3A_192 = vector.shape_cast %get3A_191 : vector<1x512xf32> to vector<512xf32>
    %jit3A_193 = arith.constant 0xFF800000 : f32
    %broadcast_in_dim3A_194 = vector.shape_cast %eq3A_171 : vector<2000x1xi1> to vector<2000x1xi1>
    %broadcast_in_dim3A_195 = vector.broadcast %broadcast_in_dim3A_194 : vector<2000x1xi1> to vector<2000x512xi1>
    %broadcast_in_dim3A_196 = vector.broadcast %jit3A_193 : f32 to vector<2000x512xf32>
    %select_n3A_197 = arith.select %broadcast_in_dim3A_195, %max3A_57, %broadcast_in_dim3A_196 : vector<2000x512xi1>, vector<2000x512xf32>
    %reduce_max3A_198 = arith.constant dense<0xFF800000> : vector<512xf32>
    %reduce_max3A_199 = vector.multi_reduction <maximumf>, %select_n3A_197, %reduce_max3A_198 [0] : vector<2000x512xf32> to vector<512xf32>
    %max3A_200 = arith.maximumf %get3A_192, %reduce_max3A_199 : vector<512xf32>
    %swap3A_201 = arith.constant 3 : index
    %swap3A_202 = arith.constant 0 : index
    %swap3A_203 = vector.load %arg8[%swap3A_201, %swap3A_202] : memref<16x512xf32, #tpu.memory_space<vmem>>, vector<1x512xf32>
    %swap3A_204 = vector.shape_cast %swap3A_203 : vector<1x512xf32> to vector<512xf32>
    %swap3A_205 = vector.shape_cast %max3A_200 : vector<512xf32> to vector<1x512xf32>
    tpu.vector_store %arg8[%swap3A_201, %swap3A_202], %swap3A_205 {strides = array<i32>} : memref<16x512xf32, #tpu.memory_space<vmem>>, vector<1x512xf32>,
    %eq3A_206 = arith.constant 4 : i32
    %eq3A_207 = vector.broadcast %eq3A_206 : i32 to vector<2000x1xi32>
    %eq3A_208 = arith.cmpi eq, %get3A_62, %eq3A_207 : vector<2000x1xi32>
    %get3A_209 = arith.constant 4 : index
    %get3A_210 = arith.constant 0 : index
    %get3A_211 = vector.load %arg7[%get3A_209, %get3A_210] : memref<16x512xf32, #tpu.memory_space<vmem>>, vector<1x512xf32>
    %get3A_212 = vector.shape_cast %get3A_211 : vector<1x512xf32> to vector<512xf32>
    %jit3A_213 = arith.constant 0.000000e+00 : f32
    %broadcast_in_dim3A_214 = vector.shape_cast %eq3A_208 : vector<2000x1xi1> to vector<2000x1xi1>
    %broadcast_in_dim3A_215 = vector.broadcast %broadcast_in_dim3A_214 : vector<2000x1xi1> to vector<2000x512xi1>
    %broadcast_in_dim3A_216 = vector.broadcast %jit3A_213 : f32 to vector<2000x512xf32>
    %select_n3A_217 = arith.select %broadcast_in_dim3A_215, %max3A_57, %broadcast_in_dim3A_216 : vector<2000x512xi1>, vector<2000x512xf32>
    %reduce_sum3A_218 = arith.constant dense<0.000000e+00> : vector<512xf32>
    %reduce_sum3A_219 = vector.multi_reduction <add>, %select_n3A_217, %reduce_sum3A_218 [0] : vector<2000x512xf32> to vector<512xf32>
    %add3A_220 = arith.addf %get3A_212, %reduce_sum3A_219 : vector<512xf32>
    %swap3A_221 = arith.constant 4 : index
    %swap3A_222 = arith.constant 0 : index
    %swap3A_223 = vector.load %arg7[%swap3A_221, %swap3A_222] : memref<16x512xf32, #tpu.memory_space<vmem>>, vector<1x512xf32>
    %swap3A_224 = vector.shape_cast %swap3A_223 : vector<1x512xf32> to vector<512xf32>
    %swap3A_225 = vector.shape_cast %add3A_220 : vector<512xf32> to vector<1x512xf32>
    tpu.vector_store %arg7[%swap3A_221, %swap3A_222], %swap3A_225 {strides = array<i32>} : memref<16x512xf32, #tpu.memory_space<vmem>>, vector<1x512xf32>,
    %get3A_226 = arith.constant 4 : index
    %get3A_227 = arith.constant 0 : index
    %get3A_228 = vector.load %arg8[%get3A_226, %get3A_227] : memref<16x512xf32, #tpu.memory_space<vmem>>, vector<1x512xf32>
    %get3A_229 = vector.shape_cast %get3A_228 : vector<1x512xf32> to vector<512xf32>
    %jit3A_230 = arith.constant 0xFF800000 : f32
    %broadcast_in_dim3A_231 = vector.shape_cast %eq3A_208 : vector<2000x1xi1> to vector<2000x1xi1>
    %broadcast_in_dim3A_232 = vector.broadcast %broadcast_in_dim3A_231 : vector<2000x1xi1> to vector<2000x512xi1>
    %broadcast_in_dim3A_233 = vector.broadcast %jit3A_230 : f32 to vector<2000x512xf32>
    %select_n3A_234 = arith.select %broadcast_in_dim3A_232, %max3A_57, %broadcast_in_dim3A_233 : vector<2000x512xi1>, vector<2000x512xf32>
    %reduce_max3A_235 = arith.constant dense<0xFF800000> : vector<512xf32>
    %reduce_max3A_236 = vector.multi_reduction <maximumf>, %select_n3A_234, %reduce_max3A_235 [0] : vector<2000x512xf32> to vector<512xf32>
    %max3A_237 = arith.maximumf %get3A_229, %reduce_max3A_236 : vector<512xf32>
    %swap3A_238 = arith.constant 4 : index
    %swap3A_239 = arith.constant 0 : index
    %swap3A_240 = vector.load %arg8[%swap3A_238, %swap3A_239] : memref<16x512xf32, #tpu.memory_space<vmem>>, vector<1x512xf32>
    %swap3A_241 = vector.shape_cast %swap3A_240 : vector<1x512xf32> to vector<512xf32>
    %swap3A_242 = vector.shape_cast %max3A_237 : vector<512xf32> to vector<1x512xf32>
    tpu.vector_store %arg8[%swap3A_238, %swap3A_239], %swap3A_242 {strides = array<i32>} : memref<16x512xf32, #tpu.memory_space<vmem>>, vector<1x512xf32>,
    %eq3A_243 = arith.constant 5 : i32
    %eq3A_244 = vector.broadcast %eq3A_243 : i32 to vector<2000x1xi32>
    %eq3A_245 = arith.cmpi eq, %get3A_62, %eq3A_244 : vector<2000x1xi32>
    %get3A_246 = arith.constant 5 : index
    %get3A_247 = arith.constant 0 : index
    %get3A_248 = vector.load %arg7[%get3A_246, %get3A_247] : memref<16x512xf32, #tpu.memory_space<vmem>>, vector<1x512xf32>
    %get3A_249 = vector.shape_cast %get3A_248 : vector<1x512xf32> to vector<512xf32>
    %jit3A_250 = arith.constant 0.000000e+00 : f32
    %broadcast_in_dim3A_251 = vector.shape_cast %eq3A_245 : vector<2000x1xi1> to vector<2000x1xi1>
    %broadcast_in_dim3A_252 = vector.broadcast %broadcast_in_dim3A_251 : vector<2000x1xi1> to vector<2000x512xi1>
    %broadcast_in_dim3A_253 = vector.broadcast %jit3A_250 : f32 to vector<2000x512xf32>
    %select_n3A_254 = arith.select %broadcast_in_dim3A_252, %max3A_57, %broadcast_in_dim3A_253 : vector<2000x512xi1>, vector<2000x512xf32>
    %reduce_sum3A_255 = arith.constant dense<0.000000e+00> : vector<512xf32>
    %reduce_sum3A_256 = vector.multi_reduction <add>, %select_n3A_254, %reduce_sum3A_255 [0] : vector<2000x512xf32> to vector<512xf32>
    %add3A_257 = arith.addf %get3A_249, %reduce_sum3A_256 : vector<512xf32>
    %swap3A_258 = arith.constant 5 : index
    %swap3A_259 = arith.constant 0 : index
    %swap3A_260 = vector.load %arg7[%swap3A_258, %swap3A_259] : memref<16x512xf32, #tpu.memory_space<vmem>>, vector<1x512xf32>
    %swap3A_261 = vector.shape_cast %swap3A_260 : vector<1x512xf32> to vector<512xf32>
    %swap3A_262 = vector.shape_cast %add3A_257 : vector<512xf32> to vector<1x512xf32>
    tpu.vector_store %arg7[%swap3A_258, %swap3A_259], %swap3A_262 {strides = array<i32>} : memref<16x512xf32, #tpu.memory_space<vmem>>, vector<1x512xf32>,
    %get3A_263 = arith.constant 5 : index
    %get3A_264 = arith.constant 0 : index
    %get3A_265 = vector.load %arg8[%get3A_263, %get3A_264] : memref<16x512xf32, #tpu.memory_space<vmem>>, vector<1x512xf32>
    %get3A_266 = vector.shape_cast %get3A_265 : vector<1x512xf32> to vector<512xf32>
    %jit3A_267 = arith.constant 0xFF800000 : f32
    %broadcast_in_dim3A_268 = vector.shape_cast %eq3A_245 : vector<2000x1xi1> to vector<2000x1xi1>
    %broadcast_in_dim3A_269 = vector.broadcast %broadcast_in_dim3A_268 : vector<2000x1xi1> to vector<2000x512xi1>
    %broadcast_in_dim3A_270 = vector.broadcast %jit3A_267 : f32 to vector<2000x512xf32>
    %select_n3A_271 = arith.select %broadcast_in_dim3A_269, %max3A_57, %broadcast_in_dim3A_270 : vector<2000x512xi1>, vector<2000x512xf32>
    %reduce_max3A_272 = arith.constant dense<0xFF800000> : vector<512xf32>
    %reduce_max3A_273 = vector.multi_reduction <maximumf>, %select_n3A_271, %reduce_max3A_272 [0] : vector<2000x512xf32> to vector<512xf32>
    %max3A_274 = arith.maximumf %get3A_266, %reduce_max3A_273 : vector<512xf32>
    %swap3A_275 = arith.constant 5 : index
    %swap3A_276 = arith.constant 0 : index
    %swap3A_277 = vector.load %arg8[%swap3A_275, %swap3A_276] : memref<16x512xf32, #tpu.memory_space<vmem>>, vector<1x512xf32>
    %swap3A_278 = vector.shape_cast %swap3A_277 : vector<1x512xf32> to vector<512xf32>
    %swap3A_279 = vector.shape_cast %max3A_274 : vector<512xf32> to vector<1x512xf32>
    tpu.vector_store %arg8[%swap3A_275, %swap3A_276], %swap3A_279 {strides = array<i32>} : memref<16x512xf32, #tpu.memory_space<vmem>>, vector<1x512xf32>,
    %eq3A_280 = arith.constant 6 : i32
    %eq3A_281 = vector.broadcast %eq3A_280 : i32 to vector<2000x1xi32>
    %eq3A_282 = arith.cmpi eq, %get3A_62, %eq3A_281 : vector<2000x1xi32>
    %get3A_283 = arith.constant 6 : index
    %get3A_284 = arith.constant 0 : index
    %get3A_285 = vector.load %arg7[%get3A_283, %get3A_284] : memref<16x512xf32, #tpu.memory_space<vmem>>, vector<1x512xf32>
    %get3A_286 = vector.shape_cast %get3A_285 : vector<1x512xf32> to vector<512xf32>
    %jit3A_287 = arith.constant 0.000000e+00 : f32
    %broadcast_in_dim3A_288 = vector.shape_cast %eq3A_282 : vector<2000x1xi1> to vector<2000x1xi1>
    %broadcast_in_dim3A_289 = vector.broadcast %broadcast_in_dim3A_288 : vector<2000x1xi1> to vector<2000x512xi1>
    %broadcast_in_dim3A_290 = vector.broadcast %jit3A_287 : f32 to vector<2000x512xf32>
    %select_n3A_291 = arith.select %broadcast_in_dim3A_289, %max3A_57, %broadcast_in_dim3A_290 : vector<2000x512xi1>, vector<2000x512xf32>
    %reduce_sum3A_292 = arith.constant dense<0.000000e+00> : vector<512xf32>
    %reduce_sum3A_293 = vector.multi_reduction <add>, %select_n3A_291, %reduce_sum3A_292 [0] : vector<2000x512xf32> to vector<512xf32>
    %add3A_294 = arith.addf %get3A_286, %reduce_sum3A_293 : vector<512xf32>
    %swap3A_295 = arith.constant 6 : index
    %swap3A_296 = arith.constant 0 : index
    %swap3A_297 = vector.load %arg7[%swap3A_295, %swap3A_296] : memref<16x512xf32, #tpu.memory_space<vmem>>, vector<1x512xf32>
    %swap3A_298 = vector.shape_cast %swap3A_297 : vector<1x512xf32> to vector<512xf32>
    %swap3A_299 = vector.shape_cast %add3A_294 : vector<512xf32> to vector<1x512xf32>
    tpu.vector_store %arg7[%swap3A_295, %swap3A_296], %swap3A_299 {strides = array<i32>} : memref<16x512xf32, #tpu.memory_space<vmem>>, vector<1x512xf32>,
    %get3A_300 = arith.constant 6 : index
    %get3A_301 = arith.constant 0 : index
    %get3A_302 = vector.load %arg8[%get3A_300, %get3A_301] : memref<16x512xf32, #tpu.memory_space<vmem>>, vector<1x512xf32>
    %get3A_303 = vector.shape_cast %get3A_302 : vector<1x512xf32> to vector<512xf32>
    %jit3A_304 = arith.constant 0xFF800000 : f32
    %broadcast_in_dim3A_305 = vector.shape_cast %eq3A_282 : vector<2000x1xi1> to vector<2000x1xi1>
    %broadcast_in_dim3A_306 = vector.broadcast %broadcast_in_dim3A_305 : vector<2000x1xi1> to vector<2000x512xi1>
    %broadcast_in_dim3A_307 = vector.broadcast %jit3A_304 : f32 to vector<2000x512xf32>
    %select_n3A_308 = arith.select %broadcast_in_dim3A_306, %max3A_57, %broadcast_in_dim3A_307 : vector<2000x512xi1>, vector<2000x512xf32>
    %reduce_max3A_309 = arith.constant dense<0xFF800000> : vector<512xf32>
    %reduce_max3A_310 = vector.multi_reduction <maximumf>, %select_n3A_308, %reduce_max3A_309 [0] : vector<2000x512xf32> to vector<512xf32>
    %max3A_311 = arith.maximumf %get3A_303, %reduce_max3A_310 : vector<512xf32>
    %swap3A_312 = arith.constant 6 : index
    %swap3A_313 = arith.constant 0 : index
    %swap3A_314 = vector.load %arg8[%swap3A_312, %swap3A_313] : memref<16x512xf32, #tpu.memory_space<vmem>>, vector<1x512xf32>
    %swap3A_315 = vector.shape_cast %swap3A_314 : vector<1x512xf32> to vector<512xf32>
    %swap3A_316 = vector.shape_cast %max3A_311 : vector<512xf32> to vector<1x512xf32>
    tpu.vector_store %arg8[%swap3A_312, %swap3A_313], %swap3A_316 {strides = array<i32>} : memref<16x512xf32, #tpu.memory_space<vmem>>, vector<1x512xf32>,
    %eq3A_317 = arith.constant 7 : i32
    %eq3A_318 = vector.broadcast %eq3A_317 : i32 to vector<2000x1xi32>
    %eq3A_319 = arith.cmpi eq, %get3A_62, %eq3A_318 : vector<2000x1xi32>
    %get3A_320 = arith.constant 7 : index
    %get3A_321 = arith.constant 0 : index
    %get3A_322 = vector.load %arg7[%get3A_320, %get3A_321] : memref<16x512xf32, #tpu.memory_space<vmem>>, vector<1x512xf32>
    %get3A_323 = vector.shape_cast %get3A_322 : vector<1x512xf32> to vector<512xf32>
    %jit3A_324 = arith.constant 0.000000e+00 : f32
    %broadcast_in_dim3A_325 = vector.shape_cast %eq3A_319 : vector<2000x1xi1> to vector<2000x1xi1>
    %broadcast_in_dim3A_326 = vector.broadcast %broadcast_in_dim3A_325 : vector<2000x1xi1> to vector<2000x512xi1>
    %broadcast_in_dim3A_327 = vector.broadcast %jit3A_324 : f32 to vector<2000x512xf32>
    %select_n3A_328 = arith.select %broadcast_in_dim3A_326, %max3A_57, %broadcast_in_dim3A_327 : vector<2000x512xi1>, vector<2000x512xf32>
    %reduce_sum3A_329 = arith.constant dense<0.000000e+00> : vector<512xf32>
    %reduce_sum3A_330 = vector.multi_reduction <add>, %select_n3A_328, %reduce_sum3A_329 [0] : vector<2000x512xf32> to vector<512xf32>
    %add3A_331 = arith.addf %get3A_323, %reduce_sum3A_330 : vector<512xf32>
    %swap3A_332 = arith.constant 7 : index
    %swap3A_333 = arith.constant 0 : index
    %swap3A_334 = vector.load %arg7[%swap3A_332, %swap3A_333] : memref<16x512xf32, #tpu.memory_space<vmem>>, vector<1x512xf32>
    %swap3A_335 = vector.shape_cast %swap3A_334 : vector<1x512xf32> to vector<512xf32>
    %swap3A_336 = vector.shape_cast %add3A_331 : vector<512xf32> to vector<1x512xf32>
    tpu.vector_store %arg7[%swap3A_332, %swap3A_333], %swap3A_336 {strides = array<i32>} : memref<16x512xf32, #tpu.memory_space<vmem>>, vector<1x512xf32>,
    %get3A_337 = arith.constant 7 : index
    %get3A_338 = arith.constant 0 : index
    %get3A_339 = vector.load %arg8[%get3A_337, %get3A_338] : memref<16x512xf32, #tpu.memory_space<vmem>>, vector<1x512xf32>
    %get3A_340 = vector.shape_cast %get3A_339 : vector<1x512xf32> to vector<512xf32>
    %jit3A_341 = arith.constant 0xFF800000 : f32
    %broadcast_in_dim3A_342 = vector.shape_cast %eq3A_319 : vector<2000x1xi1> to vector<2000x1xi1>
    %broadcast_in_dim3A_343 = vector.broadcast %broadcast_in_dim3A_342 : vector<2000x1xi1> to vector<2000x512xi1>
    %broadcast_in_dim3A_344 = vector.broadcast %jit3A_341 : f32 to vector<2000x512xf32>
    %select_n3A_345 = arith.select %broadcast_in_dim3A_343, %max3A_57, %broadcast_in_dim3A_344 : vector<2000x512xi1>, vector<2000x512xf32>
    %reduce_max3A_346 = arith.constant dense<0xFF800000> : vector<512xf32>
    %reduce_max3A_347 = vector.multi_reduction <maximumf>, %select_n3A_345, %reduce_max3A_346 [0] : vector<2000x512xf32> to vector<512xf32>
    %max3A_348 = arith.maximumf %get3A_340, %reduce_max3A_347 : vector<512xf32>
    %swap3A_349 = arith.constant 7 : index
    %swap3A_350 = arith.constant 0 : index
    %swap3A_351 = vector.load %arg8[%swap3A_349, %swap3A_350] : memref<16x512xf32, #tpu.memory_space<vmem>>, vector<1x512xf32>
    %swap3A_352 = vector.shape_cast %swap3A_351 : vector<1x512xf32> to vector<512xf32>
    %swap3A_353 = vector.shape_cast %max3A_348 : vector<512xf32> to vector<1x512xf32>
    tpu.vector_store %arg8[%swap3A_349, %swap3A_350], %swap3A_353 {strides = array<i32>} : memref<16x512xf32, #tpu.memory_space<vmem>>, vector<1x512xf32>,
    %eq3A_354 = arith.constant 8 : i32
    %eq3A_355 = vector.broadcast %eq3A_354 : i32 to vector<2000x1xi32>
    %eq3A_356 = arith.cmpi eq, %get3A_62, %eq3A_355 : vector<2000x1xi32>
    %get3A_357 = arith.constant 8 : index
    %get3A_358 = arith.constant 0 : index
    %get3A_359 = vector.load %arg7[%get3A_357, %get3A_358] : memref<16x512xf32, #tpu.memory_space<vmem>>, vector<1x512xf32>
    %get3A_360 = vector.shape_cast %get3A_359 : vector<1x512xf32> to vector<512xf32>
    %jit3A_361 = arith.constant 0.000000e+00 : f32
    %broadcast_in_dim3A_362 = vector.shape_cast %eq3A_356 : vector<2000x1xi1> to vector<2000x1xi1>
    %broadcast_in_dim3A_363 = vector.broadcast %broadcast_in_dim3A_362 : vector<2000x1xi1> to vector<2000x512xi1>
    %broadcast_in_dim3A_364 = vector.broadcast %jit3A_361 : f32 to vector<2000x512xf32>
    %select_n3A_365 = arith.select %broadcast_in_dim3A_363, %max3A_57, %broadcast_in_dim3A_364 : vector<2000x512xi1>, vector<2000x512xf32>
    %reduce_sum3A_366 = arith.constant dense<0.000000e+00> : vector<512xf32>
    %reduce_sum3A_367 = vector.multi_reduction <add>, %select_n3A_365, %reduce_sum3A_366 [0] : vector<2000x512xf32> to vector<512xf32>
    %add3A_368 = arith.addf %get3A_360, %reduce_sum3A_367 : vector<512xf32>
    %swap3A_369 = arith.constant 8 : index
    %swap3A_370 = arith.constant 0 : index
    %swap3A_371 = vector.load %arg7[%swap3A_369, %swap3A_370] : memref<16x512xf32, #tpu.memory_space<vmem>>, vector<1x512xf32>
    %swap3A_372 = vector.shape_cast %swap3A_371 : vector<1x512xf32> to vector<512xf32>
    %swap3A_373 = vector.shape_cast %add3A_368 : vector<512xf32> to vector<1x512xf32>
    tpu.vector_store %arg7[%swap3A_369, %swap3A_370], %swap3A_373 {strides = array<i32>} : memref<16x512xf32, #tpu.memory_space<vmem>>, vector<1x512xf32>,
    %get3A_374 = arith.constant 8 : index
    %get3A_375 = arith.constant 0 : index
    %get3A_376 = vector.load %arg8[%get3A_374, %get3A_375] : memref<16x512xf32, #tpu.memory_space<vmem>>, vector<1x512xf32>
    %get3A_377 = vector.shape_cast %get3A_376 : vector<1x512xf32> to vector<512xf32>
    %jit3A_378 = arith.constant 0xFF800000 : f32
    %broadcast_in_dim3A_379 = vector.shape_cast %eq3A_356 : vector<2000x1xi1> to vector<2000x1xi1>
    %broadcast_in_dim3A_380 = vector.broadcast %broadcast_in_dim3A_379 : vector<2000x1xi1> to vector<2000x512xi1>
    %broadcast_in_dim3A_381 = vector.broadcast %jit3A_378 : f32 to vector<2000x512xf32>
    %select_n3A_382 = arith.select %broadcast_in_dim3A_380, %max3A_57, %broadcast_in_dim3A_381 : vector<2000x512xi1>, vector<2000x512xf32>
    %reduce_max3A_383 = arith.constant dense<0xFF800000> : vector<512xf32>
    %reduce_max3A_384 = vector.multi_reduction <maximumf>, %select_n3A_382, %reduce_max3A_383 [0] : vector<2000x512xf32> to vector<512xf32>
    %max3A_385 = arith.maximumf %get3A_377, %reduce_max3A_384 : vector<512xf32>
    %swap3A_386 = arith.constant 8 : index
    %swap3A_387 = arith.constant 0 : index
    %swap3A_388 = vector.load %arg8[%swap3A_386, %swap3A_387] : memref<16x512xf32, #tpu.memory_space<vmem>>, vector<1x512xf32>
    %swap3A_389 = vector.shape_cast %swap3A_388 : vector<1x512xf32> to vector<512xf32>
    %swap3A_390 = vector.shape_cast %max3A_385 : vector<512xf32> to vector<1x512xf32>
    tpu.vector_store %arg8[%swap3A_386, %swap3A_387], %swap3A_390 {strides = array<i32>} : memref<16x512xf32, #tpu.memory_space<vmem>>, vector<1x512xf32>,
    %eq3A_391 = arith.constant 9 : i32
    %eq3A_392 = vector.broadcast %eq3A_391 : i32 to vector<2000x1xi32>
    %eq3A_393 = arith.cmpi eq, %get3A_62, %eq3A_392 : vector<2000x1xi32>
    %get3A_394 = arith.constant 9 : index
    %get3A_395 = arith.constant 0 : index
    %get3A_396 = vector.load %arg7[%get3A_394, %get3A_395] : memref<16x512xf32, #tpu.memory_space<vmem>>, vector<1x512xf32>
    %get3A_397 = vector.shape_cast %get3A_396 : vector<1x512xf32> to vector<512xf32>
    %jit3A_398 = arith.constant 0.000000e+00 : f32
    %broadcast_in_dim3A_399 = vector.shape_cast %eq3A_393 : vector<2000x1xi1> to vector<2000x1xi1>
    %broadcast_in_dim3A_400 = vector.broadcast %broadcast_in_dim3A_399 : vector<2000x1xi1> to vector<2000x512xi1>
    %broadcast_in_dim3A_401 = vector.broadcast %jit3A_398 : f32 to vector<2000x512xf32>
    %select_n3A_402 = arith.select %broadcast_in_dim3A_400, %max3A_57, %broadcast_in_dim3A_401 : vector<2000x512xi1>, vector<2000x512xf32>
    %reduce_sum3A_403 = arith.constant dense<0.000000e+00> : vector<512xf32>
    %reduce_sum3A_404 = vector.multi_reduction <add>, %select_n3A_402, %reduce_sum3A_403 [0] : vector<2000x512xf32> to vector<512xf32>
    %add3A_405 = arith.addf %get3A_397, %reduce_sum3A_404 : vector<512xf32>
    %swap3A_406 = arith.constant 9 : index
    %swap3A_407 = arith.constant 0 : index
    %swap3A_408 = vector.load %arg7[%swap3A_406, %swap3A_407] : memref<16x512xf32, #tpu.memory_space<vmem>>, vector<1x512xf32>
    %swap3A_409 = vector.shape_cast %swap3A_408 : vector<1x512xf32> to vector<512xf32>
    %swap3A_410 = vector.shape_cast %add3A_405 : vector<512xf32> to vector<1x512xf32>
    tpu.vector_store %arg7[%swap3A_406, %swap3A_407], %swap3A_410 {strides = array<i32>} : memref<16x512xf32, #tpu.memory_space<vmem>>, vector<1x512xf32>,
    %get3A_411 = arith.constant 9 : index
    %get3A_412 = arith.constant 0 : index
    %get3A_413 = vector.load %arg8[%get3A_411, %get3A_412] : memref<16x512xf32, #tpu.memory_space<vmem>>, vector<1x512xf32>
    %get3A_414 = vector.shape_cast %get3A_413 : vector<1x512xf32> to vector<512xf32>
    %jit3A_415 = arith.constant 0xFF800000 : f32
    %broadcast_in_dim3A_416 = vector.shape_cast %eq3A_393 : vector<2000x1xi1> to vector<2000x1xi1>
    %broadcast_in_dim3A_417 = vector.broadcast %broadcast_in_dim3A_416 : vector<2000x1xi1> to vector<2000x512xi1>
    %broadcast_in_dim3A_418 = vector.broadcast %jit3A_415 : f32 to vector<2000x512xf32>
    %select_n3A_419 = arith.select %broadcast_in_dim3A_417, %max3A_57, %broadcast_in_dim3A_418 : vector<2000x512xi1>, vector<2000x512xf32>
    %reduce_max3A_420 = arith.constant dense<0xFF800000> : vector<512xf32>
    %reduce_max3A_421 = vector.multi_reduction <maximumf>, %select_n3A_419, %reduce_max3A_420 [0] : vector<2000x512xf32> to vector<512xf32>
    %max3A_422 = arith.maximumf %get3A_414, %reduce_max3A_421 : vector<512xf32>
    %swap3A_423 = arith.constant 9 : index
    %swap3A_424 = arith.constant 0 : index
    %swap3A_425 = vector.load %arg8[%swap3A_423, %swap3A_424] : memref<16x512xf32, #tpu.memory_space<vmem>>, vector<1x512xf32>
    %swap3A_426 = vector.shape_cast %swap3A_425 : vector<1x512xf32> to vector<512xf32>
    %swap3A_427 = vector.shape_cast %max3A_422 : vector<512xf32> to vector<1x512xf32>
    tpu.vector_store %arg8[%swap3A_423, %swap3A_424], %swap3A_427 {strides = array<i32>} : memref<16x512xf32, #tpu.memory_space<vmem>>, vector<1x512xf32>,
    %eq3A_428 = arith.constant 10 : i32
    %eq3A_429 = vector.broadcast %eq3A_428 : i32 to vector<2000x1xi32>
    %eq3A_430 = arith.cmpi eq, %get3A_62, %eq3A_429 : vector<2000x1xi32>
    %get3A_431 = arith.constant 10 : index
    %get3A_432 = arith.constant 0 : index
    %get3A_433 = vector.load %arg7[%get3A_431, %get3A_432] : memref<16x512xf32, #tpu.memory_space<vmem>>, vector<1x512xf32>
    %get3A_434 = vector.shape_cast %get3A_433 : vector<1x512xf32> to vector<512xf32>
    %jit3A_435 = arith.constant 0.000000e+00 : f32
    %broadcast_in_dim3A_436 = vector.shape_cast %eq3A_430 : vector<2000x1xi1> to vector<2000x1xi1>
    %broadcast_in_dim3A_437 = vector.broadcast %broadcast_in_dim3A_436 : vector<2000x1xi1> to vector<2000x512xi1>
    %broadcast_in_dim3A_438 = vector.broadcast %jit3A_435 : f32 to vector<2000x512xf32>
    %select_n3A_439 = arith.select %broadcast_in_dim3A_437, %max3A_57, %broadcast_in_dim3A_438 : vector<2000x512xi1>, vector<2000x512xf32>
    %reduce_sum3A_440 = arith.constant dense<0.000000e+00> : vector<512xf32>
    %reduce_sum3A_441 = vector.multi_reduction <add>, %select_n3A_439, %reduce_sum3A_440 [0] : vector<2000x512xf32> to vector<512xf32>
    %add3A_442 = arith.addf %get3A_434, %reduce_sum3A_441 : vector<512xf32>
    %swap3A_443 = arith.constant 10 : index
    %swap3A_444 = arith.constant 0 : index
    %swap3A_445 = vector.load %arg7[%swap3A_443, %swap3A_444] : memref<16x512xf32, #tpu.memory_space<vmem>>, vector<1x512xf32>
    %swap3A_446 = vector.shape_cast %swap3A_445 : vector<1x512xf32> to vector<512xf32>
    %swap3A_447 = vector.shape_cast %add3A_442 : vector<512xf32> to vector<1x512xf32>
    tpu.vector_store %arg7[%swap3A_443, %swap3A_444], %swap3A_447 {strides = array<i32>} : memref<16x512xf32, #tpu.memory_space<vmem>>, vector<1x512xf32>,
    %get3A_448 = arith.constant 10 : index
    %get3A_449 = arith.constant 0 : index
    %get3A_450 = vector.load %arg8[%get3A_448, %get3A_449] : memref<16x512xf32, #tpu.memory_space<vmem>>, vector<1x512xf32>
    %get3A_451 = vector.shape_cast %get3A_450 : vector<1x512xf32> to vector<512xf32>
    %jit3A_452 = arith.constant 0xFF800000 : f32
    %broadcast_in_dim3A_453 = vector.shape_cast %eq3A_430 : vector<2000x1xi1> to vector<2000x1xi1>
    %broadcast_in_dim3A_454 = vector.broadcast %broadcast_in_dim3A_453 : vector<2000x1xi1> to vector<2000x512xi1>
    %broadcast_in_dim3A_455 = vector.broadcast %jit3A_452 : f32 to vector<2000x512xf32>
    %select_n3A_456 = arith.select %broadcast_in_dim3A_454, %max3A_57, %broadcast_in_dim3A_455 : vector<2000x512xi1>, vector<2000x512xf32>
    %reduce_max3A_457 = arith.constant dense<0xFF800000> : vector<512xf32>
    %reduce_max3A_458 = vector.multi_reduction <maximumf>, %select_n3A_456, %reduce_max3A_457 [0] : vector<2000x512xf32> to vector<512xf32>
    %max3A_459 = arith.maximumf %get3A_451, %reduce_max3A_458 : vector<512xf32>
    %swap3A_460 = arith.constant 10 : index
    %swap3A_461 = arith.constant 0 : index
    %swap3A_462 = vector.load %arg8[%swap3A_460, %swap3A_461] : memref<16x512xf32, #tpu.memory_space<vmem>>, vector<1x512xf32>
    %swap3A_463 = vector.shape_cast %swap3A_462 : vector<1x512xf32> to vector<512xf32>
    %swap3A_464 = vector.shape_cast %max3A_459 : vector<512xf32> to vector<1x512xf32>
    tpu.vector_store %arg8[%swap3A_460, %swap3A_461], %swap3A_464 {strides = array<i32>} : memref<16x512xf32, #tpu.memory_space<vmem>>, vector<1x512xf32>,
    %eq3A_465 = arith.constant 11 : i32
    %eq3A_466 = vector.broadcast %eq3A_465 : i32 to vector<2000x1xi32>
    %eq3A_467 = arith.cmpi eq, %get3A_62, %eq3A_466 : vector<2000x1xi32>
    %get3A_468 = arith.constant 11 : index
    %get3A_469 = arith.constant 0 : index
    %get3A_470 = vector.load %arg7[%get3A_468, %get3A_469] : memref<16x512xf32, #tpu.memory_space<vmem>>, vector<1x512xf32>
    %get3A_471 = vector.shape_cast %get3A_470 : vector<1x512xf32> to vector<512xf32>
    %jit3A_472 = arith.constant 0.000000e+00 : f32
    %broadcast_in_dim3A_473 = vector.shape_cast %eq3A_467 : vector<2000x1xi1> to vector<2000x1xi1>
    %broadcast_in_dim3A_474 = vector.broadcast %broadcast_in_dim3A_473 : vector<2000x1xi1> to vector<2000x512xi1>
    %broadcast_in_dim3A_475 = vector.broadcast %jit3A_472 : f32 to vector<2000x512xf32>
    %select_n3A_476 = arith.select %broadcast_in_dim3A_474, %max3A_57, %broadcast_in_dim3A_475 : vector<2000x512xi1>, vector<2000x512xf32>
    %reduce_sum3A_477 = arith.constant dense<0.000000e+00> : vector<512xf32>
    %reduce_sum3A_478 = vector.multi_reduction <add>, %select_n3A_476, %reduce_sum3A_477 [0] : vector<2000x512xf32> to vector<512xf32>
    %add3A_479 = arith.addf %get3A_471, %reduce_sum3A_478 : vector<512xf32>
    %swap3A_480 = arith.constant 11 : index
    %swap3A_481 = arith.constant 0 : index
    %swap3A_482 = vector.load %arg7[%swap3A_480, %swap3A_481] : memref<16x512xf32, #tpu.memory_space<vmem>>, vector<1x512xf32>
    %swap3A_483 = vector.shape_cast %swap3A_482 : vector<1x512xf32> to vector<512xf32>
    %swap3A_484 = vector.shape_cast %add3A_479 : vector<512xf32> to vector<1x512xf32>
    tpu.vector_store %arg7[%swap3A_480, %swap3A_481], %swap3A_484 {strides = array<i32>} : memref<16x512xf32, #tpu.memory_space<vmem>>, vector<1x512xf32>,
    %get3A_485 = arith.constant 11 : index
    %get3A_486 = arith.constant 0 : index
    %get3A_487 = vector.load %arg8[%get3A_485, %get3A_486] : memref<16x512xf32, #tpu.memory_space<vmem>>, vector<1x512xf32>
    %get3A_488 = vector.shape_cast %get3A_487 : vector<1x512xf32> to vector<512xf32>
    %jit3A_489 = arith.constant 0xFF800000 : f32
    %broadcast_in_dim3A_490 = vector.shape_cast %eq3A_467 : vector<2000x1xi1> to vector<2000x1xi1>
    %broadcast_in_dim3A_491 = vector.broadcast %broadcast_in_dim3A_490 : vector<2000x1xi1> to vector<2000x512xi1>
    %broadcast_in_dim3A_492 = vector.broadcast %jit3A_489 : f32 to vector<2000x512xf32>
    %select_n3A_493 = arith.select %broadcast_in_dim3A_491, %max3A_57, %broadcast_in_dim3A_492 : vector<2000x512xi1>, vector<2000x512xf32>
    %reduce_max3A_494 = arith.constant dense<0xFF800000> : vector<512xf32>
    %reduce_max3A_495 = vector.multi_reduction <maximumf>, %select_n3A_493, %reduce_max3A_494 [0] : vector<2000x512xf32> to vector<512xf32>
    %max3A_496 = arith.maximumf %get3A_488, %reduce_max3A_495 : vector<512xf32>
    %swap3A_497 = arith.constant 11 : index
    %swap3A_498 = arith.constant 0 : index
    %swap3A_499 = vector.load %arg8[%swap3A_497, %swap3A_498] : memref<16x512xf32, #tpu.memory_space<vmem>>, vector<1x512xf32>
    %swap3A_500 = vector.shape_cast %swap3A_499 : vector<1x512xf32> to vector<512xf32>
    %swap3A_501 = vector.shape_cast %max3A_496 : vector<512xf32> to vector<1x512xf32>
    tpu.vector_store %arg8[%swap3A_497, %swap3A_498], %swap3A_501 {strides = array<i32>} : memref<16x512xf32, #tpu.memory_space<vmem>>, vector<1x512xf32>,
    %eq3A_502 = arith.constant 12 : i32
    %eq3A_503 = vector.broadcast %eq3A_502 : i32 to vector<2000x1xi32>
    %eq3A_504 = arith.cmpi eq, %get3A_62, %eq3A_503 : vector<2000x1xi32>
    %get3A_505 = arith.constant 12 : index
    %get3A_506 = arith.constant 0 : index
    %get3A_507 = vector.load %arg7[%get3A_505, %get3A_506] : memref<16x512xf32, #tpu.memory_space<vmem>>, vector<1x512xf32>
    %get3A_508 = vector.shape_cast %get3A_507 : vector<1x512xf32> to vector<512xf32>
    %jit3A_509 = arith.constant 0.000000e+00 : f32
    %broadcast_in_dim3A_510 = vector.shape_cast %eq3A_504 : vector<2000x1xi1> to vector<2000x1xi1>
    %broadcast_in_dim3A_511 = vector.broadcast %broadcast_in_dim3A_510 : vector<2000x1xi1> to vector<2000x512xi1>
    %broadcast_in_dim3A_512 = vector.broadcast %jit3A_509 : f32 to vector<2000x512xf32>
    %select_n3A_513 = arith.select %broadcast_in_dim3A_511, %max3A_57, %broadcast_in_dim3A_512 : vector<2000x512xi1>, vector<2000x512xf32>
    %reduce_sum3A_514 = arith.constant dense<0.000000e+00> : vector<512xf32>
    %reduce_sum3A_515 = vector.multi_reduction <add>, %select_n3A_513, %reduce_sum3A_514 [0] : vector<2000x512xf32> to vector<512xf32>
    %add3A_516 = arith.addf %get3A_508, %reduce_sum3A_515 : vector<512xf32>
    %swap3A_517 = arith.constant 12 : index
    %swap3A_518 = arith.constant 0 : index
    %swap3A_519 = vector.load %arg7[%swap3A_517, %swap3A_518] : memref<16x512xf32, #tpu.memory_space<vmem>>, vector<1x512xf32>
    %swap3A_520 = vector.shape_cast %swap3A_519 : vector<1x512xf32> to vector<512xf32>
    %swap3A_521 = vector.shape_cast %add3A_516 : vector<512xf32> to vector<1x512xf32>
    tpu.vector_store %arg7[%swap3A_517, %swap3A_518], %swap3A_521 {strides = array<i32>} : memref<16x512xf32, #tpu.memory_space<vmem>>, vector<1x512xf32>,
    %get3A_522 = arith.constant 12 : index
    %get3A_523 = arith.constant 0 : index
    %get3A_524 = vector.load %arg8[%get3A_522, %get3A_523] : memref<16x512xf32, #tpu.memory_space<vmem>>, vector<1x512xf32>
    %get3A_525 = vector.shape_cast %get3A_524 : vector<1x512xf32> to vector<512xf32>
    %jit3A_526 = arith.constant 0xFF800000 : f32
    %broadcast_in_dim3A_527 = vector.shape_cast %eq3A_504 : vector<2000x1xi1> to vector<2000x1xi1>
    %broadcast_in_dim3A_528 = vector.broadcast %broadcast_in_dim3A_527 : vector<2000x1xi1> to vector<2000x512xi1>
    %broadcast_in_dim3A_529 = vector.broadcast %jit3A_526 : f32 to vector<2000x512xf32>
    %select_n3A_530 = arith.select %broadcast_in_dim3A_528, %max3A_57, %broadcast_in_dim3A_529 : vector<2000x512xi1>, vector<2000x512xf32>
    %reduce_max3A_531 = arith.constant dense<0xFF800000> : vector<512xf32>
    %reduce_max3A_532 = vector.multi_reduction <maximumf>, %select_n3A_530, %reduce_max3A_531 [0] : vector<2000x512xf32> to vector<512xf32>
    %max3A_533 = arith.maximumf %get3A_525, %reduce_max3A_532 : vector<512xf32>
    %swap3A_534 = arith.constant 12 : index
    %swap3A_535 = arith.constant 0 : index
    %swap3A_536 = vector.load %arg8[%swap3A_534, %swap3A_535] : memref<16x512xf32, #tpu.memory_space<vmem>>, vector<1x512xf32>
    %swap3A_537 = vector.shape_cast %swap3A_536 : vector<1x512xf32> to vector<512xf32>
    %swap3A_538 = vector.shape_cast %max3A_533 : vector<512xf32> to vector<1x512xf32>
    tpu.vector_store %arg8[%swap3A_534, %swap3A_535], %swap3A_538 {strides = array<i32>} : memref<16x512xf32, #tpu.memory_space<vmem>>, vector<1x512xf32>,
    %eq3A_539 = arith.constant 13 : i32
    %eq3A_540 = vector.broadcast %eq3A_539 : i32 to vector<2000x1xi32>
    %eq3A_541 = arith.cmpi eq, %get3A_62, %eq3A_540 : vector<2000x1xi32>
    %get3A_542 = arith.constant 13 : index
    %get3A_543 = arith.constant 0 : index
    %get3A_544 = vector.load %arg7[%get3A_542, %get3A_543] : memref<16x512xf32, #tpu.memory_space<vmem>>, vector<1x512xf32>
    %get3A_545 = vector.shape_cast %get3A_544 : vector<1x512xf32> to vector<512xf32>
    %jit3A_546 = arith.constant 0.000000e+00 : f32
    %broadcast_in_dim3A_547 = vector.shape_cast %eq3A_541 : vector<2000x1xi1> to vector<2000x1xi1>
    %broadcast_in_dim3A_548 = vector.broadcast %broadcast_in_dim3A_547 : vector<2000x1xi1> to vector<2000x512xi1>
    %broadcast_in_dim3A_549 = vector.broadcast %jit3A_546 : f32 to vector<2000x512xf32>
    %select_n3A_550 = arith.select %broadcast_in_dim3A_548, %max3A_57, %broadcast_in_dim3A_549 : vector<2000x512xi1>, vector<2000x512xf32>
    %reduce_sum3A_551 = arith.constant dense<0.000000e+00> : vector<512xf32>
    %reduce_sum3A_552 = vector.multi_reduction <add>, %select_n3A_550, %reduce_sum3A_551 [0] : vector<2000x512xf32> to vector<512xf32>
    %add3A_553 = arith.addf %get3A_545, %reduce_sum3A_552 : vector<512xf32>
    %swap3A_554 = arith.constant 13 : index
    %swap3A_555 = arith.constant 0 : index
    %swap3A_556 = vector.load %arg7[%swap3A_554, %swap3A_555] : memref<16x512xf32, #tpu.memory_space<vmem>>, vector<1x512xf32>
    %swap3A_557 = vector.shape_cast %swap3A_556 : vector<1x512xf32> to vector<512xf32>
    %swap3A_558 = vector.shape_cast %add3A_553 : vector<512xf32> to vector<1x512xf32>
    tpu.vector_store %arg7[%swap3A_554, %swap3A_555], %swap3A_558 {strides = array<i32>} : memref<16x512xf32, #tpu.memory_space<vmem>>, vector<1x512xf32>,
    %get3A_559 = arith.constant 13 : index
    %get3A_560 = arith.constant 0 : index
    %get3A_561 = vector.load %arg8[%get3A_559, %get3A_560] : memref<16x512xf32, #tpu.memory_space<vmem>>, vector<1x512xf32>
    %get3A_562 = vector.shape_cast %get3A_561 : vector<1x512xf32> to vector<512xf32>
    %jit3A_563 = arith.constant 0xFF800000 : f32
    %broadcast_in_dim3A_564 = vector.shape_cast %eq3A_541 : vector<2000x1xi1> to vector<2000x1xi1>
    %broadcast_in_dim3A_565 = vector.broadcast %broadcast_in_dim3A_564 : vector<2000x1xi1> to vector<2000x512xi1>
    %broadcast_in_dim3A_566 = vector.broadcast %jit3A_563 : f32 to vector<2000x512xf32>
    %select_n3A_567 = arith.select %broadcast_in_dim3A_565, %max3A_57, %broadcast_in_dim3A_566 : vector<2000x512xi1>, vector<2000x512xf32>
    %reduce_max3A_568 = arith.constant dense<0xFF800000> : vector<512xf32>
    %reduce_max3A_569 = vector.multi_reduction <maximumf>, %select_n3A_567, %reduce_max3A_568 [0] : vector<2000x512xf32> to vector<512xf32>
    %max3A_570 = arith.maximumf %get3A_562, %reduce_max3A_569 : vector<512xf32>
    %swap3A_571 = arith.constant 13 : index
    %swap3A_572 = arith.constant 0 : index
    %swap3A_573 = vector.load %arg8[%swap3A_571, %swap3A_572] : memref<16x512xf32, #tpu.memory_space<vmem>>, vector<1x512xf32>
    %swap3A_574 = vector.shape_cast %swap3A_573 : vector<1x512xf32> to vector<512xf32>
    %swap3A_575 = vector.shape_cast %max3A_570 : vector<512xf32> to vector<1x512xf32>
    tpu.vector_store %arg8[%swap3A_571, %swap3A_572], %swap3A_575 {strides = array<i32>} : memref<16x512xf32, #tpu.memory_space<vmem>>, vector<1x512xf32>,
    %eq3A_576 = arith.constant 14 : i32
    %eq3A_577 = vector.broadcast %eq3A_576 : i32 to vector<2000x1xi32>
    %eq3A_578 = arith.cmpi eq, %get3A_62, %eq3A_577 : vector<2000x1xi32>
    %get3A_579 = arith.constant 14 : index
    %get3A_580 = arith.constant 0 : index
    %get3A_581 = vector.load %arg7[%get3A_579, %get3A_580] : memref<16x512xf32, #tpu.memory_space<vmem>>, vector<1x512xf32>
    %get3A_582 = vector.shape_cast %get3A_581 : vector<1x512xf32> to vector<512xf32>
    %jit3A_583 = arith.constant 0.000000e+00 : f32
    %broadcast_in_dim3A_584 = vector.shape_cast %eq3A_578 : vector<2000x1xi1> to vector<2000x1xi1>
    %broadcast_in_dim3A_585 = vector.broadcast %broadcast_in_dim3A_584 : vector<2000x1xi1> to vector<2000x512xi1>
    %broadcast_in_dim3A_586 = vector.broadcast %jit3A_583 : f32 to vector<2000x512xf32>
    %select_n3A_587 = arith.select %broadcast_in_dim3A_585, %max3A_57, %broadcast_in_dim3A_586 : vector<2000x512xi1>, vector<2000x512xf32>
    %reduce_sum3A_588 = arith.constant dense<0.000000e+00> : vector<512xf32>
    %reduce_sum3A_589 = vector.multi_reduction <add>, %select_n3A_587, %reduce_sum3A_588 [0] : vector<2000x512xf32> to vector<512xf32>
    %add3A_590 = arith.addf %get3A_582, %reduce_sum3A_589 : vector<512xf32>
    %swap3A_591 = arith.constant 14 : index
    %swap3A_592 = arith.constant 0 : index
    %swap3A_593 = vector.load %arg7[%swap3A_591, %swap3A_592] : memref<16x512xf32, #tpu.memory_space<vmem>>, vector<1x512xf32>
    %swap3A_594 = vector.shape_cast %swap3A_593 : vector<1x512xf32> to vector<512xf32>
    %swap3A_595 = vector.shape_cast %add3A_590 : vector<512xf32> to vector<1x512xf32>
    tpu.vector_store %arg7[%swap3A_591, %swap3A_592], %swap3A_595 {strides = array<i32>} : memref<16x512xf32, #tpu.memory_space<vmem>>, vector<1x512xf32>,
    %get3A_596 = arith.constant 14 : index
    %get3A_597 = arith.constant 0 : index
    %get3A_598 = vector.load %arg8[%get3A_596, %get3A_597] : memref<16x512xf32, #tpu.memory_space<vmem>>, vector<1x512xf32>
    %get3A_599 = vector.shape_cast %get3A_598 : vector<1x512xf32> to vector<512xf32>
    %jit3A_600 = arith.constant 0xFF800000 : f32
    %broadcast_in_dim3A_601 = vector.shape_cast %eq3A_578 : vector<2000x1xi1> to vector<2000x1xi1>
    %broadcast_in_dim3A_602 = vector.broadcast %broadcast_in_dim3A_601 : vector<2000x1xi1> to vector<2000x512xi1>
    %broadcast_in_dim3A_603 = vector.broadcast %jit3A_600 : f32 to vector<2000x512xf32>
    %select_n3A_604 = arith.select %broadcast_in_dim3A_602, %max3A_57, %broadcast_in_dim3A_603 : vector<2000x512xi1>, vector<2000x512xf32>
    %reduce_max3A_605 = arith.constant dense<0xFF800000> : vector<512xf32>
    %reduce_max3A_606 = vector.multi_reduction <maximumf>, %select_n3A_604, %reduce_max3A_605 [0] : vector<2000x512xf32> to vector<512xf32>
    %max3A_607 = arith.maximumf %get3A_599, %reduce_max3A_606 : vector<512xf32>
    %swap3A_608 = arith.constant 14 : index
    %swap3A_609 = arith.constant 0 : index
    %swap3A_610 = vector.load %arg8[%swap3A_608, %swap3A_609] : memref<16x512xf32, #tpu.memory_space<vmem>>, vector<1x512xf32>
    %swap3A_611 = vector.shape_cast %swap3A_610 : vector<1x512xf32> to vector<512xf32>
    %swap3A_612 = vector.shape_cast %max3A_607 : vector<512xf32> to vector<1x512xf32>
    tpu.vector_store %arg8[%swap3A_608, %swap3A_609], %swap3A_612 {strides = array<i32>} : memref<16x512xf32, #tpu.memory_space<vmem>>, vector<1x512xf32>,
    %eq3A_613 = arith.constant 15 : i32
    %eq3A_614 = vector.broadcast %eq3A_613 : i32 to vector<2000x1xi32>
    %eq3A_615 = arith.cmpi eq, %get3A_62, %eq3A_614 : vector<2000x1xi32>
    %get3A_616 = arith.constant 15 : index
    %get3A_617 = arith.constant 0 : index
    %get3A_618 = vector.load %arg7[%get3A_616, %get3A_617] : memref<16x512xf32, #tpu.memory_space<vmem>>, vector<1x512xf32>
    %get3A_619 = vector.shape_cast %get3A_618 : vector<1x512xf32> to vector<512xf32>
    %jit3A_620 = arith.constant 0.000000e+00 : f32
    %broadcast_in_dim3A_621 = vector.shape_cast %eq3A_615 : vector<2000x1xi1> to vector<2000x1xi1>
    %broadcast_in_dim3A_622 = vector.broadcast %broadcast_in_dim3A_621 : vector<2000x1xi1> to vector<2000x512xi1>
    %broadcast_in_dim3A_623 = vector.broadcast %jit3A_620 : f32 to vector<2000x512xf32>
    %select_n3A_624 = arith.select %broadcast_in_dim3A_622, %max3A_57, %broadcast_in_dim3A_623 : vector<2000x512xi1>, vector<2000x512xf32>
    %reduce_sum3A_625 = arith.constant dense<0.000000e+00> : vector<512xf32>
    %reduce_sum3A_626 = vector.multi_reduction <add>, %select_n3A_624, %reduce_sum3A_625 [0] : vector<2000x512xf32> to vector<512xf32>
    %add3A_627 = arith.addf %get3A_619, %reduce_sum3A_626 : vector<512xf32>
    %swap3A_628 = arith.constant 15 : index
    %swap3A_629 = arith.constant 0 : index
    %swap3A_630 = vector.load %arg7[%swap3A_628, %swap3A_629] : memref<16x512xf32, #tpu.memory_space<vmem>>, vector<1x512xf32>
    %swap3A_631 = vector.shape_cast %swap3A_630 : vector<1x512xf32> to vector<512xf32>
    %swap3A_632 = vector.shape_cast %add3A_627 : vector<512xf32> to vector<1x512xf32>
    tpu.vector_store %arg7[%swap3A_628, %swap3A_629], %swap3A_632 {strides = array<i32>} : memref<16x512xf32, #tpu.memory_space<vmem>>, vector<1x512xf32>,
    %get3A_633 = arith.constant 15 : index
    %get3A_634 = arith.constant 0 : index
    %get3A_635 = vector.load %arg8[%get3A_633, %get3A_634] : memref<16x512xf32, #tpu.memory_space<vmem>>, vector<1x512xf32>
    %get3A_636 = vector.shape_cast %get3A_635 : vector<1x512xf32> to vector<512xf32>
    %jit3A_637 = arith.constant 0xFF800000 : f32
    %broadcast_in_dim3A_638 = vector.shape_cast %eq3A_615 : vector<2000x1xi1> to vector<2000x1xi1>
    %broadcast_in_dim3A_639 = vector.broadcast %broadcast_in_dim3A_638 : vector<2000x1xi1> to vector<2000x512xi1>
    %broadcast_in_dim3A_640 = vector.broadcast %jit3A_637 : f32 to vector<2000x512xf32>
    %select_n3A_641 = arith.select %broadcast_in_dim3A_639, %max3A_57, %broadcast_in_dim3A_640 : vector<2000x512xi1>, vector<2000x512xf32>
    %reduce_max3A_642 = arith.constant dense<0xFF800000> : vector<512xf32>
    %reduce_max3A_643 = vector.multi_reduction <maximumf>, %select_n3A_641, %reduce_max3A_642 [0] : vector<2000x512xf32> to vector<512xf32>
    %max3A_644 = arith.maximumf %get3A_636, %reduce_max3A_643 : vector<512xf32>
    %swap3A_645 = arith.constant 15 : index
    %swap3A_646 = arith.constant 0 : index
    %swap3A_647 = vector.load %arg8[%swap3A_645, %swap3A_646] : memref<16x512xf32, #tpu.memory_space<vmem>>, vector<1x512xf32>
    %swap3A_648 = vector.shape_cast %swap3A_647 : vector<1x512xf32> to vector<512xf32>
    %swap3A_649 = vector.shape_cast %max3A_644 : vector<512xf32> to vector<1x512xf32>
    tpu.vector_store %arg8[%swap3A_645, %swap3A_646], %swap3A_649 {strides = array<i32>} : memref<16x512xf32, #tpu.memory_space<vmem>>, vector<1x512xf32>,
    return
  }
  func.func @transform_0(%arg0: i32) -> (i32, i32, i32) {
    %c0_i32 = arith.constant 0 : i32
    %c0_i32_0 = arith.constant 0 : i32
    %c0_i32_1 = arith.constant 0 : i32
    return %c0_i32, %arg0, %c0_i32_0 : i32, i32, i32
  }
  func.func @transform_1(%arg0: i32) -> (i32, i32, i32) {
    %c0_i32 = arith.constant 0 : i32
    %c0_i32_0 = arith.constant 0 : i32
    %c0_i32_1 = arith.constant 0 : i32
    return %c0_i32, %arg0, %c0_i32_0 : i32, i32, i32
  }
  func.func @transform_2(%arg0: i32) -> (i32, i32, i32) {
    %c0_i32 = arith.constant 0 : i32
    %c0_i32_0 = arith.constant 0 : i32
    %c0_i32_1 = arith.constant 0 : i32
    return %c0_i32, %arg0, %c0_i32_0 : i32, i32, i32
  }
  func.func @transform_3(%arg0: i32) -> (i32, i32, i32) {
    %c0_i32 = arith.constant 0 : i32
    %c0_i32_0 = arith.constant 0 : i32
    %c0_i32_1 = arith.constant 0 : i32
    %c0_i32_2 = arith.constant 0 : i32
    return %c0_i32, %c0_i32_0, %c0_i32_1 : i32, i32, i32
  }
  func.func @transform_4(%arg0: i32) -> (i32, i32) {
    %c0_i32 = arith.constant 0 : i32
    %c0_i32_0 = arith.constant 0 : i32
    %c0_i32_1 = arith.constant 0 : i32
    return %c0_i32, %c0_i32_0 : i32, i32
  }
  func.func @transform_5(%arg0: i32) -> (i32, i32) {
    %c0_i32 = arith.constant 0 : i32
    %c0_i32_0 = arith.constant 0 : i32
    return %arg0, %c0_i32 : i32, i32
  }
  func.func @transform_6(%arg0: i32) -> (i32, i32) {
    %c0_i32 = arith.constant 0 : i32
    %c0_i32_0 = arith.constant 0 : i32
    %c0_i32_1 = arith.constant 0 : i32
    return %c0_i32, %c0_i32_0 : i32, i32
  }
  func.func @transform_7(%arg0: i32) -> (i32, i32) {
    %c0_i32 = arith.constant 0 : i32
    %c0_i32_0 = arith.constant 0 : i32
    %c0_i32_1 = arith.constant 0 : i32
    return %c0_i32, %c0_i32_0 : i32, i32
  }
}

module attributes {stable_mosaic.version = 14 : i64} {
  func.func @_head_body(%arg0: memref<16x512xf32, #tpu.memory_space<vmem>>, %arg1: memref<16x512xf32, #tpu.memory_space<vmem>>, %arg2: memref<10000x1xi32, #tpu.memory_space<vmem>>, %arg3: memref<2x512x512xf32, #tpu.memory_space<vmem>>, %arg4: memref<1x512xf32, #tpu.memory_space<vmem>>, %arg5: memref<512x10xf32, #tpu.memory_space<vmem>>, %arg6: memref<1x10xf32, #tpu.memory_space<vmem>>, %arg7: memref<16x10xf32, #tpu.memory_space<vmem>>) attributes {dimension_semantics = [], scalar_prefetch = 0 : i64, scratch_operands = 0 : i64, tpu.core_type = #tpu.core_type<tc>} {
    %get3A = arith.constant 0 : index
    %get3A_0 = arith.constant 0 : index
    %get3A_1 = vector.load %arg2[%get3A, %get3A_0] : memref<10000x1xi32, #tpu.memory_space<vmem>>, vector<10000x1xi32>
    %iota3A = tpu.iota {dimensions = array<i32: 0>} : vector<16x1xi32>
    %broadcast_in_dim3A = arith.constant 0.000000e+00 : f32
    %broadcast_in_dim3A_2 = vector.broadcast %broadcast_in_dim3A : f32 to vector<16x1xf32>
    %eq3A = arith.constant 0 : i32
    %eq3A_3 = vector.broadcast %eq3A : i32 to vector<10000x1xi32>
    %eq3A_4 = arith.cmpi eq, %get3A_1, %eq3A_3 : vector<10000x1xi32>
    %jit3A = arith.constant 1.000000e+00 : f32
    %jit3A_5 = arith.constant 0.000000e+00 : f32
    %broadcast_in_dim3A_6 = vector.broadcast %jit3A : f32 to vector<10000x1xf32>
    %broadcast_in_dim3A_7 = vector.broadcast %jit3A_5 : f32 to vector<10000x1xf32>
    %select_n3A = arith.select %eq3A_4, %broadcast_in_dim3A_6, %broadcast_in_dim3A_7 : vector<10000x1xi1>, vector<10000x1xf32>
    %reduce_sum3A = vector.shape_cast %select_n3A : vector<10000x1xf32> to vector<1x10000x1xf32>
    %reduce_sum3A_8 = arith.constant dense<0.000000e+00> : vector<1xf32>
    %reduce_sum3A_9 = vector.multi_reduction <add>, %reduce_sum3A, %reduce_sum3A_8 [1, 2] : vector<1x10000x1xf32> to vector<1xf32>
    %reduce_sum3A_10 = vector.shape_cast %reduce_sum3A_9 : vector<1xf32> to vector<1x1x1xf32>
    %reduce_sum3A_11 = vector.extract %reduce_sum3A_10[0, 0, 0] : f32 from vector<1x1x1xf32>
    %eq3A_12 = arith.constant 0 : i32
    %eq3A_13 = vector.broadcast %eq3A_12 : i32 to vector<16x1xi32>
    %eq3A_14 = arith.cmpi eq, %iota3A, %eq3A_13 : vector<16x1xi32>
    %max3A = arith.constant 1.000000e+00 : f32
    %max3A_15 = arith.maximumf %reduce_sum3A_11, %max3A : f32
    %div3A = arith.constant 1.000000e+00 : f32
    %div3A_16 = arith.divf %div3A, %max3A_15 : f32
    %jit3A_17 = arith.constant 0.000000e+00 : f32
    %broadcast_in_dim3A_18 = vector.broadcast %div3A_16 : f32 to vector<16x1xf32>
    %broadcast_in_dim3A_19 = vector.broadcast %jit3A_17 : f32 to vector<16x1xf32>
    %select_n3A_20 = arith.select %eq3A_14, %broadcast_in_dim3A_18, %broadcast_in_dim3A_19 : vector<16x1xi1>, vector<16x1xf32>
    %add3A = arith.addf %broadcast_in_dim3A_2, %select_n3A_20 : vector<16x1xf32>
    %eq3A_21 = arith.constant 1 : i32
    %eq3A_22 = vector.broadcast %eq3A_21 : i32 to vector<10000x1xi32>
    %eq3A_23 = arith.cmpi eq, %get3A_1, %eq3A_22 : vector<10000x1xi32>
    %jit3A_24 = arith.constant 1.000000e+00 : f32
    %jit3A_25 = arith.constant 0.000000e+00 : f32
    %broadcast_in_dim3A_26 = vector.broadcast %jit3A_24 : f32 to vector<10000x1xf32>
    %broadcast_in_dim3A_27 = vector.broadcast %jit3A_25 : f32 to vector<10000x1xf32>
    %select_n3A_28 = arith.select %eq3A_23, %broadcast_in_dim3A_26, %broadcast_in_dim3A_27 : vector<10000x1xi1>, vector<10000x1xf32>
    %reduce_sum3A_29 = vector.shape_cast %select_n3A_28 : vector<10000x1xf32> to vector<1x10000x1xf32>
    %reduce_sum3A_30 = arith.constant dense<0.000000e+00> : vector<1xf32>
    %reduce_sum3A_31 = vector.multi_reduction <add>, %reduce_sum3A_29, %reduce_sum3A_30 [1, 2] : vector<1x10000x1xf32> to vector<1xf32>
    %reduce_sum3A_32 = vector.shape_cast %reduce_sum3A_31 : vector<1xf32> to vector<1x1x1xf32>
    %reduce_sum3A_33 = vector.extract %reduce_sum3A_32[0, 0, 0] : f32 from vector<1x1x1xf32>
    %eq3A_34 = arith.constant 1 : i32
    %eq3A_35 = vector.broadcast %eq3A_34 : i32 to vector<16x1xi32>
    %eq3A_36 = arith.cmpi eq, %iota3A, %eq3A_35 : vector<16x1xi32>
    %max3A_37 = arith.constant 1.000000e+00 : f32
    %max3A_38 = arith.maximumf %reduce_sum3A_33, %max3A_37 : f32
    %div3A_39 = arith.constant 1.000000e+00 : f32
    %div3A_40 = arith.divf %div3A_39, %max3A_38 : f32
    %jit3A_41 = arith.constant 0.000000e+00 : f32
    %broadcast_in_dim3A_42 = vector.broadcast %div3A_40 : f32 to vector<16x1xf32>
    %broadcast_in_dim3A_43 = vector.broadcast %jit3A_41 : f32 to vector<16x1xf32>
    %select_n3A_44 = arith.select %eq3A_36, %broadcast_in_dim3A_42, %broadcast_in_dim3A_43 : vector<16x1xi1>, vector<16x1xf32>
    %add3A_45 = arith.addf %add3A, %select_n3A_44 : vector<16x1xf32>
    %eq3A_46 = arith.constant 2 : i32
    %eq3A_47 = vector.broadcast %eq3A_46 : i32 to vector<10000x1xi32>
    %eq3A_48 = arith.cmpi eq, %get3A_1, %eq3A_47 : vector<10000x1xi32>
    %jit3A_49 = arith.constant 1.000000e+00 : f32
    %jit3A_50 = arith.constant 0.000000e+00 : f32
    %broadcast_in_dim3A_51 = vector.broadcast %jit3A_49 : f32 to vector<10000x1xf32>
    %broadcast_in_dim3A_52 = vector.broadcast %jit3A_50 : f32 to vector<10000x1xf32>
    %select_n3A_53 = arith.select %eq3A_48, %broadcast_in_dim3A_51, %broadcast_in_dim3A_52 : vector<10000x1xi1>, vector<10000x1xf32>
    %reduce_sum3A_54 = vector.shape_cast %select_n3A_53 : vector<10000x1xf32> to vector<1x10000x1xf32>
    %reduce_sum3A_55 = arith.constant dense<0.000000e+00> : vector<1xf32>
    %reduce_sum3A_56 = vector.multi_reduction <add>, %reduce_sum3A_54, %reduce_sum3A_55 [1, 2] : vector<1x10000x1xf32> to vector<1xf32>
    %reduce_sum3A_57 = vector.shape_cast %reduce_sum3A_56 : vector<1xf32> to vector<1x1x1xf32>
    %reduce_sum3A_58 = vector.extract %reduce_sum3A_57[0, 0, 0] : f32 from vector<1x1x1xf32>
    %eq3A_59 = arith.constant 2 : i32
    %eq3A_60 = vector.broadcast %eq3A_59 : i32 to vector<16x1xi32>
    %eq3A_61 = arith.cmpi eq, %iota3A, %eq3A_60 : vector<16x1xi32>
    %max3A_62 = arith.constant 1.000000e+00 : f32
    %max3A_63 = arith.maximumf %reduce_sum3A_58, %max3A_62 : f32
    %div3A_64 = arith.constant 1.000000e+00 : f32
    %div3A_65 = arith.divf %div3A_64, %max3A_63 : f32
    %jit3A_66 = arith.constant 0.000000e+00 : f32
    %broadcast_in_dim3A_67 = vector.broadcast %div3A_65 : f32 to vector<16x1xf32>
    %broadcast_in_dim3A_68 = vector.broadcast %jit3A_66 : f32 to vector<16x1xf32>
    %select_n3A_69 = arith.select %eq3A_61, %broadcast_in_dim3A_67, %broadcast_in_dim3A_68 : vector<16x1xi1>, vector<16x1xf32>
    %add3A_70 = arith.addf %add3A_45, %select_n3A_69 : vector<16x1xf32>
    %eq3A_71 = arith.constant 3 : i32
    %eq3A_72 = vector.broadcast %eq3A_71 : i32 to vector<10000x1xi32>
    %eq3A_73 = arith.cmpi eq, %get3A_1, %eq3A_72 : vector<10000x1xi32>
    %jit3A_74 = arith.constant 1.000000e+00 : f32
    %jit3A_75 = arith.constant 0.000000e+00 : f32
    %broadcast_in_dim3A_76 = vector.broadcast %jit3A_74 : f32 to vector<10000x1xf32>
    %broadcast_in_dim3A_77 = vector.broadcast %jit3A_75 : f32 to vector<10000x1xf32>
    %select_n3A_78 = arith.select %eq3A_73, %broadcast_in_dim3A_76, %broadcast_in_dim3A_77 : vector<10000x1xi1>, vector<10000x1xf32>
    %reduce_sum3A_79 = vector.shape_cast %select_n3A_78 : vector<10000x1xf32> to vector<1x10000x1xf32>
    %reduce_sum3A_80 = arith.constant dense<0.000000e+00> : vector<1xf32>
    %reduce_sum3A_81 = vector.multi_reduction <add>, %reduce_sum3A_79, %reduce_sum3A_80 [1, 2] : vector<1x10000x1xf32> to vector<1xf32>
    %reduce_sum3A_82 = vector.shape_cast %reduce_sum3A_81 : vector<1xf32> to vector<1x1x1xf32>
    %reduce_sum3A_83 = vector.extract %reduce_sum3A_82[0, 0, 0] : f32 from vector<1x1x1xf32>
    %eq3A_84 = arith.constant 3 : i32
    %eq3A_85 = vector.broadcast %eq3A_84 : i32 to vector<16x1xi32>
    %eq3A_86 = arith.cmpi eq, %iota3A, %eq3A_85 : vector<16x1xi32>
    %max3A_87 = arith.constant 1.000000e+00 : f32
    %max3A_88 = arith.maximumf %reduce_sum3A_83, %max3A_87 : f32
    %div3A_89 = arith.constant 1.000000e+00 : f32
    %div3A_90 = arith.divf %div3A_89, %max3A_88 : f32
    %jit3A_91 = arith.constant 0.000000e+00 : f32
    %broadcast_in_dim3A_92 = vector.broadcast %div3A_90 : f32 to vector<16x1xf32>
    %broadcast_in_dim3A_93 = vector.broadcast %jit3A_91 : f32 to vector<16x1xf32>
    %select_n3A_94 = arith.select %eq3A_86, %broadcast_in_dim3A_92, %broadcast_in_dim3A_93 : vector<16x1xi1>, vector<16x1xf32>
    %add3A_95 = arith.addf %add3A_70, %select_n3A_94 : vector<16x1xf32>
    %eq3A_96 = arith.constant 4 : i32
    %eq3A_97 = vector.broadcast %eq3A_96 : i32 to vector<10000x1xi32>
    %eq3A_98 = arith.cmpi eq, %get3A_1, %eq3A_97 : vector<10000x1xi32>
    %jit3A_99 = arith.constant 1.000000e+00 : f32
    %jit3A_100 = arith.constant 0.000000e+00 : f32
    %broadcast_in_dim3A_101 = vector.broadcast %jit3A_99 : f32 to vector<10000x1xf32>
    %broadcast_in_dim3A_102 = vector.broadcast %jit3A_100 : f32 to vector<10000x1xf32>
    %select_n3A_103 = arith.select %eq3A_98, %broadcast_in_dim3A_101, %broadcast_in_dim3A_102 : vector<10000x1xi1>, vector<10000x1xf32>
    %reduce_sum3A_104 = vector.shape_cast %select_n3A_103 : vector<10000x1xf32> to vector<1x10000x1xf32>
    %reduce_sum3A_105 = arith.constant dense<0.000000e+00> : vector<1xf32>
    %reduce_sum3A_106 = vector.multi_reduction <add>, %reduce_sum3A_104, %reduce_sum3A_105 [1, 2] : vector<1x10000x1xf32> to vector<1xf32>
    %reduce_sum3A_107 = vector.shape_cast %reduce_sum3A_106 : vector<1xf32> to vector<1x1x1xf32>
    %reduce_sum3A_108 = vector.extract %reduce_sum3A_107[0, 0, 0] : f32 from vector<1x1x1xf32>
    %eq3A_109 = arith.constant 4 : i32
    %eq3A_110 = vector.broadcast %eq3A_109 : i32 to vector<16x1xi32>
    %eq3A_111 = arith.cmpi eq, %iota3A, %eq3A_110 : vector<16x1xi32>
    %max3A_112 = arith.constant 1.000000e+00 : f32
    %max3A_113 = arith.maximumf %reduce_sum3A_108, %max3A_112 : f32
    %div3A_114 = arith.constant 1.000000e+00 : f32
    %div3A_115 = arith.divf %div3A_114, %max3A_113 : f32
    %jit3A_116 = arith.constant 0.000000e+00 : f32
    %broadcast_in_dim3A_117 = vector.broadcast %div3A_115 : f32 to vector<16x1xf32>
    %broadcast_in_dim3A_118 = vector.broadcast %jit3A_116 : f32 to vector<16x1xf32>
    %select_n3A_119 = arith.select %eq3A_111, %broadcast_in_dim3A_117, %broadcast_in_dim3A_118 : vector<16x1xi1>, vector<16x1xf32>
    %add3A_120 = arith.addf %add3A_95, %select_n3A_119 : vector<16x1xf32>
    %eq3A_121 = arith.constant 5 : i32
    %eq3A_122 = vector.broadcast %eq3A_121 : i32 to vector<10000x1xi32>
    %eq3A_123 = arith.cmpi eq, %get3A_1, %eq3A_122 : vector<10000x1xi32>
    %jit3A_124 = arith.constant 1.000000e+00 : f32
    %jit3A_125 = arith.constant 0.000000e+00 : f32
    %broadcast_in_dim3A_126 = vector.broadcast %jit3A_124 : f32 to vector<10000x1xf32>
    %broadcast_in_dim3A_127 = vector.broadcast %jit3A_125 : f32 to vector<10000x1xf32>
    %select_n3A_128 = arith.select %eq3A_123, %broadcast_in_dim3A_126, %broadcast_in_dim3A_127 : vector<10000x1xi1>, vector<10000x1xf32>
    %reduce_sum3A_129 = vector.shape_cast %select_n3A_128 : vector<10000x1xf32> to vector<1x10000x1xf32>
    %reduce_sum3A_130 = arith.constant dense<0.000000e+00> : vector<1xf32>
    %reduce_sum3A_131 = vector.multi_reduction <add>, %reduce_sum3A_129, %reduce_sum3A_130 [1, 2] : vector<1x10000x1xf32> to vector<1xf32>
    %reduce_sum3A_132 = vector.shape_cast %reduce_sum3A_131 : vector<1xf32> to vector<1x1x1xf32>
    %reduce_sum3A_133 = vector.extract %reduce_sum3A_132[0, 0, 0] : f32 from vector<1x1x1xf32>
    %eq3A_134 = arith.constant 5 : i32
    %eq3A_135 = vector.broadcast %eq3A_134 : i32 to vector<16x1xi32>
    %eq3A_136 = arith.cmpi eq, %iota3A, %eq3A_135 : vector<16x1xi32>
    %max3A_137 = arith.constant 1.000000e+00 : f32
    %max3A_138 = arith.maximumf %reduce_sum3A_133, %max3A_137 : f32
    %div3A_139 = arith.constant 1.000000e+00 : f32
    %div3A_140 = arith.divf %div3A_139, %max3A_138 : f32
    %jit3A_141 = arith.constant 0.000000e+00 : f32
    %broadcast_in_dim3A_142 = vector.broadcast %div3A_140 : f32 to vector<16x1xf32>
    %broadcast_in_dim3A_143 = vector.broadcast %jit3A_141 : f32 to vector<16x1xf32>
    %select_n3A_144 = arith.select %eq3A_136, %broadcast_in_dim3A_142, %broadcast_in_dim3A_143 : vector<16x1xi1>, vector<16x1xf32>
    %add3A_145 = arith.addf %add3A_120, %select_n3A_144 : vector<16x1xf32>
    %eq3A_146 = arith.constant 6 : i32
    %eq3A_147 = vector.broadcast %eq3A_146 : i32 to vector<10000x1xi32>
    %eq3A_148 = arith.cmpi eq, %get3A_1, %eq3A_147 : vector<10000x1xi32>
    %jit3A_149 = arith.constant 1.000000e+00 : f32
    %jit3A_150 = arith.constant 0.000000e+00 : f32
    %broadcast_in_dim3A_151 = vector.broadcast %jit3A_149 : f32 to vector<10000x1xf32>
    %broadcast_in_dim3A_152 = vector.broadcast %jit3A_150 : f32 to vector<10000x1xf32>
    %select_n3A_153 = arith.select %eq3A_148, %broadcast_in_dim3A_151, %broadcast_in_dim3A_152 : vector<10000x1xi1>, vector<10000x1xf32>
    %reduce_sum3A_154 = vector.shape_cast %select_n3A_153 : vector<10000x1xf32> to vector<1x10000x1xf32>
    %reduce_sum3A_155 = arith.constant dense<0.000000e+00> : vector<1xf32>
    %reduce_sum3A_156 = vector.multi_reduction <add>, %reduce_sum3A_154, %reduce_sum3A_155 [1, 2] : vector<1x10000x1xf32> to vector<1xf32>
    %reduce_sum3A_157 = vector.shape_cast %reduce_sum3A_156 : vector<1xf32> to vector<1x1x1xf32>
    %reduce_sum3A_158 = vector.extract %reduce_sum3A_157[0, 0, 0] : f32 from vector<1x1x1xf32>
    %eq3A_159 = arith.constant 6 : i32
    %eq3A_160 = vector.broadcast %eq3A_159 : i32 to vector<16x1xi32>
    %eq3A_161 = arith.cmpi eq, %iota3A, %eq3A_160 : vector<16x1xi32>
    %max3A_162 = arith.constant 1.000000e+00 : f32
    %max3A_163 = arith.maximumf %reduce_sum3A_158, %max3A_162 : f32
    %div3A_164 = arith.constant 1.000000e+00 : f32
    %div3A_165 = arith.divf %div3A_164, %max3A_163 : f32
    %jit3A_166 = arith.constant 0.000000e+00 : f32
    %broadcast_in_dim3A_167 = vector.broadcast %div3A_165 : f32 to vector<16x1xf32>
    %broadcast_in_dim3A_168 = vector.broadcast %jit3A_166 : f32 to vector<16x1xf32>
    %select_n3A_169 = arith.select %eq3A_161, %broadcast_in_dim3A_167, %broadcast_in_dim3A_168 : vector<16x1xi1>, vector<16x1xf32>
    %add3A_170 = arith.addf %add3A_145, %select_n3A_169 : vector<16x1xf32>
    %eq3A_171 = arith.constant 7 : i32
    %eq3A_172 = vector.broadcast %eq3A_171 : i32 to vector<10000x1xi32>
    %eq3A_173 = arith.cmpi eq, %get3A_1, %eq3A_172 : vector<10000x1xi32>
    %jit3A_174 = arith.constant 1.000000e+00 : f32
    %jit3A_175 = arith.constant 0.000000e+00 : f32
    %broadcast_in_dim3A_176 = vector.broadcast %jit3A_174 : f32 to vector<10000x1xf32>
    %broadcast_in_dim3A_177 = vector.broadcast %jit3A_175 : f32 to vector<10000x1xf32>
    %select_n3A_178 = arith.select %eq3A_173, %broadcast_in_dim3A_176, %broadcast_in_dim3A_177 : vector<10000x1xi1>, vector<10000x1xf32>
    %reduce_sum3A_179 = vector.shape_cast %select_n3A_178 : vector<10000x1xf32> to vector<1x10000x1xf32>
    %reduce_sum3A_180 = arith.constant dense<0.000000e+00> : vector<1xf32>
    %reduce_sum3A_181 = vector.multi_reduction <add>, %reduce_sum3A_179, %reduce_sum3A_180 [1, 2] : vector<1x10000x1xf32> to vector<1xf32>
    %reduce_sum3A_182 = vector.shape_cast %reduce_sum3A_181 : vector<1xf32> to vector<1x1x1xf32>
    %reduce_sum3A_183 = vector.extract %reduce_sum3A_182[0, 0, 0] : f32 from vector<1x1x1xf32>
    %eq3A_184 = arith.constant 7 : i32
    %eq3A_185 = vector.broadcast %eq3A_184 : i32 to vector<16x1xi32>
    %eq3A_186 = arith.cmpi eq, %iota3A, %eq3A_185 : vector<16x1xi32>
    %max3A_187 = arith.constant 1.000000e+00 : f32
    %max3A_188 = arith.maximumf %reduce_sum3A_183, %max3A_187 : f32
    %div3A_189 = arith.constant 1.000000e+00 : f32
    %div3A_190 = arith.divf %div3A_189, %max3A_188 : f32
    %jit3A_191 = arith.constant 0.000000e+00 : f32
    %broadcast_in_dim3A_192 = vector.broadcast %div3A_190 : f32 to vector<16x1xf32>
    %broadcast_in_dim3A_193 = vector.broadcast %jit3A_191 : f32 to vector<16x1xf32>
    %select_n3A_194 = arith.select %eq3A_186, %broadcast_in_dim3A_192, %broadcast_in_dim3A_193 : vector<16x1xi1>, vector<16x1xf32>
    %add3A_195 = arith.addf %add3A_170, %select_n3A_194 : vector<16x1xf32>
    %eq3A_196 = arith.constant 8 : i32
    %eq3A_197 = vector.broadcast %eq3A_196 : i32 to vector<10000x1xi32>
    %eq3A_198 = arith.cmpi eq, %get3A_1, %eq3A_197 : vector<10000x1xi32>
    %jit3A_199 = arith.constant 1.000000e+00 : f32
    %jit3A_200 = arith.constant 0.000000e+00 : f32
    %broadcast_in_dim3A_201 = vector.broadcast %jit3A_199 : f32 to vector<10000x1xf32>
    %broadcast_in_dim3A_202 = vector.broadcast %jit3A_200 : f32 to vector<10000x1xf32>
    %select_n3A_203 = arith.select %eq3A_198, %broadcast_in_dim3A_201, %broadcast_in_dim3A_202 : vector<10000x1xi1>, vector<10000x1xf32>
    %reduce_sum3A_204 = vector.shape_cast %select_n3A_203 : vector<10000x1xf32> to vector<1x10000x1xf32>
    %reduce_sum3A_205 = arith.constant dense<0.000000e+00> : vector<1xf32>
    %reduce_sum3A_206 = vector.multi_reduction <add>, %reduce_sum3A_204, %reduce_sum3A_205 [1, 2] : vector<1x10000x1xf32> to vector<1xf32>
    %reduce_sum3A_207 = vector.shape_cast %reduce_sum3A_206 : vector<1xf32> to vector<1x1x1xf32>
    %reduce_sum3A_208 = vector.extract %reduce_sum3A_207[0, 0, 0] : f32 from vector<1x1x1xf32>
    %eq3A_209 = arith.constant 8 : i32
    %eq3A_210 = vector.broadcast %eq3A_209 : i32 to vector<16x1xi32>
    %eq3A_211 = arith.cmpi eq, %iota3A, %eq3A_210 : vector<16x1xi32>
    %max3A_212 = arith.constant 1.000000e+00 : f32
    %max3A_213 = arith.maximumf %reduce_sum3A_208, %max3A_212 : f32
    %div3A_214 = arith.constant 1.000000e+00 : f32
    %div3A_215 = arith.divf %div3A_214, %max3A_213 : f32
    %jit3A_216 = arith.constant 0.000000e+00 : f32
    %broadcast_in_dim3A_217 = vector.broadcast %div3A_215 : f32 to vector<16x1xf32>
    %broadcast_in_dim3A_218 = vector.broadcast %jit3A_216 : f32 to vector<16x1xf32>
    %select_n3A_219 = arith.select %eq3A_211, %broadcast_in_dim3A_217, %broadcast_in_dim3A_218 : vector<16x1xi1>, vector<16x1xf32>
    %add3A_220 = arith.addf %add3A_195, %select_n3A_219 : vector<16x1xf32>
    %eq3A_221 = arith.constant 9 : i32
    %eq3A_222 = vector.broadcast %eq3A_221 : i32 to vector<10000x1xi32>
    %eq3A_223 = arith.cmpi eq, %get3A_1, %eq3A_222 : vector<10000x1xi32>
    %jit3A_224 = arith.constant 1.000000e+00 : f32
    %jit3A_225 = arith.constant 0.000000e+00 : f32
    %broadcast_in_dim3A_226 = vector.broadcast %jit3A_224 : f32 to vector<10000x1xf32>
    %broadcast_in_dim3A_227 = vector.broadcast %jit3A_225 : f32 to vector<10000x1xf32>
    %select_n3A_228 = arith.select %eq3A_223, %broadcast_in_dim3A_226, %broadcast_in_dim3A_227 : vector<10000x1xi1>, vector<10000x1xf32>
    %reduce_sum3A_229 = vector.shape_cast %select_n3A_228 : vector<10000x1xf32> to vector<1x10000x1xf32>
    %reduce_sum3A_230 = arith.constant dense<0.000000e+00> : vector<1xf32>
    %reduce_sum3A_231 = vector.multi_reduction <add>, %reduce_sum3A_229, %reduce_sum3A_230 [1, 2] : vector<1x10000x1xf32> to vector<1xf32>
    %reduce_sum3A_232 = vector.shape_cast %reduce_sum3A_231 : vector<1xf32> to vector<1x1x1xf32>
    %reduce_sum3A_233 = vector.extract %reduce_sum3A_232[0, 0, 0] : f32 from vector<1x1x1xf32>
    %eq3A_234 = arith.constant 9 : i32
    %eq3A_235 = vector.broadcast %eq3A_234 : i32 to vector<16x1xi32>
    %eq3A_236 = arith.cmpi eq, %iota3A, %eq3A_235 : vector<16x1xi32>
    %max3A_237 = arith.constant 1.000000e+00 : f32
    %max3A_238 = arith.maximumf %reduce_sum3A_233, %max3A_237 : f32
    %div3A_239 = arith.constant 1.000000e+00 : f32
    %div3A_240 = arith.divf %div3A_239, %max3A_238 : f32
    %jit3A_241 = arith.constant 0.000000e+00 : f32
    %broadcast_in_dim3A_242 = vector.broadcast %div3A_240 : f32 to vector<16x1xf32>
    %broadcast_in_dim3A_243 = vector.broadcast %jit3A_241 : f32 to vector<16x1xf32>
    %select_n3A_244 = arith.select %eq3A_236, %broadcast_in_dim3A_242, %broadcast_in_dim3A_243 : vector<16x1xi1>, vector<16x1xf32>
    %add3A_245 = arith.addf %add3A_220, %select_n3A_244 : vector<16x1xf32>
    %eq3A_246 = arith.constant 10 : i32
    %eq3A_247 = vector.broadcast %eq3A_246 : i32 to vector<10000x1xi32>
    %eq3A_248 = arith.cmpi eq, %get3A_1, %eq3A_247 : vector<10000x1xi32>
    %jit3A_249 = arith.constant 1.000000e+00 : f32
    %jit3A_250 = arith.constant 0.000000e+00 : f32
    %broadcast_in_dim3A_251 = vector.broadcast %jit3A_249 : f32 to vector<10000x1xf32>
    %broadcast_in_dim3A_252 = vector.broadcast %jit3A_250 : f32 to vector<10000x1xf32>
    %select_n3A_253 = arith.select %eq3A_248, %broadcast_in_dim3A_251, %broadcast_in_dim3A_252 : vector<10000x1xi1>, vector<10000x1xf32>
    %reduce_sum3A_254 = vector.shape_cast %select_n3A_253 : vector<10000x1xf32> to vector<1x10000x1xf32>
    %reduce_sum3A_255 = arith.constant dense<0.000000e+00> : vector<1xf32>
    %reduce_sum3A_256 = vector.multi_reduction <add>, %reduce_sum3A_254, %reduce_sum3A_255 [1, 2] : vector<1x10000x1xf32> to vector<1xf32>
    %reduce_sum3A_257 = vector.shape_cast %reduce_sum3A_256 : vector<1xf32> to vector<1x1x1xf32>
    %reduce_sum3A_258 = vector.extract %reduce_sum3A_257[0, 0, 0] : f32 from vector<1x1x1xf32>
    %eq3A_259 = arith.constant 10 : i32
    %eq3A_260 = vector.broadcast %eq3A_259 : i32 to vector<16x1xi32>
    %eq3A_261 = arith.cmpi eq, %iota3A, %eq3A_260 : vector<16x1xi32>
    %max3A_262 = arith.constant 1.000000e+00 : f32
    %max3A_263 = arith.maximumf %reduce_sum3A_258, %max3A_262 : f32
    %div3A_264 = arith.constant 1.000000e+00 : f32
    %div3A_265 = arith.divf %div3A_264, %max3A_263 : f32
    %jit3A_266 = arith.constant 0.000000e+00 : f32
    %broadcast_in_dim3A_267 = vector.broadcast %div3A_265 : f32 to vector<16x1xf32>
    %broadcast_in_dim3A_268 = vector.broadcast %jit3A_266 : f32 to vector<16x1xf32>
    %select_n3A_269 = arith.select %eq3A_261, %broadcast_in_dim3A_267, %broadcast_in_dim3A_268 : vector<16x1xi1>, vector<16x1xf32>
    %add3A_270 = arith.addf %add3A_245, %select_n3A_269 : vector<16x1xf32>
    %eq3A_271 = arith.constant 11 : i32
    %eq3A_272 = vector.broadcast %eq3A_271 : i32 to vector<10000x1xi32>
    %eq3A_273 = arith.cmpi eq, %get3A_1, %eq3A_272 : vector<10000x1xi32>
    %jit3A_274 = arith.constant 1.000000e+00 : f32
    %jit3A_275 = arith.constant 0.000000e+00 : f32
    %broadcast_in_dim3A_276 = vector.broadcast %jit3A_274 : f32 to vector<10000x1xf32>
    %broadcast_in_dim3A_277 = vector.broadcast %jit3A_275 : f32 to vector<10000x1xf32>
    %select_n3A_278 = arith.select %eq3A_273, %broadcast_in_dim3A_276, %broadcast_in_dim3A_277 : vector<10000x1xi1>, vector<10000x1xf32>
    %reduce_sum3A_279 = vector.shape_cast %select_n3A_278 : vector<10000x1xf32> to vector<1x10000x1xf32>
    %reduce_sum3A_280 = arith.constant dense<0.000000e+00> : vector<1xf32>
    %reduce_sum3A_281 = vector.multi_reduction <add>, %reduce_sum3A_279, %reduce_sum3A_280 [1, 2] : vector<1x10000x1xf32> to vector<1xf32>
    %reduce_sum3A_282 = vector.shape_cast %reduce_sum3A_281 : vector<1xf32> to vector<1x1x1xf32>
    %reduce_sum3A_283 = vector.extract %reduce_sum3A_282[0, 0, 0] : f32 from vector<1x1x1xf32>
    %eq3A_284 = arith.constant 11 : i32
    %eq3A_285 = vector.broadcast %eq3A_284 : i32 to vector<16x1xi32>
    %eq3A_286 = arith.cmpi eq, %iota3A, %eq3A_285 : vector<16x1xi32>
    %max3A_287 = arith.constant 1.000000e+00 : f32
    %max3A_288 = arith.maximumf %reduce_sum3A_283, %max3A_287 : f32
    %div3A_289 = arith.constant 1.000000e+00 : f32
    %div3A_290 = arith.divf %div3A_289, %max3A_288 : f32
    %jit3A_291 = arith.constant 0.000000e+00 : f32
    %broadcast_in_dim3A_292 = vector.broadcast %div3A_290 : f32 to vector<16x1xf32>
    %broadcast_in_dim3A_293 = vector.broadcast %jit3A_291 : f32 to vector<16x1xf32>
    %select_n3A_294 = arith.select %eq3A_286, %broadcast_in_dim3A_292, %broadcast_in_dim3A_293 : vector<16x1xi1>, vector<16x1xf32>
    %add3A_295 = arith.addf %add3A_270, %select_n3A_294 : vector<16x1xf32>
    %eq3A_296 = arith.constant 12 : i32
    %eq3A_297 = vector.broadcast %eq3A_296 : i32 to vector<10000x1xi32>
    %eq3A_298 = arith.cmpi eq, %get3A_1, %eq3A_297 : vector<10000x1xi32>
    %jit3A_299 = arith.constant 1.000000e+00 : f32
    %jit3A_300 = arith.constant 0.000000e+00 : f32
    %broadcast_in_dim3A_301 = vector.broadcast %jit3A_299 : f32 to vector<10000x1xf32>
    %broadcast_in_dim3A_302 = vector.broadcast %jit3A_300 : f32 to vector<10000x1xf32>
    %select_n3A_303 = arith.select %eq3A_298, %broadcast_in_dim3A_301, %broadcast_in_dim3A_302 : vector<10000x1xi1>, vector<10000x1xf32>
    %reduce_sum3A_304 = vector.shape_cast %select_n3A_303 : vector<10000x1xf32> to vector<1x10000x1xf32>
    %reduce_sum3A_305 = arith.constant dense<0.000000e+00> : vector<1xf32>
    %reduce_sum3A_306 = vector.multi_reduction <add>, %reduce_sum3A_304, %reduce_sum3A_305 [1, 2] : vector<1x10000x1xf32> to vector<1xf32>
    %reduce_sum3A_307 = vector.shape_cast %reduce_sum3A_306 : vector<1xf32> to vector<1x1x1xf32>
    %reduce_sum3A_308 = vector.extract %reduce_sum3A_307[0, 0, 0] : f32 from vector<1x1x1xf32>
    %eq3A_309 = arith.constant 12 : i32
    %eq3A_310 = vector.broadcast %eq3A_309 : i32 to vector<16x1xi32>
    %eq3A_311 = arith.cmpi eq, %iota3A, %eq3A_310 : vector<16x1xi32>
    %max3A_312 = arith.constant 1.000000e+00 : f32
    %max3A_313 = arith.maximumf %reduce_sum3A_308, %max3A_312 : f32
    %div3A_314 = arith.constant 1.000000e+00 : f32
    %div3A_315 = arith.divf %div3A_314, %max3A_313 : f32
    %jit3A_316 = arith.constant 0.000000e+00 : f32
    %broadcast_in_dim3A_317 = vector.broadcast %div3A_315 : f32 to vector<16x1xf32>
    %broadcast_in_dim3A_318 = vector.broadcast %jit3A_316 : f32 to vector<16x1xf32>
    %select_n3A_319 = arith.select %eq3A_311, %broadcast_in_dim3A_317, %broadcast_in_dim3A_318 : vector<16x1xi1>, vector<16x1xf32>
    %add3A_320 = arith.addf %add3A_295, %select_n3A_319 : vector<16x1xf32>
    %eq3A_321 = arith.constant 13 : i32
    %eq3A_322 = vector.broadcast %eq3A_321 : i32 to vector<10000x1xi32>
    %eq3A_323 = arith.cmpi eq, %get3A_1, %eq3A_322 : vector<10000x1xi32>
    %jit3A_324 = arith.constant 1.000000e+00 : f32
    %jit3A_325 = arith.constant 0.000000e+00 : f32
    %broadcast_in_dim3A_326 = vector.broadcast %jit3A_324 : f32 to vector<10000x1xf32>
    %broadcast_in_dim3A_327 = vector.broadcast %jit3A_325 : f32 to vector<10000x1xf32>
    %select_n3A_328 = arith.select %eq3A_323, %broadcast_in_dim3A_326, %broadcast_in_dim3A_327 : vector<10000x1xi1>, vector<10000x1xf32>
    %reduce_sum3A_329 = vector.shape_cast %select_n3A_328 : vector<10000x1xf32> to vector<1x10000x1xf32>
    %reduce_sum3A_330 = arith.constant dense<0.000000e+00> : vector<1xf32>
    %reduce_sum3A_331 = vector.multi_reduction <add>, %reduce_sum3A_329, %reduce_sum3A_330 [1, 2] : vector<1x10000x1xf32> to vector<1xf32>
    %reduce_sum3A_332 = vector.shape_cast %reduce_sum3A_331 : vector<1xf32> to vector<1x1x1xf32>
    %reduce_sum3A_333 = vector.extract %reduce_sum3A_332[0, 0, 0] : f32 from vector<1x1x1xf32>
    %eq3A_334 = arith.constant 13 : i32
    %eq3A_335 = vector.broadcast %eq3A_334 : i32 to vector<16x1xi32>
    %eq3A_336 = arith.cmpi eq, %iota3A, %eq3A_335 : vector<16x1xi32>
    %max3A_337 = arith.constant 1.000000e+00 : f32
    %max3A_338 = arith.maximumf %reduce_sum3A_333, %max3A_337 : f32
    %div3A_339 = arith.constant 1.000000e+00 : f32
    %div3A_340 = arith.divf %div3A_339, %max3A_338 : f32
    %jit3A_341 = arith.constant 0.000000e+00 : f32
    %broadcast_in_dim3A_342 = vector.broadcast %div3A_340 : f32 to vector<16x1xf32>
    %broadcast_in_dim3A_343 = vector.broadcast %jit3A_341 : f32 to vector<16x1xf32>
    %select_n3A_344 = arith.select %eq3A_336, %broadcast_in_dim3A_342, %broadcast_in_dim3A_343 : vector<16x1xi1>, vector<16x1xf32>
    %add3A_345 = arith.addf %add3A_320, %select_n3A_344 : vector<16x1xf32>
    %eq3A_346 = arith.constant 14 : i32
    %eq3A_347 = vector.broadcast %eq3A_346 : i32 to vector<10000x1xi32>
    %eq3A_348 = arith.cmpi eq, %get3A_1, %eq3A_347 : vector<10000x1xi32>
    %jit3A_349 = arith.constant 1.000000e+00 : f32
    %jit3A_350 = arith.constant 0.000000e+00 : f32
    %broadcast_in_dim3A_351 = vector.broadcast %jit3A_349 : f32 to vector<10000x1xf32>
    %broadcast_in_dim3A_352 = vector.broadcast %jit3A_350 : f32 to vector<10000x1xf32>
    %select_n3A_353 = arith.select %eq3A_348, %broadcast_in_dim3A_351, %broadcast_in_dim3A_352 : vector<10000x1xi1>, vector<10000x1xf32>
    %reduce_sum3A_354 = vector.shape_cast %select_n3A_353 : vector<10000x1xf32> to vector<1x10000x1xf32>
    %reduce_sum3A_355 = arith.constant dense<0.000000e+00> : vector<1xf32>
    %reduce_sum3A_356 = vector.multi_reduction <add>, %reduce_sum3A_354, %reduce_sum3A_355 [1, 2] : vector<1x10000x1xf32> to vector<1xf32>
    %reduce_sum3A_357 = vector.shape_cast %reduce_sum3A_356 : vector<1xf32> to vector<1x1x1xf32>
    %reduce_sum3A_358 = vector.extract %reduce_sum3A_357[0, 0, 0] : f32 from vector<1x1x1xf32>
    %eq3A_359 = arith.constant 14 : i32
    %eq3A_360 = vector.broadcast %eq3A_359 : i32 to vector<16x1xi32>
    %eq3A_361 = arith.cmpi eq, %iota3A, %eq3A_360 : vector<16x1xi32>
    %max3A_362 = arith.constant 1.000000e+00 : f32
    %max3A_363 = arith.maximumf %reduce_sum3A_358, %max3A_362 : f32
    %div3A_364 = arith.constant 1.000000e+00 : f32
    %div3A_365 = arith.divf %div3A_364, %max3A_363 : f32
    %jit3A_366 = arith.constant 0.000000e+00 : f32
    %broadcast_in_dim3A_367 = vector.broadcast %div3A_365 : f32 to vector<16x1xf32>
    %broadcast_in_dim3A_368 = vector.broadcast %jit3A_366 : f32 to vector<16x1xf32>
    %select_n3A_369 = arith.select %eq3A_361, %broadcast_in_dim3A_367, %broadcast_in_dim3A_368 : vector<16x1xi1>, vector<16x1xf32>
    %add3A_370 = arith.addf %add3A_345, %select_n3A_369 : vector<16x1xf32>
    %eq3A_371 = arith.constant 15 : i32
    %eq3A_372 = vector.broadcast %eq3A_371 : i32 to vector<10000x1xi32>
    %eq3A_373 = arith.cmpi eq, %get3A_1, %eq3A_372 : vector<10000x1xi32>
    %jit3A_374 = arith.constant 1.000000e+00 : f32
    %jit3A_375 = arith.constant 0.000000e+00 : f32
    %broadcast_in_dim3A_376 = vector.broadcast %jit3A_374 : f32 to vector<10000x1xf32>
    %broadcast_in_dim3A_377 = vector.broadcast %jit3A_375 : f32 to vector<10000x1xf32>
    %select_n3A_378 = arith.select %eq3A_373, %broadcast_in_dim3A_376, %broadcast_in_dim3A_377 : vector<10000x1xi1>, vector<10000x1xf32>
    %reduce_sum3A_379 = vector.shape_cast %select_n3A_378 : vector<10000x1xf32> to vector<1x10000x1xf32>
    %reduce_sum3A_380 = arith.constant dense<0.000000e+00> : vector<1xf32>
    %reduce_sum3A_381 = vector.multi_reduction <add>, %reduce_sum3A_379, %reduce_sum3A_380 [1, 2] : vector<1x10000x1xf32> to vector<1xf32>
    %reduce_sum3A_382 = vector.shape_cast %reduce_sum3A_381 : vector<1xf32> to vector<1x1x1xf32>
    %reduce_sum3A_383 = vector.extract %reduce_sum3A_382[0, 0, 0] : f32 from vector<1x1x1xf32>
    %eq3A_384 = arith.constant 15 : i32
    %eq3A_385 = vector.broadcast %eq3A_384 : i32 to vector<16x1xi32>
    %eq3A_386 = arith.cmpi eq, %iota3A, %eq3A_385 : vector<16x1xi32>
    %max3A_387 = arith.constant 1.000000e+00 : f32
    %max3A_388 = arith.maximumf %reduce_sum3A_383, %max3A_387 : f32
    %div3A_389 = arith.constant 1.000000e+00 : f32
    %div3A_390 = arith.divf %div3A_389, %max3A_388 : f32
    %jit3A_391 = arith.constant 0.000000e+00 : f32
    %broadcast_in_dim3A_392 = vector.broadcast %div3A_390 : f32 to vector<16x1xf32>
    %broadcast_in_dim3A_393 = vector.broadcast %jit3A_391 : f32 to vector<16x1xf32>
    %select_n3A_394 = arith.select %eq3A_386, %broadcast_in_dim3A_392, %broadcast_in_dim3A_393 : vector<16x1xi1>, vector<16x1xf32>
    %add3A_395 = arith.addf %add3A_370, %select_n3A_394 : vector<16x1xf32>
    %get3A_396 = arith.constant 0 : index
    %get3A_397 = arith.constant 0 : index
    %get3A_398 = vector.load %arg0[%get3A_396, %get3A_397] : memref<16x512xf32, #tpu.memory_space<vmem>>, vector<16x512xf32>
    %mul3A = vector.broadcast %add3A_395 : vector<16x1xf32> to vector<16x512xf32>
    %mul3A_399 = arith.mulf %get3A_398, %mul3A : vector<16x512xf32>
    %get3A_400 = arith.constant 0 : index
    %get3A_401 = arith.constant 0 : index
    %get3A_402 = arith.constant 0 : index
    %get3A_403 = vector.load %arg3[%get3A_400, %get3A_401, %get3A_402] : memref<2x512x512xf32, #tpu.memory_space<vmem>>, vector<1x512x512xf32>
    %get3A_404 = vector.shape_cast %get3A_403 : vector<1x512x512xf32> to vector<512x512xf32>
    %dot_general3A = arith.constant dense<0.000000e+00> : vector<16x512xf32>
    %dot_general3A_405 = tpu.matmul %mul3A_399, %get3A_404, %dot_general3A {dimension_numbers = #tpu.dot_dimension_numbers<[1], [0], [0], [1], [0, 0, 1, 1], [], []>, transpose_lhs_hint = false} : vector<16x512xf32>, vector<512x512xf32>, vector<16x512xf32> -> vector<16x512xf32>
    %get3A_406 = arith.constant 0 : index
    %get3A_407 = arith.constant 0 : index
    %get3A_408 = vector.load %arg1[%get3A_406, %get3A_407] : memref<16x512xf32, #tpu.memory_space<vmem>>, vector<16x512xf32>
    %get3A_409 = arith.constant 1 : index
    %get3A_410 = arith.constant 0 : index
    %get3A_411 = arith.constant 0 : index
    %get3A_412 = vector.load %arg3[%get3A_409, %get3A_410, %get3A_411] : memref<2x512x512xf32, #tpu.memory_space<vmem>>, vector<1x512x512xf32>
    %get3A_413 = vector.shape_cast %get3A_412 : vector<1x512x512xf32> to vector<512x512xf32>
    %dot_general3A_414 = arith.constant dense<0.000000e+00> : vector<16x512xf32>
    %dot_general3A_415 = tpu.matmul %get3A_408, %get3A_413, %dot_general3A_414 {dimension_numbers = #tpu.dot_dimension_numbers<[1], [0], [0], [1], [0, 0, 1, 1], [], []>, transpose_lhs_hint = false} : vector<16x512xf32>, vector<512x512xf32>, vector<16x512xf32> -> vector<16x512xf32>
    %add3A_416 = arith.addf %dot_general3A_405, %dot_general3A_415 : vector<16x512xf32>
    %get3A_417 = arith.constant 0 : index
    %get3A_418 = arith.constant 0 : index
    %get3A_419 = vector.load %arg4[%get3A_417, %get3A_418] : memref<1x512xf32, #tpu.memory_space<vmem>>, vector<1x512xf32>
    %squeeze3A = vector.shape_cast %get3A_419 : vector<1x512xf32> to vector<512xf32>
    %broadcast_in_dim3A_420 = vector.shape_cast %squeeze3A : vector<512xf32> to vector<1x512xf32>
    %add3A_421 = vector.broadcast %broadcast_in_dim3A_420 : vector<1x512xf32> to vector<16x512xf32>
    %add3A_422 = arith.addf %add3A_416, %add3A_421 : vector<16x512xf32>
    %max3A_423 = arith.constant 0.000000e+00 : f32
    %max3A_424 = vector.broadcast %max3A_423 : f32 to vector<16x512xf32>
    %max3A_425 = arith.maximumf %add3A_422, %max3A_424 : vector<16x512xf32>
    %get3A_426 = arith.constant 0 : index
    %get3A_427 = arith.constant 0 : index
    %get3A_428 = vector.load %arg5[%get3A_426, %get3A_427] : memref<512x10xf32, #tpu.memory_space<vmem>>, vector<512x10xf32>
    %dot_general3A_429 = arith.constant dense<0.000000e+00> : vector<16x10xf32>
    %dot_general3A_430 = tpu.matmul %max3A_425, %get3A_428, %dot_general3A_429 {dimension_numbers = #tpu.dot_dimension_numbers<[1], [0], [0], [1], [0, 0, 1, 1], [], []>, transpose_lhs_hint = false} : vector<16x512xf32>, vector<512x10xf32>, vector<16x10xf32> -> vector<16x10xf32>
    %get3A_431 = arith.constant 0 : index
    %get3A_432 = arith.constant 0 : index
    %get3A_433 = vector.load %arg6[%get3A_431, %get3A_432] : memref<1x10xf32, #tpu.memory_space<vmem>>, vector<1x10xf32>
    %squeeze3A_434 = vector.shape_cast %get3A_433 : vector<1x10xf32> to vector<10xf32>
    %broadcast_in_dim3A_435 = vector.shape_cast %squeeze3A_434 : vector<10xf32> to vector<1x10xf32>
    %add3A_436 = vector.broadcast %broadcast_in_dim3A_435 : vector<1x10xf32> to vector<16x10xf32>
    %add3A_437 = arith.addf %dot_general3A_430, %add3A_436 : vector<16x10xf32>
    %swap3A = arith.constant 0 : index
    %swap3A_438 = arith.constant 0 : index
    %swap3A_439 = vector.load %arg7[%swap3A, %swap3A_438] : memref<16x10xf32, #tpu.memory_space<vmem>>, vector<16x10xf32>
    tpu.vector_store %arg7[%swap3A, %swap3A_438], %add3A_437 {strides = array<i32>} : memref<16x10xf32, #tpu.memory_space<vmem>>, vector<16x10xf32>,
    return
  }
}

</mosaic_0001>

<sc_bundles>
// kernel: kernel.10.cloned.1.call-start
scs
__scs_entry_jumppad:
0x0: {  	(pc) =	sbr.rel $0x88, $3  }
0x1: {  	(tag) =	ssettag $0x0;
	lr =	simm.s32 $0x1  }
0x2: {  	[smem:$0x3F94] =	sst lr;
	_ =	strace $0xD0000000  }
0x3: {  	_ = 	snop  }
0x4: {  	_ = 	snop  }
0x5: {  	_ = 	snop  }
0x6: {  	_ = 	snop  }
0x7: {  	_ = 	snop  }
__scs_overlays_trampoline_lowered:
0x8: {  	[smem:$0x3FA3] =	sst s0  }
0x9: {  	[smem:$0x3FA4] =	sst s1  }
0xa: {  	[smem:$0x3FA5] =	sst s2  }
0xb: {  	[smem:$0x3FA6] =	sst s3  }
0xc: {  	[smem:$0x3FA7] =	sst s4  }
0xd: {  	[smem:$0x3FA8] =	sst s5  }
0xe: {  	[smem:$0x3FA9] =	sst s6  }
0xf: {  	[smem:$0x3FAA] =	sst s7  }
0x10: {  	[smem:$0x3FAB] =	sst s8  }
0x11: {  	[smem:$0x3FAC] =	sst s9;
	s0 =	simm.s32 @!p0 $0x0  }
0x12: {  	s1 =	sld [smem:$0x3F92];
	s0 =	simm.s32 @p0 $0x1  }
0x13: {  	[smem:$0x3FAD] =	sst s0;
	s0 =	simm.s32 @!p1 $0x0  }
0x14: {  	s2 =	sld [smem:$0x3F91];
	s0 =	simm.s32 @p1 $0x1  }
0x15: {  	[smem:$0x3FAE] =	sst s0;
	s0 =	simm.s32 @!p2 $0x0  }
0x16: {  	s3 =	sld [smem:$0x3FDB];
	s0 =	simm.s32 @p2 $0x1  }
0x17: {  	s4 =	simm.s32 $0x1BF5;
	[smem:$0x3FB0] =	sst s0  }
0x18: {  	s0 =	sld [smem:$0x3F93];
	_ =	swait.ge [sflag:s4], $0x0  }
0x19: {  	s7 =	sld [smem:$0x3F94]  }
0x1a: {  	s8 =	sadd.s32 $0xFFFFE003, lr  }
0x1b: {  	s9 =	sadd.s32 $0xFFFFFEF7, lr;
	s5 =	simm.s32 $0xFFFFFFFF;
	p2 =	slt.u32 s8, $0xFFFFF086  }
0x1c: {  	p1 =	slt.u32 s9, $0xF7A;
	s5 =	simm.s32 @!p2 $0x0  }
0x1d: {  	s5 =	simm.s32 @p1 $0x1;
	p0 =	seq.s32 s7, s2  }
0x1e: {  	s7 =	smul.u32 @!p0 $0xF7A, s2;
	p2 =	seq.s32 @!p0 s5, $0x0  }
0x1f: {  	s9 =	smul.u32 $0xF7A, s1;
	s8 =	simm.s32 @!p0 $0x1BF5;
	p2 =	por !p2, p0  }
0x20: {  	[sflag:s8] =	ssyncset.s32 @!p0 $0xFFFFF086;
	s6 =	sadd.s32 @!p0 s3, s7;
	s7 =	simm.s32 @!p0 $0x108  }
0x21: {  	s3 =	sadd.s32 s3, s9;
	s6 =	sadd.s32 @!p0 $0x88, s6;
	s7 =	simm.s32 @p2 $0x1082  }
0x22: {  	[simem:s7], [sflag:s8] =	dma.local @!p0 [hbm:s6], $0xF7A  }
0x23: {  	s9 =	sor.u32 $0xD0000000, s2;
	s6 =	simm.s32 $0x108;
	_ =	swait.ge @!p0 [sflag:s8], $0x0  }
0x24: {  	s3 =	sadd.s32 $0x88, s3;
	s6 =	simm.s32 @!p1 $0x1082;
	[sflag:s4] =	ssyncset.s32 $0xFFFFF086  }
0x25: {  	[simem:s6], [sflag:s4] =	dma.local [hbm:s3], $0xF7A  }
0x26: {  	[smem:$0x3F94] =	sst s1;
	(tag) =	ssettag s2;
	_ =	strace s9  }
0x27: {  	s1 =	sld [smem:$0x3FA4]  }
0x28: {  	s2 =	sld [smem:$0x3FA5]  }
0x29: {  	s4 =	sld [smem:$0x3FA7]  }
0x2a: {  	p0 =	seq.s32 s5, $0x0;
	s5 =	sld [smem:$0x3FA8]  }
0x2b: {  	s6 =	sld [smem:$0x3FA9]  }
0x2c: {  	s7 =	sld [smem:$0x3FAA]  }
0x2d: {  	s3 =	simm.s32 $0x108;
	s8 =	sld [smem:$0x3FAB]  }
0x2e: {  	s3 =	simm.s32 @!p0 $0x1082;
	s9 =	sld [smem:$0x3FAC]  }
0x2f: {  	lr =	sadd.s32 s0, s3;
	s0 =	sld [smem:$0x3FA3]  }
0x30: {  	s3 =	sld [smem:$0x3FA6]  }
0x31: {  	[smem:$0x3FAF] =	sst s10  }
0x32: {  	s10 =	sld [smem:$0x3FAD];
	_ =	sdelay $0x3  }
0x33: {  	p0 =	seq.s32 s10, $0x1;
	s10 =	sld [smem:$0x3FAF];
	_ =	sdelay $0x3  }
0x34: {  	[smem:$0x3FAF] =	sst s10  }
0x35: {  	s10 =	sld [smem:$0x3FAE];
	_ =	sdelay $0x3  }
0x36: {  	p1 =	seq.s32 s10, $0x1;
	s10 =	sld [smem:$0x3FAF];
	_ =	sdelay $0x3  }
0x37: {  	[smem:$0x3FAF] =	sst s10  }
0x38: {  	s10 =	sld [smem:$0x3FB0]  }
0x39: {  	_ = 	snop;
	(pc) =	sbr.ind lr, $3  }
0x3a: {  	_ = 	snop  }
0x3b: {  	_ = 	snop  }
0x3c: {  	p2 =	seq.s32 s10, $0x1;
	s10 =	sld [smem:$0x3FAF]  }
0x3d: {  	_ =	shalt  }
0x3e: {  	_ =	shalt  }
0x3f: {  	_ =	shalt  }
0x40: {  	_ =	shalt  }
0x41: {  	_ =	shalt  }
0x42: {  	_ =	shalt  }
0x43: {  	_ =	shalt  }
0x44: {  	_ =	shalt  }
0x45: {  	_ =	shalt  }
0x46: {  	_ =	shalt  }
0x47: {  	_ =	shalt  }
0x48: {  	_ =	shalt  }
0x49: {  	_ =	shalt  }
0x4a: {  	_ =	shalt  }
0x4b: {  	_ =	shalt  }
0x4c: {  	_ =	shalt  }
0x4d: {  	_ =	shalt  }
0x4e: {  	_ =	shalt  }
0x4f: {  	_ =	shalt  }
0x50: {  	_ =	shalt  }
0x51: {  	_ =	shalt  }
0x52: {  	_ =	shalt  }
0x53: {  	_ =	shalt  }
0x54: {  	_ =	shalt  }
0x55: {  	_ =	shalt  }
0x56: {  	_ =	shalt  }
0x57: {  	_ =	shalt  }
0x58: {  	_ =	shalt  }
0x59: {  	_ =	shalt  }
0x5a: {  	_ =	shalt  }
0x5b: {  	_ =	shalt  }
0x5c: {  	_ =	shalt  }
0x5d: {  	_ =	shalt  }
0x5e: {  	_ =	shalt  }
0x5f: {  	_ =	shalt  }
0x60: {  	_ =	shalt  }
0x61: {  	_ =	shalt  }
0x62: {  	_ =	shalt  }
0x63: {  	_ =	shalt  }
0x64: {  	_ =	shalt  }
0x65: {  	_ =	shalt  }
0x66: {  	_ =	shalt  }
0x67: {  	_ =	shalt  }
0x68: {  	_ =	shalt  }
0x69: {  	_ =	shalt  }
0x6a: {  	_ =	shalt  }
0x6b: {  	_ =	shalt  }
0x6c: {  	_ =	shalt  }
0x6d: {  	_ =	shalt  }
0x6e: {  	_ =	shalt  }
0x6f: {  	_ =	shalt  }
0x70: {  	_ =	shalt  }
0x71: {  	_ =	shalt  }
0x72: {  	_ =	shalt  }
0x73: {  	_ =	shalt  }
0x74: {  	_ =	shalt  }
0x75: {  	_ =	shalt  }
0x76: {  	_ =	shalt  }
0x77: {  	_ =	shalt  }
0x78: {  	_ =	shalt  }
0x79: {  	_ =	shalt  }
0x7a: {  	_ =	shalt  }
0x7b: {  	_ =	shalt  }
0x7c: {  	_ =	shalt  }
0x7d: {  	_ =	shalt  }
0x7e: {  	_ =	shalt  }
0x7f: {  	_ =	shalt  }
0x80: {  	_ =	shalt  }
0x81: {  	_ =	shalt  }
0x82: {  	_ =	shalt  }
0x83: {  	_ =	shalt  }
0x84: {  	_ =	shalt  }
0x85: {  	_ =	shalt  }
0x86: {  	_ =	shalt  }
0x87: {  	_ =	shalt  }
.Lfunc_end0:
.L_simem_size_0:
called_computation.1_lowered:
.L_overlay_start_0:
0x88: {  	s2 =	sld [smem:$0x3FD9]  }
0x89: {  	s3 =	sld [smem:$0x3FFE];
	_ =	sdelay $0x1  }
0x8a: {  	s1 =	srdreg.scid  }
0x8b: {  	s0 =	sand.u32 $0x1, s1  }
0x8c: {  	s16 =	sshll.u32 s0, $0xA;
	s2 =	sadd.s32 s3, s2  }
0x8d: {  	s2 =	sadd.s32 s2, s16  }
0x8e: {  	[smem:$0x3FBB] =	sst s2  }
0x8f: {  	_ = 	snop  }
0x90: {  	(tm) =	ssettm $0x1  }
0x91: {  	s17 =	sld [smem:$0x3FFB];
	_ =	sdelay $0x3  }
0x92: {  	_ =	strace s17  }
0x93: {  	s2 =	sld [smem:$0x3FFC];
	_ =	sdelay $0x3  }
0x94: {  	_ =	strace s2  }
0x95: {  	s2 =	sld [smem:$0x3FFD];
	_ =	sdelay $0x3  }
0x96: {  	_ =	strace s2  }
0x97: {  	_ =	strace $0x8FFFFFFF  }
0x98: {  	s18 =	sld [smem:$0x3FDB];
	_ =	sdelay $0x1  }
0x99: {  	s19 =	simm.s32 $_scs_section_size  }
0x9a: {  	s4 =	simm.s32 $_size__tile_overlayer_lowered;
	s5 =	simm.s32 $_tile_overlayer_lowered  }
0x9b: {  	s22 =	simm.s32 $0x1BFF;
	s21 =	sshll.u32 s5, $0x1;
	s2 =	sadd.s32 s19, s18  }
0x9c: {  	s6 =	simm.s32 $0x0;
	s20 =	sshll.u32 s4, $0x1;
	s4 =	sadd.s32 s21, s2  }
0x9d: {  	[timem:s6], [sflag:s22] =	dma.local [hbm:s4], s20  }
0x9e: {  	_ =	swait.ge [sflag:s22], s20  }
0x9f: {  	s3 =	ssub.s32 $0x0, s20;
	[sflag:s22] =	ssyncset.done $0x0  }
0xa0: {  	[sflag:s22] =	ssyncadd.s32 s3;
	_ =	sdelay $0x1  }
0xa1: {  	s23 =	simm.s32 $0x1B8B  }
0xa2: {  	_ =	swait.ge [sflag:s23], $0x1  }
0xa3: {  	[sflag:s23] =	ssyncset.done $0x0  }
0xa4: {  	s25 =	simm.s32 $0x1B8E;
	s24 =	sld [smem:$0x3FFE];
	[sflag:s23] =	ssyncadd.s32 $0xFFFFFFFF  }
0xa5: {  	s26 =	simm.s32 $execute0_lowered;
	[smem:$0x3FD2] =	sst s25  }
0xa6: {  	s4 =	sshll.u32 s26, $0x1;
	_ =	strace $0x80000049;
	[dreg:$0x1] =	wrdreg $0xFFFFFFFF  }
0xa7: {  	s28 =	simm.s32 $_size_execute0_lowered;
	s2 =	sadd.s32 s2, s4;
	[dreg:$0x0] =	wrdreg $0x0  }
0xa8: {  	s4 =	sshll.u32 s28, $0x1;
	[dreg:$0x2] =	wrdreg s2  }
0xa9: {  	[dreg:$0x3] =	wrdreg s4  }
0xaa: {  	[dreg:$0x4] =	wrdreg $0xC0  }
0xab: {  	_ =	task [dreg:s6], $0x5FFFF  }
0xac: {  	[dreg:$0x1] =	wrdreg $0xFFFFFFFF  }
0xad: {  	[dreg:$0x0] =	wrdreg $0x60  }
0xae: {  	[dreg:$0x2] =	wrdreg s24  }
0xaf: {  	[dreg:$0x3] =	wrdreg $0x90000  }
0xb0: {  	[dreg:$0x4] =	wrdreg $0x9  }
0xb1: {  	_ =	task.clear_ibuf [dreg:s6], $0x5FFFF;
	_ =	strace $0x90000049  }
0xb2: {  	s29 =	simm.s32 $0x9;
	_ =	strace $0x8000004B  }
0xb3: {  	_ =	swait.ge [sflag:s29], $0x1  }
0xb4: {  	[sflag:s29] =	ssyncadd.s32 $0xFFFFFFFF  }
0xb5: {  	_ =	strace $0x9000004B  }
0xb6: {  	_ =	sfence  }
0xb7: {  	s30 =	sld [smem:$0x0];
	_ =	sdelay $0x2  }
0xb8: {  	s31 =	sshll.u32 s1, $0xD;
	s1 =	sshrl.u32 s1, $0x2  }
0xb9: {  	s3 =	sand.u32 $0x4000, s31;
	s1 =	sadd.s32 s1, s30  }
0xba: {  	s0 =	sor.u32 s3, s0;
	s1 =	sshll.u32 s1, $0x11  }
0xbb: {  	s0 =	sor.u32 s1, s0  }
0xbc: {  	s0 =	sadd.s32 $0x8F2B, s0  }
0xbd: {  	[sflag:s0] =	ssyncadd.remote.s32 $0x1  }
0xbe: {  	_ =	sfence.sel $0xFFFF  }
0xbf: {  	[dreg:$0x0] =	wrdreg $0xFFFFFFFF;
	(pc) =	sbr.abs _section_cstart, $3  }
0xc0: {  	[dreg:$0x1] =	wrdreg $0xFFFFFFFF  }
0xc1: {  	_ =	task.clear_ibuf [dreg:s6], $0x2FFFF;
	_ =	strace $0x9FFFFFFF  }
0xc2: {  	(tm) =	ssettm $0x7FFFFFFF  }
0xc3: {  	_ =	shalt  }
tec
execute0_lowered:
.L_overlay_start_1:
0x0: {  	(tag) =	ssettag $0x1  }
0x1: {  	s3 =	srdreg.scid  }
0x2: {  	s8 =	rddreg [dreg:$0x0];
	s10 =	sand.u32 $0x1, s3  }
0x3: {  	s3 =	stileid.u32;
	s9 =	smul.u32 $0x28000, s10  }
0x4: {  	s1 =	rddreg [dreg:$0x1];
	s2 =	simm.s32 $0x0;
	s11 =	smul.u32 $0x280, s3  }
0x5: {  	[smem:$0x7FF] =	sst s2;
	s4 =	sadd.s32 $0x67800, s8;
	s12 =	smul.u32 $0x50000, s3  }
0x6: {  	s5 =	sadd.s32 $0x3800, s8;
	s6 =	sadd.s32 $0xD800, s8;
	s29 =	smul.u32 $0x500, s10  }
0x7: {  	s7 =	sadd.s32 $0x8EA00, s8;
	s25 =	ssub.s32 $0x2, s10;
	s13 =	smul.u32 $0x50, s3  }
0x8: {  	_ =	strace $0x8000004A;
	s21 =	smul.u32 $0x2800, s3;
	s26 =	sshrl.u32 s25, $0x1  }
0x9: {  	s14 =	sadd.s32 s9, s8;
	s12 =	sshrl.u32 s12, $0x2;
	s15 =	sadd.s32 $0x80, s11  }
0xa: {  	s16 =	ssub.s32 s25, s26;
	s17 =	sadd.s32 $0x100, s11;
	s18 =	sadd.s32 $0x180, s11  }
0xb: {  	s20 =	sadd.s32 $0x200, s11;
	s13 =	sadd.s32 s13, s29;
	s8 =	sadd.s32 s12, s1  }
0xc: {  	s28 =	sshll.u32 s15, $0x7;
	s30 =	sshll.u32 s17, $0x7;
	s19 =	sshll.u32 s18, $0x7  }
0xd: {  	s31 =	sshll.u32 s20, $0x7;
	s13 =	sshll.u32 s13, $0x4;
	s24 =	sadd.s32 $0x8F200, s14  }
0xe: {  	s22 =	sshll.u32 s15, $0x4;
	s23 =	sshll.u32 s17, $0x4;
	s25 =	sshll.u32 s18, $0x4  }
0xf: {  	s26 =	sshll.u32 s20, $0x4;
	s14 =	smax.u32 s16, $0x1;
	s15 =	simm.s32 $0x5000  }
0x10: {  	s16 =	simm.s32 $0x2;
	s17 =	simm.s32 $0x800;
	s18 =	simm.s32 $0x80  }
0x11: {  	s9 =	sadd.s32 s28, s1;
	s10 =	sadd.s32 s30, s1;
	s11 =	sadd.s32 s19, s1  }
0x12: {  	s12 =	sadd.s32 s31, s1;
	s19 =	simm.s32 $0x1000;
	s20 =	sadd.s32 s21, s24  }
0x13: {  	s21 =	sadd.s32 s22, s24;
	s22 =	sadd.s32 s23, s24;
	s23 =	sadd.s32 s25, s24  }
0x14: {  	s24 =	sadd.s32 s26, s24;
	s25 =	simm.s32 $0x1;
	s26 =	simm.s32 $0x0  }
.LBB2_1:
0x15: {  	[tilespmem:s15], [sflag:$0x2] =	stream.linear.gather [hbm4b:s7+s2], $0x4000, $0x38;
	[tilespmem:$0x1D080] =	vst v63  }
0x16: {  	_ =	swait.ge [sflag:s16], $0x4000  }
0x17: {  	[sflag:s16] =	ssyncset.done $0x0  }
0x18: {  	[sflag:s16] =	ssyncadd.s32 $0xFFFFC000  }
0x19: {  	[spmem:s8] =	stream.linear.scatter [tilespmem:s15], [sflag:$0x2], $0x4000, $0x38;
	[tilespmem:$0x1D080] =	vst v63  }
0x1a: {  	_ =	swait.ge [sflag:s16], $0x4000  }
0x1b: {  	[sflag:s16] =	ssyncset.done $0x0  }
0x1c: {  	[sflag:s16] =	ssyncadd.s32 $0xFFFFC000  }
0x1d: {  	[spmem:s9] =	stream.linear.scatter [tilespmem:s15], [sflag:$0x2], $0x4000, $0x38;
	[tilespmem:$0x1D080] =	vst v63  }
0x1e: {  	_ =	swait.ge [sflag:s16], $0x4000  }
0x1f: {  	[sflag:s16] =	ssyncset.done $0x0  }
0x20: {  	[sflag:s16] =	ssyncadd.s32 $0xFFFFC000  }
0x21: {  	[spmem:s10] =	stream.linear.scatter [tilespmem:s15], [sflag:$0x2], $0x4000, $0x38;
	[tilespmem:$0x1D080] =	vst v63  }
0x22: {  	_ =	swait.ge [sflag:s16], $0x4000  }
0x23: {  	[sflag:s16] =	ssyncset.done $0x0  }
0x24: {  	[sflag:s16] =	ssyncadd.s32 $0xFFFFC000  }
0x25: {  	[spmem:s11] =	stream.linear.scatter [tilespmem:s15], [sflag:$0x2], $0x4000, $0x38;
	[tilespmem:$0x1D080] =	vst v63  }
0x26: {  	_ =	swait.ge [sflag:s16], $0x4000  }
0x27: {  	[sflag:s16] =	ssyncset.done $0x0  }
0x28: {  	[sflag:s16] =	ssyncadd.s32 $0xFFFFC000  }
0x29: {  	[spmem:s12] =	stream.linear.scatter [tilespmem:s15], [sflag:$0x2], $0x4000, $0x38;
	[tilespmem:$0x1D080] =	vst v63  }
0x2a: {  	_ =	swait.ge [sflag:s16], $0x4000  }
0x2b: {  	[sflag:s16] =	ssyncset.done $0x0  }
0x2c: {  	[sflag:s16] =	ssyncadd.s32 $0xFFFFC000  }
0x2d: {  	s28 =	simm.s32 $0x0;
	[bflag:$0x0] =	sbarrier.arrive $0xFFFF  }
.LBB2_2:
0x2e: {  	s29 =	sshll.u32 s28, $0x8  }
0x2f: {  	s29 =	sadd.s32 s13, s29  }
0x30: {  	s31 =	simm.s32 $0x0;
	s30 =	sadd.s32 s5, s29  }
0x31: {  	[tilespmem:s31], [sflag:$0x2] =	stream.linear.gather [hbm4b:s30+s31], $0x800, $0x38;
	[tilespmem:$0x1D080] =	vst v63  }
0x32: {  	_ =	swait.ge [sflag:s16], $0x800  }
0x33: {  	[sflag:s16] =	ssyncset.done $0x0  }
0x34: {  	s29 =	sadd.s32 s6, s29;
	[sflag:s16] =	ssyncadd.s32 $0xFFFFF800  }
0x35: {  	[tilespmem:s17], [sflag:$0x2] =	stream.linear.gather [hbm4b:s29+s31], $0x800, $0x38;
	[tilespmem:$0x1D080] =	vst v63  }
0x36: {  	_ =	swait.ge [sflag:s16], $0x800  }
0x37: {  	[sflag:s16] =	ssyncset.done $0x0  }
0x38: {  	s29 =	simm.s32 $0x0;
	[sflag:s16] =	ssyncadd.s32 $0xFFFFF800  }
0x39: {  	[tilespmem:s19], [sflag:$0x1] =	stream.indirect.gather [hbm4b:s4+s18], $0x80, s29, s18, $0xb8;
	[tilespmem:$0x1D080] =	vst v63  }
0x3a: {  	_ =	swait.ge [sflag:s25], $0x4000  }
0x3b: {  	[sflag:s25] =	ssyncset.done $0x0  }
0x3c: {  	s29 =	simm.s32 $0x800;
	[sflag:s25] =	ssyncadd.s32 $0xFFFFC000  }
0x3d: {  	[spmem:s1] =	stream.indirect.scatter.add.f32 [tilespmem:s19], [sflag:$0x2], $0x80, s29, s18, $0xb8;
	[tilespmem:$0x1D080] =	vst v63  }
0x3e: {  	_ =	swait.ge [sflag:s16], $0x4000  }
0x3f: {  	s30 =	simm.s32 $0x400;
	s29 =	simm.s32 $0x200;
	[sflag:s16] =	ssyncset.done $0x0  }
.LBB2_3:
0x40: {  	s31 =	sshra.s32 s29, $0x2  }
0x41: {  	[sflag:s16] =	ssyncadd.s32 $0xFFFFC000;
	s29 =	smov.u32 s30;
	s0 =	sadd.s32 $0x200, s30  }
0x42: {  	[tilespmem:s19], [sflag:$0x1] =	stream.indirect.gather [hbm4b:s4+s18], $0x80, s31, s18, $0xb8;
	[tilespmem:$0x1D080] =	vst v63  }
0x43: {  	p0 =	sne.s32 s30, $0x1E00;
	_ =	swait.ge [sflag:s25], $0x4000  }
.Ltmp0:
0x44: {  	[sflag:s25] =	ssyncset.done $0x0;
	(pc) =	sbr.rel @p0 .LBB2_3-.Ltmp0, $4  }
0x45: {  	s30 =	sadd.s32 $0x800, s31;
	[sflag:s25] =	ssyncadd.s32 $0xFFFFC000  }
0x46: {  	[spmem:s1] =	stream.indirect.scatter.add.f32 [tilespmem:s19], [sflag:$0x2], $0x80, s30, s18, $0xb8;
	[tilespmem:$0x1D080] =	vst v63  }
0x47: {  	_ =	swait.ge [sflag:s16], $0x4000  }
0x48: {  	s30 =	smov.u32 s0;
	[sflag:s16] =	ssyncset.done $0x0  }
0x49: {  	s0 =	sshra.s32 s29, $0x2;
	[sflag:s16] =	ssyncadd.s32 $0xFFFFC000  }
0x4a: {  	[tilespmem:s19], [sflag:$0x1] =	stream.indirect.gather [hbm4b:s4+s18], $0x80, s0, s18, $0xb8;
	[tilespmem:$0x1D080] =	vst v63  }
0x4b: {  	s28 =	sadd.s32 $0x1, s28;
	_ =	swait.ge [sflag:s25], $0x4000  }
0x4c: {  	p0 =	sne.s32 s28, $0x5;
	[sflag:s25] =	ssyncset.done $0x0  }
.Ltmp1:
0x4d: {  	s0 =	sadd.s32 $0x800, s0;
	[sflag:s25] =	ssyncadd.s32 $0xFFFFC000;
	(pc) =	sbr.rel @p0 .LBB2_2-.Ltmp1, $4  }
0x4e: {  	[spmem:s1] =	stream.indirect.scatter.add.f32 [tilespmem:s19], [sflag:$0x2], $0x80, s0, s18, $0xb8;
	[tilespmem:$0x1D080] =	vst v63  }
0x4f: {  	_ =	swait.ge [sflag:s16], $0x4000  }
0x50: {  	[sflag:s16] =	ssyncset.done $0x0  }
0x51: {  	[sflag:s16] =	ssyncadd.s32 $0xFFFFC000  }
0x52: {  	[bflag:$0x0] =	sbarrier.arrive $0xFFFF  }
0x53: {  	[tilespmem:s15], [sflag:$0x2] =	stream.linear.gather [spmem:s8], $0x4000, $0x38;
	[tilespmem:$0x1D080] =	vst v63  }
0x54: {  	_ =	swait.ge [sflag:s16], $0x4000  }
0x55: {  	[sflag:s16] =	ssyncset.done $0x0  }
0x56: {  	[sflag:s16] =	ssyncadd.s32 $0xFFFFC000  }
0x57: {  	[hbm4b:s20+s2] =	stream.linear.scatter [tilespmem:s15], [sflag:$0x2], $0x4000, $0x38;
	[tilespmem:$0x1D080] =	vst v63  }
0x58: {  	_ =	swait.ge [sflag:s16], $0x4000  }
0x59: {  	[sflag:s16] =	ssyncset.done $0x0  }
0x5a: {  	[sflag:s16] =	ssyncadd.s32 $0xFFFFC000  }
0x5b: {  	[tilespmem:s15], [sflag:$0x2] =	stream.linear.gather [spmem:s9], $0x4000, $0x38;
	[tilespmem:$0x1D080] =	vst v63  }
0x5c: {  	_ =	swait.ge [sflag:s16], $0x4000  }
0x5d: {  	[sflag:s16] =	ssyncset.done $0x0  }
0x5e: {  	[sflag:s16] =	ssyncadd.s32 $0xFFFFC000  }
0x5f: {  	[hbm4b:s21+s2] =	stream.linear.scatter [tilespmem:s15], [sflag:$0x2], $0x4000, $0x38;
	[tilespmem:$0x1D080] =	vst v63  }
0x60: {  	_ =	swait.ge [sflag:s16], $0x4000  }
0x61: {  	[sflag:s16] =	ssyncset.done $0x0  }
0x62: {  	[sflag:s16] =	ssyncadd.s32 $0xFFFFC000  }
0x63: {  	[tilespmem:s15], [sflag:$0x2] =	stream.linear.gather [spmem:s10], $0x4000, $0x38;
	[tilespmem:$0x1D080] =	vst v63  }
0x64: {  	_ =	swait.ge [sflag:s16], $0x4000  }
0x65: {  	[sflag:s16] =	ssyncset.done $0x0  }
0x66: {  	[sflag:s16] =	ssyncadd.s32 $0xFFFFC000  }
0x67: {  	[hbm4b:s22+s2] =	stream.linear.scatter [tilespmem:s15], [sflag:$0x2], $0x4000, $0x38;
	[tilespmem:$0x1D080] =	vst v63  }
0x68: {  	_ =	swait.ge [sflag:s16], $0x4000  }
0x69: {  	[sflag:s16] =	ssyncset.done $0x0  }
0x6a: {  	[sflag:s16] =	ssyncadd.s32 $0xFFFFC000  }
0x6b: {  	[tilespmem:s15], [sflag:$0x2] =	stream.linear.gather [spmem:s11], $0x4000, $0x38;
	[tilespmem:$0x1D080] =	vst v63  }
0x6c: {  	_ =	swait.ge [sflag:s16], $0x4000  }
0x6d: {  	[sflag:s16] =	ssyncset.done $0x0  }
0x6e: {  	[sflag:s16] =	ssyncadd.s32 $0xFFFFC000  }
0x6f: {  	[hbm4b:s23+s2] =	stream.linear.scatter [tilespmem:s15], [sflag:$0x2], $0x4000, $0x38;
	[tilespmem:$0x1D080] =	vst v63  }
0x70: {  	_ =	swait.ge [sflag:s16], $0x4000  }
0x71: {  	[sflag:s16] =	ssyncset.done $0x0  }
0x72: {  	[sflag:s16] =	ssyncadd.s32 $0xFFFFC000  }
0x73: {  	[tilespmem:s15], [sflag:$0x2] =	stream.linear.gather [spmem:s12], $0x4000, $0x38;
	[tilespmem:$0x1D080] =	vst v63  }
0x74: {  	s26 =	sadd.s32 $0x1, s26;
	_ =	swait.ge [sflag:s16], $0x4000  }
0x75: {  	p0 =	sne.s32 s26, s14;
	[sflag:s16] =	ssyncset.done $0x0  }
.Ltmp2:
0x76: {  	[sflag:s16] =	ssyncadd.s32 $0xFFFFC000;
	(pc) =	sbr.rel @p0 .LBB2_1-.Ltmp2, $4  }
0x77: {  	[hbm4b:s24+s2] =	stream.linear.scatter [tilespmem:s15], [sflag:$0x2], $0x4000, $0x38;
	[tilespmem:$0x1D080] =	vst v63  }
0x78: {  	_ =	swait.ge [sflag:s16], $0x4000  }
0x79: {  	[sflag:s16] =	ssyncset.done $0x0  }
0x7a: {  	[sflag:s16] =	ssyncadd.s32 $0xFFFFC000  }
0x7b: {  	_ =	sfence.sel $0x180000  }
0x7c: {  	[bflag:$0x0] =	sbarrier.arrive $0xFFFF  }
0x7d: {  	_ =	strace $0x9000004A  }
0x7e: {  	[bflag:$0x2] =	sbarrier.arrive $0xFFFF  }
0x7f: {  	p0 =	sne.s32 s3, $0x0;
	s0 =	rddreg [dreg:$0x2]  }
0x80: {  	s0 =	sadd.s32 @!p0 $0x100000, s0  }
0x81: {  	[sflag:s0] =	ssyncadd.tile.s32 @!p0 $0x1;
	_ =	shalt  }
.Lfunc_end2:
_tile_overlayer_lowered:
.L_overlay_start_2:
0x82: {  	(tag) =	ssettag $0x2  }
0x83: {  	s0 =	rddreg [dreg:$0x0];
	s2 =	stileid.u32  }
0x84: {  	s1 =	rddreg [dreg:$0x1];
	p0 =	sne.s32 s2, $0x0  }
0x85: {  	s3 =	rddreg [dreg:$0x2];
	[bflag:$0x3] =	sbarrier.arrive $0xFFFF;
	s2 =	simm.s32 @!p0 $0x1C02  }
0x86: {  	[timem:s3], [sflag:s2] =	dma.local @!p0 [hbm:s0], s1  }
0x87: {  	s0 =	simm.s32 @!p0 $0x2  }
0x88: {  	_ =	swait.ge @!p0 [sflag:s0], s1  }
0x89: {  	s1 =	ssub.s32 @!p0 $0x0, s1;
	[sflag:s0] =	ssyncset.done @!p0 $0x0  }
0x8a: {  	[sflag:s0] =	ssyncadd.s32 @!p0 s1  }
0x8b: {  	[bflag:$0x3] =	sbarrier.arrive $0xFFFF  }
0x8c: {  	_ =	shalt  }

// kernel: kernel.13.cloned.1.call-start
scs
__scs_entry_jumppad:
0x0: {  	(pc) =	sbr.rel $0x88, $3  }
0x1: {  	(tag) =	ssettag $0x0;
	lr =	simm.s32 $0x1  }
0x2: {  	[smem:$0x3F94] =	sst lr;
	_ =	strace $0xD0000000  }
0x3: {  	_ = 	snop  }
0x4: {  	_ = 	snop  }
0x5: {  	_ = 	snop  }
0x6: {  	_ = 	snop  }
0x7: {  	_ = 	snop  }
__scs_overlays_trampoline_lowered:
0x8: {  	[smem:$0x3FA3] =	sst s0  }
0x9: {  	[smem:$0x3FA4] =	sst s1  }
0xa: {  	[smem:$0x3FA5] =	sst s2  }
0xb: {  	[smem:$0x3FA6] =	sst s3  }
0xc: {  	[smem:$0x3FA7] =	sst s4  }
0xd: {  	[smem:$0x3FA8] =	sst s5  }
0xe: {  	[smem:$0x3FA9] =	sst s6  }
0xf: {  	[smem:$0x3FAA] =	sst s7  }
0x10: {  	[smem:$0x3FAB] =	sst s8  }
0x11: {  	[smem:$0x3FAC] =	sst s9;
	s0 =	simm.s32 @!p0 $0x0  }
0x12: {  	s1 =	sld [smem:$0x3F92];
	s0 =	simm.s32 @p0 $0x1  }
0x13: {  	[smem:$0x3FAD] =	sst s0;
	s0 =	simm.s32 @!p1 $0x0  }
0x14: {  	s2 =	sld [smem:$0x3F91];
	s0 =	simm.s32 @p1 $0x1  }
0x15: {  	[smem:$0x3FAE] =	sst s0;
	s0 =	simm.s32 @!p2 $0x0  }
0x16: {  	s3 =	sld [smem:$0x3FDB];
	s0 =	simm.s32 @p2 $0x1  }
0x17: {  	s4 =	simm.s32 $0x1BF5;
	[smem:$0x3FB0] =	sst s0  }
0x18: {  	s0 =	sld [smem:$0x3F93];
	_ =	swait.ge [sflag:s4], $0x0  }
0x19: {  	s7 =	sld [smem:$0x3F94]  }
0x1a: {  	s8 =	sadd.s32 $0xFFFFE003, lr  }
0x1b: {  	s9 =	sadd.s32 $0xFFFFFEF7, lr;
	s5 =	simm.s32 $0xFFFFFFFF;
	p2 =	slt.u32 s8, $0xFFFFF086  }
0x1c: {  	p1 =	slt.u32 s9, $0xF7A;
	s5 =	simm.s32 @!p2 $0x0  }
0x1d: {  	s5 =	simm.s32 @p1 $0x1;
	p0 =	seq.s32 s7, s2  }
0x1e: {  	s7 =	smul.u32 @!p0 $0xF7A, s2;
	p2 =	seq.s32 @!p0 s5, $0x0  }
0x1f: {  	s9 =	smul.u32 $0xF7A, s1;
	s8 =	simm.s32 @!p0 $0x1BF5;
	p2 =	por !p2, p0  }
0x20: {  	[sflag:s8] =	ssyncset.s32 @!p0 $0xFFFFF086;
	s6 =	sadd.s32 @!p0 s3, s7;
	s7 =	simm.s32 @!p0 $0x108  }
0x21: {  	s3 =	sadd.s32 s3, s9;
	s6 =	sadd.s32 @!p0 $0x88, s6;
	s7 =	simm.s32 @p2 $0x1082  }
0x22: {  	[simem:s7], [sflag:s8] =	dma.local @!p0 [hbm:s6], $0xF7A  }
0x23: {  	s9 =	sor.u32 $0xD0000000, s2;
	s6 =	simm.s32 $0x108;
	_ =	swait.ge @!p0 [sflag:s8], $0x0  }
0x24: {  	s3 =	sadd.s32 $0x88, s3;
	s6 =	simm.s32 @!p1 $0x1082;
	[sflag:s4] =	ssyncset.s32 $0xFFFFF086  }
0x25: {  	[simem:s6], [sflag:s4] =	dma.local [hbm:s3], $0xF7A  }
0x26: {  	[smem:$0x3F94] =	sst s1;
	(tag) =	ssettag s2;
	_ =	strace s9  }
0x27: {  	s1 =	sld [smem:$0x3FA4]  }
0x28: {  	s2 =	sld [smem:$0x3FA5]  }
0x29: {  	s4 =	sld [smem:$0x3FA7]  }
0x2a: {  	p0 =	seq.s32 s5, $0x0;
	s5 =	sld [smem:$0x3FA8]  }
0x2b: {  	s6 =	sld [smem:$0x3FA9]  }
0x2c: {  	s7 =	sld [smem:$0x3FAA]  }
0x2d: {  	s3 =	simm.s32 $0x108;
	s8 =	sld [smem:$0x3FAB]  }
0x2e: {  	s3 =	simm.s32 @!p0 $0x1082;
	s9 =	sld [smem:$0x3FAC]  }
0x2f: {  	lr =	sadd.s32 s0, s3;
	s0 =	sld [smem:$0x3FA3]  }
0x30: {  	s3 =	sld [smem:$0x3FA6]  }
0x31: {  	[smem:$0x3FAF] =	sst s10  }
0x32: {  	s10 =	sld [smem:$0x3FAD];
	_ =	sdelay $0x3  }
0x33: {  	p0 =	seq.s32 s10, $0x1;
	s10 =	sld [smem:$0x3FAF];
	_ =	sdelay $0x3  }
0x34: {  	[smem:$0x3FAF] =	sst s10  }
0x35: {  	s10 =	sld [smem:$0x3FAE];
	_ =	sdelay $0x3  }
0x36: {  	p1 =	seq.s32 s10, $0x1;
	s10 =	sld [smem:$0x3FAF];
	_ =	sdelay $0x3  }
0x37: {  	[smem:$0x3FAF] =	sst s10  }
0x38: {  	s10 =	sld [smem:$0x3FB0]  }
0x39: {  	_ = 	snop;
	(pc) =	sbr.ind lr, $3  }
0x3a: {  	_ = 	snop  }
0x3b: {  	_ = 	snop  }
0x3c: {  	p2 =	seq.s32 s10, $0x1;
	s10 =	sld [smem:$0x3FAF]  }
0x3d: {  	_ =	shalt  }
0x3e: {  	_ =	shalt  }
0x3f: {  	_ =	shalt  }
0x40: {  	_ =	shalt  }
0x41: {  	_ =	shalt  }
0x42: {  	_ =	shalt  }
0x43: {  	_ =	shalt  }
0x44: {  	_ =	shalt  }
0x45: {  	_ =	shalt  }
0x46: {  	_ =	shalt  }
0x47: {  	_ =	shalt  }
0x48: {  	_ =	shalt  }
0x49: {  	_ =	shalt  }
0x4a: {  	_ =	shalt  }
0x4b: {  	_ =	shalt  }
0x4c: {  	_ =	shalt  }
0x4d: {  	_ =	shalt  }
0x4e: {  	_ =	shalt  }
0x4f: {  	_ =	shalt  }
0x50: {  	_ =	shalt  }
0x51: {  	_ =	shalt  }
0x52: {  	_ =	shalt  }
0x53: {  	_ =	shalt  }
0x54: {  	_ =	shalt  }
0x55: {  	_ =	shalt  }
0x56: {  	_ =	shalt  }
0x57: {  	_ =	shalt  }
0x58: {  	_ =	shalt  }
0x59: {  	_ =	shalt  }
0x5a: {  	_ =	shalt  }
0x5b: {  	_ =	shalt  }
0x5c: {  	_ =	shalt  }
0x5d: {  	_ =	shalt  }
0x5e: {  	_ =	shalt  }
0x5f: {  	_ =	shalt  }
0x60: {  	_ =	shalt  }
0x61: {  	_ =	shalt  }
0x62: {  	_ =	shalt  }
0x63: {  	_ =	shalt  }
0x64: {  	_ =	shalt  }
0x65: {  	_ =	shalt  }
0x66: {  	_ =	shalt  }
0x67: {  	_ =	shalt  }
0x68: {  	_ =	shalt  }
0x69: {  	_ =	shalt  }
0x6a: {  	_ =	shalt  }
0x6b: {  	_ =	shalt  }
0x6c: {  	_ =	shalt  }
0x6d: {  	_ =	shalt  }
0x6e: {  	_ =	shalt  }
0x6f: {  	_ =	shalt  }
0x70: {  	_ =	shalt  }
0x71: {  	_ =	shalt  }
0x72: {  	_ =	shalt  }
0x73: {  	_ =	shalt  }
0x74: {  	_ =	shalt  }
0x75: {  	_ =	shalt  }
0x76: {  	_ =	shalt  }
0x77: {  	_ =	shalt  }
0x78: {  	_ =	shalt  }
0x79: {  	_ =	shalt  }
0x7a: {  	_ =	shalt  }
0x7b: {  	_ =	shalt  }
0x7c: {  	_ =	shalt  }
0x7d: {  	_ =	shalt  }
0x7e: {  	_ =	shalt  }
0x7f: {  	_ =	shalt  }
0x80: {  	_ =	shalt  }
0x81: {  	_ =	shalt  }
0x82: {  	_ =	shalt  }
0x83: {  	_ =	shalt  }
0x84: {  	_ =	shalt  }
0x85: {  	_ =	shalt  }
0x86: {  	_ =	shalt  }
0x87: {  	_ =	shalt  }
.Lfunc_end0:
.L_simem_size_0:
called_computation.2_lowered:
.L_overlay_start_0:
0x88: {  	s2 =	sld [smem:$0x3FD9]  }
0x89: {  	s3 =	sld [smem:$0x3FFE];
	_ =	sdelay $0x1  }
0x8a: {  	s1 =	srdreg.scid  }
0x8b: {  	s0 =	sand.u32 $0x1, s1  }
0x8c: {  	s16 =	sshll.u32 s0, $0xA;
	s2 =	sadd.s32 s3, s2  }
0x8d: {  	s2 =	sadd.s32 s2, s16  }
0x8e: {  	[smem:$0x3FBB] =	sst s2  }
0x8f: {  	_ = 	snop  }
0x90: {  	(tm) =	ssettm $0x1  }
0x91: {  	s17 =	sld [smem:$0x3FFB];
	_ =	sdelay $0x3  }
0x92: {  	_ =	strace s17  }
0x93: {  	s2 =	sld [smem:$0x3FFC];
	_ =	sdelay $0x3  }
0x94: {  	_ =	strace s2  }
0x95: {  	s2 =	sld [smem:$0x3FFD];
	_ =	sdelay $0x3  }
0x96: {  	_ =	strace s2  }
0x97: {  	_ =	strace $0x8FFFFFFF  }
0x98: {  	s18 =	sld [smem:$0x3FDB];
	_ =	sdelay $0x1  }
0x99: {  	s19 =	simm.s32 $_scs_section_size  }
0x9a: {  	s4 =	simm.s32 $_size__tile_overlayer_lowered;
	s5 =	simm.s32 $_tile_overlayer_lowered  }
0x9b: {  	s22 =	simm.s32 $0x1BFF;
	s21 =	sshll.u32 s5, $0x1;
	s2 =	sadd.s32 s19, s18  }
0x9c: {  	s6 =	simm.s32 $0x0;
	s20 =	sshll.u32 s4, $0x1;
	s4 =	sadd.s32 s21, s2  }
0x9d: {  	[timem:s6], [sflag:s22] =	dma.local [hbm:s4], s20  }
0x9e: {  	_ =	swait.ge [sflag:s22], s20  }
0x9f: {  	s3 =	ssub.s32 $0x0, s20;
	[sflag:s22] =	ssyncset.done $0x0  }
0xa0: {  	[sflag:s22] =	ssyncadd.s32 s3;
	_ =	sdelay $0x1  }
0xa1: {  	s23 =	simm.s32 $0x1B8B  }
0xa2: {  	_ =	swait.ge [sflag:s23], $0x1  }
0xa3: {  	[sflag:s23] =	ssyncset.done $0x0  }
0xa4: {  	s25 =	simm.s32 $0x1B8E;
	s24 =	sld [smem:$0x3FFE];
	[sflag:s23] =	ssyncadd.s32 $0xFFFFFFFF  }
0xa5: {  	s26 =	simm.s32 $execute0_lowered;
	[smem:$0x3FD2] =	sst s25  }
0xa6: {  	s4 =	sshll.u32 s26, $0x1;
	_ =	strace $0x8000004C;
	[dreg:$0x1] =	wrdreg $0xFFFFFFFF  }
0xa7: {  	s28 =	simm.s32 $_size_execute0_lowered;
	s2 =	sadd.s32 s2, s4;
	[dreg:$0x0] =	wrdreg $0x0  }
0xa8: {  	s4 =	sshll.u32 s28, $0x1;
	[dreg:$0x2] =	wrdreg s2  }
0xa9: {  	[dreg:$0x3] =	wrdreg s4  }
0xaa: {  	[dreg:$0x4] =	wrdreg $0xC0  }
0xab: {  	_ =	task [dreg:s6], $0x5FFFF  }
0xac: {  	[dreg:$0x1] =	wrdreg $0xFFFFFFFF  }
0xad: {  	[dreg:$0x0] =	wrdreg $0x60  }
0xae: {  	[dreg:$0x2] =	wrdreg s24  }
0xaf: {  	[dreg:$0x3] =	wrdreg $0x90000  }
0xb0: {  	[dreg:$0x4] =	wrdreg $0x9  }
0xb1: {  	_ =	task.clear_ibuf [dreg:s6], $0x5FFFF;
	_ =	strace $0x9000004C  }
0xb2: {  	s29 =	simm.s32 $0x9;
	_ =	strace $0x8000004E  }
0xb3: {  	_ =	swait.ge [sflag:s29], $0x1  }
0xb4: {  	[sflag:s29] =	ssyncadd.s32 $0xFFFFFFFF  }
0xb5: {  	_ =	strace $0x9000004E  }
0xb6: {  	_ =	sfence  }
0xb7: {  	s30 =	sld [smem:$0x0];
	_ =	sdelay $0x2  }
0xb8: {  	s31 =	sshll.u32 s1, $0xD;
	s1 =	sshrl.u32 s1, $0x2  }
0xb9: {  	s3 =	sand.u32 $0x4000, s31;
	s1 =	sadd.s32 s1, s30  }
0xba: {  	s0 =	sor.u32 s3, s0;
	s1 =	sshll.u32 s1, $0x11  }
0xbb: {  	s0 =	sor.u32 s1, s0  }
0xbc: {  	s0 =	sadd.s32 $0x8F2B, s0  }
0xbd: {  	[sflag:s0] =	ssyncadd.remote.s32 $0x1  }
0xbe: {  	_ =	sfence.sel $0xFFFF  }
0xbf: {  	[dreg:$0x0] =	wrdreg $0xFFFFFFFF;
	(pc) =	sbr.abs _section_cstart, $3  }
0xc0: {  	[dreg:$0x1] =	wrdreg $0xFFFFFFFF  }
0xc1: {  	_ =	task.clear_ibuf [dreg:s6], $0x2FFFF;
	_ =	strace $0x9FFFFFFF  }
0xc2: {  	(tm) =	ssettm $0x7FFFFFFF  }
0xc3: {  	_ =	shalt  }
tec
execute0_lowered:
.L_overlay_start_1:
0x0: {  	(tag) =	ssettag $0x1  }
0x1: {  	s3 =	srdreg.scid  }
0x2: {  	s8 =	rddreg [dreg:$0x0];
	s10 =	sand.u32 $0x1, s3  }
0x3: {  	s3 =	stileid.u32;
	s9 =	smul.u32 $0x28000, s10  }
0x4: {  	s1 =	rddreg [dreg:$0x1];
	s2 =	simm.s32 $0x0;
	s11 =	smul.u32 $0x280, s3  }
0x5: {  	[smem:$0x7FF] =	sst s2;
	s4 =	sadd.s32 $0x67800, s8;
	s12 =	smul.u32 $0x50000, s3  }
0x6: {  	s5 =	sadd.s32 $0x3800, s8;
	s6 =	sadd.s32 $0xD800, s8;
	s29 =	smul.u32 $0x500, s10  }
0x7: {  	s7 =	sadd.s32 $0x8EA00, s8;
	s25 =	ssub.s32 $0x2, s10;
	s13 =	smul.u32 $0x50, s3  }
0x8: {  	_ =	strace $0x8000004D;
	s21 =	smul.u32 $0x2800, s3;
	s26 =	sshrl.u32 s25, $0x1  }
0x9: {  	s14 =	sadd.s32 s9, s8;
	s12 =	sshrl.u32 s12, $0x2;
	s15 =	sadd.s32 $0x80, s11  }
0xa: {  	s16 =	ssub.s32 s25, s26;
	s17 =	sadd.s32 $0x100, s11;
	s18 =	sadd.s32 $0x180, s11  }
0xb: {  	s20 =	sadd.s32 $0x200, s11;
	s13 =	sadd.s32 s13, s29;
	s8 =	sadd.s32 s12, s1  }
0xc: {  	s28 =	sshll.u32 s15, $0x7;
	s30 =	sshll.u32 s17, $0x7;
	s19 =	sshll.u32 s18, $0x7  }
0xd: {  	s31 =	sshll.u32 s20, $0x7;
	s13 =	sshll.u32 s13, $0x4;
	s24 =	sadd.s32 $0x8F200, s14  }
0xe: {  	s22 =	sshll.u32 s15, $0x4;
	s23 =	sshll.u32 s17, $0x4;
	s25 =	sshll.u32 s18, $0x4  }
0xf: {  	s26 =	sshll.u32 s20, $0x4;
	s14 =	smax.u32 s16, $0x1;
	s15 =	simm.s32 $0x5000  }
0x10: {  	s16 =	simm.s32 $0x2;
	s17 =	simm.s32 $0x800;
	s18 =	simm.s32 $0x80  }
0x11: {  	s9 =	sadd.s32 s28, s1;
	s10 =	sadd.s32 s30, s1;
	s11 =	sadd.s32 s19, s1  }
0x12: {  	s12 =	sadd.s32 s31, s1;
	s19 =	simm.s32 $0x1000;
	s20 =	sadd.s32 s21, s24  }
0x13: {  	s21 =	sadd.s32 s22, s24;
	s22 =	sadd.s32 s23, s24;
	s23 =	sadd.s32 s25, s24  }
0x14: {  	s24 =	sadd.s32 s26, s24;
	s25 =	simm.s32 $0x1;
	s26 =	simm.s32 $0x0  }
.LBB2_1:
0x15: {  	[tilespmem:s15], [sflag:$0x2] =	stream.linear.gather [hbm4b:s7+s2], $0x4000, $0x38;
	[tilespmem:$0x1D080] =	vst v63  }
0x16: {  	_ =	swait.ge [sflag:s16], $0x4000  }
0x17: {  	[sflag:s16] =	ssyncset.done $0x0  }
0x18: {  	[sflag:s16] =	ssyncadd.s32 $0xFFFFC000  }
0x19: {  	[spmem:s8] =	stream.linear.scatter [tilespmem:s15], [sflag:$0x2], $0x4000, $0x38;
	[tilespmem:$0x1D080] =	vst v63  }
0x1a: {  	_ =	swait.ge [sflag:s16], $0x4000  }
0x1b: {  	[sflag:s16] =	ssyncset.done $0x0  }
0x1c: {  	[sflag:s16] =	ssyncadd.s32 $0xFFFFC000  }
0x1d: {  	[spmem:s9] =	stream.linear.scatter [tilespmem:s15], [sflag:$0x2], $0x4000, $0x38;
	[tilespmem:$0x1D080] =	vst v63  }
0x1e: {  	_ =	swait.ge [sflag:s16], $0x4000  }
0x1f: {  	[sflag:s16] =	ssyncset.done $0x0  }
0x20: {  	[sflag:s16] =	ssyncadd.s32 $0xFFFFC000  }
0x21: {  	[spmem:s10] =	stream.linear.scatter [tilespmem:s15], [sflag:$0x2], $0x4000, $0x38;
	[tilespmem:$0x1D080] =	vst v63  }
0x22: {  	_ =	swait.ge [sflag:s16], $0x4000  }
0x23: {  	[sflag:s16] =	ssyncset.done $0x0  }
0x24: {  	[sflag:s16] =	ssyncadd.s32 $0xFFFFC000  }
0x25: {  	[spmem:s11] =	stream.linear.scatter [tilespmem:s15], [sflag:$0x2], $0x4000, $0x38;
	[tilespmem:$0x1D080] =	vst v63  }
0x26: {  	_ =	swait.ge [sflag:s16], $0x4000  }
0x27: {  	[sflag:s16] =	ssyncset.done $0x0  }
0x28: {  	[sflag:s16] =	ssyncadd.s32 $0xFFFFC000  }
0x29: {  	[spmem:s12] =	stream.linear.scatter [tilespmem:s15], [sflag:$0x2], $0x4000, $0x38;
	[tilespmem:$0x1D080] =	vst v63  }
0x2a: {  	_ =	swait.ge [sflag:s16], $0x4000  }
0x2b: {  	[sflag:s16] =	ssyncset.done $0x0  }
0x2c: {  	[sflag:s16] =	ssyncadd.s32 $0xFFFFC000  }
0x2d: {  	s28 =	simm.s32 $0x0;
	[bflag:$0x0] =	sbarrier.arrive $0xFFFF  }
.LBB2_2:
0x2e: {  	s29 =	sshll.u32 s28, $0x8  }
0x2f: {  	s29 =	sadd.s32 s13, s29  }
0x30: {  	s31 =	simm.s32 $0x0;
	s30 =	sadd.s32 s5, s29  }
0x31: {  	[tilespmem:s31], [sflag:$0x2] =	stream.linear.gather [hbm4b:s30+s31], $0x800, $0x38;
	[tilespmem:$0x1D080] =	vst v63  }
0x32: {  	_ =	swait.ge [sflag:s16], $0x800  }
0x33: {  	[sflag:s16] =	ssyncset.done $0x0  }
0x34: {  	s29 =	sadd.s32 s6, s29;
	[sflag:s16] =	ssyncadd.s32 $0xFFFFF800  }
0x35: {  	[tilespmem:s17], [sflag:$0x2] =	stream.linear.gather [hbm4b:s29+s31], $0x800, $0x38;
	[tilespmem:$0x1D080] =	vst v63  }
0x36: {  	_ =	swait.ge [sflag:s16], $0x800  }
0x37: {  	[sflag:s16] =	ssyncset.done $0x0  }
0x38: {  	s29 =	simm.s32 $0x0;
	[sflag:s16] =	ssyncadd.s32 $0xFFFFF800  }
0x39: {  	[tilespmem:s19], [sflag:$0x1] =	stream.indirect.gather [hbm4b:s4+s18], $0x80, s29, s18, $0xb8;
	[tilespmem:$0x1D080] =	vst v63  }
0x3a: {  	_ =	swait.ge [sflag:s25], $0x4000  }
0x3b: {  	[sflag:s25] =	ssyncset.done $0x0  }
0x3c: {  	s29 =	simm.s32 $0x800;
	[sflag:s25] =	ssyncadd.s32 $0xFFFFC000  }
0x3d: {  	[spmem:s1] =	stream.indirect.scatter.add.f32 [tilespmem:s19], [sflag:$0x2], $0x80, s29, s18, $0xb8;
	[tilespmem:$0x1D080] =	vst v63  }
0x3e: {  	_ =	swait.ge [sflag:s16], $0x4000  }
0x3f: {  	s30 =	simm.s32 $0x400;
	s29 =	simm.s32 $0x200;
	[sflag:s16] =	ssyncset.done $0x0  }
.LBB2_3:
0x40: {  	s31 =	sshra.s32 s29, $0x2  }
0x41: {  	[sflag:s16] =	ssyncadd.s32 $0xFFFFC000;
	s29 =	smov.u32 s30;
	s0 =	sadd.s32 $0x200, s30  }
0x42: {  	[tilespmem:s19], [sflag:$0x1] =	stream.indirect.gather [hbm4b:s4+s18], $0x80, s31, s18, $0xb8;
	[tilespmem:$0x1D080] =	vst v63  }
0x43: {  	p0 =	sne.s32 s30, $0x1E00;
	_ =	swait.ge [sflag:s25], $0x4000  }
.Ltmp0:
0x44: {  	[sflag:s25] =	ssyncset.done $0x0;
	(pc) =	sbr.rel @p0 .LBB2_3-.Ltmp0, $4  }
0x45: {  	s30 =	sadd.s32 $0x800, s31;
	[sflag:s25] =	ssyncadd.s32 $0xFFFFC000  }
0x46: {  	[spmem:s1] =	stream.indirect.scatter.add.f32 [tilespmem:s19], [sflag:$0x2], $0x80, s30, s18, $0xb8;
	[tilespmem:$0x1D080] =	vst v63  }
0x47: {  	_ =	swait.ge [sflag:s16], $0x4000  }
0x48: {  	s30 =	smov.u32 s0;
	[sflag:s16] =	ssyncset.done $0x0  }
0x49: {  	s0 =	sshra.s32 s29, $0x2;
	[sflag:s16] =	ssyncadd.s32 $0xFFFFC000  }
0x4a: {  	[tilespmem:s19], [sflag:$0x1] =	stream.indirect.gather [hbm4b:s4+s18], $0x80, s0, s18, $0xb8;
	[tilespmem:$0x1D080] =	vst v63  }
0x4b: {  	s28 =	sadd.s32 $0x1, s28;
	_ =	swait.ge [sflag:s25], $0x4000  }
0x4c: {  	p0 =	sne.s32 s28, $0x5;
	[sflag:s25] =	ssyncset.done $0x0  }
.Ltmp1:
0x4d: {  	s0 =	sadd.s32 $0x800, s0;
	[sflag:s25] =	ssyncadd.s32 $0xFFFFC000;
	(pc) =	sbr.rel @p0 .LBB2_2-.Ltmp1, $4  }
0x4e: {  	[spmem:s1] =	stream.indirect.scatter.add.f32 [tilespmem:s19], [sflag:$0x2], $0x80, s0, s18, $0xb8;
	[tilespmem:$0x1D080] =	vst v63  }
0x4f: {  	_ =	swait.ge [sflag:s16], $0x4000  }
0x50: {  	[sflag:s16] =	ssyncset.done $0x0  }
0x51: {  	[sflag:s16] =	ssyncadd.s32 $0xFFFFC000  }
0x52: {  	[bflag:$0x0] =	sbarrier.arrive $0xFFFF  }
0x53: {  	[tilespmem:s15], [sflag:$0x2] =	stream.linear.gather [spmem:s8], $0x4000, $0x38;
	[tilespmem:$0x1D080] =	vst v63  }
0x54: {  	_ =	swait.ge [sflag:s16], $0x4000  }
0x55: {  	[sflag:s16] =	ssyncset.done $0x0  }
0x56: {  	[sflag:s16] =	ssyncadd.s32 $0xFFFFC000  }
0x57: {  	[hbm4b:s20+s2] =	stream.linear.scatter [tilespmem:s15], [sflag:$0x2], $0x4000, $0x38;
	[tilespmem:$0x1D080] =	vst v63  }
0x58: {  	_ =	swait.ge [sflag:s16], $0x4000  }
0x59: {  	[sflag:s16] =	ssyncset.done $0x0  }
0x5a: {  	[sflag:s16] =	ssyncadd.s32 $0xFFFFC000  }
0x5b: {  	[tilespmem:s15], [sflag:$0x2] =	stream.linear.gather [spmem:s9], $0x4000, $0x38;
	[tilespmem:$0x1D080] =	vst v63  }
0x5c: {  	_ =	swait.ge [sflag:s16], $0x4000  }
0x5d: {  	[sflag:s16] =	ssyncset.done $0x0  }
0x5e: {  	[sflag:s16] =	ssyncadd.s32 $0xFFFFC000  }
0x5f: {  	[hbm4b:s21+s2] =	stream.linear.scatter [tilespmem:s15], [sflag:$0x2], $0x4000, $0x38;
	[tilespmem:$0x1D080] =	vst v63  }
0x60: {  	_ =	swait.ge [sflag:s16], $0x4000  }
0x61: {  	[sflag:s16] =	ssyncset.done $0x0  }
0x62: {  	[sflag:s16] =	ssyncadd.s32 $0xFFFFC000  }
0x63: {  	[tilespmem:s15], [sflag:$0x2] =	stream.linear.gather [spmem:s10], $0x4000, $0x38;
	[tilespmem:$0x1D080] =	vst v63  }
0x64: {  	_ =	swait.ge [sflag:s16], $0x4000  }
0x65: {  	[sflag:s16] =	ssyncset.done $0x0  }
0x66: {  	[sflag:s16] =	ssyncadd.s32 $0xFFFFC000  }
0x67: {  	[hbm4b:s22+s2] =	stream.linear.scatter [tilespmem:s15], [sflag:$0x2], $0x4000, $0x38;
	[tilespmem:$0x1D080] =	vst v63  }
0x68: {  	_ =	swait.ge [sflag:s16], $0x4000  }
0x69: {  	[sflag:s16] =	ssyncset.done $0x0  }
0x6a: {  	[sflag:s16] =	ssyncadd.s32 $0xFFFFC000  }
0x6b: {  	[tilespmem:s15], [sflag:$0x2] =	stream.linear.gather [spmem:s11], $0x4000, $0x38;
	[tilespmem:$0x1D080] =	vst v63  }
0x6c: {  	_ =	swait.ge [sflag:s16], $0x4000  }
0x6d: {  	[sflag:s16] =	ssyncset.done $0x0  }
0x6e: {  	[sflag:s16] =	ssyncadd.s32 $0xFFFFC000  }
0x6f: {  	[hbm4b:s23+s2] =	stream.linear.scatter [tilespmem:s15], [sflag:$0x2], $0x4000, $0x38;
	[tilespmem:$0x1D080] =	vst v63  }
0x70: {  	_ =	swait.ge [sflag:s16], $0x4000  }
0x71: {  	[sflag:s16] =	ssyncset.done $0x0  }
0x72: {  	[sflag:s16] =	ssyncadd.s32 $0xFFFFC000  }
0x73: {  	[tilespmem:s15], [sflag:$0x2] =	stream.linear.gather [spmem:s12], $0x4000, $0x38;
	[tilespmem:$0x1D080] =	vst v63  }
0x74: {  	s26 =	sadd.s32 $0x1, s26;
	_ =	swait.ge [sflag:s16], $0x4000  }
0x75: {  	p0 =	sne.s32 s26, s14;
	[sflag:s16] =	ssyncset.done $0x0  }
.Ltmp2:
0x76: {  	[sflag:s16] =	ssyncadd.s32 $0xFFFFC000;
	(pc) =	sbr.rel @p0 .LBB2_1-.Ltmp2, $4  }
0x77: {  	[hbm4b:s24+s2] =	stream.linear.scatter [tilespmem:s15], [sflag:$0x2], $0x4000, $0x38;
	[tilespmem:$0x1D080] =	vst v63  }
0x78: {  	_ =	swait.ge [sflag:s16], $0x4000  }
0x79: {  	[sflag:s16] =	ssyncset.done $0x0  }
0x7a: {  	[sflag:s16] =	ssyncadd.s32 $0xFFFFC000  }
0x7b: {  	_ =	sfence.sel $0x180000  }
0x7c: {  	[bflag:$0x0] =	sbarrier.arrive $0xFFFF  }
0x7d: {  	_ =	strace $0x9000004D  }
0x7e: {  	[bflag:$0x2] =	sbarrier.arrive $0xFFFF  }
0x7f: {  	p0 =	sne.s32 s3, $0x0;
	s0 =	rddreg [dreg:$0x2]  }
0x80: {  	s0 =	sadd.s32 @!p0 $0x100000, s0  }
0x81: {  	[sflag:s0] =	ssyncadd.tile.s32 @!p0 $0x1;
	_ =	shalt  }
.Lfunc_end2:
_tile_overlayer_lowered:
.L_overlay_start_2:
0x82: {  	(tag) =	ssettag $0x2  }
0x83: {  	s0 =	rddreg [dreg:$0x0];
	s2 =	stileid.u32  }
0x84: {  	s1 =	rddreg [dreg:$0x1];
	p0 =	sne.s32 s2, $0x0  }
0x85: {  	s3 =	rddreg [dreg:$0x2];
	[bflag:$0x3] =	sbarrier.arrive $0xFFFF;
	s2 =	simm.s32 @!p0 $0x1C02  }
0x86: {  	[timem:s3], [sflag:s2] =	dma.local @!p0 [hbm:s0], s1  }
0x87: {  	s0 =	simm.s32 @!p0 $0x2  }
0x88: {  	_ =	swait.ge @!p0 [sflag:s0], s1  }
0x89: {  	s1 =	ssub.s32 @!p0 $0x0, s1;
	[sflag:s0] =	ssyncset.done @!p0 $0x0  }
0x8a: {  	[sflag:s0] =	ssyncadd.s32 @!p0 s1  }
0x8b: {  	[bflag:$0x3] =	sbarrier.arrive $0xFFFF  }
0x8c: {  	_ =	shalt  }

// kernel: kernel.16.cloned.1.call-start
scs
__scs_entry_jumppad:
0x0: {  	(pc) =	sbr.rel $0x88, $3  }
0x1: {  	(tag) =	ssettag $0x0;
	lr =	simm.s32 $0x1  }
0x2: {  	[smem:$0x3F94] =	sst lr;
	_ =	strace $0xD0000000  }
0x3: {  	_ = 	snop  }
0x4: {  	_ = 	snop  }
0x5: {  	_ = 	snop  }
0x6: {  	_ = 	snop  }
0x7: {  	_ = 	snop  }
__scs_overlays_trampoline_lowered:
0x8: {  	[smem:$0x3FA3] =	sst s0  }
0x9: {  	[smem:$0x3FA4] =	sst s1  }
0xa: {  	[smem:$0x3FA5] =	sst s2  }
0xb: {  	[smem:$0x3FA6] =	sst s3  }
0xc: {  	[smem:$0x3FA7] =	sst s4  }
0xd: {  	[smem:$0x3FA8] =	sst s5  }
0xe: {  	[smem:$0x3FA9] =	sst s6  }
0xf: {  	[smem:$0x3FAA] =	sst s7  }
0x10: {  	[smem:$0x3FAB] =	sst s8  }
0x11: {  	[smem:$0x3FAC] =	sst s9;
	s0 =	simm.s32 @!p0 $0x0  }
0x12: {  	s1 =	sld [smem:$0x3F92];
	s0 =	simm.s32 @p0 $0x1  }
0x13: {  	[smem:$0x3FAD] =	sst s0;
	s0 =	simm.s32 @!p1 $0x0  }
0x14: {  	s2 =	sld [smem:$0x3F91];
	s0 =	simm.s32 @p1 $0x1  }
0x15: {  	[smem:$0x3FAE] =	sst s0;
	s0 =	simm.s32 @!p2 $0x0  }
0x16: {  	s3 =	sld [smem:$0x3FDB];
	s0 =	simm.s32 @p2 $0x1  }
0x17: {  	s4 =	simm.s32 $0x1BF5;
	[smem:$0x3FB0] =	sst s0  }
0x18: {  	s0 =	sld [smem:$0x3F93];
	_ =	swait.ge [sflag:s4], $0x0  }
0x19: {  	s7 =	sld [smem:$0x3F94]  }
0x1a: {  	s8 =	sadd.s32 $0xFFFFE003, lr  }
0x1b: {  	s9 =	sadd.s32 $0xFFFFFEF7, lr;
	s5 =	simm.s32 $0xFFFFFFFF;
	p2 =	slt.u32 s8, $0xFFFFF086  }
0x1c: {  	p1 =	slt.u32 s9, $0xF7A;
	s5 =	simm.s32 @!p2 $0x0  }
0x1d: {  	s5 =	simm.s32 @p1 $0x1;
	p0 =	seq.s32 s7, s2  }
0x1e: {  	s7 =	smul.u32 @!p0 $0xF7A, s2;
	p2 =	seq.s32 @!p0 s5, $0x0  }
0x1f: {  	s9 =	smul.u32 $0xF7A, s1;
	s8 =	simm.s32 @!p0 $0x1BF5;
	p2 =	por !p2, p0  }
0x20: {  	[sflag:s8] =	ssyncset.s32 @!p0 $0xFFFFF086;
	s6 =	sadd.s32 @!p0 s3, s7;
	s7 =	simm.s32 @!p0 $0x108  }
0x21: {  	s3 =	sadd.s32 s3, s9;
	s6 =	sadd.s32 @!p0 $0x88, s6;
	s7 =	simm.s32 @p2 $0x1082  }
0x22: {  	[simem:s7], [sflag:s8] =	dma.local @!p0 [hbm:s6], $0xF7A  }
0x23: {  	s9 =	sor.u32 $0xD0000000, s2;
	s6 =	simm.s32 $0x108;
	_ =	swait.ge @!p0 [sflag:s8], $0x0  }
0x24: {  	s3 =	sadd.s32 $0x88, s3;
	s6 =	simm.s32 @!p1 $0x1082;
	[sflag:s4] =	ssyncset.s32 $0xFFFFF086  }
0x25: {  	[simem:s6], [sflag:s4] =	dma.local [hbm:s3], $0xF7A  }
0x26: {  	[smem:$0x3F94] =	sst s1;
	(tag) =	ssettag s2;
	_ =	strace s9  }
0x27: {  	s1 =	sld [smem:$0x3FA4]  }
0x28: {  	s2 =	sld [smem:$0x3FA5]  }
0x29: {  	s4 =	sld [smem:$0x3FA7]  }
0x2a: {  	p0 =	seq.s32 s5, $0x0;
	s5 =	sld [smem:$0x3FA8]  }
0x2b: {  	s6 =	sld [smem:$0x3FA9]  }
0x2c: {  	s7 =	sld [smem:$0x3FAA]  }
0x2d: {  	s3 =	simm.s32 $0x108;
	s8 =	sld [smem:$0x3FAB]  }
0x2e: {  	s3 =	simm.s32 @!p0 $0x1082;
	s9 =	sld [smem:$0x3FAC]  }
0x2f: {  	lr =	sadd.s32 s0, s3;
	s0 =	sld [smem:$0x3FA3]  }
0x30: {  	s3 =	sld [smem:$0x3FA6]  }
0x31: {  	[smem:$0x3FAF] =	sst s10  }
0x32: {  	s10 =	sld [smem:$0x3FAD];
	_ =	sdelay $0x3  }
0x33: {  	p0 =	seq.s32 s10, $0x1;
	s10 =	sld [smem:$0x3FAF];
	_ =	sdelay $0x3  }
0x34: {  	[smem:$0x3FAF] =	sst s10  }
0x35: {  	s10 =	sld [smem:$0x3FAE];
	_ =	sdelay $0x3  }
0x36: {  	p1 =	seq.s32 s10, $0x1;
	s10 =	sld [smem:$0x3FAF];
	_ =	sdelay $0x3  }
0x37: {  	[smem:$0x3FAF] =	sst s10  }
0x38: {  	s10 =	sld [smem:$0x3FB0]  }
0x39: {  	_ = 	snop;
	(pc) =	sbr.ind lr, $3  }
0x3a: {  	_ = 	snop  }
0x3b: {  	_ = 	snop  }
0x3c: {  	p2 =	seq.s32 s10, $0x1;
	s10 =	sld [smem:$0x3FAF]  }
0x3d: {  	_ =	shalt  }
0x3e: {  	_ =	shalt  }
0x3f: {  	_ =	shalt  }
0x40: {  	_ =	shalt  }
0x41: {  	_ =	shalt  }
0x42: {  	_ =	shalt  }
0x43: {  	_ =	shalt  }
0x44: {  	_ =	shalt  }
0x45: {  	_ =	shalt  }
0x46: {  	_ =	shalt  }
0x47: {  	_ =	shalt  }
0x48: {  	_ =	shalt  }
0x49: {  	_ =	shalt  }
0x4a: {  	_ =	shalt  }
0x4b: {  	_ =	shalt  }
0x4c: {  	_ =	shalt  }
0x4d: {  	_ =	shalt  }
0x4e: {  	_ =	shalt  }
0x4f: {  	_ =	shalt  }
0x50: {  	_ =	shalt  }
0x51: {  	_ =	shalt  }
0x52: {  	_ =	shalt  }
0x53: {  	_ =	shalt  }
0x54: {  	_ =	shalt  }
0x55: {  	_ =	shalt  }
0x56: {  	_ =	shalt  }
0x57: {  	_ =	shalt  }
0x58: {  	_ =	shalt  }
0x59: {  	_ =	shalt  }
0x5a: {  	_ =	shalt  }
0x5b: {  	_ =	shalt  }
0x5c: {  	_ =	shalt  }
0x5d: {  	_ =	shalt  }
0x5e: {  	_ =	shalt  }
0x5f: {  	_ =	shalt  }
0x60: {  	_ =	shalt  }
0x61: {  	_ =	shalt  }
0x62: {  	_ =	shalt  }
0x63: {  	_ =	shalt  }
0x64: {  	_ =	shalt  }
0x65: {  	_ =	shalt  }
0x66: {  	_ =	shalt  }
0x67: {  	_ =	shalt  }
0x68: {  	_ =	shalt  }
0x69: {  	_ =	shalt  }
0x6a: {  	_ =	shalt  }
0x6b: {  	_ =	shalt  }
0x6c: {  	_ =	shalt  }
0x6d: {  	_ =	shalt  }
0x6e: {  	_ =	shalt  }
0x6f: {  	_ =	shalt  }
0x70: {  	_ =	shalt  }
0x71: {  	_ =	shalt  }
0x72: {  	_ =	shalt  }
0x73: {  	_ =	shalt  }
0x74: {  	_ =	shalt  }
0x75: {  	_ =	shalt  }
0x76: {  	_ =	shalt  }
0x77: {  	_ =	shalt  }
0x78: {  	_ =	shalt  }
0x79: {  	_ =	shalt  }
0x7a: {  	_ =	shalt  }
0x7b: {  	_ =	shalt  }
0x7c: {  	_ =	shalt  }
0x7d: {  	_ =	shalt  }
0x7e: {  	_ =	shalt  }
0x7f: {  	_ =	shalt  }
0x80: {  	_ =	shalt  }
0x81: {  	_ =	shalt  }
0x82: {  	_ =	shalt  }
0x83: {  	_ =	shalt  }
0x84: {  	_ =	shalt  }
0x85: {  	_ =	shalt  }
0x86: {  	_ =	shalt  }
0x87: {  	_ =	shalt  }
.Lfunc_end0:
.L_simem_size_0:
called_computation.3_lowered:
.L_overlay_start_0:
0x88: {  	s2 =	sld [smem:$0x3FD9]  }
0x89: {  	s3 =	sld [smem:$0x3FFE];
	_ =	sdelay $0x1  }
0x8a: {  	s1 =	srdreg.scid  }
0x8b: {  	s0 =	sand.u32 $0x1, s1  }
0x8c: {  	s16 =	sshll.u32 s0, $0xA;
	s2 =	sadd.s32 s3, s2  }
0x8d: {  	s2 =	sadd.s32 s2, s16  }
0x8e: {  	[smem:$0x3FBB] =	sst s2  }
0x8f: {  	_ = 	snop  }
0x90: {  	(tm) =	ssettm $0x1  }
0x91: {  	s17 =	sld [smem:$0x3FFB];
	_ =	sdelay $0x3  }
0x92: {  	_ =	strace s17  }
0x93: {  	s2 =	sld [smem:$0x3FFC];
	_ =	sdelay $0x3  }
0x94: {  	_ =	strace s2  }
0x95: {  	s2 =	sld [smem:$0x3FFD];
	_ =	sdelay $0x3  }
0x96: {  	_ =	strace s2  }
0x97: {  	_ =	strace $0x8FFFFFFF  }
0x98: {  	s18 =	sld [smem:$0x3FDB];
	_ =	sdelay $0x1  }
0x99: {  	s19 =	simm.s32 $_scs_section_size  }
0x9a: {  	s4 =	simm.s32 $_size__tile_overlayer_lowered;
	s5 =	simm.s32 $_tile_overlayer_lowered  }
0x9b: {  	s22 =	simm.s32 $0x1BFF;
	s21 =	sshll.u32 s5, $0x1;
	s2 =	sadd.s32 s19, s18  }
0x9c: {  	s6 =	simm.s32 $0x0;
	s20 =	sshll.u32 s4, $0x1;
	s4 =	sadd.s32 s21, s2  }
0x9d: {  	[timem:s6], [sflag:s22] =	dma.local [hbm:s4], s20  }
0x9e: {  	_ =	swait.ge [sflag:s22], s20  }
0x9f: {  	s3 =	ssub.s32 $0x0, s20;
	[sflag:s22] =	ssyncset.done $0x0  }
0xa0: {  	[sflag:s22] =	ssyncadd.s32 s3;
	_ =	sdelay $0x1  }
0xa1: {  	s23 =	simm.s32 $0x1B8B  }
0xa2: {  	_ =	swait.ge [sflag:s23], $0x1  }
0xa3: {  	[sflag:s23] =	ssyncset.done $0x0  }
0xa4: {  	s25 =	simm.s32 $0x1B8E;
	s24 =	sld [smem:$0x3FFE];
	[sflag:s23] =	ssyncadd.s32 $0xFFFFFFFF  }
0xa5: {  	s26 =	simm.s32 $execute0_lowered;
	[smem:$0x3FD2] =	sst s25  }
0xa6: {  	s4 =	sshll.u32 s26, $0x1;
	_ =	strace $0x8000004F;
	[dreg:$0x1] =	wrdreg $0xFFFFFFFF  }
0xa7: {  	s28 =	simm.s32 $_size_execute0_lowered;
	s2 =	sadd.s32 s2, s4;
	[dreg:$0x0] =	wrdreg $0x0  }
0xa8: {  	s4 =	sshll.u32 s28, $0x1;
	[dreg:$0x2] =	wrdreg s2  }
0xa9: {  	[dreg:$0x3] =	wrdreg s4  }
0xaa: {  	[dreg:$0x4] =	wrdreg $0xC0  }
0xab: {  	_ =	task [dreg:s6], $0x5FFFF  }
0xac: {  	[dreg:$0x1] =	wrdreg $0xFFFFFFFF  }
0xad: {  	[dreg:$0x0] =	wrdreg $0x60  }
0xae: {  	[dreg:$0x2] =	wrdreg s24  }
0xaf: {  	[dreg:$0x3] =	wrdreg $0x90000  }
0xb0: {  	[dreg:$0x4] =	wrdreg $0x9  }
0xb1: {  	_ =	task.clear_ibuf [dreg:s6], $0x5FFFF;
	_ =	strace $0x9000004F  }
0xb2: {  	s29 =	simm.s32 $0x9;
	_ =	strace $0x80000051  }
0xb3: {  	_ =	swait.ge [sflag:s29], $0x1  }
0xb4: {  	[sflag:s29] =	ssyncadd.s32 $0xFFFFFFFF  }
0xb5: {  	_ =	strace $0x90000051  }
0xb6: {  	_ =	sfence  }
0xb7: {  	s30 =	sld [smem:$0x0];
	_ =	sdelay $0x2  }
0xb8: {  	s31 =	sshll.u32 s1, $0xD;
	s1 =	sshrl.u32 s1, $0x2  }
0xb9: {  	s3 =	sand.u32 $0x4000, s31;
	s1 =	sadd.s32 s1, s30  }
0xba: {  	s0 =	sor.u32 s3, s0;
	s1 =	sshll.u32 s1, $0x11  }
0xbb: {  	s0 =	sor.u32 s1, s0  }
0xbc: {  	s0 =	sadd.s32 $0x8F2B, s0  }
0xbd: {  	[sflag:s0] =	ssyncadd.remote.s32 $0x1  }
0xbe: {  	_ =	sfence.sel $0xFFFF  }
0xbf: {  	[dreg:$0x0] =	wrdreg $0xFFFFFFFF;
	(pc) =	sbr.abs _section_cstart, $3  }
0xc0: {  	[dreg:$0x1] =	wrdreg $0xFFFFFFFF  }
0xc1: {  	_ =	task.clear_ibuf [dreg:s6], $0x2FFFF;
	_ =	strace $0x9FFFFFFF  }
0xc2: {  	(tm) =	ssettm $0x7FFFFFFF  }
0xc3: {  	_ =	shalt  }
tec
execute0_lowered:
.L_overlay_start_1:
0x0: {  	(tag) =	ssettag $0x1  }
0x1: {  	s3 =	srdreg.scid  }
0x2: {  	s7 =	rddreg [dreg:$0x0];
	s8 =	sand.u32 $0x1, s3  }
0x3: {  	s1 =	rddreg [dreg:$0x1];
	s4 =	smul.u32 $0x27100, s8  }
0x4: {  	s2 =	simm.s32 $0x0;
	s3 =	stileid.u32;
	s9 =	smul.u32 $0x28000, s8  }
0x5: {  	[smem:$0x7FF] =	sst s2;
	s10 =	smul.u32 $0x280, s3  }
0x6: {  	s5 =	sadd.s32 $0xD800, s7;
	s6 =	sadd.s32 $0x8EA00, s7;
	s11 =	smul.u32 $0x50000, s3  }
0x7: {  	_ =	strace $0x80000050;
	s25 =	ssub.s32 $0x2, s8;
	s12 =	smul.u32 $0x5000, s3  }
0x8: {  	s20 =	smul.u32 $0x2800, s3;
	s8 =	sshrl.u32 s25, $0x1;
	s13 =	sadd.s32 s4, s7  }
0x9: {  	s4 =	sadd.s32 $0x3800, s7;
	s14 =	sadd.s32 s9, s7;
	s15 =	sadd.s32 $0x80, s10  }
0xa: {  	s26 =	sshrl.u32 s11, $0x2;
	s16 =	ssub.s32 s25, s8;
	s17 =	sadd.s32 $0x100, s10  }
0xb: {  	s18 =	sadd.s32 $0x180, s10;
	s19 =	sadd.s32 $0x200, s10;
	s28 =	sshll.u32 s15, $0x7  }
0xc: {  	s7 =	sadd.s32 s26, s1;
	s29 =	sshll.u32 s17, $0x7;
	s30 =	sshll.u32 s18, $0x7  }
0xd: {  	s31 =	sshll.u32 s19, $0x7;
	s13 =	sadd.s32 $0x8F200, s13;
	s24 =	sadd.s32 $0xDD400, s14  }
0xe: {  	s21 =	sshll.u32 s15, $0x4;
	s22 =	sshll.u32 s17, $0x4;
	s23 =	sshll.u32 s18, $0x4  }
0xf: {  	s25 =	sshll.u32 s19, $0x4;
	s14 =	smax.u32 s16, $0x1;
	s15 =	simm.s32 $0x5000  }
0x10: {  	s16 =	simm.s32 $0x2;
	s17 =	simm.s32 $0x800;
	s18 =	simm.s32 $0x80  }
0x11: {  	s19 =	simm.s32 $0x1000;
	s26 =	simm.s32 $0x0;
	s8 =	sadd.s32 s28, s1  }
0x12: {  	s9 =	sadd.s32 s29, s1;
	s10 =	sadd.s32 s30, s1;
	s11 =	sadd.s32 s31, s1  }
0x13: {  	s20 =	sadd.s32 s20, s24;
	s21 =	sadd.s32 s21, s24;
	s22 =	sadd.s32 s22, s24  }
0x14: {  	s23 =	sadd.s32 s23, s24;
	s24 =	sadd.s32 s25, s24;
	s25 =	simm.s32 $0x1  }
.LBB2_1:
0x15: {  	[tilespmem:s15], [sflag:$0x2] =	stream.linear.gather [hbm4b:s6+s2], $0x4000, $0x38;
	[tilespmem:$0x1D080] =	vst v63  }
0x16: {  	_ =	swait.ge [sflag:s16], $0x4000  }
0x17: {  	[sflag:s16] =	ssyncset.done $0x0  }
0x18: {  	[sflag:s16] =	ssyncadd.s32 $0xFFFFC000  }
0x19: {  	[spmem:s7] =	stream.linear.scatter [tilespmem:s15], [sflag:$0x2], $0x4000, $0x38;
	[tilespmem:$0x1D080] =	vst v63  }
0x1a: {  	_ =	swait.ge [sflag:s16], $0x4000  }
0x1b: {  	[sflag:s16] =	ssyncset.done $0x0  }
0x1c: {  	[sflag:s16] =	ssyncadd.s32 $0xFFFFC000  }
0x1d: {  	[spmem:s8] =	stream.linear.scatter [tilespmem:s15], [sflag:$0x2], $0x4000, $0x38;
	[tilespmem:$0x1D080] =	vst v63  }
0x1e: {  	_ =	swait.ge [sflag:s16], $0x4000  }
0x1f: {  	[sflag:s16] =	ssyncset.done $0x0  }
0x20: {  	[sflag:s16] =	ssyncadd.s32 $0xFFFFC000  }
0x21: {  	[spmem:s9] =	stream.linear.scatter [tilespmem:s15], [sflag:$0x2], $0x4000, $0x38;
	[tilespmem:$0x1D080] =	vst v63  }
0x22: {  	_ =	swait.ge [sflag:s16], $0x4000  }
0x23: {  	[sflag:s16] =	ssyncset.done $0x0  }
0x24: {  	[sflag:s16] =	ssyncadd.s32 $0xFFFFC000  }
0x25: {  	[spmem:s10] =	stream.linear.scatter [tilespmem:s15], [sflag:$0x2], $0x4000, $0x38;
	[tilespmem:$0x1D080] =	vst v63  }
0x26: {  	_ =	swait.ge [sflag:s16], $0x4000  }
0x27: {  	[sflag:s16] =	ssyncset.done $0x0  }
0x28: {  	[sflag:s16] =	ssyncadd.s32 $0xFFFFC000  }
0x29: {  	[spmem:s11] =	stream.linear.scatter [tilespmem:s15], [sflag:$0x2], $0x4000, $0x38;
	[tilespmem:$0x1D080] =	vst v63  }
0x2a: {  	_ =	swait.ge [sflag:s16], $0x4000  }
0x2b: {  	[sflag:s16] =	ssyncset.done $0x0  }
0x2c: {  	[sflag:s16] =	ssyncadd.s32 $0xFFFFC000  }
0x2d: {  	s28 =	simm.s32 $0x0;
	[bflag:$0x0] =	sbarrier.arrive $0xFFFF  }
.LBB2_2:
0x2e: {  	s29 =	sshll.u32 s28, $0xB  }
0x2f: {  	s29 =	sadd.s32 s12, s29  }
0x30: {  	s29 =	sshrl.u32 s29, $0x3  }
0x31: {  	s31 =	simm.s32 $0x0;
	s30 =	sadd.s32 s4, s29  }
0x32: {  	[tilespmem:s31], [sflag:$0x2] =	stream.linear.gather [hbm4b:s30+s31], $0x800, $0x38;
	[tilespmem:$0x1D080] =	vst v63  }
0x33: {  	_ =	swait.ge [sflag:s16], $0x800  }
0x34: {  	[sflag:s16] =	ssyncset.done $0x0  }
0x35: {  	s29 =	sadd.s32 s5, s29;
	[sflag:s16] =	ssyncadd.s32 $0xFFFFF800  }
0x36: {  	[tilespmem:s17], [sflag:$0x2] =	stream.linear.gather [hbm4b:s29+s31], $0x800, $0x38;
	[tilespmem:$0x1D080] =	vst v63  }
0x37: {  	_ =	swait.ge [sflag:s16], $0x800  }
0x38: {  	[sflag:s16] =	ssyncset.done $0x0  }
0x39: {  	s29 =	simm.s32 $0x0;
	[sflag:s16] =	ssyncadd.s32 $0xFFFFF800  }
0x3a: {  	[tilespmem:s19], [sflag:$0x1] =	stream.indirect.gather [hbm4b:s13+s18], $0x80, s29, s18, $0xb8;
	[tilespmem:$0x1D080] =	vst v63  }
0x3b: {  	_ =	swait.ge [sflag:s25], $0x4000  }
0x3c: {  	[sflag:s25] =	ssyncset.done $0x0  }
0x3d: {  	s29 =	simm.s32 $0x800;
	[sflag:s25] =	ssyncadd.s32 $0xFFFFC000  }
0x3e: {  	[spmem:s1] =	stream.indirect.scatter.add.f32 [tilespmem:s19], [sflag:$0x2], $0x80, s29, s18, $0xb8;
	[tilespmem:$0x1D080] =	vst v63  }
0x3f: {  	_ =	swait.ge [sflag:s16], $0x4000  }
0x40: {  	s30 =	simm.s32 $0x400;
	s29 =	simm.s32 $0x200;
	[sflag:s16] =	ssyncset.done $0x0  }
.LBB2_3:
0x41: {  	s31 =	sshra.s32 s29, $0x2  }
0x42: {  	[sflag:s16] =	ssyncadd.s32 $0xFFFFC000;
	s29 =	smov.u32 s30;
	s0 =	sadd.s32 $0x200, s30  }
0x43: {  	[tilespmem:s19], [sflag:$0x1] =	stream.indirect.gather [hbm4b:s13+s18], $0x80, s31, s18, $0xb8;
	[tilespmem:$0x1D080] =	vst v63  }
0x44: {  	p0 =	sne.s32 s30, $0x1E00;
	_ =	swait.ge [sflag:s25], $0x4000  }
.Ltmp0:
0x45: {  	[sflag:s25] =	ssyncset.done $0x0;
	(pc) =	sbr.rel @p0 .LBB2_3-.Ltmp0, $4  }
0x46: {  	s30 =	sadd.s32 $0x800, s31;
	[sflag:s25] =	ssyncadd.s32 $0xFFFFC000  }
0x47: {  	[spmem:s1] =	stream.indirect.scatter.add.f32 [tilespmem:s19], [sflag:$0x2], $0x80, s30, s18, $0xb8;
	[tilespmem:$0x1D080] =	vst v63  }
0x48: {  	_ =	swait.ge [sflag:s16], $0x4000  }
0x49: {  	s30 =	smov.u32 s0;
	[sflag:s16] =	ssyncset.done $0x0  }
0x4a: {  	s0 =	sshra.s32 s29, $0x2;
	[sflag:s16] =	ssyncadd.s32 $0xFFFFC000  }
0x4b: {  	[tilespmem:s19], [sflag:$0x1] =	stream.indirect.gather [hbm4b:s13+s18], $0x80, s0, s18, $0xb8;
	[tilespmem:$0x1D080] =	vst v63  }
0x4c: {  	s28 =	sadd.s32 $0x1, s28;
	_ =	swait.ge [sflag:s25], $0x4000  }
0x4d: {  	p0 =	sne.s32 s28, $0xA;
	[sflag:s25] =	ssyncset.done $0x0  }
.Ltmp1:
0x4e: {  	s0 =	sadd.s32 $0x800, s0;
	[sflag:s25] =	ssyncadd.s32 $0xFFFFC000;
	(pc) =	sbr.rel @p0 .LBB2_2-.Ltmp1, $4  }
0x4f: {  	[spmem:s1] =	stream.indirect.scatter.add.f32 [tilespmem:s19], [sflag:$0x2], $0x80, s0, s18, $0xb8;
	[tilespmem:$0x1D080] =	vst v63  }
0x50: {  	_ =	swait.ge [sflag:s16], $0x4000  }
0x51: {  	[sflag:s16] =	ssyncset.done $0x0  }
0x52: {  	[sflag:s16] =	ssyncadd.s32 $0xFFFFC000  }
0x53: {  	[bflag:$0x0] =	sbarrier.arrive $0xFFFF  }
0x54: {  	[tilespmem:s15], [sflag:$0x2] =	stream.linear.gather [spmem:s7], $0x4000, $0x38;
	[tilespmem:$0x1D080] =	vst v63  }
0x55: {  	_ =	swait.ge [sflag:s16], $0x4000  }
0x56: {  	[sflag:s16] =	ssyncset.done $0x0  }
0x57: {  	[sflag:s16] =	ssyncadd.s32 $0xFFFFC000  }
0x58: {  	[hbm4b:s20+s2] =	stream.linear.scatter [tilespmem:s15], [sflag:$0x2], $0x4000, $0x38;
	[tilespmem:$0x1D080] =	vst v63  }
0x59: {  	_ =	swait.ge [sflag:s16], $0x4000  }
0x5a: {  	[sflag:s16] =	ssyncset.done $0x0  }
0x5b: {  	[sflag:s16] =	ssyncadd.s32 $0xFFFFC000  }
0x5c: {  	[tilespmem:s15], [sflag:$0x2] =	stream.linear.gather [spmem:s8], $0x4000, $0x38;
	[tilespmem:$0x1D080] =	vst v63  }
0x5d: {  	_ =	swait.ge [sflag:s16], $0x4000  }
0x5e: {  	[sflag:s16] =	ssyncset.done $0x0  }
0x5f: {  	[sflag:s16] =	ssyncadd.s32 $0xFFFFC000  }
0x60: {  	[hbm4b:s21+s2] =	stream.linear.scatter [tilespmem:s15], [sflag:$0x2], $0x4000, $0x38;
	[tilespmem:$0x1D080] =	vst v63  }
0x61: {  	_ =	swait.ge [sflag:s16], $0x4000  }
0x62: {  	[sflag:s16] =	ssyncset.done $0x0  }
0x63: {  	[sflag:s16] =	ssyncadd.s32 $0xFFFFC000  }
0x64: {  	[tilespmem:s15], [sflag:$0x2] =	stream.linear.gather [spmem:s9], $0x4000, $0x38;
	[tilespmem:$0x1D080] =	vst v63  }
0x65: {  	_ =	swait.ge [sflag:s16], $0x4000  }
0x66: {  	[sflag:s16] =	ssyncset.done $0x0  }
0x67: {  	[sflag:s16] =	ssyncadd.s32 $0xFFFFC000  }
0x68: {  	[hbm4b:s22+s2] =	stream.linear.scatter [tilespmem:s15], [sflag:$0x2], $0x4000, $0x38;
	[tilespmem:$0x1D080] =	vst v63  }
0x69: {  	_ =	swait.ge [sflag:s16], $0x4000  }
0x6a: {  	[sflag:s16] =	ssyncset.done $0x0  }
0x6b: {  	[sflag:s16] =	ssyncadd.s32 $0xFFFFC000  }
0x6c: {  	[tilespmem:s15], [sflag:$0x2] =	stream.linear.gather [spmem:s10], $0x4000, $0x38;
	[tilespmem:$0x1D080] =	vst v63  }
0x6d: {  	_ =	swait.ge [sflag:s16], $0x4000  }
0x6e: {  	[sflag:s16] =	ssyncset.done $0x0  }
0x6f: {  	[sflag:s16] =	ssyncadd.s32 $0xFFFFC000  }
0x70: {  	[hbm4b:s23+s2] =	stream.linear.scatter [tilespmem:s15], [sflag:$0x2], $0x4000, $0x38;
	[tilespmem:$0x1D080] =	vst v63  }
0x71: {  	_ =	swait.ge [sflag:s16], $0x4000  }
0x72: {  	[sflag:s16] =	ssyncset.done $0x0  }
0x73: {  	[sflag:s16] =	ssyncadd.s32 $0xFFFFC000  }
0x74: {  	[tilespmem:s15], [sflag:$0x2] =	stream.linear.gather [spmem:s11], $0x4000, $0x38;
	[tilespmem:$0x1D080] =	vst v63  }
0x75: {  	s26 =	sadd.s32 $0x1, s26;
	_ =	swait.ge [sflag:s16], $0x4000  }
0x76: {  	p0 =	sne.s32 s26, s14;
	[sflag:s16] =	ssyncset.done $0x0  }
.Ltmp2:
0x77: {  	[sflag:s16] =	ssyncadd.s32 $0xFFFFC000;
	(pc) =	sbr.rel @p0 .LBB2_1-.Ltmp2, $4  }
0x78: {  	[hbm4b:s24+s2] =	stream.linear.scatter [tilespmem:s15], [sflag:$0x2], $0x4000, $0x38;
	[tilespmem:$0x1D080] =	vst v63  }
0x79: {  	_ =	swait.ge [sflag:s16], $0x4000  }
0x7a: {  	[sflag:s16] =	ssyncset.done $0x0  }
0x7b: {  	[sflag:s16] =	ssyncadd.s32 $0xFFFFC000  }
0x7c: {  	_ =	sfence.sel $0x180000  }
0x7d: {  	[bflag:$0x0] =	sbarrier.arrive $0xFFFF  }
0x7e: {  	_ =	strace $0x90000050  }
0x7f: {  	[bflag:$0x2] =	sbarrier.arrive $0xFFFF  }
0x80: {  	p0 =	sne.s32 s3, $0x0;
	s0 =	rddreg [dreg:$0x2]  }
0x81: {  	s0 =	sadd.s32 @!p0 $0x100000, s0  }
0x82: {  	[sflag:s0] =	ssyncadd.tile.s32 @!p0 $0x1;
	_ =	shalt  }
.Lfunc_end2:
_tile_overlayer_lowered:
.L_overlay_start_2:
0x83: {  	(tag) =	ssettag $0x2  }
0x84: {  	s0 =	rddreg [dreg:$0x0];
	s2 =	stileid.u32  }
0x85: {  	s1 =	rddreg [dreg:$0x1];
	p0 =	sne.s32 s2, $0x0  }
0x86: {  	s3 =	rddreg [dreg:$0x2];
	[bflag:$0x3] =	sbarrier.arrive $0xFFFF;
	s2 =	simm.s32 @!p0 $0x1C02  }
0x87: {  	[timem:s3], [sflag:s2] =	dma.local @!p0 [hbm:s0], s1  }
0x88: {  	s0 =	simm.s32 @!p0 $0x2  }
0x89: {  	_ =	swait.ge @!p0 [sflag:s0], s1  }
0x8a: {  	s1 =	ssub.s32 @!p0 $0x0, s1;
	[sflag:s0] =	ssyncset.done @!p0 $0x0  }
0x8b: {  	[sflag:s0] =	ssyncadd.s32 @!p0 s1  }
0x8c: {  	[bflag:$0x3] =	sbarrier.arrive $0xFFFF  }
0x8d: {  	_ =	shalt  }

// kernel: scatter_offload_async_start
scs
__scs_entry_jumppad:
0x0: {  	(pc) =	sbr.rel $0x88, $3  }
0x1: {  	(tag) =	ssettag $0x0;
	lr =	simm.s32 $0x1  }
0x2: {  	[smem:$0x3F94] =	sst lr;
	_ =	strace $0xD0000000  }
0x3: {  	_ = 	snop  }
0x4: {  	_ = 	snop  }
0x5: {  	_ = 	snop  }
0x6: {  	_ = 	snop  }
0x7: {  	_ = 	snop  }
__scs_overlays_trampoline_lowered:
0x8: {  	[smem:$0x3FA3] =	sst s0  }
0x9: {  	[smem:$0x3FA4] =	sst s1  }
0xa: {  	[smem:$0x3FA5] =	sst s2  }
0xb: {  	[smem:$0x3FA6] =	sst s3  }
0xc: {  	[smem:$0x3FA7] =	sst s4  }
0xd: {  	[smem:$0x3FA8] =	sst s5  }
0xe: {  	[smem:$0x3FA9] =	sst s6  }
0xf: {  	[smem:$0x3FAA] =	sst s7  }
0x10: {  	[smem:$0x3FAB] =	sst s8  }
0x11: {  	[smem:$0x3FAC] =	sst s9;
	s0 =	simm.s32 @!p0 $0x0  }
0x12: {  	s1 =	sld [smem:$0x3F92];
	s0 =	simm.s32 @p0 $0x1  }
0x13: {  	[smem:$0x3FAD] =	sst s0;
	s0 =	simm.s32 @!p1 $0x0  }
0x14: {  	s2 =	sld [smem:$0x3F91];
	s0 =	simm.s32 @p1 $0x1  }
0x15: {  	[smem:$0x3FAE] =	sst s0;
	s0 =	simm.s32 @!p2 $0x0  }
0x16: {  	s3 =	sld [smem:$0x3FDB];
	s0 =	simm.s32 @p2 $0x1  }
0x17: {  	s4 =	simm.s32 $0x1BF5;
	[smem:$0x3FB0] =	sst s0  }
0x18: {  	s0 =	sld [smem:$0x3F93];
	_ =	swait.ge [sflag:s4], $0x0  }
0x19: {  	s7 =	sld [smem:$0x3F94]  }
0x1a: {  	s8 =	sadd.s32 $0xFFFFE003, lr  }
0x1b: {  	s9 =	sadd.s32 $0xFFFFFEF7, lr;
	s5 =	simm.s32 $0xFFFFFFFF;
	p2 =	slt.u32 s8, $0xFFFFF086  }
0x1c: {  	p1 =	slt.u32 s9, $0xF7A;
	s5 =	simm.s32 @!p2 $0x0  }
0x1d: {  	s5 =	simm.s32 @p1 $0x1;
	p0 =	seq.s32 s7, s2  }
0x1e: {  	s7 =	smul.u32 @!p0 $0xF7A, s2;
	p2 =	seq.s32 @!p0 s5, $0x0  }
0x1f: {  	s9 =	smul.u32 $0xF7A, s1;
	s8 =	simm.s32 @!p0 $0x1BF5;
	p2 =	por !p2, p0  }
0x20: {  	[sflag:s8] =	ssyncset.s32 @!p0 $0xFFFFF086;
	s6 =	sadd.s32 @!p0 s3, s7;
	s7 =	simm.s32 @!p0 $0x108  }
0x21: {  	s3 =	sadd.s32 s3, s9;
	s6 =	sadd.s32 @!p0 $0x88, s6;
	s7 =	simm.s32 @p2 $0x1082  }
0x22: {  	[simem:s7], [sflag:s8] =	dma.local @!p0 [hbm:s6], $0xF7A  }
0x23: {  	s9 =	sor.u32 $0xD0000000, s2;
	s6 =	simm.s32 $0x108;
	_ =	swait.ge @!p0 [sflag:s8], $0x0  }
0x24: {  	s3 =	sadd.s32 $0x88, s3;
	s6 =	simm.s32 @!p1 $0x1082;
	[sflag:s4] =	ssyncset.s32 $0xFFFFF086  }
0x25: {  	[simem:s6], [sflag:s4] =	dma.local [hbm:s3], $0xF7A  }
0x26: {  	[smem:$0x3F94] =	sst s1;
	(tag) =	ssettag s2;
	_ =	strace s9  }
0x27: {  	s1 =	sld [smem:$0x3FA4]  }
0x28: {  	s2 =	sld [smem:$0x3FA5]  }
0x29: {  	s4 =	sld [smem:$0x3FA7]  }
0x2a: {  	p0 =	seq.s32 s5, $0x0;
	s5 =	sld [smem:$0x3FA8]  }
0x2b: {  	s6 =	sld [smem:$0x3FA9]  }
0x2c: {  	s7 =	sld [smem:$0x3FAA]  }
0x2d: {  	s3 =	simm.s32 $0x108;
	s8 =	sld [smem:$0x3FAB]  }
0x2e: {  	s3 =	simm.s32 @!p0 $0x1082;
	s9 =	sld [smem:$0x3FAC]  }
0x2f: {  	lr =	sadd.s32 s0, s3;
	s0 =	sld [smem:$0x3FA3]  }
0x30: {  	s3 =	sld [smem:$0x3FA6]  }
0x31: {  	[smem:$0x3FAF] =	sst s10  }
0x32: {  	s10 =	sld [smem:$0x3FAD];
	_ =	sdelay $0x3  }
0x33: {  	p0 =	seq.s32 s10, $0x1;
	s10 =	sld [smem:$0x3FAF];
	_ =	sdelay $0x3  }
0x34: {  	[smem:$0x3FAF] =	sst s10  }
0x35: {  	s10 =	sld [smem:$0x3FAE];
	_ =	sdelay $0x3  }
0x36: {  	p1 =	seq.s32 s10, $0x1;
	s10 =	sld [smem:$0x3FAF];
	_ =	sdelay $0x3  }
0x37: {  	[smem:$0x3FAF] =	sst s10  }
0x38: {  	s10 =	sld [smem:$0x3FB0]  }
0x39: {  	_ = 	snop;
	(pc) =	sbr.ind lr, $3  }
0x3a: {  	_ = 	snop  }
0x3b: {  	_ = 	snop  }
0x3c: {  	p2 =	seq.s32 s10, $0x1;
	s10 =	sld [smem:$0x3FAF]  }
0x3d: {  	_ =	shalt  }
0x3e: {  	_ =	shalt  }
0x3f: {  	_ =	shalt  }
0x40: {  	_ =	shalt  }
0x41: {  	_ =	shalt  }
0x42: {  	_ =	shalt  }
0x43: {  	_ =	shalt  }
0x44: {  	_ =	shalt  }
0x45: {  	_ =	shalt  }
0x46: {  	_ =	shalt  }
0x47: {  	_ =	shalt  }
0x48: {  	_ =	shalt  }
0x49: {  	_ =	shalt  }
0x4a: {  	_ =	shalt  }
0x4b: {  	_ =	shalt  }
0x4c: {  	_ =	shalt  }
0x4d: {  	_ =	shalt  }
0x4e: {  	_ =	shalt  }
0x4f: {  	_ =	shalt  }
0x50: {  	_ =	shalt  }
0x51: {  	_ =	shalt  }
0x52: {  	_ =	shalt  }
0x53: {  	_ =	shalt  }
0x54: {  	_ =	shalt  }
0x55: {  	_ =	shalt  }
0x56: {  	_ =	shalt  }
0x57: {  	_ =	shalt  }
0x58: {  	_ =	shalt  }
0x59: {  	_ =	shalt  }
0x5a: {  	_ =	shalt  }
0x5b: {  	_ =	shalt  }
0x5c: {  	_ =	shalt  }
0x5d: {  	_ =	shalt  }
0x5e: {  	_ =	shalt  }
0x5f: {  	_ =	shalt  }
0x60: {  	_ =	shalt  }
0x61: {  	_ =	shalt  }
0x62: {  	_ =	shalt  }
0x63: {  	_ =	shalt  }
0x64: {  	_ =	shalt  }
0x65: {  	_ =	shalt  }
0x66: {  	_ =	shalt  }
0x67: {  	_ =	shalt  }
0x68: {  	_ =	shalt  }
0x69: {  	_ =	shalt  }
0x6a: {  	_ =	shalt  }
0x6b: {  	_ =	shalt  }
0x6c: {  	_ =	shalt  }
0x6d: {  	_ =	shalt  }
0x6e: {  	_ =	shalt  }
0x6f: {  	_ =	shalt  }
0x70: {  	_ =	shalt  }
0x71: {  	_ =	shalt  }
0x72: {  	_ =	shalt  }
0x73: {  	_ =	shalt  }
0x74: {  	_ =	shalt  }
0x75: {  	_ =	shalt  }
0x76: {  	_ =	shalt  }
0x77: {  	_ =	shalt  }
0x78: {  	_ =	shalt  }
0x79: {  	_ =	shalt  }
0x7a: {  	_ =	shalt  }
0x7b: {  	_ =	shalt  }
0x7c: {  	_ =	shalt  }
0x7d: {  	_ =	shalt  }
0x7e: {  	_ =	shalt  }
0x7f: {  	_ =	shalt  }
0x80: {  	_ =	shalt  }
0x81: {  	_ =	shalt  }
0x82: {  	_ =	shalt  }
0x83: {  	_ =	shalt  }
0x84: {  	_ =	shalt  }
0x85: {  	_ =	shalt  }
0x86: {  	_ =	shalt  }
0x87: {  	_ =	shalt  }
.Lfunc_end0:
.L_simem_size_0:
called_computation_lowered:
.L_overlay_start_0:
0x88: {  	s0 =	sld [smem:$0x3FD9]  }
0x89: {  	s1 =	sld [smem:$0x3FFE];
	_ =	sdelay $0x3  }
0x8a: {  	s0 =	sadd.s32 s1, s0  }
0x8b: {  	[smem:$0x3FBB] =	sst s0  }
0x8c: {  	_ = 	snop  }
0x8d: {  	(tm) =	ssettm $0x1  }
0x8e: {  	s15 =	sld [smem:$0x3FFB];
	_ =	sdelay $0x3  }
0x8f: {  	_ =	strace s15  }
0x90: {  	s0 =	sld [smem:$0x3FFC];
	_ =	sdelay $0x3  }
0x91: {  	_ =	strace s0  }
0x92: {  	s0 =	sld [smem:$0x3FFD];
	_ =	sdelay $0x3  }
0x93: {  	_ =	strace s0  }
0x94: {  	_ =	strace $0x8FFFFFFF  }
0x95: {  	s16 =	sld [smem:$0x3FDB];
	_ =	sdelay $0x1  }
0x96: {  	s17 =	simm.s32 $_scs_section_size  }
0x97: {  	s2 =	simm.s32 $_size__tile_overlayer_lowered;
	s3 =	simm.s32 $_tile_overlayer_lowered  }
0x98: {  	s20 =	simm.s32 $0x1BFF;
	s19 =	sshll.u32 s3, $0x1;
	s0 =	sadd.s32 s17, s16  }
0x99: {  	s4 =	simm.s32 $0x0;
	s18 =	sshll.u32 s2, $0x1;
	s2 =	sadd.s32 s19, s0  }
0x9a: {  	[timem:s4], [sflag:s20] =	dma.local [hbm:s2], s18  }
0x9b: {  	_ =	swait.ge [sflag:s20], s18  }
0x9c: {  	s1 =	ssub.s32 $0x0, s18;
	[sflag:s20] =	ssyncset.done $0x0  }
0x9d: {  	[sflag:s20] =	ssyncadd.s32 s1;
	_ =	sdelay $0x1  }
0x9e: {  	s21 =	simm.s32 $0x1B8B  }
0x9f: {  	_ =	swait.ge [sflag:s21], $0x1  }
0xa0: {  	[sflag:s21] =	ssyncset.done $0x0  }
0xa1: {  	s23 =	simm.s32 $0x1B8E;
	s22 =	sld [smem:$0x3FFE];
	[sflag:s21] =	ssyncadd.s32 $0xFFFFFFFF  }
0xa2: {  	s24 =	simm.s32 $execute0_lowered;
	[smem:$0x3FD2] =	sst s23  }
0xa3: {  	s2 =	sshll.u32 s24, $0x1;
	_ =	strace $0x80000046;
	[dreg:$0x1] =	wrdreg $0xFFFFFFFF  }
0xa4: {  	s25 =	simm.s32 $_size_execute0_lowered;
	s0 =	sadd.s32 s0, s2;
	[dreg:$0x0] =	wrdreg $0x0  }
0xa5: {  	s2 =	sshll.u32 s25, $0x1;
	[dreg:$0x2] =	wrdreg s0  }
0xa6: {  	[dreg:$0x3] =	wrdreg s2  }
0xa7: {  	[dreg:$0x4] =	wrdreg $0xC0  }
0xa8: {  	_ =	task [dreg:s4], $0x5FFFF  }
0xa9: {  	[dreg:$0x1] =	wrdreg $0xFFFFFFFF  }
0xaa: {  	[dreg:$0x0] =	wrdreg $0x60  }
0xab: {  	[dreg:$0x2] =	wrdreg s22  }
0xac: {  	[dreg:$0x3] =	wrdreg $0x9  }
0xad: {  	_ =	task.clear_ibuf [dreg:s4], $0x4FFFF;
	_ =	strace $0x90000046  }
0xae: {  	s26 =	simm.s32 $0x9;
	_ =	strace $0x80000048  }
0xaf: {  	_ =	swait.ge [sflag:s26], $0x1  }
0xb0: {  	[sflag:s26] =	ssyncadd.s32 $0xFFFFFFFF  }
0xb1: {  	_ =	strace $0x90000048  }
0xb2: {  	_ =	sfence  }
0xb3: {  	s28 =	sld [smem:$0x0];
	_ =	sdelay $0x1  }
0xb4: {  	s29 =	srdreg.scid  }
0xb5: {  	s30 =	sshll.u32 s29, $0xD;
	s31 =	sshrl.u32 s29, $0x2  }
0xb6: {  	s1 =	sand.u32 $0x1, s29;
	s2 =	sand.u32 $0x4000, s30;
	s0 =	sadd.s32 s31, s28  }
0xb7: {  	s1 =	sor.u32 s2, s1;
	s0 =	sshll.u32 s0, $0x11  }
0xb8: {  	s0 =	sor.u32 s0, s1  }
0xb9: {  	s0 =	sadd.s32 $0x8F2B, s0  }
0xba: {  	[sflag:s0] =	ssyncadd.remote.s32 $0x1  }
0xbb: {  	_ =	sfence.sel $0xFFFF  }
0xbc: {  	[dreg:$0x0] =	wrdreg $0xFFFFFFFF;
	(pc) =	sbr.abs _section_cstart, $3  }
0xbd: {  	[dreg:$0x1] =	wrdreg $0xFFFFFFFF  }
0xbe: {  	_ =	task.clear_ibuf [dreg:s4], $0x2FFFF;
	_ =	strace $0x9FFFFFFF  }
0xbf: {  	(tm) =	ssettm $0x7FFFFFFF  }
tec
execute0_lowered:
.L_overlay_start_1:
0x0: {  	(tag) =	ssettag $0x1  }
0x1: {  	s0 =	rddreg [dreg:$0x0];
	_ =	strace $0x80000047;
	s15 =	stileid.u32  }
0x2: {  	s2 =	simm.s32 $0x1;
	s1 =	smin.u32 s15, $0x8;
	s3 =	sshll.u32 s15, $0x1  }
0x3: {  	v1 =	vimm.s32 $0xFFFFFFFF;
	[sflag:s2] =	ssyncpa.u1 $0x0;
	s1 =	sadd.s32 s1, s3  }
0x4: {  	p0 =	slt.u32 s15, $0x8;
	[tilespmem:$0x10] =	vst v1;
	s4 =	smul.u32 $0x1F40, s1;
	s1 =	simm.s32 $0x5DC0  }
0x5: {  	v0 =	vimm.f32 $0.0e+00;
	[tilespmem:$0x20] =	vst v1;
	s1 =	simm.s32 @!p0 $0x3E80  }
0x6: {  	[tilespmem:$0x30] =	vst v0;
	s1 =	sadd.s32 s1, s4  }
0x7: {  	[tilespmem:$0x40] =	vst v0;
	s5 =	smin.u32 s1, $0x4E200  }
0x8: {  	s7 =	simm.s32 $0x2;
	s8 =	simm.s32 $0x8;
	[tilespmem:$0x50] =	vst v0;
	s9 =	ssub.s32 s5, s4  }
0x9: {  	s31 =	simm.s32 $0x9;
	s16 =	simm.s32 $0x0;
	[tilespmem:$0x60] =	vst v1;
	p0 =	sgt.s32 s9, $0x0  }
0xa: {  	s17 =	simm.s32 $0xF0;
	s18 =	simm.s32 $0xFFFFFFFF;
	[tilespmem:$0x70] =	vst v1;
	s9 =	simm.s32 @!p0 $0x0  }
0xb: {  	s19 =	simm.s32 $0xFFFFC280;
	s20 =	simm.s32 $0xFFFFFFFE;
	[tilespmem:$0x80] =	vst v1;
	s30 =	smulhi.u32 $0x10624DD3, s9  }
0xc: {  	s21 =	simm.s32 $0xF;
	s25 =	simm.s32 $0x0;
	s24 =	simm.s32 $0x0;
	v1 =	vimm.s32 $0x0;
	[tilespmem:$0xB0] =	vst v0  }
0xd: {  	s6 =	sadd.s32 $0x18400, s0;
	s15 =	sshllo.u32 s15, $0x1;
	[tilespmem:$0x90] =	vst v1;
	s10 =	sshrl.u32 s30, $0x9  }
0xe: {  	[tilespmem:$0xA0] =	vst v1;
	[sflag:s7] =	ssyncpa.u1 $0x0;
	s7 =	simm.s32 $0x7;
	s11 =	smul.u32 $0x1F40, s10  }
.Ltmp0:
0xf: {  	s13 =	sor.u32 $0x80, s3;
	[sflag:s7] =	ssyncpa.u1 $0x0;
	(pc) =	sbr.rel .LBB2_1-.Ltmp0, $4  }
0x10: {  	s14 =	sor.u32 $0x81, s3;
	[sflag:s8] =	ssyncpa.u1 $0x0;
	p0 =	sne.s32 s9, s11  }
0x11: {  	s23 =	smov.u32 s4;
	s1 =	sadd.s32 $0x2C000, s0;
	s2 =	simm.s32 @!p0 $0x0  }
0x12: {  	vm0 =	vmmov $0xffff;
	v2 =	vlaneseq.u32;
	[sflag:s31] =	ssyncpa.u1 $0x0;
	s9 =	sadd.s32 $0x22200, s0;
	s10 =	sadd.s32 s2, s10  }
0x13: {  	vm1 =	vmxor vm1, vm1;
	vm2 =	vmmov $0x1;
	vm3 =	vcmask $0x3F3C;
	p0 =	por $0x0, $0x0;
	s11 =	sadd.s32 $0x1, s10;
	s12 =	sadd.s32 $0x2, s10  }
.LBB2_9:
0x14: {  	p1 =	slt.u32 s24, $0x3  }
0x15: {  	s0 =	simm.s32 @!p1 $0x2  }
0x16: {  	_ =	swait.ge @!p1 [sflag:s0], $0x1F40  }
0x17: {  	[sflag:s0] =	ssyncset.done @!p1 $0x0  }
0x18: {  	[sflag:s0] =	ssyncadd.s32 @!p1 $0xFFFFE0C0;
	s0 =	simm.s32 @!p1 $0x9  }
0x19: {  	_ =	swait.ge @!p1 [sflag:s0], $0x10  }
0x1a: {  	[sflag:s0] =	ssyncset.done @!p1 $0x0  }
0x1b: {  	[sflag:s0] =	ssyncadd.s32 @!p1 $0xFFFFFFF0;
	p1 =	sne.s32 s24, s12  }
.Ltmp1:
0x1c: {  	s2 =	sadd.s32 $0x1F40, s23;
	(pc) =	sbr.rel @!p1 .LBB2_10-.Ltmp1, $4  }
0x1d: {  	s22 =	smov.u32 s4;
	s31 =	sadd.s32 $0x1, s24;
	s17 =	sadd.s32 $0x1F40, s17  }
0x1e: {  	s18 =	sadd.s32 $0x1, s18;
	s25 =	smov.u32 s23;
	p2 =	slt.s32 s2, s5  }
0x1f: {  	p0 =	por !p0, !p0;
	s19 =	sadd.s32 $0x1F40, s19;
	s22 =	smov.u32 @p2 s2  }
0x20: {  	s20 =	sadd.s32 $0x1, s20;
	s23 =	smov.u32 s22;
	s24 =	smov.u32 s31  }
.LBB2_1:
0x21: {  	p1 =	sge.u32 s24, s10  }
0x22: {  	s0 =	smulhi.u32 @!p1 $0xAAAAAAAB, s24;
	_ =	sdelay $0x1  }
0x23: {  	s0 =	sshrl.u32 @!p1 s0, $0x1  }
0x24: {  	s0 =	smul.u32 @!p1 $0x3, s0;
	_ =	sdelay $0x1  }
0x25: {  	s0 =	ssub.s32 @!p1 s24, s0  }
0x26: {  	s0 =	smul.u32 @!p1 $0x7D00, s0;
	_ =	sdelay $0x1  }
0x27: {  	s2 =	sshrl.u32 @!p1 s23, $0x3;
	s0 =	sshrl.u32 @!p1 s0, $0x2  }
0x28: {  	s22 =	sand.u32 @!p1 $0x7, s23;
	s2 =	sadd.s32 @!p1 s6, s2;
	s0 =	sadd.s32 @!p1 $0x100, s0  }
0x29: {  	[tilespmem:s0], [sflag:$0x7] =	stream.linear.gather @!p1 [hbm4b:s2+s22], $0x1F40, $0x38;
	[tilespmem:$0x11A60] =	vst v63  }
0x2a: {  	s0 =	sadd.s32 $0xFFFFFFFF, s24  }
0x2b: {  	p1 =	sge.u32 s0, s10  }
.Ltmp2:
0x2c: {  	_ = 	snop;
	(pc) =	sbr.rel @p1 .LBB2_5-.Ltmp2, $1  }
0x2d: {  	_ =	sdelay $0x3  }
0x2e: {  	s2 =	smulhi.u32 $0xAAAAAAAB, s0;
	_ =	sdelay $0x1  }
0x2f: {  	s2 =	sshrl.u32 s2, $0x1  }
0x30: {  	s2 =	smul.u32 $0x3, s2;
	_ =	sdelay $0x1  }
0x31: {  	s2 =	ssub.s32 s0, s2  }
0x32: {  	s2 =	smul.u32 $0x7D00, s2  }
0x33: {  	_ =	swait.ge [sflag:s7], $0x1F40  }
0x34: {  	[sflag:s7] =	ssyncset.done $0x0;
	s2 =	sshrl.u32 s2, $0x2  }
0x35: {  	[sflag:s7] =	ssyncadd.s32 $0xFFFFE0C0;
	(ifvalue) =	ssetifvalue $0xFFFFFFFF;
	v3 =	vld.msk [tilespmem:s2+$0x100 ss:$0x1], $0xffff;
	_ =	sdelay $0x2  }
0x36: {  	s30 =	smulhi.u32 $0xAAAAAAAB, s18;
	p1 =	sne.s32 s24, $0x1  }
0x37: {  	v4 =	vimm.s32 @!p1 $0x0  }
0x38: {  	s2 =	sshrl.u32 s30, $0x1;
	v4 =	vperm.xlane @!p1 v3, v4  }
0x39: {  	s22 =	sshll.u32 s24, $0x4;
	s2 =	smul.u32 $0xFFFE8900, s2;
	vm4 =	vlt.u32 v3, $0x2800  }
0x3a: {  	s22 =	sand.u32 $0x10, s22;
	v3 =	vnsel vm4, $0xFFFFFFFE, v3;
	vm4 =	vlt.u32 @!p1 v4, $0x2800  }
0x3b: {  	s2 =	sshra.s32 s2, $0x2;
	[tilespmem:s22+$0x60] =	vst v3;
	v3 =	vnsel @!p1 vm4, $0xFFFFFFFE, v4  }
0x3c: {  	s28 =	sadd.s32 s2, s17;
	[tilespmem:$0x80] =	vst @!p1 v3  }
0x3d: {  	v3 =	vld.msk [tilespmem:s28+$0x0 ss:$0x1], $0xffff;
	_ =	sdelay $0x4  }
0x3e: {  	(xrf1) =	vunique.msk.u32 $0xffff, v3;
	_ =	sdelay $0xd  }
0x3f: {  	v4 =	vimm.s32 $0xFFFFFFFF;
	v5, _, _ =	vpop (xrf1)  }
0x40: {  	vm5 =	vne.s32 v3, v4;
	vm4 =	veq.s32 v5, v2  }
0x41: {  	vm6 =	vlt.u32 v3, $0x2800;
	vm4 =	vmand vm5, vm4  }
0x42: {  	vm4 =	vmand vm6, vm4  }
0x43: {  	v4 =	vnsel vm4, $0xFFFFFFFF, v3  }
0x44: {  	s31 =	sand.u32 $0x1, s0  }
0x45: {  	s0 =	simm.s32 $0x1F40;
	p1 =	seq.s32 s31, $0x1  }
0x46: {  	s0 =	simm.s32 @!p1 $0x0  }
0x47: {  	s26 =	sadd.s32 $0x7DF0, s0;
	(ifvalue) =	ssetifvalue $0xFFFFFFFF  }
0x48: {  	v3 =	vperm.xlane v3, v1;
	[tilespmem:s26], [sflag:$0x8] =	stream.indirect_vreg.gather [hbm4b:s1+s16], $0x1, v4, vm0, $0x4038;
	v4 =	vnsel vm6, $0xFFFFFFFE, v4;
	[tilespmem:$0x11A60] =	vst v63  }
0x49: {  	s2 =	simm.s32 $0x0;
	s22 =	sadd.s32 $0xFFFFFFF0, s28;
	[tilespmem:s28+$0x0] =	vst v4  }
.LBB2_3:
0x4a: {  	v4 =	vld.msk [tilespmem:s22+$0x0 ss:$0x1], $0xffff;
	s2 =	sadd.s32 $0x10, s2;
	v5 =	vmov v3;
	s28 =	smov.u32 s22  }
0x4b: {  	p1 =	slt.u32 s2, $0x1F30;
	_ =	sdelay $0x4  }
0x4c: {  	v3 =	vperm.xlane v4, v1;
	(xrf1) =	vunique.msk.u32 $0xffff, v4;
	_ =	sdelay $0xd  }
0x4d: {  	v6, _, _ =	vpop (xrf1)  }
0x4e: {  	vm5 =	vne.s32 v4, v5;
	vm4 =	veq.s32 v6, v2  }
0x4f: {  	vm6 =	vlt.u32 v4, $0x2800;
	vm4 =	vmand vm5, vm4  }
0x50: {  	vm4 =	vmand vm6, vm4  }
0x51: {  	v4 =	vnsel vm4, $0xFFFFFFFF, v4  }
.Ltmp3:
0x52: {  	v5 =	vnsel vm6, $0xFFFFFFFE, v4;
	(pc) =	sbr.rel @p1 .LBB2_3-.Ltmp3, $3  }
0x53: {  	_ =	sdelay $0x1  }
0x54: {  	s22 =	sadd.s32 $0xFFFFFFF0, s22;
	s26 =	sadd.s32 $0xFFFFFFF0, s26;
	(ifvalue) =	ssetifvalue $0xFFFFFFFF  }
0x55: {  	[tilespmem:s26], [sflag:$0x8] =	stream.indirect_vreg.gather [hbm4b:s1+s16], $0x1, v4, vm0, $0x4038;
	[tilespmem:s28+$0x0] =	vst v5  }
0x56: {  	s2 =	sshrl.u32 s25, $0x3  }
0x57: {  	s0 =	sadd.s32 $0x9D40, s0;
	s2 =	sadd.s32 s9, s2  }
0x58: {  	[tilespmem:s0], [sflag:$0x8] =	stream.linear.gather [hbm:s2], $0x1F40, $0x38;
	[tilespmem:$0x11A60] =	vst v63  }
.LBB2_5:
0x59: {  	p1 =	slt.u32 s24, $0x2  }
0x5a: {  	p2 =	sge.u32 @!p1 s24, s12  }
0x5b: {  	p1 =	por p1, p2  }
.Ltmp4:
0x5c: {  	_ = 	snop;
	(pc) =	sbr.rel @p1 .LBB2_9-.Ltmp4, $1  }
0x5d: {  	_ =	sdelay $0x3  }
0x5e: {  	s0 =	sadd.s32 $0xFFFFFFFE, s24  }
0x5f: {  	s2 =	smulhi.u32 $0xAAAAAAAB, s0;
	_ =	sdelay $0x1  }
0x60: {  	s2 =	sshrl.u32 s2, $0x1  }
0x61: {  	s2 =	smul.u32 $0x3, s2;
	_ =	sdelay $0x1  }
0x62: {  	s0 =	ssub.s32 s0, s2  }
0x63: {  	_ =	swait.ge [sflag:s8], $0x3E80;
	s0 =	smul.u32 $0x1F40, s0  }
0x64: {  	p1 =	sne.s32 s24, s11;
	[sflag:s8] =	ssyncset.done $0x0  }
0x65: {  	[sflag:s8] =	ssyncadd.s32 $0xFFFFC180;
	s2 =	sadd.s32 @!p1 $0x203F, s0  }
0x66: {  	[spmem:s14] =	stream.linear.scatter @!p1 [tilespmem:s2], [sflag:$0x1], $0x1, $0x38;
	[tilespmem:$0x11A60] =	vst v63  }
0x67: {  	s2 =	simm.s32 @!p1 $0x1  }
0x68: {  	_ =	swait.ge @!p1 [sflag:s2], $0x1  }
0x69: {  	s22 =	sshll.u32 s24, $0x4;
	[sflag:s2] =	ssyncset.done @!p1 $0x0  }
0x6a: {  	s25 =	sand.u32 $0x10, s22;
	[sflag:s2] =	ssyncadd.s32 @!p1 $0xFFFFFFFF  }
0x6b: {  	s2 =	sxor.u32 $0x10, s25;
	v4 =	vld [tilespmem:s25+$0x10]  }
0x6c: {  	v5 =	vld [tilespmem:s2+$0x60]  }
0x6d: {  	v3 =	vld [tilespmem:$0x80];
	_ =	sdelay $0x2  }
0x6e: {  	(v2sf) =	vpush v4, $0x0  }
0x6f: {  	(v2sf) =	vpush v5, $0x0  }
0x70: {  	(v2sf) =	vpush v3, $0x0;
	_ =	sdelay $0xc  }
0x71: {  	s22 =	spop (v2sf)  }
0x72: {  	s26 =	spop (v2sf)  }
0x73: {  	s28 =	spop (v2sf)  }
0x74: {  	p2 =	seq.s32 s22, s26;
	p3 =	seq.s32 s28, s22  }
0x75: {  	p3 =	por p2, p3  }
0x76: {  	s26 =	sand.u32 $0x1, s24;
	v4 =	vpsel p3, $0xFFFFFFFF, v4  }
0x77: {  	s29 =	smul.u32 $0x1F40, s26;
	[tilespmem:s25+$0x10] =	vst.msk $0x1, v4  }
0x78: {  	v4 =	vld [tilespmem:$0x30]  }
0x79: {  	v5 =	vld [tilespmem:s29+$0x9D40]  }
0x7a: {  	v6 =	vld [tilespmem:s25+$0x40];
	_ =	sdelay $0x3  }
0x7b: {  	vm4 =	vmmov vm1;
	v5 =	vadd.f32 v5, v4  }
0x7c: {  	vm5 =	vmmov vm2;
	vm4 =	vmmov @p2 vm2;
	s22 =	sshll.u32 s26, $0x4;
	v4 =	vadd.f32 v6, v4  }
0x7d: {  	s26 =	sor.u32 $0x11A40, s22;
	vm5 =	vmmov @p3 vm1;
	[tilespmem:s29+$0x9D40] =	vst.msk vm4, v5  }
0x7e: {  	[tilespmem:s26+$0x0] =	vst.msk vm5, v4  }
0x7f: {  	v4 =	vld [tilespmem:s29+$0x7DF0];
	_ =	sdelay $0x3  }
0x80: {  	v5 =	vimm.f32 $0.0e+00  }
0x81: {  	v4 =	vshift.insert v4, v5, s21  }
0x82: {  	s22 =	sor.u32 $0x40, s2  }
0x83: {  	[tilespmem:s22+$0x0] =	vst.msk $0x1, v4  }
0x84: {  	[tilespmem:s29+$0x7DFF] =	vst.msk $0x1, v5  }
0x85: {  	v4 =	vld [tilespmem:s0+$0x2030];
	_ =	sdelay $0x1  }
0x86: {  	s22 =	smulhi.u32 $0xAAAAAAAB, s20;
	s0 =	simm.s32 $0x1  }
0x87: {  	s0 =	simm.s32 @!p0 $0x0  }
0x88: {  	s22 =	sshrl.u32 s22, $0x1;
	s0 =	smul.u32 $0x7D00, s0  }
0x89: {  	s22 =	smul.u32 $0xFFFE8900, s22;
	v4 =	vshift.insert v4, v1, s21  }
0x8a: {  	s0 =	sshrl.u32 s0, $0x2  }
0x8b: {  	s22 =	sshra.s32 s22, $0x2;
	s30 =	sadd.s32 $0x9D40, s0;
	[tilespmem:s2+$0x10] =	vst.msk $0x1, v4  }
0x8c: {  	s22 =	sadd.s32 s22, s19;
	v6 =	vld [tilespmem:s30+$0x0]  }
0x8d: {  	v7 =	vld [tilespmem:s22+$0x0];
	_ =	sdelay $0x3  }
0x8e: {  	v5 =	vadd.f32 v6, v5  }
0x8f: {  	vm4 =	vne.s32 v7, $0xFFFFFFFF  }
0x90: {  	(xrf2) =	vadd.seg.scan.f32 vm4, v5;
	_ =	sdelay $0x3  }
0x91: {  	s31 =	sadd.s32 $0x5EC0, s0;
	v5 =	vperm.xlane v4, v1  }
0x92: {  	v6 =	vld [tilespmem:s31+$0x0]  }
0x93: {  	vm5 =	veq.s32 v7, v3;
	vm6 =	veq.s32 v7, v5  }
0x94: {  	vm7 =	vgt.u32 v7, $0xFFFFFFFD;
	vm6 =	vmor vm6, vm5  }
0x95: {  	vm6 =	vmor vm6, vm7  }
0x96: {  	v9 =	vld [tilespmem:$0xA0];
	v7 =	vsel vm6, $0xFFFFFFFF, v7  }
0x97: {  	v10 =	vld [tilespmem:$0x90];
	v6 =	vsel vm5, $0x0, v6;
	v8, _, _ =	vpop (xrf2)  }
0x98: {  	v6 =	vadd.f32 v8, v6  }
0x99: {  	s0 =	sadd.s32 $0xDBC0, s0  }
0x9a: {  	vm4 =	vmand vm4, vm3;
	[tilespmem:s0+$0x0] =	vst v6;
	(ifvalue) =	ssetifvalue $0xFFFFFFFF  }
0x9b: {  	vm6 =	veq.s32 v9, $0x1;
	[hbm4b:s1+s16] =	stream.indirect_vreg.scatter [tilespmem:s0], [sflag:$0x2], $0x1, v7, vm0, $0x4038;
	v7 =	vsel vm4, $0x0, v8;
	[tilespmem:$0x11A60] =	vst v63  }
0x9c: {  	s2 =	simm.s32 $0x0;
	s22 =	sadd.s32 $0x10, s22;
	vm4 =	vmor vm6, vm5;
	v6 =	vsel vm5, v8, v10;
	v7 =	vshift.insert v7, v0, s21  }
.LBB2_7:
0x9d: {  	v8 =	vld [tilespmem:s22+$0x0];
	s30 =	sadd.s32 $0x10, s30  }
0x9e: {  	s31 =	sadd.s32 $0x10, s31;
	v9 =	vld [tilespmem:s30+$0x0]  }
0x9f: {  	s2 =	sadd.s32 $0x10, s2;
	v10 =	vld [tilespmem:s31+$0x0]  }
0xa0: {  	p2 =	slt.u32 s2, $0x1F30;
	_ =	sdelay $0x2  }
0xa1: {  	v7 =	vadd.f32 v9, v7  }
0xa2: {  	vm5 =	vne.s32 v8, $0xFFFFFFFF  }
0xa3: {  	vm6 =	vmand vm5, vm3;
	(xrf2) =	vadd.seg.scan.f32 vm5, v7;
	_ =	sdelay $0x5  }
0xa4: {  	vm7 =	veq.s32 v8, v5;
	vm5 =	veq.s32 v8, v3  }
0xa5: {  	vm8 =	vgt.u32 v8, $0xFFFFFFFD;
	vm4 =	vmor vm4, vm5;
	vm7 =	vmor vm7, vm5  }
0xa6: {  	vm7 =	vmor vm7, vm8  }
0xa7: {  	v8 =	vsel vm7, $0xFFFFFFFF, v8  }
.Ltmp5:
0xa8: {  	v7 =	vsel vm5, $0x0, v10;
	v9, _, _ =	vpop (xrf2);
	(pc) =	sbr.rel @p2 .LBB2_7-.Ltmp5, $4  }
0xa9: {  	v6 =	vsel vm5, v9, v6;
	v10 =	vadd.f32 v9, v7;
	v7 =	vsel vm6, $0x0, v9  }
0xaa: {  	s0 =	sadd.s32 $0x10, s0;
	v7 =	vshift.insert v7, v0, s21  }
0xab: {  	s22 =	sadd.s32 $0x10, s22;
	[tilespmem:s0+$0x0] =	vst v10;
	(ifvalue) =	ssetifvalue $0xFFFFFFFF  }
0xac: {  	[hbm4b:s1+s16] =	stream.indirect_vreg.scatter [tilespmem:s0], [sflag:$0x2], $0x1, v8, vm0, $0x4038;
	[tilespmem:$0x11A60] =	vst v63  }
0xad: {  	v3 =	vld [tilespmem:s29+$0xFAF0];
	_ =	sdelay $0x4  }
0xae: {  	v3 =	vshift.insert v3, v0, s21  }
0xaf: {  	s0 =	simm.s32 $0x30  }
0xb0: {  	[tilespmem:s0+$0x0] =	vst.msk $0x1, v3  }
0xb1: {  	v3 =	vsel vm4, $0x1, v1;
	[tilespmem:$0x90] =	vst v6  }
0xb2: {  	s0 =	sadd.s32 @!p1 $0xFAFF, s29;
	[tilespmem:$0xA0] =	vst v3  }
0xb3: {  	[spmem:s15] =	stream.linear.scatter @!p1 [tilespmem:s0], [sflag:$0x1], $0x1, $0x38;
	[tilespmem:$0x11A60] =	vst v63  }
0xb4: {  	s0 =	simm.s32 @!p1 $0x1  }
0xb5: {  	v3 =	vmctz.xlane @!p1 vm4;
	_ =	swait.ge @!p1 [sflag:s0], $0x1  }
0xb6: {  	(v2sf) =	vpush @!p1 v4, $0x0  }
0xb7: {  	(v2sf) =	vpush @!p1 v3, $0x0;
	_ =	sdelay $0xd  }
0xb8: {  	s2 =	spop @!p1 (v2sf)  }
0xb9: {  	s22 =	spop @!p1 (v2sf)  }
0xba: {  	p2 =	sne.s32 @!p1 s28, s2;
	p3 =	slt.s32 @!p1 s22, $0xF  }
0xbb: {  	[sflag:s0] =	ssyncset.done @!p1 $0x0;
	p2 =	por p2, p1;
	p3 =	por !p3, p1  }
0xbc: {  	[sflag:s0] =	ssyncadd.s32 @!p1 $0xFFFFFFFF;
	v3 =	vimm.s32 @!p2 $0xFFFFFFFF;
	s22 =	simm.s32 @p3 $0xF  }
0xbd: {  	[tilespmem:$0x80] =	vst @!p2 v3;
	s2 =	sadd.s32 @!p1 $0x90, s22  }
0xbe: {  	[spmem:s3] =	stream.linear.scatter @!p1 [tilespmem:s2], [sflag:$0x1], $0x1, $0x38;
	[tilespmem:$0x11A60] =	vst v63  }
0xbf: {  	_ =	swait.ge @!p1 [sflag:s0], $0x1  }
0xc0: {  	[sflag:s0] =	ssyncset.done @!p1 $0x0  }
0xc1: {  	s2 =	simm.s32 @!p1 $0x80;
	[sflag:s0] =	ssyncadd.s32 @!p1 $0xFFFFFFFF  }
0xc2: {  	[spmem:s13] =	stream.linear.scatter @!p1 [tilespmem:s2], [sflag:$0x1], $0x1, $0x38;
	[tilespmem:$0x11A60] =	vst v63  }
0xc3: {  	_ =	swait.ge @!p1 [sflag:s0], $0x1  }
0xc4: {  	[sflag:s0] =	ssyncset.done @!p1 $0x0  }
0xc5: {  	[sflag:s0] =	ssyncadd.s32 @!p1 $0xFFFFFFFF;
	(ifvalue) =	ssetifvalue $0xFFFFFFFF;
	v3 =	vld [tilespmem:s25+$0x10];
	_ =	sdelay $0x3  }
.Ltmp6:
0xc6: {  	_ = 	snop;
	(pc) =	sbr.rel .LBB2_9-.Ltmp6, $3  }
0xc7: {  	_ =	sdelay $0x1  }
0xc8: {  	(ifvalue) =	ssetifvalue $0xFFFFFFFF  }
0xc9: {  	[hbm4b:s1+s16] =	stream.indirect_vreg.scatter [tilespmem:s26], [sflag:$0x9], $0x1, v3, vm0, $0x4038;
	[tilespmem:$0x11A60] =	vst v63  }
.LBB2_10:
0xca: {  	_ =	sfence.sel $0x180000  }
0xcb: {  	s0 =	simm.s32 $0x7;
	[bflag:$0x0] =	sbarrier.arrive $0xFFFF  }
0xcc: {  	s26 =	simm.s32 $0x8;
	[sflag:s0] =	ssyncpa.u1 $0x1  }
0xcd: {  	s28 =	simm.s32 $0x9;
	[sflag:s26] =	ssyncpa.u1 $0x1  }
0xce: {  	[sflag:s28] =	ssyncpa.u1 $0x1  }
0xcf: {  	_ =	sfence.stream.spmem  }
0xd0: {  	s29 =	simm.s32 $0x3;
	[bflag:$0x0] =	sbarrier.arrive $0xFFFF  }
0xd1: {  	s30 =	simm.s32 $0x4;
	[sflag:s29] =	ssyncpa.u1 $0x1  }
0xd2: {  	s31 =	simm.s32 $0x3C;
	s2 =	stileid.u32;
	[sflag:s30] =	ssyncpa.u1 $0x1  }
0xd3: {  	p0 =	sne.s32 s2, $0x0;
	[sflag:s31] =	ssyncpa.u1 $0x1  }
0xd4: {  	s0 =	simm.s32 @p0 $0x1;
	_ =	sfence @p0  }
0xd5: {  	[sflag:s0] =	ssyncpa.u1 @p0 $0x1;
	s0 =	simm.s32 @p0 $0x2  }
0xd6: {  	[sflag:s0] =	ssyncpa.u1 @p0 $0x1  }
0xd7: {  	_ =	strace @p0 $0x90000047  }
0xd8: {  	[bflag:$0x2] =	sbarrier.arrive @p0 $0xFFFF  }
0xd9: {  	_ =	shalt @p0  }
.LBB2_11:
0xda: {  	_ =	sfence.stream.spmem;
	s0 =	simm.s32 $0x5  }
0xdb: {  	s2 =	simm.s32 $0x80;
	s3 =	simm.s32 $0xC0;
	[sflag:s0] =	ssyncpa.u1 $0x0  }
0xdc: {  	[tilespmem:s3], [sflag:$0x5] =	stream.linear.gather [spmem:s2], $0x20, $0x38;
	[tilespmem:$0x11A60] =	vst v63  }
0xdd: {  	s2 =	simm.s32 $0x0;
	s3 =	simm.s32 $0xE0  }
0xde: {  	[tilespmem:s3], [sflag:$0x5] =	stream.linear.gather [spmem:s2], $0x20, $0x38;
	[tilespmem:$0x11A60] =	vst v63  }
.Ltmp7:
0xdf: {  	_ = 	snop;
	(pc) =	sbr.rel .LBB2_12-.Ltmp7, $4  }
0xe0: {  	_ =	swait.ge [sflag:s0], $0x40  }
0xe1: {  	[sflag:s0] =	ssyncset.done $0x0  }
0xe2: {  	s31 =	simm.s32 $0x6;
	[sflag:s0] =	ssyncadd.s32 $0xFFFFFFC0  }
0xe3: {  	s4 =	simm.s32 $0x0;
	[sflag:s31] =	ssyncpa.u1 $0x0  }
.LBB2_17:
0xe4: {  	p0 =	sgt.u32 s5, $0x27FF  }
0xe5: {  	s0 =	sshrl.u32 @!p0 s5, $0x3  }
0xe6: {  	s5 =	sand.u32 @!p0 $0x7, s5;
	s6 =	simm.s32 @!p0 $0xB0;
	s0 =	sadd.s32 @!p0 s1, s0  }
0xe7: {  	[tilespmem:s6], [sflag:$0x6] =	stream.linear.gather @!p0 [hbm4b:s0+s5], $0x1, $0x38;
	[tilespmem:$0x11A60] =	vst v63  }
0xe8: {  	s0 =	simm.s32 @!p0 $0x6  }
0xe9: {  	_ =	swait.ge @!p0 [sflag:s0], $0x1  }
0xea: {  	[sflag:s0] =	ssyncset.done @!p0 $0x0  }
0xeb: {  	[sflag:s0] =	ssyncadd.s32 @!p0 $0xFFFFFFFF  }
0xec: {  	v2 =	vmov @!p0 s4;
	v1 =	vld.msk @!p0 [tilespmem:$0xB0], $0x1;
	_ =	sdelay $0x3  }
0xed: {  	s0 =	simm.s32 @!p0 $0xE0  }
0xee: {  	[tilespmem:v2+s0+$0x0], v1 =	vst.idx.ret.add.f32.msk @!p0 $0x1, v1  }
0xef: {  	[tilespmem:s2+$0xC0] =	vst.msk $0x1, v0  }
0xf0: {  	v0 =	vld.msk [tilespmem:s4+$0xE0], $0x1;
	_ =	sdelay $0x4  }
0xf1: {  	[tilespmem:s2+$0xE0] =	vst.msk $0x1, v0;
	s2 =	sadd.s32 $0x1, s2  }
.LBB2_19:
0xf2: {  	s4 =	sadd.s32 $0x1, s4  }
0xf3: {  	p0 =	sne.s32 s4, $0x20  }
.Ltmp8:
0xf4: {  	_ = 	snop;
	(pc) =	sbr.rel @!p0 .LBB2_20-.Ltmp8, $1  }
0xf5: {  	_ =	sdelay $0x3  }
.LBB2_12:
0xf6: {  	v0 =	vld.msk [tilespmem:s4+$0xC0], $0x1;
	_ =	sdelay $0x4  }
0xf7: {  	(v2sf) =	vpush v0, $0x0;
	_ =	sdelay $0xe  }
0xf8: {  	s5 =	spop (v2sf)  }
0xf9: {  	p0 =	seq.s32 s5, $0xFFFFFFFF  }
.Ltmp9:
0xfa: {  	_ = 	snop;
	(pc) =	sbr.rel @p0 .LBB2_19-.Ltmp9, $1  }
0xfb: {  	_ =	sdelay $0x3  }
0xfc: {  	p0 =	slt.s32 s2, $0x1  }
.Ltmp10:
0xfd: {  	_ = 	snop;
	(pc) =	sbr.rel @p0 .LBB2_17-.Ltmp10, $1  }
0xfe: {  	_ =	sdelay $0x3  }
0xff: {  	s0 =	simm.s32 $0xC0;
	p0 =	por $0x0, $0x0  }
0x100: {  	v1 =	vld.msk @!p0 [tilespmem:s0+$0x0], $0x1;
	_ =	sdelay $0x4  }
0x101: {  	(v2sf) =	vpush @!p0 v1, $0x0;
	_ =	sdelay $0xd  }
0x102: {  	p2 =	sne.s32 s2, $0x1  }
.Ltmp11:
0x103: {  	s6 =	spop @!p0 (v2sf);
	(pc) =	sbr.rel @!p2 .LBB2_16-.Ltmp11, $4  }
0x104: {  	p1 =	seq.s32 @!p0 s5, s6  }
0x105: {  	s6 =	simm.s32 $0x0;
	p1 =	por !p1, p0  }
0x106: {  	s8 =	simm.s32 $0xFFFFFFFF;
	s6 =	simm.s32 @p1 $0xFFFFFFFF  }
0x107: {  	s7 =	simm.s32 $0x1;
	s6 =	smov.u32 @p0 s8  }
.LBB2_15:
0x108: {  	s8 =	smov.u32 s6;
	p0 =	sne.s32 s6, $0xFFFFFFFF  }
0x109: {  	s0 =	sadd.s32 $0x1, s0;
	s6 =	smov.u32 s7;
	s7 =	sadd.s32 $0x1, s7  }
0x10a: {  	p1 =	sne.s32 s2, s7;
	v1 =	vld.msk @!p0 [tilespmem:s0+$0x0], $0x1;
	_ =	sdelay $0x4  }
0x10b: {  	(v2sf) =	vpush @!p0 v1, $0x0;
	_ =	sdelay $0xe  }
.Ltmp12:
0x10c: {  	s9 =	spop @!p0 (v2sf);
	(pc) =	sbr.rel @p1 .LBB2_15-.Ltmp12, $4  }
0x10d: {  	p2 =	seq.s32 @!p0 s5, s9  }
0x10e: {  	p2 =	por !p2, p0  }
0x10f: {  	s6 =	simm.s32 @p2 $0xFFFFFFFF  }
0x110: {  	s6 =	smov.u32 @p0 s8  }
.LBB2_16:
0x111: {  	p0 =	sne.s32 s6, $0xFFFFFFFF  }
.Ltmp13:
0x112: {  	_ = 	snop;
	(pc) =	sbr.rel @!p0 .LBB2_17-.Ltmp13, $1  }
0x113: {  	_ =	sdelay $0x3  }
0x114: {  	v0 =	vld.msk [tilespmem:s4+$0xE0], $0x1;
	v1 =	vmov s6  }
.Ltmp14:
0x115: {  	_ = 	snop;
	(pc) =	sbr.rel .LBB2_19-.Ltmp14, $2  }
0x116: {  	_ =	sdelay $0x2  }
0x117: {  	[tilespmem:v1+s3+$0x0], v0 =	vst.idx.ret.add.f32.msk $0x1, v0  }
.LBB2_20:
0x118: {  	p0 =	slt.s32 s2, $0x1  }
.Ltmp15:
0x119: {  	_ = 	snop;
	(pc) =	sbr.rel @p0 .LBB2_24-.Ltmp15, $3  }
0x11a: {  	_ =	sdelay $0x1  }
0x11b: {  	s0 =	simm.s32 $0x6  }
0x11c: {  	s3 =	simm.s32 $0x0;
	[sflag:s0] =	ssyncpa.u1 $0x1  }
0x11d: {  	s0 =	simm.s32 $0xC0  }
0x11e: {  	v0 =	vld.msk [tilespmem:s0+$0x0], $0x1;
	_ =	sdelay $0x4  }
0x11f: {  	(v2sf) =	vpush v0, $0x0;
	_ =	sdelay $0xe  }
0x120: {  	s2 =	sadd.s32 $0xFFFFFFFF, s2;
	s4 =	spop (v2sf)  }
0x121: {  	p1 =	sne.s32 s2, $0x0;
	p0 =	sgt.u32 s4, $0x27FF  }
.Ltmp16:
0x122: {  	s5 =	sshrl.u32 @!p0 s4, $0x3;
	(pc) =	sbr.rel @!p1 .LBB2_23-.Ltmp16, $4  }
0x123: {  	s0 =	simm.s32 $0xE0;
	s4 =	sand.u32 @!p0 $0x7, s4;
	s5 =	sadd.s32 @!p0 s1, s5  }
0x124: {  	[hbm4b:s5+s4] =	stream.linear.scatter @!p0 [tilespmem:s0], [sflag:$0x5], $0x1, $0x38;
	[tilespmem:$0x11A60] =	vst v63  }
0x125: {  	s5 =	simm.s32 $0x0  }
0x126: {  	s4 =	simm.s32 $0xC1;
	s5 =	simm.s32 @!p0 $0x4  }
.LBB2_22:
0x127: {  	v0 =	vld.msk [tilespmem:s4+$0x0], $0x1;
	s2 =	sadd.s32 $0xFFFFFFFF, s2;
	s3 =	sadd.s32 s3, s5  }
0x128: {  	p0 =	sne.s32 s2, $0x0;
	_ =	sdelay $0x3  }
0x129: {  	(v2sf) =	vpush v0, $0x0;
	_ =	sdelay $0xe  }
.Ltmp17:
0x12a: {  	s6 =	spop (v2sf);
	(pc) =	sbr.rel @p0 .LBB2_22-.Ltmp17, $4  }
0x12b: {  	s5 =	simm.s32 $0x0;
	p1 =	sgt.u32 s6, $0x27FF  }
0x12c: {  	s0 =	sadd.s32 $0x1, s0;
	s5 =	simm.s32 @!p1 $0x4;
	s7 =	sshrl.u32 @!p1 s6, $0x3  }
0x12d: {  	s4 =	sadd.s32 $0x1, s4;
	s6 =	sand.u32 @!p1 $0x7, s6;
	s7 =	sadd.s32 @!p1 s1, s7  }
0x12e: {  	[hbm4b:s7+s6] =	stream.linear.scatter @!p1 [tilespmem:s0], [sflag:$0x5], $0x1, $0x38;
	[tilespmem:$0x11A60] =	vst v63  }
.LBB2_23:
0x12f: {  	s0 =	sadd.s32 s3, s5  }
0x130: {  	s3 =	sshrl.u32 s0, $0x2  }
.LBB2_24:
0x131: {  	s0 =	simm.s32 $0x5  }
0x132: {  	_ =	swait.ge [sflag:s0], s3  }
0x133: {  	s1 =	ssub.s32 $0x0, s3;
	[sflag:s0] =	ssyncset.done $0x0  }
0x134: {  	[sflag:s0] =	ssyncadd.s32 s1  }
0x135: {  	[sflag:s0] =	ssyncpa.u1 $0x1  }
0x136: {  	s29 =	simm.s32 $0x1;
	_ =	sfence  }
0x137: {  	s30 =	simm.s32 $0x2;
	[sflag:s29] =	ssyncpa.u1 $0x1  }
0x138: {  	[sflag:s30] =	ssyncpa.u1 $0x1  }
0x139: {  	_ =	strace $0x90000047  }
0x13a: {  	[bflag:$0x2] =	sbarrier.arrive $0xFFFF  }
0x13b: {  	s31 =	rddreg [dreg:$0x1]  }
0x13c: {  	s0 =	sadd.s32 $0x100000, s31  }
0x13d: {  	[sflag:s0] =	ssyncadd.tile.s32 $0x1;
	_ =	shalt  }
.Lfunc_end2:
_tile_overlayer_lowered:
.L_overlay_start_2:
0x13e: {  	(tag) =	ssettag $0x2  }
0x13f: {  	s0 =	rddreg [dreg:$0x0];
	s2 =	stileid.u32  }
0x140: {  	s1 =	rddreg [dreg:$0x1];
	p0 =	sne.s32 s2, $0x0  }
0x141: {  	s3 =	rddreg [dreg:$0x2];
	[bflag:$0x3] =	sbarrier.arrive $0xFFFF;
	s2 =	simm.s32 @!p0 $0x1C01  }
0x142: {  	[timem:s3], [sflag:s2] =	dma.local @!p0 [hbm:s0], s1  }
0x143: {  	s0 =	simm.s32 @!p0 $0x1  }
0x144: {  	_ =	swait.ge @!p0 [sflag:s0], s1  }
0x145: {  	s1 =	ssub.s32 @!p0 $0x0, s1;
	[sflag:s0] =	ssyncset.done @!p0 $0x0  }
0x146: {  	[sflag:s0] =	ssyncadd.s32 @!p0 s1  }
0x147: {  	[bflag:$0x3] =	sbarrier.arrive $0xFFFF  }
0x148: {  	_ =	shalt  }

</sc_bundles>
